<compile_context>
chip_gen: v7x
topology: tpu7x:2x2x1
jax: 0.10.2.dev20260603
libtpu: 0.0.44.dev20260713+nightly
codegen_flags: <defaults>
</compile_context>

<pallas_src>
import functools

import jax
import jax.numpy as jnp
from jax import lax
from jax.experimental import pallas as pl
from jax.experimental.pallas import tpu as pltpu
from jax.experimental.pallas import tpu_sc as plsc

N, E, R, D_IN, HEADS, D_OUT = 10000, 320000, 8, 128, 4, 32
K = HEADS * D_OUT
CHUNK = 128
NCHUNK = E // CHUNK
NW = 32
NPAD = 10240
TILE_ROWS = NPAD // 16
DEN_TILE = NPAD * HEADS // 16
BM = 400


def _mm_body(h_ref, w2_ref, wsd_ref, o1_ref, o2_ref):
    h = h_ref[...]
    o1_ref[...] = jnp.dot(h, w2_ref[...], preferred_element_type=jnp.float32)
    o2_ref[...] = jnp.dot(
        h, wsd_ref[...], preferred_element_type=jnp.float32
    ).astype(jnp.bfloat16)


def _mm_call(H, W2, Wsd):
    return pl.pallas_call(
        _mm_body,
        grid=(N // BM,),
        in_specs=[
            pl.BlockSpec((BM, D_IN), lambda i: (i, 0)),
            pl.BlockSpec((D_IN, R * K), lambda i: (0, 0)),
            pl.BlockSpec((D_IN, R * 8), lambda i: (0, 0)),
        ],
        out_specs=[
            pl.BlockSpec((BM, R * K), lambda i: (i, 0)),
            pl.BlockSpec((BM, R * 8), lambda i: (i, 0)),
        ],
        out_shape=[
            jax.ShapeDtypeStruct((N, R * K), jnp.float32),
            jax.ShapeDtypeStruct((N, R * 8), jnp.bfloat16),
        ],
    )(H, W2, Wsd)


_mesh = plsc.VectorSubcoreMesh(core_axis_name="c", subcore_axis_name="s")

NCH_W = (E // NW) // CHUNK
NTAIL = NCHUNK - NCH_W * NW


@functools.partial(
    pl.kernel,
    out_type=[
        jax.ShapeDtypeStruct((2, NPAD, K), jnp.float32),
        jax.ShapeDtypeStruct((2, NPAD * HEADS), jnp.float32),
    ],
    mesh=_mesh,
    scratch_types=[
        [pltpu.VMEM((CHUNK,), jnp.int32) for _ in range(2)],
        [pltpu.VMEM((CHUNK,), jnp.int32) for _ in range(2)],
        [pltpu.VMEM((CHUNK,), jnp.int32) for _ in range(2)],
        [pltpu.VMEM((CHUNK,), jnp.int32) for _ in range(2)],
        [pltpu.VMEM((CHUNK,), jnp.int32) for _ in range(2)],
        [[pltpu.VMEM((CHUNK,), jnp.int32) for _ in range(2)]
         for _ in range(2)],
        [[pltpu.VMEM((CHUNK,), jnp.int32) for _ in range(2)]
         for _ in range(2)],
        [[pltpu.VMEM((CHUNK,), jnp.int32) for _ in range(HEADS)]
         for _ in range(2)],
        [[pltpu.VMEM((CHUNK,), jnp.int32) for _ in range(2)]
         for _ in range(2)],
        [[pltpu.VMEM((CHUNK,), jnp.int32) for _ in range(2)]
         for _ in range(2)],
        [[pltpu.VMEM((CHUNK,), jnp.float32) for _ in range(HEADS)]
         for _ in range(2)],
        [pltpu.VMEM((CHUNK, K), jnp.float32) for _ in range(2)],
        pltpu.VMEM_SHARED((NPAD, K), jnp.float32),
        pltpu.VMEM_SHARED((NPAD * HEADS,), jnp.float32),
        [pltpu.SemaphoreType.DMA for _ in range(2)],
        [pltpu.SemaphoreType.DMA for _ in range(2)],
        [pltpu.SemaphoreType.DMA for _ in range(2)],
    ],
)
def _edge_kernel(ei_hbm, rt_hbm, hall_hbm, sdf_hbm,
                 zden_hbm, acc_out, den_out,
                 srcv, dstraw, rtv, fiv, dsc, sidx, didx, denidx,
                 svb, dvb, exb, hrow, acc_sp, den_sp, isem, gsem, ssem):
    cid = lax.axis_index("c")
    sid = lax.axis_index("s")
    wid = sid * 2 + cid

    base = sid * TILE_ROWS
    dbase = sid * DEN_TILE

    def zb(g, c):
        for cc in range(K // 16):
            hrow[0][g, pl.ds(cc * 16, 16)] = jnp.zeros((16,), jnp.float32)
        return c

    lax.fori_loop(0, CHUNK, zb, 0)
    for kk in range(TILE_ROWS // CHUNK):
        pltpu.sync_copy(hrow[0], acc_sp.at[pl.ds(base + kk * CHUNK, CHUNK)])
    pltpu.sync_copy(zden_hbm, den_sp.at[pl.ds(dbase, DEN_TILE)])
    plsc.subcore_barrier()

    span0 = wid * (NCH_W * CHUNK)

    def idx_copies(t, b):
        e0 = span0 + t * CHUNK
        return [
            pltpu.make_async_copy(ei_hbm.at[0, pl.ds(e0, CHUNK)], srcv[b],
                                  isem[b]),
            pltpu.make_async_copy(ei_hbm.at[1, pl.ds(e0, CHUNK)], dstraw[b],
                                  isem[b]),
            pltpu.make_async_copy(rt_hbm.at[pl.ds(e0, CHUNK)], rtv[b],
                                  isem[b]),
        ]

    def fire_idx(t, b):
        for c in idx_copies(t, b):
            c.start()

    def wait_idx(b):
        for c in idx_copies(0, b):
            c.wait()

    def fib(b):
        def g_body(g, c):
            sl = pl.ds(g * 16, 16)
            s16 = srcv[b][sl]
            d16 = dstraw[b][sl]
            r16 = rtv[b][sl]
            fi = s16 * R + r16
            fid = d16 * R + r16
            fiv[b][sl] = fi
            dsc[b][sl] = d16
            for q in range(2):
                sidx[b][q][sl] = fi * 4 + q
                didx[b][q][sl] = fid * 4 + (2 + q)
            for h in range(HEADS):
                denidx[b][h][sl] = d16 * HEADS + h
            return c

        lax.fori_loop(0, CHUNK // 16, g_body, 0)

    def fire_gathers(b):
        pltpu.async_copy(hall_hbm.at[fiv[b]], hrow[b], gsem[b])
        for q in range(2):
            pltpu.async_copy(sdf_hbm.at[sidx[b][q]], svb[b][q], gsem[b])
            pltpu.async_copy(sdf_hbm.at[didx[b][q]], dvb[b][q], gsem[b])

    def wait_gathers(b):
        pltpu.make_async_copy(hall_hbm.at[fiv[b]], hrow[b], gsem[b]).wait()
        for q in range(2):
            pltpu.make_async_copy(sdf_hbm.at[sidx[b][q]], svb[b][q],
                                  gsem[b]).wait()
            pltpu.make_async_copy(sdf_hbm.at[didx[b][q]], dvb[b][q],
                                  gsem[b]).wait()

    def fire_scatters(b):
        pltpu.async_copy(hrow[b], acc_sp.at[dsc[b]], ssem[b], add=True)
        for h in range(HEADS):
            pltpu.async_copy(exb[b][h], den_sp.at[denidx[b][h]], ssem[b],
                             add=True)

    def wait_scatters(b):
        pltpu.make_async_copy(hrow[b], acc_sp.at[dsc[b]], ssem[b]).wait()
        for h in range(HEADS):
            pltpu.make_async_copy(exb[b][h], den_sp.at[denidx[b][h]],
                                  ssem[b]).wait()

    def exb_compute(b):
        hi = jnp.int32(-65536)

        def g_body(g, c):
            sl = pl.ds(g * 16, 16)
            sv, dv = [], []
            for q in range(2):
                u = svb[b][q][sl]
                v = dvb[b][q][sl]
                sv.append(lax.bitcast_convert_type(u << 16, jnp.float32))
                sv.append(lax.bitcast_convert_type(u & hi, jnp.float32))
                dv.append(lax.bitcast_convert_type(v << 16, jnp.float32))
                dv.append(lax.bitcast_convert_type(v & hi, jnp.float32))
            for h in range(HEADS):
                logit = sv[h] + dv[h]
                logit = jnp.maximum(logit, 0.2 * logit)
                exb[b][h][sl] = jnp.exp(logit)
            return c

        lax.fori_loop(0, CHUNK // 16, g_body, 0)

    def mb(b):
        def g_body(g, c):
            ws = [exb[b][h][pl.ds(g * 16, 16)] for h in range(HEADS)]

            def inner(o, c2):
                i = g * 16 + o
                sel = jnp.full((16,), o, jnp.int32)
                for h in range(HEADS):
                    eb = ws[h][sel]
                    for cc in range(2):
                        col = h * 32 + cc * 16
                        hrow[b][i, pl.ds(col, 16)] = (
                            hrow[b][i, pl.ds(col, 16)] * eb)
                return c2

            lax.fori_loop(0, 16, inner, c)
            return c

        lax.fori_loop(0, CHUNK // 16, g_body, 0)

    def step(t, b):
        wait_gathers(b)

        @pl.when(t >= 1)
        def _():
            wait_scatters(1 - b)

        @pl.when(t + 1 < NCH_W)
        def _():
            wait_idx(1 - b)
            fib(1 - b)
            fire_gathers(1 - b)

        @pl.when(t + 2 < NCH_W)
        def _():
            fire_idx(t + 2, b)

        exb_compute(b)
        mb(b)
        fire_scatters(b)

    fire_idx(0, 0)
    wait_idx(0)
    fib(0)
    fire_gathers(0)
    fire_idx(1, 1)

    def t2_body(t2, c):
        step(2 * t2, 0)
        step(2 * t2 + 1, 1)
        return c

    lax.fori_loop(0, NCH_W // 2, t2_body, 0)
    wait_scatters(1)

    @pl.when(wid < NTAIL)
    def _():
        e0 = NCH_W * NW * CHUNK + wid * CHUNK
        pltpu.sync_copy(ei_hbm.at[0, pl.ds(e0, CHUNK)], srcv[0])
        pltpu.sync_copy(ei_hbm.at[1, pl.ds(e0, CHUNK)], dstraw[0])
        pltpu.sync_copy(rt_hbm.at[pl.ds(e0, CHUNK)], rtv[0])
        fib(0)
        fire_gathers(0)
        wait_gathers(0)
        exb_compute(0)
        mb(0)
        pltpu.sync_copy(hrow[0], acc_sp.at[dsc[0]], add=True)
        for h in range(HEADS):
            pltpu.sync_copy(exb[0][h], den_sp.at[denidx[0][h]], add=True)

    plsc.subcore_barrier()
    pltpu.sync_copy(acc_sp.at[pl.ds(base, TILE_ROWS)],
                    acc_out.at[cid, pl.ds(base, TILE_ROWS)])
    pltpu.sync_copy(den_sp.at[pl.ds(dbase, DEN_TILE)],
                    den_out.at[cid, pl.ds(dbase, DEN_TILE)])


def _comb_body(acc_ref, den_ref, seg_ref, bias_ref, o_ref):
    a = acc_ref[0] + acc_ref[1]
    d = den_ref[0] + den_ref[1]
    db = jnp.dot(d, seg_ref[...], preferred_element_type=jnp.float32)
    o_ref[...] = a / (db + 1e-16) + bias_ref[...]


def _comb_call(acc, den, seg, bias2d):
    return pl.pallas_call(
        _comb_body,
        grid=(N // BM,),
        in_specs=[
            pl.BlockSpec((2, BM, K), lambda i: (0, i, 0)),
            pl.BlockSpec((2, BM, HEADS), lambda i: (0, i, 0)),
            pl.BlockSpec((HEADS, K), lambda i: (0, 0)),
            pl.BlockSpec((1, K), lambda i: (0, 0)),
        ],
        out_specs=pl.BlockSpec((BM, K), lambda i: (i, 0)),
        out_shape=jax.ShapeDtypeStruct((N, K), jnp.float32),
    )(acc, den, seg, bias2d)


def kernel(H, edge_index, edge_type, W, att_src, att_dst, bias):
    W2 = W.transpose(1, 0, 2).reshape(D_IN, R * K)
    Wr = W.reshape(R, D_IN, HEADS, D_OUT)
    ws = jnp.einsum('rdhj,rhj->rdh', Wr, att_src)
    wd = jnp.einsum('rdhj,rhj->rdh', Wr, att_dst)
    Wsd = jnp.concatenate([ws, wd], -1).transpose(1, 0, 2).reshape(D_IN, R * 8)

    hall2d, sd2d = _mm_call(H, W2, Wsd)
    hall = hall2d.reshape(N * R, K)
    sdf = lax.bitcast_convert_type(
        sd2d.reshape(N, R * 4, 2), jnp.int32
    ).reshape(N * R * 4)

    zden = jnp.zeros((DEN_TILE,), jnp.float32)
    acc, denf = _edge_kernel(edge_index, edge_type, hall, sdf, zden)
    den = denf.reshape(2, NPAD, HEADS)

    lanes = jnp.arange(K) // D_OUT
    seg = (lanes[None, :] == jnp.arange(HEADS)[:, None]).astype(jnp.float32)
    return _comb_call(acc, den, seg, bias.reshape(1, K))

# --- scband reference (transcript-rebuilt; emitter-appended) ---
"""Pipeline reference for scband-relational-drift-33809982554550 (READ-ONLY COPY).

The authoritative reference and input builder live on the scoring server;
editing this copy changes nothing except your own understanding.
"""

import jax, jax.numpy as jnp
import numpy as np

N, E, R, D_IN, HEADS, D_OUT = 10000, 320000, 8, 128, 4, 32

def setup_inputs(seed: int = 0) -> dict:
    key = jax.random.key(seed)
    ks = jax.random.split(key, 8)
    H = jax.random.normal(ks[0], (N, D_IN), dtype=jnp.float32)
    edge_index = jax.random.randint(ks[1], (2, E), 0, N, dtype=jnp.int32)
    edge_type = jax.random.randint(ks[2], (E,), 0, R, dtype=jnp.int32)
    W = jax.random.normal(ks[3], (R, D_IN, HEADS * D_OUT), dtype=jnp.float32) * 0.05
    att_src = jax.random.normal(ks[4], (R, HEADS, D_OUT), dtype=jnp.float32) * 0.05
    att_dst = jax.random.normal(ks[5], (R, HEADS, D_OUT), dtype=jnp.float32) * 0.05
    bias = jnp.zeros((HEADS * D_OUT,), dtype=jnp.float32)
    return {"H": H, "edge_index": edge_index, "edge_type": edge_type,
            "W": W, "att_src": att_src, "att_dst": att_dst, "bias": bias}

def reference(H, edge_index, edge_type, W, att_src, att_dst, bias):
    # _RelationalDrift single-layer path: return self.gat_single(H, edge_index, edge_type)
    # RelGATLayer: per-relation linear transform + per-head additive attention,
    # segment-softmax over incoming edges of each destination node, scatter-add aggregation.
    n = H.shape[0]
    src = edge_index[0]
    dst = edge_index[1]
    # per-relation node transforms: [N, R, HEADS, D_OUT]
    h_all = jnp.einsum('nd,rdk->nrk', H, W).reshape(n, R, HEADS, D_OUT)
    # gather transformed features for each edge under its relation type
    h_src = h_all[src, edge_type]            # [E, HEADS, D_OUT]
    h_dst = h_all[dst, edge_type]            # [E, HEADS, D_OUT]
    a_s = att_src[edge_type]                 # [E, HEADS, D_OUT]
    a_d = att_dst[edge_type]                 # [E, HEADS, D_OUT]
    logits = jnp.sum(h_src * a_s, axis=-1) + jnp.sum(h_dst * a_d, axis=-1)  # [E, HEADS]
    logits = jax.nn.leaky_relu(logits, negative_slope=0.2)
    # segment softmax over edges grouped by destination node
    seg_max = jax.ops.segment_max(logits, dst, num_segments=n)              # [N, HEADS]
    seg_max = jnp.where(jnp.isfinite(seg_max), seg_max, 0.0)
    ex = jnp.exp(logits - seg_max[dst])                                     # [E, HEADS]
    denom = jax.ops.segment_sum(ex, dst, num_segments=n)                    # [N, HEADS]
    alpha = ex / (denom[dst] + 1e-16)                                       # [E, HEADS]
    msg = h_src * alpha[:, :, None]                                         # [E, HEADS, D_OUT]
    out = jax.ops.segment_sum(msg, dst, num_segments=n)                     # [N, HEADS, D_OUT]
    out = out.reshape(n, HEADS * D_OUT) + bias
    return out

if __name__ == "__main__":
    import jax
    _d = setup_inputs()
    print(jax.jit(kernel)(*tuple(_d.values())))

</pallas_src>

<mosaic_0001>
#map = affine_map<(d0, d1) -> (0, 0)>
#map1 = affine_map<(d0, d1) -> (0)>
#map2 = affine_map<(d0, d1) -> (0, 0, 0)>
module attributes {stable_mosaic.version = 14 : i64} {
  func.func @_edge_kernel(%arg0: i32, %arg1: i32, %arg2: memref<2x320000xi32, #tpu.memory_space<hbm>>, %arg3: memref<320000xi32, #tpu.memory_space<hbm>>, %arg4: memref<80000x128xf32, #tpu.memory_space<hbm>>, %arg5: memref<320000xi32, #tpu.memory_space<hbm>>, %arg6: memref<2560xf32, #tpu.memory_space<hbm>>, %arg7: memref<2x10240x128xf32, #tpu.memory_space<hbm>>, %arg8: memref<2x40960xf32, #tpu.memory_space<hbm>>, %arg9: memref<128xi32, #tpu.memory_space<vmem>>, %arg10: memref<128xi32, #tpu.memory_space<vmem>>, %arg11: memref<128xi32, #tpu.memory_space<vmem>>, %arg12: memref<128xi32, #tpu.memory_space<vmem>>, %arg13: memref<128xi32, #tpu.memory_space<vmem>>, %arg14: memref<128xi32, #tpu.memory_space<vmem>>, %arg15: memref<128xi32, #tpu.memory_space<vmem>>, %arg16: memref<128xi32, #tpu.memory_space<vmem>>, %arg17: memref<128xi32, #tpu.memory_space<vmem>>, %arg18: memref<128xi32, #tpu.memory_space<vmem>>, %arg19: memref<128xi32, #tpu.memory_space<vmem>>, %arg20: memref<128xi32, #tpu.memory_space<vmem>>, %arg21: memref<128xi32, #tpu.memory_space<vmem>>, %arg22: memref<128xi32, #tpu.memory_space<vmem>>, %arg23: memref<128xi32, #tpu.memory_space<vmem>>, %arg24: memref<128xi32, #tpu.memory_space<vmem>>, %arg25: memref<128xi32, #tpu.memory_space<vmem>>, %arg26: memref<128xi32, #tpu.memory_space<vmem>>, %arg27: memref<128xi32, #tpu.memory_space<vmem>>, %arg28: memref<128xi32, #tpu.memory_space<vmem>>, %arg29: memref<128xi32, #tpu.memory_space<vmem>>, %arg30: memref<128xi32, #tpu.memory_space<vmem>>, %arg31: memref<128xi32, #tpu.memory_space<vmem>>, %arg32: memref<128xi32, #tpu.memory_space<vmem>>, %arg33: memref<128xi32, #tpu.memory_space<vmem>>, %arg34: memref<128xi32, #tpu.memory_space<vmem>>, %arg35: memref<128xi32, #tpu.memory_space<vmem>>, %arg36: memref<128xi32, #tpu.memory_space<vmem>>, %arg37: memref<128xi32, #tpu.memory_space<vmem>>, %arg38: memref<128xi32, #tpu.memory_space<vmem>>, %arg39: memref<128xi32, #tpu.memory_space<vmem>>, %arg40: memref<128xi32, #tpu.memory_space<vmem>>, %arg41: memref<128xi32, #tpu.memory_space<vmem>>, %arg42: memref<128xi32, #tpu.memory_space<vmem>>, %arg43: memref<128xf32, #tpu.memory_space<vmem>>, %arg44: memref<128xf32, #tpu.memory_space<vmem>>, %arg45: memref<128xf32, #tpu.memory_space<vmem>>, %arg46: memref<128xf32, #tpu.memory_space<vmem>>, %arg47: memref<128xf32, #tpu.memory_space<vmem>>, %arg48: memref<128xf32, #tpu.memory_space<vmem>>, %arg49: memref<128xf32, #tpu.memory_space<vmem>>, %arg50: memref<128xf32, #tpu.memory_space<vmem>>, %arg51: memref<128x128xf32, #tpu.memory_space<vmem>>, %arg52: memref<128x128xf32, #tpu.memory_space<vmem>>, %arg53: memref<10240x128xf32, #tpu.memory_space<vmem_shared>>, %arg54: memref<40960xf32, #tpu.memory_space<vmem_shared>>, %arg55: memref<!tpu.dma_semaphore, #tpu.memory_space<semaphore_mem>>, %arg56: memref<!tpu.dma_semaphore, #tpu.memory_space<semaphore_mem>>, %arg57: memref<!tpu.dma_semaphore, #tpu.memory_space<semaphore_mem>>, %arg58: memref<!tpu.dma_semaphore, #tpu.memory_space<semaphore_mem>>, %arg59: memref<!tpu.dma_semaphore, #tpu.memory_space<semaphore_mem>>, %arg60: memref<!tpu.dma_semaphore, #tpu.memory_space<semaphore_mem>>) attributes {dimension_semantics = [#tpu.dimension_semantics<core_parallel>, #tpu.dimension_semantics<subcore_parallel>], iteration_bounds = array<i64: 2, 16>, scalar_prefetch = 0 : i64, scratch_operands = 52 : i64, tpu.core_type = #tpu.core_type<sc_vector_subcore>, window_params = [{transform_indices = #map}, {transform_indices = #map1}, {transform_indices = #map}, {transform_indices = #map1}, {transform_indices = #map1}, {transform_indices = #map2}, {transform_indices = #map}]} {
    %mul3A = arith.constant 2 : i32
    %mul3A_0 = arith.muli %arg1, %mul3A : i32
    %add3A = arith.addi %mul3A_0, %arg0 : i32
    %mul3A_1 = arith.constant 640 : i32
    %mul3A_2 = arith.muli %arg1, %mul3A_1 : i32
    %mul3A_3 = arith.constant 2560 : i32
    %mul3A_4 = arith.muli %arg1, %mul3A_3 : i32
    %scan3A = arith.constant 0 : i32
    %scan3A_5 = arith.constant 0 : i32
    %scan3A_6 = arith.constant 128 : i32
    %scan3A_7 = arith.addi %scan3A_5, %scan3A_6 : i32
    %scan3A_8 = arith.constant 1 : i32
    scf.for %scan3A_99 = %scan3A_5 to %scan3A_7 step %scan3A_8  : i32 {
      %broadcast_in_dim3A = arith.constant 0.000000e+00 : f32
      %broadcast_in_dim3A_100 = vector.broadcast %broadcast_in_dim3A : f32 to vector<16xf32>
      %swap3A = arith.index_cast %scan3A_99 : i32 to index
      %swap3A_101 = arith.constant 0 : index
      %swap3A_102 = tpu.vector_load %arg51[%swap3A, %swap3A_101] {strides = array<i32>} : memref<128x128xf32, #tpu.memory_space<vmem>>, vector<1x16xf32>,
      %swap3A_103 = vector.shape_cast %swap3A_102 : vector<1x16xf32> to vector<16xf32>
      %swap3A_104 = vector.shape_cast %broadcast_in_dim3A_100 : vector<16xf32> to vector<1x16xf32>
      tpu.vector_store %arg51[%swap3A, %swap3A_101], %swap3A_104 {strides = array<i32>} : memref<128x128xf32, #tpu.memory_space<vmem>>, vector<1x16xf32>,
      %broadcast_in_dim3A_105 = arith.constant 0.000000e+00 : f32
      %broadcast_in_dim3A_106 = vector.broadcast %broadcast_in_dim3A_105 : f32 to vector<16xf32>
      %swap3A_107 = arith.index_cast %scan3A_99 : i32 to index
      %swap3A_108 = arith.constant 16 : index
      %swap3A_109 = tpu.vector_load %arg51[%swap3A_107, %swap3A_108] {strides = array<i32>} : memref<128x128xf32, #tpu.memory_space<vmem>>, vector<1x16xf32>,
      %swap3A_110 = vector.shape_cast %swap3A_109 : vector<1x16xf32> to vector<16xf32>
      %swap3A_111 = vector.shape_cast %broadcast_in_dim3A_106 : vector<16xf32> to vector<1x16xf32>
      tpu.vector_store %arg51[%swap3A_107, %swap3A_108], %swap3A_111 {strides = array<i32>} : memref<128x128xf32, #tpu.memory_space<vmem>>, vector<1x16xf32>,
      %broadcast_in_dim3A_112 = arith.constant 0.000000e+00 : f32
      %broadcast_in_dim3A_113 = vector.broadcast %broadcast_in_dim3A_112 : f32 to vector<16xf32>
      %swap3A_114 = arith.index_cast %scan3A_99 : i32 to index
      %swap3A_115 = arith.constant 32 : index
      %swap3A_116 = tpu.vector_load %arg51[%swap3A_114, %swap3A_115] {strides = array<i32>} : memref<128x128xf32, #tpu.memory_space<vmem>>, vector<1x16xf32>,
      %swap3A_117 = vector.shape_cast %swap3A_116 : vector<1x16xf32> to vector<16xf32>
      %swap3A_118 = vector.shape_cast %broadcast_in_dim3A_113 : vector<16xf32> to vector<1x16xf32>
      tpu.vector_store %arg51[%swap3A_114, %swap3A_115], %swap3A_118 {strides = array<i32>} : memref<128x128xf32, #tpu.memory_space<vmem>>, vector<1x16xf32>,
      %broadcast_in_dim3A_119 = arith.constant 0.000000e+00 : f32
      %broadcast_in_dim3A_120 = vector.broadcast %broadcast_in_dim3A_119 : f32 to vector<16xf32>
      %swap3A_121 = arith.index_cast %scan3A_99 : i32 to index
      %swap3A_122 = arith.constant 48 : index
      %swap3A_123 = tpu.vector_load %arg51[%swap3A_121, %swap3A_122] {strides = array<i32>} : memref<128x128xf32, #tpu.memory_space<vmem>>, vector<1x16xf32>,
      %swap3A_124 = vector.shape_cast %swap3A_123 : vector<1x16xf32> to vector<16xf32>
      %swap3A_125 = vector.shape_cast %broadcast_in_dim3A_120 : vector<16xf32> to vector<1x16xf32>
      tpu.vector_store %arg51[%swap3A_121, %swap3A_122], %swap3A_125 {strides = array<i32>} : memref<128x128xf32, #tpu.memory_space<vmem>>, vector<1x16xf32>,
      %broadcast_in_dim3A_126 = arith.constant 0.000000e+00 : f32
      %broadcast_in_dim3A_127 = vector.broadcast %broadcast_in_dim3A_126 : f32 to vector<16xf32>
      %swap3A_128 = arith.index_cast %scan3A_99 : i32 to index
      %swap3A_129 = arith.constant 64 : index
      %swap3A_130 = tpu.vector_load %arg51[%swap3A_128, %swap3A_129] {strides = array<i32>} : memref<128x128xf32, #tpu.memory_space<vmem>>, vector<1x16xf32>,
      %swap3A_131 = vector.shape_cast %swap3A_130 : vector<1x16xf32> to vector<16xf32>
      %swap3A_132 = vector.shape_cast %broadcast_in_dim3A_127 : vector<16xf32> to vector<1x16xf32>
      tpu.vector_store %arg51[%swap3A_128, %swap3A_129], %swap3A_132 {strides = array<i32>} : memref<128x128xf32, #tpu.memory_space<vmem>>, vector<1x16xf32>,
      %broadcast_in_dim3A_133 = arith.constant 0.000000e+00 : f32
      %broadcast_in_dim3A_134 = vector.broadcast %broadcast_in_dim3A_133 : f32 to vector<16xf32>
      %swap3A_135 = arith.index_cast %scan3A_99 : i32 to index
      %swap3A_136 = arith.constant 80 : index
      %swap3A_137 = tpu.vector_load %arg51[%swap3A_135, %swap3A_136] {strides = array<i32>} : memref<128x128xf32, #tpu.memory_space<vmem>>, vector<1x16xf32>,
      %swap3A_138 = vector.shape_cast %swap3A_137 : vector<1x16xf32> to vector<16xf32>
      %swap3A_139 = vector.shape_cast %broadcast_in_dim3A_134 : vector<16xf32> to vector<1x16xf32>
      tpu.vector_store %arg51[%swap3A_135, %swap3A_136], %swap3A_139 {strides = array<i32>} : memref<128x128xf32, #tpu.memory_space<vmem>>, vector<1x16xf32>,
      %broadcast_in_dim3A_140 = arith.constant 0.000000e+00 : f32
      %broadcast_in_dim3A_141 = vector.broadcast %broadcast_in_dim3A_140 : f32 to vector<16xf32>
      %swap3A_142 = arith.index_cast %scan3A_99 : i32 to index
      %swap3A_143 = arith.constant 96 : index
      %swap3A_144 = tpu.vector_load %arg51[%swap3A_142, %swap3A_143] {strides = array<i32>} : memref<128x128xf32, #tpu.memory_space<vmem>>, vector<1x16xf32>,
      %swap3A_145 = vector.shape_cast %swap3A_144 : vector<1x16xf32> to vector<16xf32>
      %swap3A_146 = vector.shape_cast %broadcast_in_dim3A_141 : vector<16xf32> to vector<1x16xf32>
      tpu.vector_store %arg51[%swap3A_142, %swap3A_143], %swap3A_146 {strides = array<i32>} : memref<128x128xf32, #tpu.memory_space<vmem>>, vector<1x16xf32>,
      %broadcast_in_dim3A_147 = arith.constant 0.000000e+00 : f32
      %broadcast_in_dim3A_148 = vector.broadcast %broadcast_in_dim3A_147 : f32 to vector<16xf32>
      %swap3A_149 = arith.index_cast %scan3A_99 : i32 to index
      %swap3A_150 = arith.constant 112 : index
      %swap3A_151 = tpu.vector_load %arg51[%swap3A_149, %swap3A_150] {strides = array<i32>} : memref<128x128xf32, #tpu.memory_space<vmem>>, vector<1x16xf32>,
      %swap3A_152 = vector.shape_cast %swap3A_151 : vector<1x16xf32> to vector<16xf32>
      %swap3A_153 = vector.shape_cast %broadcast_in_dim3A_148 : vector<16xf32> to vector<1x16xf32>
      tpu.vector_store %arg51[%swap3A_149, %swap3A_150], %swap3A_153 {strides = array<i32>} : memref<128x128xf32, #tpu.memory_space<vmem>>, vector<1x16xf32>,
    }
    %scan3A_9 = arith.constant 128 : i32
    %add3A_10 = arith.constant 0 : i32
    %add3A_11 = arith.addi %mul3A_2, %add3A_10 : i32
    "tpu.region"() ({
      %run_scoped3A = tpu.sem_alloc : memref<!tpu.dma_semaphore, #tpu.memory_space<semaphore_mem>>
      %dma_start3A_99 = arith.constant 0 : i32
      %dma_start3A_100 = tpu.memref_slice %arg53[%add3A_11, %dma_start3A_99] : memref<10240x128xf32, #tpu.memory_space<vmem_shared>> -> memref<128x128xf32, #tpu.memory_space<vmem_shared>>
      %dma_start3A_101 = arith.constant 0 : i32
      %dma_start3A_102 = tpu.memref_slice %arg53[%add3A_11, %dma_start3A_101] : memref<10240x128xf32, #tpu.memory_space<vmem_shared>> -> memref<128x128xf32, #tpu.memory_space<vmem_shared>>
      tpu.enqueue_dma source(%arg51 : memref<128x128xf32, #tpu.memory_space<vmem>>) target(%dma_start3A_102 : memref<128x128xf32, #tpu.memory_space<vmem_shared>>) target_semaphore(%run_scoped3A : memref<!tpu.dma_semaphore, #tpu.memory_space<semaphore_mem>>)
      %dma_wait3A_103 = arith.constant 0 : i32
      %dma_wait3A_104 = tpu.memref_slice %arg53[%add3A_11, %dma_wait3A_103] : memref<10240x128xf32, #tpu.memory_space<vmem_shared>> -> memref<128x128xf32, #tpu.memory_space<vmem_shared>>
      %dma_wait3A_105 = arith.constant 0 : i32
      %dma_wait3A_106 = tpu.memref_slice %arg53[%add3A_11, %dma_wait3A_105] : memref<10240x128xf32, #tpu.memory_space<vmem_shared>> -> memref<128x128xf32, #tpu.memory_space<vmem_shared>>
      tpu.wait_dma2 semaphore(%run_scoped3A : memref<!tpu.dma_semaphore, #tpu.memory_space<semaphore_mem>>) src(%arg51 : memref<128x128xf32, #tpu.memory_space<vmem>>) dst(%dma_wait3A_106 : memref<128x128xf32, #tpu.memory_space<vmem_shared>>)
      tpu.yield
    }) : () -> ()
    %add3A_12 = arith.constant 128 : i32
    %add3A_13 = arith.addi %mul3A_2, %add3A_12 : i32
    "tpu.region"() ({
      %run_scoped3A = tpu.sem_alloc : memref<!tpu.dma_semaphore, #tpu.memory_space<semaphore_mem>>
      %dma_start3A_99 = arith.constant 0 : i32
      %dma_start3A_100 = tpu.memref_slice %arg53[%add3A_13, %dma_start3A_99] : memref<10240x128xf32, #tpu.memory_space<vmem_shared>> -> memref<128x128xf32, #tpu.memory_space<vmem_shared>>
      %dma_start3A_101 = arith.constant 0 : i32
      %dma_start3A_102 = tpu.memref_slice %arg53[%add3A_13, %dma_start3A_101] : memref<10240x128xf32, #tpu.memory_space<vmem_shared>> -> memref<128x128xf32, #tpu.memory_space<vmem_shared>>
      tpu.enqueue_dma source(%arg51 : memref<128x128xf32, #tpu.memory_space<vmem>>) target(%dma_start3A_102 : memref<128x128xf32, #tpu.memory_space<vmem_shared>>) target_semaphore(%run_scoped3A : memref<!tpu.dma_semaphore, #tpu.memory_space<semaphore_mem>>)
      %dma_wait3A_103 = arith.constant 0 : i32
      %dma_wait3A_104 = tpu.memref_slice %arg53[%add3A_13, %dma_wait3A_103] : memref<10240x128xf32, #tpu.memory_space<vmem_shared>> -> memref<128x128xf32, #tpu.memory_space<vmem_shared>>
      %dma_wait3A_105 = arith.constant 0 : i32
      %dma_wait3A_106 = tpu.memref_slice %arg53[%add3A_13, %dma_wait3A_105] : memref<10240x128xf32, #tpu.memory_space<vmem_shared>> -> memref<128x128xf32, #tpu.memory_space<vmem_shared>>
      tpu.wait_dma2 semaphore(%run_scoped3A : memref<!tpu.dma_semaphore, #tpu.memory_space<semaphore_mem>>) src(%arg51 : memref<128x128xf32, #tpu.memory_space<vmem>>) dst(%dma_wait3A_106 : memref<128x128xf32, #tpu.memory_space<vmem_shared>>)
      tpu.yield
    }) : () -> ()
    %add3A_14 = arith.constant 256 : i32
    %add3A_15 = arith.addi %mul3A_2, %add3A_14 : i32
    "tpu.region"() ({
      %run_scoped3A = tpu.sem_alloc : memref<!tpu.dma_semaphore, #tpu.memory_space<semaphore_mem>>
      %dma_start3A_99 = arith.constant 0 : i32
      %dma_start3A_100 = tpu.memref_slice %arg53[%add3A_15, %dma_start3A_99] : memref<10240x128xf32, #tpu.memory_space<vmem_shared>> -> memref<128x128xf32, #tpu.memory_space<vmem_shared>>
      %dma_start3A_101 = arith.constant 0 : i32
      %dma_start3A_102 = tpu.memref_slice %arg53[%add3A_15, %dma_start3A_101] : memref<10240x128xf32, #tpu.memory_space<vmem_shared>> -> memref<128x128xf32, #tpu.memory_space<vmem_shared>>
      tpu.enqueue_dma source(%arg51 : memref<128x128xf32, #tpu.memory_space<vmem>>) target(%dma_start3A_102 : memref<128x128xf32, #tpu.memory_space<vmem_shared>>) target_semaphore(%run_scoped3A : memref<!tpu.dma_semaphore, #tpu.memory_space<semaphore_mem>>)
      %dma_wait3A_103 = arith.constant 0 : i32
      %dma_wait3A_104 = tpu.memref_slice %arg53[%add3A_15, %dma_wait3A_103] : memref<10240x128xf32, #tpu.memory_space<vmem_shared>> -> memref<128x128xf32, #tpu.memory_space<vmem_shared>>
      %dma_wait3A_105 = arith.constant 0 : i32
      %dma_wait3A_106 = tpu.memref_slice %arg53[%add3A_15, %dma_wait3A_105] : memref<10240x128xf32, #tpu.memory_space<vmem_shared>> -> memref<128x128xf32, #tpu.memory_space<vmem_shared>>
      tpu.wait_dma2 semaphore(%run_scoped3A : memref<!tpu.dma_semaphore, #tpu.memory_space<semaphore_mem>>) src(%arg51 : memref<128x128xf32, #tpu.memory_space<vmem>>) dst(%dma_wait3A_106 : memref<128x128xf32, #tpu.memory_space<vmem_shared>>)
      tpu.yield
    }) : () -> ()
    %add3A_16 = arith.constant 384 : i32
    %add3A_17 = arith.addi %mul3A_2, %add3A_16 : i32
    "tpu.region"() ({
      %run_scoped3A = tpu.sem_alloc : memref<!tpu.dma_semaphore, #tpu.memory_space<semaphore_mem>>
      %dma_start3A_99 = arith.constant 0 : i32
      %dma_start3A_100 = tpu.memref_slice %arg53[%add3A_17, %dma_start3A_99] : memref<10240x128xf32, #tpu.memory_space<vmem_shared>> -> memref<128x128xf32, #tpu.memory_space<vmem_shared>>
      %dma_start3A_101 = arith.constant 0 : i32
      %dma_start3A_102 = tpu.memref_slice %arg53[%add3A_17, %dma_start3A_101] : memref<10240x128xf32, #tpu.memory_space<vmem_shared>> -> memref<128x128xf32, #tpu.memory_space<vmem_shared>>
      tpu.enqueue_dma source(%arg51 : memref<128x128xf32, #tpu.memory_space<vmem>>) target(%dma_start3A_102 : memref<128x128xf32, #tpu.memory_space<vmem_shared>>) target_semaphore(%run_scoped3A : memref<!tpu.dma_semaphore, #tpu.memory_space<semaphore_mem>>)
      %dma_wait3A_103 = arith.constant 0 : i32
      %dma_wait3A_104 = tpu.memref_slice %arg53[%add3A_17, %dma_wait3A_103] : memref<10240x128xf32, #tpu.memory_space<vmem_shared>> -> memref<128x128xf32, #tpu.memory_space<vmem_shared>>
      %dma_wait3A_105 = arith.constant 0 : i32
      %dma_wait3A_106 = tpu.memref_slice %arg53[%add3A_17, %dma_wait3A_105] : memref<10240x128xf32, #tpu.memory_space<vmem_shared>> -> memref<128x128xf32, #tpu.memory_space<vmem_shared>>
      tpu.wait_dma2 semaphore(%run_scoped3A : memref<!tpu.dma_semaphore, #tpu.memory_space<semaphore_mem>>) src(%arg51 : memref<128x128xf32, #tpu.memory_space<vmem>>) dst(%dma_wait3A_106 : memref<128x128xf32, #tpu.memory_space<vmem_shared>>)
      tpu.yield
    }) : () -> ()
    %add3A_18 = arith.constant 512 : i32
    %add3A_19 = arith.addi %mul3A_2, %add3A_18 : i32
    "tpu.region"() ({
      %run_scoped3A = tpu.sem_alloc : memref<!tpu.dma_semaphore, #tpu.memory_space<semaphore_mem>>
      %dma_start3A_99 = arith.constant 0 : i32
      %dma_start3A_100 = tpu.memref_slice %arg53[%add3A_19, %dma_start3A_99] : memref<10240x128xf32, #tpu.memory_space<vmem_shared>> -> memref<128x128xf32, #tpu.memory_space<vmem_shared>>
      %dma_start3A_101 = arith.constant 0 : i32
      %dma_start3A_102 = tpu.memref_slice %arg53[%add3A_19, %dma_start3A_101] : memref<10240x128xf32, #tpu.memory_space<vmem_shared>> -> memref<128x128xf32, #tpu.memory_space<vmem_shared>>
      tpu.enqueue_dma source(%arg51 : memref<128x128xf32, #tpu.memory_space<vmem>>) target(%dma_start3A_102 : memref<128x128xf32, #tpu.memory_space<vmem_shared>>) target_semaphore(%run_scoped3A : memref<!tpu.dma_semaphore, #tpu.memory_space<semaphore_mem>>)
      %dma_wait3A_103 = arith.constant 0 : i32
      %dma_wait3A_104 = tpu.memref_slice %arg53[%add3A_19, %dma_wait3A_103] : memref<10240x128xf32, #tpu.memory_space<vmem_shared>> -> memref<128x128xf32, #tpu.memory_space<vmem_shared>>
      %dma_wait3A_105 = arith.constant 0 : i32
      %dma_wait3A_106 = tpu.memref_slice %arg53[%add3A_19, %dma_wait3A_105] : memref<10240x128xf32, #tpu.memory_space<vmem_shared>> -> memref<128x128xf32, #tpu.memory_space<vmem_shared>>
      tpu.wait_dma2 semaphore(%run_scoped3A : memref<!tpu.dma_semaphore, #tpu.memory_space<semaphore_mem>>) src(%arg51 : memref<128x128xf32, #tpu.memory_space<vmem>>) dst(%dma_wait3A_106 : memref<128x128xf32, #tpu.memory_space<vmem_shared>>)
      tpu.yield
    }) : () -> ()
    "tpu.region"() ({
      %run_scoped3A = tpu.sem_alloc : memref<!tpu.dma_semaphore, #tpu.memory_space<semaphore_mem>>
      %dma_start3A_99 = tpu.memref_slice %arg54[%mul3A_4] : memref<40960xf32, #tpu.memory_space<vmem_shared>> -> memref<2560xf32, #tpu.memory_space<vmem_shared>>
      tpu.enqueue_dma source(%arg6 : memref<2560xf32, #tpu.memory_space<hbm>>) target(%dma_start3A_99 : memref<2560xf32, #tpu.memory_space<vmem_shared>>) target_semaphore(%run_scoped3A : memref<!tpu.dma_semaphore, #tpu.memory_space<semaphore_mem>>)
      %dma_wait3A_100 = tpu.memref_slice %arg54[%mul3A_4] : memref<40960xf32, #tpu.memory_space<vmem_shared>> -> memref<2560xf32, #tpu.memory_space<vmem_shared>>
      tpu.wait_dma2 semaphore(%run_scoped3A : memref<!tpu.dma_semaphore, #tpu.memory_space<semaphore_mem>>) src(%arg6 : memref<2560xf32, #tpu.memory_space<hbm>>) dst(%dma_wait3A_100 : memref<2560xf32, #tpu.memory_space<vmem_shared>>)
      tpu.yield
    }) : () -> ()
    %barrier3A = arith.constant 0 : index
    tpu.barrier barrier_id(%barrier3A)
    %mul3A_20 = arith.constant 9984 : i32
    %mul3A_21 = arith.muli %add3A, %mul3A_20 : i32
    %add3A_22 = arith.constant 0 : i32
    %add3A_23 = arith.addi %mul3A_21, %add3A_22 : i32
    %dma_start3A = arith.constant 0 : i32
    %dma_start3A_24 = tpu.memref_slice %arg2[%dma_start3A, %add3A_23] : memref<2x320000xi32, #tpu.memory_space<hbm>> -> memref<1x128xi32, #tpu.memory_space<hbm>>
    %dma_start3A_25 = tpu.memref_squeeze %dma_start3A_24 : memref<1x128xi32, #tpu.memory_space<hbm>> -> memref<128xi32, #tpu.memory_space<hbm>>
    %dma_start3A_26 = tpu.memref_slice %arg2[%dma_start3A, %add3A_23] : memref<2x320000xi32, #tpu.memory_space<hbm>> -> memref<1x128xi32, #tpu.memory_space<hbm>>
    %dma_start3A_27 = tpu.memref_squeeze %dma_start3A_26 : memref<1x128xi32, #tpu.memory_space<hbm>> -> memref<128xi32, #tpu.memory_space<hbm>>
    tpu.enqueue_dma source(%dma_start3A_27 : memref<128xi32, #tpu.memory_space<hbm>>) target(%arg9 : memref<128xi32, #tpu.memory_space<vmem>>) target_semaphore(%arg55 : memref<!tpu.dma_semaphore, #tpu.memory_space<semaphore_mem>>)
    %dma_start3A_28 = arith.constant 1 : i32
    %dma_start3A_29 = tpu.memref_slice %arg2[%dma_start3A_28, %add3A_23] : memref<2x320000xi32, #tpu.memory_space<hbm>> -> memref<1x128xi32, #tpu.memory_space<hbm>>
    %dma_start3A_30 = tpu.memref_squeeze %dma_start3A_29 : memref<1x128xi32, #tpu.memory_space<hbm>> -> memref<128xi32, #tpu.memory_space<hbm>>
    %dma_start3A_31 = tpu.memref_slice %arg2[%dma_start3A_28, %add3A_23] : memref<2x320000xi32, #tpu.memory_space<hbm>> -> memref<1x128xi32, #tpu.memory_space<hbm>>
    %dma_start3A_32 = tpu.memref_squeeze %dma_start3A_31 : memref<1x128xi32, #tpu.memory_space<hbm>> -> memref<128xi32, #tpu.memory_space<hbm>>
    tpu.enqueue_dma source(%dma_start3A_32 : memref<128xi32, #tpu.memory_space<hbm>>) target(%arg11 : memref<128xi32, #tpu.memory_space<vmem>>) target_semaphore(%arg55 : memref<!tpu.dma_semaphore, #tpu.memory_space<semaphore_mem>>)
    %dma_start3A_33 = tpu.memref_slice %arg3[%add3A_23] : memref<320000xi32, #tpu.memory_space<hbm>> -> memref<128xi32, #tpu.memory_space<hbm>>
    %dma_start3A_34 = tpu.memref_slice %arg3[%add3A_23] : memref<320000xi32, #tpu.memory_space<hbm>> -> memref<128xi32, #tpu.memory_space<hbm>>
    tpu.enqueue_dma source(%dma_start3A_34 : memref<128xi32, #tpu.memory_space<hbm>>) target(%arg13 : memref<128xi32, #tpu.memory_space<vmem>>) target_semaphore(%arg55 : memref<!tpu.dma_semaphore, #tpu.memory_space<semaphore_mem>>)
    %add3A_35 = arith.constant 0 : i32
    %add3A_36 = arith.addi %mul3A_21, %add3A_35 : i32
    %dma_wait3A = arith.constant 0 : i32
    %dma_wait3A_37 = tpu.memref_slice %arg2[%dma_wait3A, %add3A_36] : memref<2x320000xi32, #tpu.memory_space<hbm>> -> memref<1x128xi32, #tpu.memory_space<hbm>>
    %dma_wait3A_38 = tpu.memref_squeeze %dma_wait3A_37 : memref<1x128xi32, #tpu.memory_space<hbm>> -> memref<128xi32, #tpu.memory_space<hbm>>
    %dma_wait3A_39 = tpu.memref_slice %arg2[%dma_wait3A, %add3A_36] : memref<2x320000xi32, #tpu.memory_space<hbm>> -> memref<1x128xi32, #tpu.memory_space<hbm>>
    %dma_wait3A_40 = tpu.memref_squeeze %dma_wait3A_39 : memref<1x128xi32, #tpu.memory_space<hbm>> -> memref<128xi32, #tpu.memory_space<hbm>>
    tpu.wait_dma2 semaphore(%arg55 : memref<!tpu.dma_semaphore, #tpu.memory_space<semaphore_mem>>) src(%dma_wait3A_40 : memref<128xi32, #tpu.memory_space<hbm>>) dst(%arg9 : memref<128xi32, #tpu.memory_space<vmem>>)
    %dma_wait3A_41 = arith.constant 1 : i32
    %dma_wait3A_42 = tpu.memref_slice %arg2[%dma_wait3A_41, %add3A_36] : memref<2x320000xi32, #tpu.memory_space<hbm>> -> memref<1x128xi32, #tpu.memory_space<hbm>>
    %dma_wait3A_43 = tpu.memref_squeeze %dma_wait3A_42 : memref<1x128xi32, #tpu.memory_space<hbm>> -> memref<128xi32, #tpu.memory_space<hbm>>
    %dma_wait3A_44 = tpu.memref_slice %arg2[%dma_wait3A_41, %add3A_36] : memref<2x320000xi32, #tpu.memory_space<hbm>> -> memref<1x128xi32, #tpu.memory_space<hbm>>
    %dma_wait3A_45 = tpu.memref_squeeze %dma_wait3A_44 : memref<1x128xi32, #tpu.memory_space<hbm>> -> memref<128xi32, #tpu.memory_space<hbm>>
    tpu.wait_dma2 semaphore(%arg55 : memref<!tpu.dma_semaphore, #tpu.memory_space<semaphore_mem>>) src(%dma_wait3A_45 : memref<128xi32, #tpu.memory_space<hbm>>) dst(%arg11 : memref<128xi32, #tpu.memory_space<vmem>>)
    %dma_wait3A_46 = tpu.memref_slice %arg3[%add3A_36] : memref<320000xi32, #tpu.memory_space<hbm>> -> memref<128xi32, #tpu.memory_space<hbm>>
    %dma_wait3A_47 = tpu.memref_slice %arg3[%add3A_36] : memref<320000xi32, #tpu.memory_space<hbm>> -> memref<128xi32, #tpu.memory_space<hbm>>
    tpu.wait_dma2 semaphore(%arg55 : memref<!tpu.dma_semaphore, #tpu.memory_space<semaphore_mem>>) src(%dma_wait3A_47 : memref<128xi32, #tpu.memory_space<hbm>>) dst(%arg13 : memref<128xi32, #tpu.memory_space<vmem>>)
    %scan3A_48 = arith.constant 0 : i32
    %scan3A_49 = arith.constant 0 : i32
    %scan3A_50 = arith.constant 8 : i32
    %scan3A_51 = arith.addi %scan3A_49, %scan3A_50 : i32
    %scan3A_52 = arith.constant 1 : i32
    scf.for %scan3A_99 = %scan3A_49 to %scan3A_51 step %scan3A_52  : i32 {
      %mul3A_100 = arith.constant 16 : i32
      %mul3A_101 = arith.muli %scan3A_99, %mul3A_100 : i32
      %get3A = arith.index_cast %mul3A_101 : i32 to index
      %get3A_102 = tpu.vector_load %arg9[%get3A] {strides = array<i32>} : memref<128xi32, #tpu.memory_space<vmem>>, vector<16xi32>,
      %get3A_103 = vector.shape_cast %get3A_102 : vector<16xi32> to vector<16xi32>
      %get3A_104 = arith.index_cast %mul3A_101 : i32 to index
      %get3A_105 = tpu.vector_load %arg11[%get3A_104] {strides = array<i32>} : memref<128xi32, #tpu.memory_space<vmem>>, vector<16xi32>,
      %get3A_106 = vector.shape_cast %get3A_105 : vector<16xi32> to vector<16xi32>
      %get3A_107 = arith.index_cast %mul3A_101 : i32 to index
      %get3A_108 = tpu.vector_load %arg13[%get3A_107] {strides = array<i32>} : memref<128xi32, #tpu.memory_space<vmem>>, vector<16xi32>,
      %get3A_109 = vector.shape_cast %get3A_108 : vector<16xi32> to vector<16xi32>
      %mul3A_110 = arith.constant 8 : i32
      %mul3A_111 = vector.broadcast %mul3A_110 : i32 to vector<16xi32>
      %mul3A_112 = arith.muli %get3A_103, %mul3A_111 : vector<16xi32>
      %add3A_113 = arith.addi %mul3A_112, %get3A_109 : vector<16xi32>
      %mul3A_114 = arith.constant 8 : i32
      %mul3A_115 = vector.broadcast %mul3A_114 : i32 to vector<16xi32>
      %mul3A_116 = arith.muli %get3A_106, %mul3A_115 : vector<16xi32>
      %add3A_117 = arith.addi %mul3A_116, %get3A_109 : vector<16xi32>
      %swap3A = arith.index_cast %mul3A_101 : i32 to index
      %swap3A_118 = tpu.vector_load %arg15[%swap3A] {strides = array<i32>} : memref<128xi32, #tpu.memory_space<vmem>>, vector<16xi32>,
      %swap3A_119 = vector.shape_cast %swap3A_118 : vector<16xi32> to vector<16xi32>
      %swap3A_120 = vector.shape_cast %add3A_113 : vector<16xi32> to vector<16xi32>
      tpu.vector_store %arg15[%swap3A], %swap3A_120 {strides = array<i32>} : memref<128xi32, #tpu.memory_space<vmem>>, vector<16xi32>,
      %swap3A_121 = arith.index_cast %mul3A_101 : i32 to index
      %swap3A_122 = tpu.vector_load %arg17[%swap3A_121] {strides = array<i32>} : memref<128xi32, #tpu.memory_space<vmem>>, vector<16xi32>,
      %swap3A_123 = vector.shape_cast %swap3A_122 : vector<16xi32> to vector<16xi32>
      %swap3A_124 = vector.shape_cast %get3A_106 : vector<16xi32> to vector<16xi32>
      tpu.vector_store %arg17[%swap3A_121], %swap3A_124 {strides = array<i32>} : memref<128xi32, #tpu.memory_space<vmem>>, vector<16xi32>,
      %mul3A_125 = arith.constant 4 : i32
      %mul3A_126 = vector.broadcast %mul3A_125 : i32 to vector<16xi32>
      %mul3A_127 = arith.muli %add3A_113, %mul3A_126 : vector<16xi32>
      %add3A_128 = arith.constant 0 : i32
      %add3A_129 = vector.broadcast %add3A_128 : i32 to vector<16xi32>
      %add3A_130 = arith.addi %mul3A_127, %add3A_129 : vector<16xi32>
      %swap3A_131 = arith.index_cast %mul3A_101 : i32 to index
      %swap3A_132 = tpu.vector_load %arg19[%swap3A_131] {strides = array<i32>} : memref<128xi32, #tpu.memory_space<vmem>>, vector<16xi32>,
      %swap3A_133 = vector.shape_cast %swap3A_132 : vector<16xi32> to vector<16xi32>
      %swap3A_134 = vector.shape_cast %add3A_130 : vector<16xi32> to vector<16xi32>
      tpu.vector_store %arg19[%swap3A_131], %swap3A_134 {strides = array<i32>} : memref<128xi32, #tpu.memory_space<vmem>>, vector<16xi32>,
      %mul3A_135 = arith.constant 4 : i32
      %mul3A_136 = vector.broadcast %mul3A_135 : i32 to vector<16xi32>
      %mul3A_137 = arith.muli %add3A_117, %mul3A_136 : vector<16xi32>
      %add3A_138 = arith.constant 2 : i32
      %add3A_139 = vector.broadcast %add3A_138 : i32 to vector<16xi32>
      %add3A_140 = arith.addi %mul3A_137, %add3A_139 : vector<16xi32>
      %swap3A_141 = arith.index_cast %mul3A_101 : i32 to index
      %swap3A_142 = tpu.vector_load %arg23[%swap3A_141] {strides = array<i32>} : memref<128xi32, #tpu.memory_space<vmem>>, vector<16xi32>,
      %swap3A_143 = vector.shape_cast %swap3A_142 : vector<16xi32> to vector<16xi32>
      %swap3A_144 = vector.shape_cast %add3A_140 : vector<16xi32> to vector<16xi32>
      tpu.vector_store %arg23[%swap3A_141], %swap3A_144 {strides = array<i32>} : memref<128xi32, #tpu.memory_space<vmem>>, vector<16xi32>,
      %mul3A_145 = arith.constant 4 : i32
      %mul3A_146 = vector.broadcast %mul3A_145 : i32 to vector<16xi32>
      %mul3A_147 = arith.muli %add3A_113, %mul3A_146 : vector<16xi32>
      %add3A_148 = arith.constant 1 : i32
      %add3A_149 = vector.broadcast %add3A_148 : i32 to vector<16xi32>
      %add3A_150 = arith.addi %mul3A_147, %add3A_149 : vector<16xi32>
      %swap3A_151 = arith.index_cast %mul3A_101 : i32 to index
      %swap3A_152 = tpu.vector_load %arg20[%swap3A_151] {strides = array<i32>} : memref<128xi32, #tpu.memory_space<vmem>>, vector<16xi32>,
      %swap3A_153 = vector.shape_cast %swap3A_152 : vector<16xi32> to vector<16xi32>
      %swap3A_154 = vector.shape_cast %add3A_150 : vector<16xi32> to vector<16xi32>
      tpu.vector_store %arg20[%swap3A_151], %swap3A_154 {strides = array<i32>} : memref<128xi32, #tpu.memory_space<vmem>>, vector<16xi32>,
      %mul3A_155 = arith.constant 4 : i32
      %mul3A_156 = vector.broadcast %mul3A_155 : i32 to vector<16xi32>
      %mul3A_157 = arith.muli %add3A_117, %mul3A_156 : vector<16xi32>
      %add3A_158 = arith.constant 3 : i32
      %add3A_159 = vector.broadcast %add3A_158 : i32 to vector<16xi32>
      %add3A_160 = arith.addi %mul3A_157, %add3A_159 : vector<16xi32>
      %swap3A_161 = arith.index_cast %mul3A_101 : i32 to index
      %swap3A_162 = tpu.vector_load %arg24[%swap3A_161] {strides = array<i32>} : memref<128xi32, #tpu.memory_space<vmem>>, vector<16xi32>,
      %swap3A_163 = vector.shape_cast %swap3A_162 : vector<16xi32> to vector<16xi32>
      %swap3A_164 = vector.shape_cast %add3A_160 : vector<16xi32> to vector<16xi32>
      tpu.vector_store %arg24[%swap3A_161], %swap3A_164 {strides = array<i32>} : memref<128xi32, #tpu.memory_space<vmem>>, vector<16xi32>,
      %mul3A_165 = arith.constant 4 : i32
      %mul3A_166 = vector.broadcast %mul3A_165 : i32 to vector<16xi32>
      %mul3A_167 = arith.muli %get3A_106, %mul3A_166 : vector<16xi32>
      %add3A_168 = arith.constant 0 : i32
      %add3A_169 = vector.broadcast %add3A_168 : i32 to vector<16xi32>
      %add3A_170 = arith.addi %mul3A_167, %add3A_169 : vector<16xi32>
      %swap3A_171 = arith.index_cast %mul3A_101 : i32 to index
      %swap3A_172 = tpu.vector_load %arg27[%swap3A_171] {strides = array<i32>} : memref<128xi32, #tpu.memory_space<vmem>>, vector<16xi32>,
      %swap3A_173 = vector.shape_cast %swap3A_172 : vector<16xi32> to vector<16xi32>
      %swap3A_174 = vector.shape_cast %add3A_170 : vector<16xi32> to vector<16xi32>
      tpu.vector_store %arg27[%swap3A_171], %swap3A_174 {strides = array<i32>} : memref<128xi32, #tpu.memory_space<vmem>>, vector<16xi32>,
      %mul3A_175 = arith.constant 4 : i32
      %mul3A_176 = vector.broadcast %mul3A_175 : i32 to vector<16xi32>
      %mul3A_177 = arith.muli %get3A_106, %mul3A_176 : vector<16xi32>
      %add3A_178 = arith.constant 1 : i32
      %add3A_179 = vector.broadcast %add3A_178 : i32 to vector<16xi32>
      %add3A_180 = arith.addi %mul3A_177, %add3A_179 : vector<16xi32>
      %swap3A_181 = arith.index_cast %mul3A_101 : i32 to index
      %swap3A_182 = tpu.vector_load %arg28[%swap3A_181] {strides = array<i32>} : memref<128xi32, #tpu.memory_space<vmem>>, vector<16xi32>,
      %swap3A_183 = vector.shape_cast %swap3A_182 : vector<16xi32> to vector<16xi32>
      %swap3A_184 = vector.shape_cast %add3A_180 : vector<16xi32> to vector<16xi32>
      tpu.vector_store %arg28[%swap3A_181], %swap3A_184 {strides = array<i32>} : memref<128xi32, #tpu.memory_space<vmem>>, vector<16xi32>,
      %mul3A_185 = arith.constant 4 : i32
      %mul3A_186 = vector.broadcast %mul3A_185 : i32 to vector<16xi32>
      %mul3A_187 = arith.muli %get3A_106, %mul3A_186 : vector<16xi32>
      %add3A_188 = arith.constant 2 : i32
      %add3A_189 = vector.broadcast %add3A_188 : i32 to vector<16xi32>
      %add3A_190 = arith.addi %mul3A_187, %add3A_189 : vector<16xi32>
      %swap3A_191 = arith.index_cast %mul3A_101 : i32 to index
      %swap3A_192 = tpu.vector_load %arg29[%swap3A_191] {strides = array<i32>} : memref<128xi32, #tpu.memory_space<vmem>>, vector<16xi32>,
      %swap3A_193 = vector.shape_cast %swap3A_192 : vector<16xi32> to vector<16xi32>
      %swap3A_194 = vector.shape_cast %add3A_190 : vector<16xi32> to vector<16xi32>
      tpu.vector_store %arg29[%swap3A_191], %swap3A_194 {strides = array<i32>} : memref<128xi32, #tpu.memory_space<vmem>>, vector<16xi32>,
      %mul3A_195 = arith.constant 4 : i32
      %mul3A_196 = vector.broadcast %mul3A_195 : i32 to vector<16xi32>
      %mul3A_197 = arith.muli %get3A_106, %mul3A_196 : vector<16xi32>
      %add3A_198 = arith.constant 3 : i32
      %add3A_199 = vector.broadcast %add3A_198 : i32 to vector<16xi32>
      %add3A_200 = arith.addi %mul3A_197, %add3A_199 : vector<16xi32>
      %swap3A_201 = arith.index_cast %mul3A_101 : i32 to index
      %swap3A_202 = tpu.vector_load %arg30[%swap3A_201] {strides = array<i32>} : memref<128xi32, #tpu.memory_space<vmem>>, vector<16xi32>,
      %swap3A_203 = vector.shape_cast %swap3A_202 : vector<16xi32> to vector<16xi32>
      %swap3A_204 = vector.shape_cast %add3A_200 : vector<16xi32> to vector<16xi32>
      tpu.vector_store %arg30[%swap3A_201], %swap3A_204 {strides = array<i32>} : memref<128xi32, #tpu.memory_space<vmem>>, vector<16xi32>,
    }
    %scan3A_53 = arith.constant 8 : i32
    %dma_start3A_54 = arith.constant 0 : i32
    %dma_start3A_55 = arith.constant 0 : i32
    %dma_start3A_56 = tpu.memref_slice %arg4[%dma_start3A_54, %dma_start3A_55] : memref<80000x128xf32, #tpu.memory_space<hbm>> -> memref<80000x128xf32, #tpu.memory_space<hbm>>
    tpu.enqueue_indirect_dma source(%dma_start3A_56 : memref<80000x128xf32, #tpu.memory_space<hbm>>) target(%arg51 : memref<128x128xf32, #tpu.memory_space<vmem>>) offsets(%arg15 : memref<128xi32, #tpu.memory_space<vmem>>) semaphore(%arg57 : memref<!tpu.dma_semaphore, #tpu.memory_space<semaphore_mem>>)
    %dma_start3A_57 = arith.constant 0 : i32
    %dma_start3A_58 = tpu.memref_slice %arg5[%dma_start3A_57] : memref<320000xi32, #tpu.memory_space<hbm>> -> memref<320000xi32, #tpu.memory_space<hbm>>
    tpu.enqueue_indirect_dma source(%dma_start3A_58 : memref<320000xi32, #tpu.memory_space<hbm>>) target(%arg35 : memref<128xi32, #tpu.memory_space<vmem>>) offsets(%arg19 : memref<128xi32, #tpu.memory_space<vmem>>) semaphore(%arg57 : memref<!tpu.dma_semaphore, #tpu.memory_space<semaphore_mem>>)
    %dma_start3A_59 = arith.constant 0 : i32
    %dma_start3A_60 = tpu.memref_slice %arg5[%dma_start3A_59] : memref<320000xi32, #tpu.memory_space<hbm>> -> memref<320000xi32, #tpu.memory_space<hbm>>
    tpu.enqueue_indirect_dma source(%dma_start3A_60 : memref<320000xi32, #tpu.memory_space<hbm>>) target(%arg39 : memref<128xi32, #tpu.memory_space<vmem>>) offsets(%arg23 : memref<128xi32, #tpu.memory_space<vmem>>) semaphore(%arg57 : memref<!tpu.dma_semaphore, #tpu.memory_space<semaphore_mem>>)
    %dma_start3A_61 = arith.constant 0 : i32
    %dma_start3A_62 = tpu.memref_slice %arg5[%dma_start3A_61] : memref<320000xi32, #tpu.memory_space<hbm>> -> memref<320000xi32, #tpu.memory_space<hbm>>
    tpu.enqueue_indirect_dma source(%dma_start3A_62 : memref<320000xi32, #tpu.memory_space<hbm>>) target(%arg36 : memref<128xi32, #tpu.memory_space<vmem>>) offsets(%arg20 : memref<128xi32, #tpu.memory_space<vmem>>) semaphore(%arg57 : memref<!tpu.dma_semaphore, #tpu.memory_space<semaphore_mem>>)
    %dma_start3A_63 = arith.constant 0 : i32
    %dma_start3A_64 = tpu.memref_slice %arg5[%dma_start3A_63] : memref<320000xi32, #tpu.memory_space<hbm>> -> memref<320000xi32, #tpu.memory_space<hbm>>
    tpu.enqueue_indirect_dma source(%dma_start3A_64 : memref<320000xi32, #tpu.memory_space<hbm>>) target(%arg40 : memref<128xi32, #tpu.memory_space<vmem>>) offsets(%arg24 : memref<128xi32, #tpu.memory_space<vmem>>) semaphore(%arg57 : memref<!tpu.dma_semaphore, #tpu.memory_space<semaphore_mem>>)
    %add3A_65 = arith.constant 128 : i32
    %add3A_66 = arith.addi %mul3A_21, %add3A_65 : i32
    %dma_start3A_67 = arith.constant 0 : i32
    %dma_start3A_68 = tpu.memref_slice %arg2[%dma_start3A_67, %add3A_66] : memref<2x320000xi32, #tpu.memory_space<hbm>> -> memref<1x128xi32, #tpu.memory_space<hbm>>
    %dma_start3A_69 = tpu.memref_squeeze %dma_start3A_68 : memref<1x128xi32, #tpu.memory_space<hbm>> -> memref<128xi32, #tpu.memory_space<hbm>>
    %dma_start3A_70 = tpu.memref_slice %arg2[%dma_start3A_67, %add3A_66] : memref<2x320000xi32, #tpu.memory_space<hbm>> -> memref<1x128xi32, #tpu.memory_space<hbm>>
    %dma_start3A_71 = tpu.memref_squeeze %dma_start3A_70 : memref<1x128xi32, #tpu.memory_space<hbm>> -> memref<128xi32, #tpu.memory_space<hbm>>
    tpu.enqueue_dma source(%dma_start3A_71 : memref<128xi32, #tpu.memory_space<hbm>>) target(%arg10 : memref<128xi32, #tpu.memory_space<vmem>>) target_semaphore(%arg56 : memref<!tpu.dma_semaphore, #tpu.memory_space<semaphore_mem>>)
    %dma_start3A_72 = arith.constant 1 : i32
    %dma_start3A_73 = tpu.memref_slice %arg2[%dma_start3A_72, %add3A_66] : memref<2x320000xi32, #tpu.memory_space<hbm>> -> memref<1x128xi32, #tpu.memory_space<hbm>>
    %dma_start3A_74 = tpu.memref_squeeze %dma_start3A_73 : memref<1x128xi32, #tpu.memory_space<hbm>> -> memref<128xi32, #tpu.memory_space<hbm>>
    %dma_start3A_75 = tpu.memref_slice %arg2[%dma_start3A_72, %add3A_66] : memref<2x320000xi32, #tpu.memory_space<hbm>> -> memref<1x128xi32, #tpu.memory_space<hbm>>
    %dma_start3A_76 = tpu.memref_squeeze %dma_start3A_75 : memref<1x128xi32, #tpu.memory_space<hbm>> -> memref<128xi32, #tpu.memory_space<hbm>>
    tpu.enqueue_dma source(%dma_start3A_76 : memref<128xi32, #tpu.memory_space<hbm>>) target(%arg12 : memref<128xi32, #tpu.memory_space<vmem>>) target_semaphore(%arg56 : memref<!tpu.dma_semaphore, #tpu.memory_space<semaphore_mem>>)
    %dma_start3A_77 = tpu.memref_slice %arg3[%add3A_66] : memref<320000xi32, #tpu.memory_space<hbm>> -> memref<128xi32, #tpu.memory_space<hbm>>
    %dma_start3A_78 = tpu.memref_slice %arg3[%add3A_66] : memref<320000xi32, #tpu.memory_space<hbm>> -> memref<128xi32, #tpu.memory_space<hbm>>
    tpu.enqueue_dma source(%dma_start3A_78 : memref<128xi32, #tpu.memory_space<hbm>>) target(%arg14 : memref<128xi32, #tpu.memory_space<vmem>>) target_semaphore(%arg56 : memref<!tpu.dma_semaphore, #tpu.memory_space<semaphore_mem>>)
    %scan3A_79 = arith.constant 0 : i32
    %scan3A_80 = arith.constant 0 : i32
    %scan3A_81 = arith.constant 39 : i32
    %scan3A_82 = arith.addi %scan3A_80, %scan3A_81 : i32
    %scan3A_83 = arith.constant 1 : i32
    scf.for %scan3A_99 = %scan3A_80 to %scan3A_82 step %scan3A_83  : i32 {
      %mul3A_100 = arith.constant 2 : i32
      %mul3A_101 = arith.muli %mul3A_100, %scan3A_99 : i32
      %dma_wait3A_102 = arith.constant 0 : i32
      %dma_wait3A_103 = arith.constant 0 : i32
      %dma_wait3A_104 = tpu.memref_slice %arg4[%dma_wait3A_102, %dma_wait3A_103] : memref<80000x128xf32, #tpu.memory_space<hbm>> -> memref<80000x128xf32, #tpu.memory_space<hbm>>
      tpu.wait_indirect_dma semaphore(%arg57 : memref<!tpu.dma_semaphore, #tpu.memory_space<semaphore_mem>>) src(%dma_wait3A_104 : memref<80000x128xf32, #tpu.memory_space<hbm>>) dst(%arg51 : memref<128x128xf32, #tpu.memory_space<vmem>>)
      %dma_wait3A_105 = arith.constant 0 : i32
      %dma_wait3A_106 = tpu.memref_slice %arg5[%dma_wait3A_105] : memref<320000xi32, #tpu.memory_space<hbm>> -> memref<320000xi32, #tpu.memory_space<hbm>>
      tpu.wait_indirect_dma semaphore(%arg57 : memref<!tpu.dma_semaphore, #tpu.memory_space<semaphore_mem>>) src(%dma_wait3A_106 : memref<320000xi32, #tpu.memory_space<hbm>>) dst(%arg35 : memref<128xi32, #tpu.memory_space<vmem>>)
      %dma_wait3A_107 = arith.constant 0 : i32
      %dma_wait3A_108 = tpu.memref_slice %arg5[%dma_wait3A_107] : memref<320000xi32, #tpu.memory_space<hbm>> -> memref<320000xi32, #tpu.memory_space<hbm>>
      tpu.wait_indirect_dma semaphore(%arg57 : memref<!tpu.dma_semaphore, #tpu.memory_space<semaphore_mem>>) src(%dma_wait3A_108 : memref<320000xi32, #tpu.memory_space<hbm>>) dst(%arg39 : memref<128xi32, #tpu.memory_space<vmem>>)
      %dma_wait3A_109 = arith.constant 0 : i32
      %dma_wait3A_110 = tpu.memref_slice %arg5[%dma_wait3A_109] : memref<320000xi32, #tpu.memory_space<hbm>> -> memref<320000xi32, #tpu.memory_space<hbm>>
      tpu.wait_indirect_dma semaphore(%arg57 : memref<!tpu.dma_semaphore, #tpu.memory_space<semaphore_mem>>) src(%dma_wait3A_110 : memref<320000xi32, #tpu.memory_space<hbm>>) dst(%arg36 : memref<128xi32, #tpu.memory_space<vmem>>)
      %dma_wait3A_111 = arith.constant 0 : i32
      %dma_wait3A_112 = tpu.memref_slice %arg5[%dma_wait3A_111] : memref<320000xi32, #tpu.memory_space<hbm>> -> memref<320000xi32, #tpu.memory_space<hbm>>
      tpu.wait_indirect_dma semaphore(%arg57 : memref<!tpu.dma_semaphore, #tpu.memory_space<semaphore_mem>>) src(%dma_wait3A_112 : memref<320000xi32, #tpu.memory_space<hbm>>) dst(%arg40 : memref<128xi32, #tpu.memory_space<vmem>>)
      %ge3A = arith.constant 1 : i32
      %ge3A_113 = arith.cmpi sge, %mul3A_101, %ge3A : i32
      %convert_element_type3A_114 = arith.extui %ge3A_113 : i1 to i32
      %cond3A_115 = arith.constant 0 : i32
      %cond3A_116 = arith.cmpi ne, %convert_element_type3A_114, %cond3A_115 : i32
      scf.if %cond3A_116 {
        %dma_wait3A_213 = arith.constant 0 : i32
        %dma_wait3A_214 = arith.constant 0 : i32
        %dma_wait3A_215 = tpu.memref_slice %arg53[%dma_wait3A_213, %dma_wait3A_214] : memref<10240x128xf32, #tpu.memory_space<vmem_shared>> -> memref<10240x128xf32, #tpu.memory_space<vmem_shared>>
        tpu.wait_indirect_dma semaphore(%arg60 : memref<!tpu.dma_semaphore, #tpu.memory_space<semaphore_mem>>) src(%arg52 : memref<128x128xf32, #tpu.memory_space<vmem>>) dst(%dma_wait3A_215 : memref<10240x128xf32, #tpu.memory_space<vmem_shared>>)
        %dma_wait3A_216 = arith.constant 0 : i32
        %dma_wait3A_217 = tpu.memref_slice %arg54[%dma_wait3A_216] : memref<40960xf32, #tpu.memory_space<vmem_shared>> -> memref<40960xf32, #tpu.memory_space<vmem_shared>>
        tpu.wait_indirect_dma semaphore(%arg60 : memref<!tpu.dma_semaphore, #tpu.memory_space<semaphore_mem>>) src(%arg47 : memref<128xf32, #tpu.memory_space<vmem>>) dst(%dma_wait3A_217 : memref<40960xf32, #tpu.memory_space<vmem_shared>>)
        %dma_wait3A_218 = arith.constant 0 : i32
        %dma_wait3A_219 = tpu.memref_slice %arg54[%dma_wait3A_218] : memref<40960xf32, #tpu.memory_space<vmem_shared>> -> memref<40960xf32, #tpu.memory_space<vmem_shared>>
        tpu.wait_indirect_dma semaphore(%arg60 : memref<!tpu.dma_semaphore, #tpu.memory_space<semaphore_mem>>) src(%arg48 : memref<128xf32, #tpu.memory_space<vmem>>) dst(%dma_wait3A_219 : memref<40960xf32, #tpu.memory_space<vmem_shared>>)
        %dma_wait3A_220 = arith.constant 0 : i32
        %dma_wait3A_221 = tpu.memref_slice %arg54[%dma_wait3A_220] : memref<40960xf32, #tpu.memory_space<vmem_shared>> -> memref<40960xf32, #tpu.memory_space<vmem_shared>>
        tpu.wait_indirect_dma semaphore(%arg60 : memref<!tpu.dma_semaphore, #tpu.memory_space<semaphore_mem>>) src(%arg49 : memref<128xf32, #tpu.memory_space<vmem>>) dst(%dma_wait3A_221 : memref<40960xf32, #tpu.memory_space<vmem_shared>>)
        %dma_wait3A_222 = arith.constant 0 : i32
        %dma_wait3A_223 = tpu.memref_slice %arg54[%dma_wait3A_222] : memref<40960xf32, #tpu.memory_space<vmem_shared>> -> memref<40960xf32, #tpu.memory_space<vmem_shared>>
        tpu.wait_indirect_dma semaphore(%arg60 : memref<!tpu.dma_semaphore, #tpu.memory_space<semaphore_mem>>) src(%arg50 : memref<128xf32, #tpu.memory_space<vmem>>) dst(%dma_wait3A_223 : memref<40960xf32, #tpu.memory_space<vmem_shared>>)
      } else {
      }
      %add3A_117 = arith.constant 1 : i32
      %add3A_118 = arith.addi %mul3A_101, %add3A_117 : i32
      %lt3A_119 = arith.constant 78 : i32
      %lt3A_120 = arith.cmpi slt, %add3A_118, %lt3A_119 : i32
      %convert_element_type3A_121 = arith.extui %lt3A_120 : i1 to i32
      %cond3A_122 = arith.constant 0 : i32
      %cond3A_123 = arith.cmpi ne, %convert_element_type3A_121, %cond3A_122 : i32
      scf.if %cond3A_123 {
        %add3A_213 = arith.constant 0 : i32
        %add3A_214 = arith.addi %mul3A_21, %add3A_213 : i32
        %dma_wait3A_215 = arith.constant 0 : i32
        %dma_wait3A_216 = tpu.memref_slice %arg2[%dma_wait3A_215, %add3A_214] : memref<2x320000xi32, #tpu.memory_space<hbm>> -> memref<1x128xi32, #tpu.memory_space<hbm>>
        %dma_wait3A_217 = tpu.memref_squeeze %dma_wait3A_216 : memref<1x128xi32, #tpu.memory_space<hbm>> -> memref<128xi32, #tpu.memory_space<hbm>>
        %dma_wait3A_218 = tpu.memref_slice %arg2[%dma_wait3A_215, %add3A_214] : memref<2x320000xi32, #tpu.memory_space<hbm>> -> memref<1x128xi32, #tpu.memory_space<hbm>>
        %dma_wait3A_219 = tpu.memref_squeeze %dma_wait3A_218 : memref<1x128xi32, #tpu.memory_space<hbm>> -> memref<128xi32, #tpu.memory_space<hbm>>
        tpu.wait_dma2 semaphore(%arg56 : memref<!tpu.dma_semaphore, #tpu.memory_space<semaphore_mem>>) src(%dma_wait3A_219 : memref<128xi32, #tpu.memory_space<hbm>>) dst(%arg10 : memref<128xi32, #tpu.memory_space<vmem>>)
        %dma_wait3A_220 = arith.constant 1 : i32
        %dma_wait3A_221 = tpu.memref_slice %arg2[%dma_wait3A_220, %add3A_214] : memref<2x320000xi32, #tpu.memory_space<hbm>> -> memref<1x128xi32, #tpu.memory_space<hbm>>
        %dma_wait3A_222 = tpu.memref_squeeze %dma_wait3A_221 : memref<1x128xi32, #tpu.memory_space<hbm>> -> memref<128xi32, #tpu.memory_space<hbm>>
        %dma_wait3A_223 = tpu.memref_slice %arg2[%dma_wait3A_220, %add3A_214] : memref<2x320000xi32, #tpu.memory_space<hbm>> -> memref<1x128xi32, #tpu.memory_space<hbm>>
        %dma_wait3A_224 = tpu.memref_squeeze %dma_wait3A_223 : memref<1x128xi32, #tpu.memory_space<hbm>> -> memref<128xi32, #tpu.memory_space<hbm>>
        tpu.wait_dma2 semaphore(%arg56 : memref<!tpu.dma_semaphore, #tpu.memory_space<semaphore_mem>>) src(%dma_wait3A_224 : memref<128xi32, #tpu.memory_space<hbm>>) dst(%arg12 : memref<128xi32, #tpu.memory_space<vmem>>)
        %dma_wait3A_225 = tpu.memref_slice %arg3[%add3A_214] : memref<320000xi32, #tpu.memory_space<hbm>> -> memref<128xi32, #tpu.memory_space<hbm>>
        %dma_wait3A_226 = tpu.memref_slice %arg3[%add3A_214] : memref<320000xi32, #tpu.memory_space<hbm>> -> memref<128xi32, #tpu.memory_space<hbm>>
        tpu.wait_dma2 semaphore(%arg56 : memref<!tpu.dma_semaphore, #tpu.memory_space<semaphore_mem>>) src(%dma_wait3A_226 : memref<128xi32, #tpu.memory_space<hbm>>) dst(%arg14 : memref<128xi32, #tpu.memory_space<vmem>>)
        %scan3A_227 = arith.constant 0 : i32
        %scan3A_228 = arith.constant 0 : i32
        %scan3A_229 = arith.constant 8 : i32
        %scan3A_230 = arith.addi %scan3A_228, %scan3A_229 : i32
        %scan3A_231 = arith.constant 1 : i32
        scf.for %scan3A_244 = %scan3A_228 to %scan3A_230 step %scan3A_231  : i32 {
          %mul3A_245 = arith.constant 16 : i32
          %mul3A_246 = arith.muli %scan3A_244, %mul3A_245 : i32
          %get3A = arith.index_cast %mul3A_246 : i32 to index
          %get3A_247 = tpu.vector_load %arg10[%get3A] {strides = array<i32>} : memref<128xi32, #tpu.memory_space<vmem>>, vector<16xi32>,
          %get3A_248 = vector.shape_cast %get3A_247 : vector<16xi32> to vector<16xi32>
          %get3A_249 = arith.index_cast %mul3A_246 : i32 to index
          %get3A_250 = tpu.vector_load %arg12[%get3A_249] {strides = array<i32>} : memref<128xi32, #tpu.memory_space<vmem>>, vector<16xi32>,
          %get3A_251 = vector.shape_cast %get3A_250 : vector<16xi32> to vector<16xi32>
          %get3A_252 = arith.index_cast %mul3A_246 : i32 to index
          %get3A_253 = tpu.vector_load %arg14[%get3A_252] {strides = array<i32>} : memref<128xi32, #tpu.memory_space<vmem>>, vector<16xi32>,
          %get3A_254 = vector.shape_cast %get3A_253 : vector<16xi32> to vector<16xi32>
          %mul3A_255 = arith.constant 8 : i32
          %mul3A_256 = vector.broadcast %mul3A_255 : i32 to vector<16xi32>
          %mul3A_257 = arith.muli %get3A_248, %mul3A_256 : vector<16xi32>
          %add3A_258 = arith.addi %mul3A_257, %get3A_254 : vector<16xi32>
          %mul3A_259 = arith.constant 8 : i32
          %mul3A_260 = vector.broadcast %mul3A_259 : i32 to vector<16xi32>
          %mul3A_261 = arith.muli %get3A_251, %mul3A_260 : vector<16xi32>
          %add3A_262 = arith.addi %mul3A_261, %get3A_254 : vector<16xi32>
          %swap3A = arith.index_cast %mul3A_246 : i32 to index
          %swap3A_263 = tpu.vector_load %arg16[%swap3A] {strides = array<i32>} : memref<128xi32, #tpu.memory_space<vmem>>, vector<16xi32>,
          %swap3A_264 = vector.shape_cast %swap3A_263 : vector<16xi32> to vector<16xi32>
          %swap3A_265 = vector.shape_cast %add3A_258 : vector<16xi32> to vector<16xi32>
          tpu.vector_store %arg16[%swap3A], %swap3A_265 {strides = array<i32>} : memref<128xi32, #tpu.memory_space<vmem>>, vector<16xi32>,
          %swap3A_266 = arith.index_cast %mul3A_246 : i32 to index
          %swap3A_267 = tpu.vector_load %arg18[%swap3A_266] {strides = array<i32>} : memref<128xi32, #tpu.memory_space<vmem>>, vector<16xi32>,
          %swap3A_268 = vector.shape_cast %swap3A_267 : vector<16xi32> to vector<16xi32>
          %swap3A_269 = vector.shape_cast %get3A_251 : vector<16xi32> to vector<16xi32>
          tpu.vector_store %arg18[%swap3A_266], %swap3A_269 {strides = array<i32>} : memref<128xi32, #tpu.memory_space<vmem>>, vector<16xi32>,
          %mul3A_270 = arith.constant 4 : i32
          %mul3A_271 = vector.broadcast %mul3A_270 : i32 to vector<16xi32>
          %mul3A_272 = arith.muli %add3A_258, %mul3A_271 : vector<16xi32>
          %add3A_273 = arith.constant 0 : i32
          %add3A_274 = vector.broadcast %add3A_273 : i32 to vector<16xi32>
          %add3A_275 = arith.addi %mul3A_272, %add3A_274 : vector<16xi32>
          %swap3A_276 = arith.index_cast %mul3A_246 : i32 to index
          %swap3A_277 = tpu.vector_load %arg21[%swap3A_276] {strides = array<i32>} : memref<128xi32, #tpu.memory_space<vmem>>, vector<16xi32>,
          %swap3A_278 = vector.shape_cast %swap3A_277 : vector<16xi32> to vector<16xi32>
          %swap3A_279 = vector.shape_cast %add3A_275 : vector<16xi32> to vector<16xi32>
          tpu.vector_store %arg21[%swap3A_276], %swap3A_279 {strides = array<i32>} : memref<128xi32, #tpu.memory_space<vmem>>, vector<16xi32>,
          %mul3A_280 = arith.constant 4 : i32
          %mul3A_281 = vector.broadcast %mul3A_280 : i32 to vector<16xi32>
          %mul3A_282 = arith.muli %add3A_262, %mul3A_281 : vector<16xi32>
          %add3A_283 = arith.constant 2 : i32
          %add3A_284 = vector.broadcast %add3A_283 : i32 to vector<16xi32>
          %add3A_285 = arith.addi %mul3A_282, %add3A_284 : vector<16xi32>
          %swap3A_286 = arith.index_cast %mul3A_246 : i32 to index
          %swap3A_287 = tpu.vector_load %arg25[%swap3A_286] {strides = array<i32>} : memref<128xi32, #tpu.memory_space<vmem>>, vector<16xi32>,
          %swap3A_288 = vector.shape_cast %swap3A_287 : vector<16xi32> to vector<16xi32>
          %swap3A_289 = vector.shape_cast %add3A_285 : vector<16xi32> to vector<16xi32>
          tpu.vector_store %arg25[%swap3A_286], %swap3A_289 {strides = array<i32>} : memref<128xi32, #tpu.memory_space<vmem>>, vector<16xi32>,
          %mul3A_290 = arith.constant 4 : i32
          %mul3A_291 = vector.broadcast %mul3A_290 : i32 to vector<16xi32>
          %mul3A_292 = arith.muli %add3A_258, %mul3A_291 : vector<16xi32>
          %add3A_293 = arith.constant 1 : i32
          %add3A_294 = vector.broadcast %add3A_293 : i32 to vector<16xi32>
          %add3A_295 = arith.addi %mul3A_292, %add3A_294 : vector<16xi32>
          %swap3A_296 = arith.index_cast %mul3A_246 : i32 to index
          %swap3A_297 = tpu.vector_load %arg22[%swap3A_296] {strides = array<i32>} : memref<128xi32, #tpu.memory_space<vmem>>, vector<16xi32>,
          %swap3A_298 = vector.shape_cast %swap3A_297 : vector<16xi32> to vector<16xi32>
          %swap3A_299 = vector.shape_cast %add3A_295 : vector<16xi32> to vector<16xi32>
          tpu.vector_store %arg22[%swap3A_296], %swap3A_299 {strides = array<i32>} : memref<128xi32, #tpu.memory_space<vmem>>, vector<16xi32>,
          %mul3A_300 = arith.constant 4 : i32
          %mul3A_301 = vector.broadcast %mul3A_300 : i32 to vector<16xi32>
          %mul3A_302 = arith.muli %add3A_262, %mul3A_301 : vector<16xi32>
          %add3A_303 = arith.constant 3 : i32
          %add3A_304 = vector.broadcast %add3A_303 : i32 to vector<16xi32>
          %add3A_305 = arith.addi %mul3A_302, %add3A_304 : vector<16xi32>
          %swap3A_306 = arith.index_cast %mul3A_246 : i32 to index
          %swap3A_307 = tpu.vector_load %arg26[%swap3A_306] {strides = array<i32>} : memref<128xi32, #tpu.memory_space<vmem>>, vector<16xi32>,
          %swap3A_308 = vector.shape_cast %swap3A_307 : vector<16xi32> to vector<16xi32>
          %swap3A_309 = vector.shape_cast %add3A_305 : vector<16xi32> to vector<16xi32>
          tpu.vector_store %arg26[%swap3A_306], %swap3A_309 {strides = array<i32>} : memref<128xi32, #tpu.memory_space<vmem>>, vector<16xi32>,
          %mul3A_310 = arith.constant 4 : i32
          %mul3A_311 = vector.broadcast %mul3A_310 : i32 to vector<16xi32>
          %mul3A_312 = arith.muli %get3A_251, %mul3A_311 : vector<16xi32>
          %add3A_313 = arith.constant 0 : i32
          %add3A_314 = vector.broadcast %add3A_313 : i32 to vector<16xi32>
          %add3A_315 = arith.addi %mul3A_312, %add3A_314 : vector<16xi32>
          %swap3A_316 = arith.index_cast %mul3A_246 : i32 to index
          %swap3A_317 = tpu.vector_load %arg31[%swap3A_316] {strides = array<i32>} : memref<128xi32, #tpu.memory_space<vmem>>, vector<16xi32>,
          %swap3A_318 = vector.shape_cast %swap3A_317 : vector<16xi32> to vector<16xi32>
          %swap3A_319 = vector.shape_cast %add3A_315 : vector<16xi32> to vector<16xi32>
          tpu.vector_store %arg31[%swap3A_316], %swap3A_319 {strides = array<i32>} : memref<128xi32, #tpu.memory_space<vmem>>, vector<16xi32>,
          %mul3A_320 = arith.constant 4 : i32
          %mul3A_321 = vector.broadcast %mul3A_320 : i32 to vector<16xi32>
          %mul3A_322 = arith.muli %get3A_251, %mul3A_321 : vector<16xi32>
          %add3A_323 = arith.constant 1 : i32
          %add3A_324 = vector.broadcast %add3A_323 : i32 to vector<16xi32>
          %add3A_325 = arith.addi %mul3A_322, %add3A_324 : vector<16xi32>
          %swap3A_326 = arith.index_cast %mul3A_246 : i32 to index
          %swap3A_327 = tpu.vector_load %arg32[%swap3A_326] {strides = array<i32>} : memref<128xi32, #tpu.memory_space<vmem>>, vector<16xi32>,
          %swap3A_328 = vector.shape_cast %swap3A_327 : vector<16xi32> to vector<16xi32>
          %swap3A_329 = vector.shape_cast %add3A_325 : vector<16xi32> to vector<16xi32>
          tpu.vector_store %arg32[%swap3A_326], %swap3A_329 {strides = array<i32>} : memref<128xi32, #tpu.memory_space<vmem>>, vector<16xi32>,
          %mul3A_330 = arith.constant 4 : i32
          %mul3A_331 = vector.broadcast %mul3A_330 : i32 to vector<16xi32>
          %mul3A_332 = arith.muli %get3A_251, %mul3A_331 : vector<16xi32>
          %add3A_333 = arith.constant 2 : i32
          %add3A_334 = vector.broadcast %add3A_333 : i32 to vector<16xi32>
          %add3A_335 = arith.addi %mul3A_332, %add3A_334 : vector<16xi32>
          %swap3A_336 = arith.index_cast %mul3A_246 : i32 to index
          %swap3A_337 = tpu.vector_load %arg33[%swap3A_336] {strides = array<i32>} : memref<128xi32, #tpu.memory_space<vmem>>, vector<16xi32>,
          %swap3A_338 = vector.shape_cast %swap3A_337 : vector<16xi32> to vector<16xi32>
          %swap3A_339 = vector.shape_cast %add3A_335 : vector<16xi32> to vector<16xi32>
          tpu.vector_store %arg33[%swap3A_336], %swap3A_339 {strides = array<i32>} : memref<128xi32, #tpu.memory_space<vmem>>, vector<16xi32>,
          %mul3A_340 = arith.constant 4 : i32
          %mul3A_341 = vector.broadcast %mul3A_340 : i32 to vector<16xi32>
          %mul3A_342 = arith.muli %get3A_251, %mul3A_341 : vector<16xi32>
          %add3A_343 = arith.constant 3 : i32
          %add3A_344 = vector.broadcast %add3A_343 : i32 to vector<16xi32>
          %add3A_345 = arith.addi %mul3A_342, %add3A_344 : vector<16xi32>
          %swap3A_346 = arith.index_cast %mul3A_246 : i32 to index
          %swap3A_347 = tpu.vector_load %arg34[%swap3A_346] {strides = array<i32>} : memref<128xi32, #tpu.memory_space<vmem>>, vector<16xi32>,
          %swap3A_348 = vector.shape_cast %swap3A_347 : vector<16xi32> to vector<16xi32>
          %swap3A_349 = vector.shape_cast %add3A_345 : vector<16xi32> to vector<16xi32>
          tpu.vector_store %arg34[%swap3A_346], %swap3A_349 {strides = array<i32>} : memref<128xi32, #tpu.memory_space<vmem>>, vector<16xi32>,
        }
        %scan3A_232 = arith.constant 8 : i32
        %dma_start3A_233 = arith.constant 0 : i32
        %dma_start3A_234 = arith.constant 0 : i32
        %dma_start3A_235 = tpu.memref_slice %arg4[%dma_start3A_233, %dma_start3A_234] : memref<80000x128xf32, #tpu.memory_space<hbm>> -> memref<80000x128xf32, #tpu.memory_space<hbm>>
        tpu.enqueue_indirect_dma source(%dma_start3A_235 : memref<80000x128xf32, #tpu.memory_space<hbm>>) target(%arg52 : memref<128x128xf32, #tpu.memory_space<vmem>>) offsets(%arg16 : memref<128xi32, #tpu.memory_space<vmem>>) semaphore(%arg58 : memref<!tpu.dma_semaphore, #tpu.memory_space<semaphore_mem>>)
        %dma_start3A_236 = arith.constant 0 : i32
        %dma_start3A_237 = tpu.memref_slice %arg5[%dma_start3A_236] : memref<320000xi32, #tpu.memory_space<hbm>> -> memref<320000xi32, #tpu.memory_space<hbm>>
        tpu.enqueue_indirect_dma source(%dma_start3A_237 : memref<320000xi32, #tpu.memory_space<hbm>>) target(%arg37 : memref<128xi32, #tpu.memory_space<vmem>>) offsets(%arg21 : memref<128xi32, #tpu.memory_space<vmem>>) semaphore(%arg58 : memref<!tpu.dma_semaphore, #tpu.memory_space<semaphore_mem>>)
        %dma_start3A_238 = arith.constant 0 : i32
        %dma_start3A_239 = tpu.memref_slice %arg5[%dma_start3A_238] : memref<320000xi32, #tpu.memory_space<hbm>> -> memref<320000xi32, #tpu.memory_space<hbm>>
        tpu.enqueue_indirect_dma source(%dma_start3A_239 : memref<320000xi32, #tpu.memory_space<hbm>>) target(%arg41 : memref<128xi32, #tpu.memory_space<vmem>>) offsets(%arg25 : memref<128xi32, #tpu.memory_space<vmem>>) semaphore(%arg58 : memref<!tpu.dma_semaphore, #tpu.memory_space<semaphore_mem>>)
        %dma_start3A_240 = arith.constant 0 : i32
        %dma_start3A_241 = tpu.memref_slice %arg5[%dma_start3A_240] : memref<320000xi32, #tpu.memory_space<hbm>> -> memref<320000xi32, #tpu.memory_space<hbm>>
        tpu.enqueue_indirect_dma source(%dma_start3A_241 : memref<320000xi32, #tpu.memory_space<hbm>>) target(%arg38 : memref<128xi32, #tpu.memory_space<vmem>>) offsets(%arg22 : memref<128xi32, #tpu.memory_space<vmem>>) semaphore(%arg58 : memref<!tpu.dma_semaphore, #tpu.memory_space<semaphore_mem>>)
        %dma_start3A_242 = arith.constant 0 : i32
        %dma_start3A_243 = tpu.memref_slice %arg5[%dma_start3A_242] : memref<320000xi32, #tpu.memory_space<hbm>> -> memref<320000xi32, #tpu.memory_space<hbm>>
        tpu.enqueue_indirect_dma source(%dma_start3A_243 : memref<320000xi32, #tpu.memory_space<hbm>>) target(%arg42 : memref<128xi32, #tpu.memory_space<vmem>>) offsets(%arg26 : memref<128xi32, #tpu.memory_space<vmem>>) semaphore(%arg58 : memref<!tpu.dma_semaphore, #tpu.memory_space<semaphore_mem>>)
      } else {
      }
      %add3A_124 = arith.constant 2 : i32
      %add3A_125 = arith.addi %mul3A_101, %add3A_124 : i32
      %lt3A_126 = arith.constant 78 : i32
      %lt3A_127 = arith.cmpi slt, %add3A_125, %lt3A_126 : i32
      %convert_element_type3A_128 = arith.extui %lt3A_127 : i1 to i32
      %cond3A_129 = arith.constant 0 : i32
      %cond3A_130 = arith.cmpi ne, %convert_element_type3A_128, %cond3A_129 : i32
      scf.if %cond3A_130 {
        %add3A_213 = arith.constant 2 : i32
        %add3A_214 = arith.addi %mul3A_101, %add3A_213 : i32
        %mul3A_215 = arith.constant 128 : i32
        %mul3A_216 = arith.muli %add3A_214, %mul3A_215 : i32
        %add3A_217 = arith.addi %mul3A_21, %mul3A_216 : i32
        %dma_start3A_218 = arith.constant 0 : i32
        %dma_start3A_219 = tpu.memref_slice %arg2[%dma_start3A_218, %add3A_217] : memref<2x320000xi32, #tpu.memory_space<hbm>> -> memref<1x128xi32, #tpu.memory_space<hbm>>
        %dma_start3A_220 = tpu.memref_squeeze %dma_start3A_219 : memref<1x128xi32, #tpu.memory_space<hbm>> -> memref<128xi32, #tpu.memory_space<hbm>>
        %dma_start3A_221 = tpu.memref_slice %arg2[%dma_start3A_218, %add3A_217] : memref<2x320000xi32, #tpu.memory_space<hbm>> -> memref<1x128xi32, #tpu.memory_space<hbm>>
        %dma_start3A_222 = tpu.memref_squeeze %dma_start3A_221 : memref<1x128xi32, #tpu.memory_space<hbm>> -> memref<128xi32, #tpu.memory_space<hbm>>
        tpu.enqueue_dma source(%dma_start3A_222 : memref<128xi32, #tpu.memory_space<hbm>>) target(%arg9 : memref<128xi32, #tpu.memory_space<vmem>>) target_semaphore(%arg55 : memref<!tpu.dma_semaphore, #tpu.memory_space<semaphore_mem>>)
        %dma_start3A_223 = arith.constant 1 : i32
        %dma_start3A_224 = tpu.memref_slice %arg2[%dma_start3A_223, %add3A_217] : memref<2x320000xi32, #tpu.memory_space<hbm>> -> memref<1x128xi32, #tpu.memory_space<hbm>>
        %dma_start3A_225 = tpu.memref_squeeze %dma_start3A_224 : memref<1x128xi32, #tpu.memory_space<hbm>> -> memref<128xi32, #tpu.memory_space<hbm>>
        %dma_start3A_226 = tpu.memref_slice %arg2[%dma_start3A_223, %add3A_217] : memref<2x320000xi32, #tpu.memory_space<hbm>> -> memref<1x128xi32, #tpu.memory_space<hbm>>
        %dma_start3A_227 = tpu.memref_squeeze %dma_start3A_226 : memref<1x128xi32, #tpu.memory_space<hbm>> -> memref<128xi32, #tpu.memory_space<hbm>>
        tpu.enqueue_dma source(%dma_start3A_227 : memref<128xi32, #tpu.memory_space<hbm>>) target(%arg11 : memref<128xi32, #tpu.memory_space<vmem>>) target_semaphore(%arg55 : memref<!tpu.dma_semaphore, #tpu.memory_space<semaphore_mem>>)
        %dma_start3A_228 = tpu.memref_slice %arg3[%add3A_217] : memref<320000xi32, #tpu.memory_space<hbm>> -> memref<128xi32, #tpu.memory_space<hbm>>
        %dma_start3A_229 = tpu.memref_slice %arg3[%add3A_217] : memref<320000xi32, #tpu.memory_space<hbm>> -> memref<128xi32, #tpu.memory_space<hbm>>
        tpu.enqueue_dma source(%dma_start3A_229 : memref<128xi32, #tpu.memory_space<hbm>>) target(%arg13 : memref<128xi32, #tpu.memory_space<vmem>>) target_semaphore(%arg55 : memref<!tpu.dma_semaphore, #tpu.memory_space<semaphore_mem>>)
      } else {
      }
      %scan3A_131 = arith.constant 0 : i32
      %scan3A_132 = arith.constant -65536 : i32
      %scan3A_133 = arith.constant 0 : i32
      %scan3A_134 = arith.constant 8 : i32
      %scan3A_135 = arith.addi %scan3A_133, %scan3A_134 : i32
      %scan3A_136 = arith.constant 1 : i32
      scf.for %scan3A_213 = %scan3A_133 to %scan3A_135 step %scan3A_136  : i32 {
        %mul3A_214 = arith.constant 16 : i32
        %mul3A_215 = arith.muli %scan3A_213, %mul3A_214 : i32
        %get3A = arith.index_cast %mul3A_215 : i32 to index
        %get3A_216 = tpu.vector_load %arg35[%get3A] {strides = array<i32>} : memref<128xi32, #tpu.memory_space<vmem>>, vector<16xi32>,
        %get3A_217 = vector.shape_cast %get3A_216 : vector<16xi32> to vector<16xi32>
        %get3A_218 = arith.index_cast %mul3A_215 : i32 to index
        %get3A_219 = tpu.vector_load %arg39[%get3A_218] {strides = array<i32>} : memref<128xi32, #tpu.memory_space<vmem>>, vector<16xi32>,
        %get3A_220 = vector.shape_cast %get3A_219 : vector<16xi32> to vector<16xi32>
        %shift_left3A = arith.constant 16 : i32
        %shift_left3A_221 = vector.broadcast %shift_left3A : i32 to vector<16xi32>
        %shift_left3A_222 = arith.shli %get3A_217, %shift_left3A_221 : vector<16xi32>
        %bitcast_convert_type3A = tpu.bitcast %shift_left3A_222 : vector<16xi32> -> vector<16xf32>
        %and3A = vector.broadcast %scan3A_132 : i32 to vector<16xi32>
        %and3A_223 = arith.andi %get3A_217, %and3A : vector<16xi32>
        %bitcast_convert_type3A_224 = tpu.bitcast %and3A_223 : vector<16xi32> -> vector<16xf32>
        %shift_left3A_225 = arith.constant 16 : i32
        %shift_left3A_226 = vector.broadcast %shift_left3A_225 : i32 to vector<16xi32>
        %shift_left3A_227 = arith.shli %get3A_220, %shift_left3A_226 : vector<16xi32>
        %bitcast_convert_type3A_228 = tpu.bitcast %shift_left3A_227 : vector<16xi32> -> vector<16xf32>
        %and3A_229 = vector.broadcast %scan3A_132 : i32 to vector<16xi32>
        %and3A_230 = arith.andi %get3A_220, %and3A_229 : vector<16xi32>
        %bitcast_convert_type3A_231 = tpu.bitcast %and3A_230 : vector<16xi32> -> vector<16xf32>
        %get3A_232 = arith.index_cast %mul3A_215 : i32 to index
        %get3A_233 = tpu.vector_load %arg36[%get3A_232] {strides = array<i32>} : memref<128xi32, #tpu.memory_space<vmem>>, vector<16xi32>,
        %get3A_234 = vector.shape_cast %get3A_233 : vector<16xi32> to vector<16xi32>
        %get3A_235 = arith.index_cast %mul3A_215 : i32 to index
        %get3A_236 = tpu.vector_load %arg40[%get3A_235] {strides = array<i32>} : memref<128xi32, #tpu.memory_space<vmem>>, vector<16xi32>,
        %get3A_237 = vector.shape_cast %get3A_236 : vector<16xi32> to vector<16xi32>
        %shift_left3A_238 = arith.constant 16 : i32
        %shift_left3A_239 = vector.broadcast %shift_left3A_238 : i32 to vector<16xi32>
        %shift_left3A_240 = arith.shli %get3A_234, %shift_left3A_239 : vector<16xi32>
        %bitcast_convert_type3A_241 = tpu.bitcast %shift_left3A_240 : vector<16xi32> -> vector<16xf32>
        %and3A_242 = vector.broadcast %scan3A_132 : i32 to vector<16xi32>
        %and3A_243 = arith.andi %get3A_234, %and3A_242 : vector<16xi32>
        %bitcast_convert_type3A_244 = tpu.bitcast %and3A_243 : vector<16xi32> -> vector<16xf32>
        %shift_left3A_245 = arith.constant 16 : i32
        %shift_left3A_246 = vector.broadcast %shift_left3A_245 : i32 to vector<16xi32>
        %shift_left3A_247 = arith.shli %get3A_237, %shift_left3A_246 : vector<16xi32>
        %bitcast_convert_type3A_248 = tpu.bitcast %shift_left3A_247 : vector<16xi32> -> vector<16xf32>
        %and3A_249 = vector.broadcast %scan3A_132 : i32 to vector<16xi32>
        %and3A_250 = arith.andi %get3A_237, %and3A_249 : vector<16xi32>
        %bitcast_convert_type3A_251 = tpu.bitcast %and3A_250 : vector<16xi32> -> vector<16xf32>
        %add3A_252 = arith.addf %bitcast_convert_type3A, %bitcast_convert_type3A_228 : vector<16xf32>
        %mul3A_253 = arith.constant 2.000000e-01 : f32
        %mul3A_254 = vector.broadcast %mul3A_253 : f32 to vector<16xf32>
        %mul3A_255 = arith.mulf %mul3A_254, %add3A_252 : vector<16xf32>
        %max3A = arith.maximumf %add3A_252, %mul3A_255 : vector<16xf32>
        %exp3A = math.exp %max3A : vector<16xf32>
        %swap3A = arith.index_cast %mul3A_215 : i32 to index
        %swap3A_256 = tpu.vector_load %arg43[%swap3A] {strides = array<i32>} : memref<128xf32, #tpu.memory_space<vmem>>, vector<16xf32>,
        %swap3A_257 = vector.shape_cast %swap3A_256 : vector<16xf32> to vector<16xf32>
        %swap3A_258 = vector.shape_cast %exp3A : vector<16xf32> to vector<16xf32>
        tpu.vector_store %arg43[%swap3A], %swap3A_258 {strides = array<i32>} : memref<128xf32, #tpu.memory_space<vmem>>, vector<16xf32>,
        %add3A_259 = arith.addf %bitcast_convert_type3A_224, %bitcast_convert_type3A_231 : vector<16xf32>
        %mul3A_260 = arith.constant 2.000000e-01 : f32
        %mul3A_261 = vector.broadcast %mul3A_260 : f32 to vector<16xf32>
        %mul3A_262 = arith.mulf %mul3A_261, %add3A_259 : vector<16xf32>
        %max3A_263 = arith.maximumf %add3A_259, %mul3A_262 : vector<16xf32>
        %exp3A_264 = math.exp %max3A_263 : vector<16xf32>
        %swap3A_265 = arith.index_cast %mul3A_215 : i32 to index
        %swap3A_266 = tpu.vector_load %arg44[%swap3A_265] {strides = array<i32>} : memref<128xf32, #tpu.memory_space<vmem>>, vector<16xf32>,
        %swap3A_267 = vector.shape_cast %swap3A_266 : vector<16xf32> to vector<16xf32>
        %swap3A_268 = vector.shape_cast %exp3A_264 : vector<16xf32> to vector<16xf32>
        tpu.vector_store %arg44[%swap3A_265], %swap3A_268 {strides = array<i32>} : memref<128xf32, #tpu.memory_space<vmem>>, vector<16xf32>,
        %add3A_269 = arith.addf %bitcast_convert_type3A_241, %bitcast_convert_type3A_248 : vector<16xf32>
        %mul3A_270 = arith.constant 2.000000e-01 : f32
        %mul3A_271 = vector.broadcast %mul3A_270 : f32 to vector<16xf32>
        %mul3A_272 = arith.mulf %mul3A_271, %add3A_269 : vector<16xf32>
        %max3A_273 = arith.maximumf %add3A_269, %mul3A_272 : vector<16xf32>
        %exp3A_274 = math.exp %max3A_273 : vector<16xf32>
        %swap3A_275 = arith.index_cast %mul3A_215 : i32 to index
        %swap3A_276 = tpu.vector_load %arg45[%swap3A_275] {strides = array<i32>} : memref<128xf32, #tpu.memory_space<vmem>>, vector<16xf32>,
        %swap3A_277 = vector.shape_cast %swap3A_276 : vector<16xf32> to vector<16xf32>
        %swap3A_278 = vector.shape_cast %exp3A_274 : vector<16xf32> to vector<16xf32>
        tpu.vector_store %arg45[%swap3A_275], %swap3A_278 {strides = array<i32>} : memref<128xf32, #tpu.memory_space<vmem>>, vector<16xf32>,
        %add3A_279 = arith.addf %bitcast_convert_type3A_244, %bitcast_convert_type3A_251 : vector<16xf32>
        %mul3A_280 = arith.constant 2.000000e-01 : f32
        %mul3A_281 = vector.broadcast %mul3A_280 : f32 to vector<16xf32>
        %mul3A_282 = arith.mulf %mul3A_281, %add3A_279 : vector<16xf32>
        %max3A_283 = arith.maximumf %add3A_279, %mul3A_282 : vector<16xf32>
        %exp3A_284 = math.exp %max3A_283 : vector<16xf32>
        %swap3A_285 = arith.index_cast %mul3A_215 : i32 to index
        %swap3A_286 = tpu.vector_load %arg46[%swap3A_285] {strides = array<i32>} : memref<128xf32, #tpu.memory_space<vmem>>, vector<16xf32>,
        %swap3A_287 = vector.shape_cast %swap3A_286 : vector<16xf32> to vector<16xf32>
        %swap3A_288 = vector.shape_cast %exp3A_284 : vector<16xf32> to vector<16xf32>
        tpu.vector_store %arg46[%swap3A_285], %swap3A_288 {strides = array<i32>} : memref<128xf32, #tpu.memory_space<vmem>>, vector<16xf32>,
      }
      %scan3A_137 = arith.constant 8 : i32
      %scan3A_138 = arith.constant 0 : i32
      %scan3A_139 = arith.constant 0 : i32
      %scan3A_140 = arith.constant 8 : i32
      %scan3A_141 = arith.addi %scan3A_139, %scan3A_140 : i32
      %scan3A_142 = arith.constant 1 : i32
      scf.for %scan3A_213 = %scan3A_139 to %scan3A_141 step %scan3A_142  : i32 {
        %mul3A_214 = arith.constant 16 : i32
        %mul3A_215 = arith.muli %scan3A_213, %mul3A_214 : i32
        %get3A = arith.index_cast %mul3A_215 : i32 to index
        %get3A_216 = tpu.vector_load %arg43[%get3A] {strides = array<i32>} : memref<128xf32, #tpu.memory_space<vmem>>, vector<16xf32>,
        %get3A_217 = vector.shape_cast %get3A_216 : vector<16xf32> to vector<16xf32>
        %mul3A_218 = arith.constant 16 : i32
        %mul3A_219 = arith.muli %scan3A_213, %mul3A_218 : i32
        %get3A_220 = arith.index_cast %mul3A_219 : i32 to index
        %get3A_221 = tpu.vector_load %arg44[%get3A_220] {strides = array<i32>} : memref<128xf32, #tpu.memory_space<vmem>>, vector<16xf32>,
        %get3A_222 = vector.shape_cast %get3A_221 : vector<16xf32> to vector<16xf32>
        %mul3A_223 = arith.constant 16 : i32
        %mul3A_224 = arith.muli %scan3A_213, %mul3A_223 : i32
        %get3A_225 = arith.index_cast %mul3A_224 : i32 to index
        %get3A_226 = tpu.vector_load %arg45[%get3A_225] {strides = array<i32>} : memref<128xf32, #tpu.memory_space<vmem>>, vector<16xf32>,
        %get3A_227 = vector.shape_cast %get3A_226 : vector<16xf32> to vector<16xf32>
        %mul3A_228 = arith.constant 16 : i32
        %mul3A_229 = arith.muli %scan3A_213, %mul3A_228 : i32
        %get3A_230 = arith.index_cast %mul3A_229 : i32 to index
        %get3A_231 = tpu.vector_load %arg46[%get3A_230] {strides = array<i32>} : memref<128xf32, #tpu.memory_space<vmem>>, vector<16xf32>,
        %get3A_232 = vector.shape_cast %get3A_231 : vector<16xf32> to vector<16xf32>
        %scan3A_233 = arith.constant 0 : i32
        %scan3A_234 = arith.constant 16 : i32
        %scan3A_235 = arith.addi %scan3A_233, %scan3A_234 : i32
        %scan3A_236 = arith.constant 1 : i32
        scf.for %scan3A_238 = %scan3A_233 to %scan3A_235 step %scan3A_236  : i32 {
          %mul3A_239 = arith.constant 16 : i32
          %mul3A_240 = arith.muli %scan3A_213, %mul3A_239 : i32
          %add3A_241 = arith.addi %mul3A_240, %scan3A_238 : i32
          %broadcast_in_dim3A = vector.broadcast %scan3A_238 : i32 to vector<16xi32>
          %lt3A_242 = arith.constant 0 : i32
          %lt3A_243 = vector.broadcast %lt3A_242 : i32 to vector<16xi32>
          %lt3A_244 = arith.cmpi slt, %broadcast_in_dim3A, %lt3A_243 : vector<16xi32>
          %add3A_245 = arith.constant 16 : i32
          %add3A_246 = vector.broadcast %add3A_245 : i32 to vector<16xi32>
          %add3A_247 = arith.addi %broadcast_in_dim3A, %add3A_246 : vector<16xi32>
          %select_n3A = arith.select %lt3A_244, %add3A_247, %broadcast_in_dim3A : vector<16xi1>, vector<16xi32>
          %broadcast_in_dim3A_248 = vector.shape_cast %select_n3A : vector<16xi32> to vector<16x1xi32>
          %gather3A = vector.shape_cast %broadcast_in_dim3A_248 : vector<16x1xi32> to vector<16xi32>
          %gather3A_249 = tpu.dynamic_gather %get3A_217[%gather3A] in [0] : vector<16xf32>, vector<16xi32> -> vector<16xf32>
          %get3A_250 = arith.index_cast %add3A_241 : i32 to index
          %get3A_251 = arith.constant 0 : index
          %get3A_252 = tpu.vector_load %arg51[%get3A_250, %get3A_251] {strides = array<i32>} : memref<128x128xf32, #tpu.memory_space<vmem>>, vector<1x16xf32>,
          %get3A_253 = vector.shape_cast %get3A_252 : vector<1x16xf32> to vector<16xf32>
          %mul3A_254 = arith.mulf %get3A_253, %gather3A_249 : vector<16xf32>
          %swap3A = arith.index_cast %add3A_241 : i32 to index
          %swap3A_255 = arith.constant 0 : index
          %swap3A_256 = tpu.vector_load %arg51[%swap3A, %swap3A_255] {strides = array<i32>} : memref<128x128xf32, #tpu.memory_space<vmem>>, vector<1x16xf32>,
          %swap3A_257 = vector.shape_cast %swap3A_256 : vector<1x16xf32> to vector<16xf32>
          %swap3A_258 = vector.shape_cast %mul3A_254 : vector<16xf32> to vector<1x16xf32>
          tpu.vector_store %arg51[%swap3A, %swap3A_255], %swap3A_258 {strides = array<i32>} : memref<128x128xf32, #tpu.memory_space<vmem>>, vector<1x16xf32>,
          %get3A_259 = arith.index_cast %add3A_241 : i32 to index
          %get3A_260 = arith.constant 16 : index
          %get3A_261 = tpu.vector_load %arg51[%get3A_259, %get3A_260] {strides = array<i32>} : memref<128x128xf32, #tpu.memory_space<vmem>>, vector<1x16xf32>,
          %get3A_262 = vector.shape_cast %get3A_261 : vector<1x16xf32> to vector<16xf32>
          %mul3A_263 = arith.mulf %get3A_262, %gather3A_249 : vector<16xf32>
          %swap3A_264 = arith.index_cast %add3A_241 : i32 to index
          %swap3A_265 = arith.constant 16 : index
          %swap3A_266 = tpu.vector_load %arg51[%swap3A_264, %swap3A_265] {strides = array<i32>} : memref<128x128xf32, #tpu.memory_space<vmem>>, vector<1x16xf32>,
          %swap3A_267 = vector.shape_cast %swap3A_266 : vector<1x16xf32> to vector<16xf32>
          %swap3A_268 = vector.shape_cast %mul3A_263 : vector<16xf32> to vector<1x16xf32>
          tpu.vector_store %arg51[%swap3A_264, %swap3A_265], %swap3A_268 {strides = array<i32>} : memref<128x128xf32, #tpu.memory_space<vmem>>, vector<1x16xf32>,
          %lt3A_269 = arith.constant 0 : i32
          %lt3A_270 = vector.broadcast %lt3A_269 : i32 to vector<16xi32>
          %lt3A_271 = arith.cmpi slt, %broadcast_in_dim3A, %lt3A_270 : vector<16xi32>
          %add3A_272 = arith.constant 16 : i32
          %add3A_273 = vector.broadcast %add3A_272 : i32 to vector<16xi32>
          %add3A_274 = arith.addi %broadcast_in_dim3A, %add3A_273 : vector<16xi32>
          %select_n3A_275 = arith.select %lt3A_271, %add3A_274, %broadcast_in_dim3A : vector<16xi1>, vector<16xi32>
          %broadcast_in_dim3A_276 = vector.shape_cast %select_n3A_275 : vector<16xi32> to vector<16x1xi32>
          %gather3A_277 = vector.shape_cast %broadcast_in_dim3A_276 : vector<16x1xi32> to vector<16xi32>
          %gather3A_278 = tpu.dynamic_gather %get3A_222[%gather3A_277] in [0] : vector<16xf32>, vector<16xi32> -> vector<16xf32>
          %get3A_279 = arith.index_cast %add3A_241 : i32 to index
          %get3A_280 = arith.constant 32 : index
          %get3A_281 = tpu.vector_load %arg51[%get3A_279, %get3A_280] {strides = array<i32>} : memref<128x128xf32, #tpu.memory_space<vmem>>, vector<1x16xf32>,
          %get3A_282 = vector.shape_cast %get3A_281 : vector<1x16xf32> to vector<16xf32>
          %mul3A_283 = arith.mulf %get3A_282, %gather3A_278 : vector<16xf32>
          %swap3A_284 = arith.index_cast %add3A_241 : i32 to index
          %swap3A_285 = arith.constant 32 : index
          %swap3A_286 = tpu.vector_load %arg51[%swap3A_284, %swap3A_285] {strides = array<i32>} : memref<128x128xf32, #tpu.memory_space<vmem>>, vector<1x16xf32>,
          %swap3A_287 = vector.shape_cast %swap3A_286 : vector<1x16xf32> to vector<16xf32>
          %swap3A_288 = vector.shape_cast %mul3A_283 : vector<16xf32> to vector<1x16xf32>
          tpu.vector_store %arg51[%swap3A_284, %swap3A_285], %swap3A_288 {strides = array<i32>} : memref<128x128xf32, #tpu.memory_space<vmem>>, vector<1x16xf32>,
          %get3A_289 = arith.index_cast %add3A_241 : i32 to index
          %get3A_290 = arith.constant 48 : index
          %get3A_291 = tpu.vector_load %arg51[%get3A_289, %get3A_290] {strides = array<i32>} : memref<128x128xf32, #tpu.memory_space<vmem>>, vector<1x16xf32>,
          %get3A_292 = vector.shape_cast %get3A_291 : vector<1x16xf32> to vector<16xf32>
          %mul3A_293 = arith.mulf %get3A_292, %gather3A_278 : vector<16xf32>
          %swap3A_294 = arith.index_cast %add3A_241 : i32 to index
          %swap3A_295 = arith.constant 48 : index
          %swap3A_296 = tpu.vector_load %arg51[%swap3A_294, %swap3A_295] {strides = array<i32>} : memref<128x128xf32, #tpu.memory_space<vmem>>, vector<1x16xf32>,
          %swap3A_297 = vector.shape_cast %swap3A_296 : vector<1x16xf32> to vector<16xf32>
          %swap3A_298 = vector.shape_cast %mul3A_293 : vector<16xf32> to vector<1x16xf32>
          tpu.vector_store %arg51[%swap3A_294, %swap3A_295], %swap3A_298 {strides = array<i32>} : memref<128x128xf32, #tpu.memory_space<vmem>>, vector<1x16xf32>,
          %lt3A_299 = arith.constant 0 : i32
          %lt3A_300 = vector.broadcast %lt3A_299 : i32 to vector<16xi32>
          %lt3A_301 = arith.cmpi slt, %broadcast_in_dim3A, %lt3A_300 : vector<16xi32>
          %add3A_302 = arith.constant 16 : i32
          %add3A_303 = vector.broadcast %add3A_302 : i32 to vector<16xi32>
          %add3A_304 = arith.addi %broadcast_in_dim3A, %add3A_303 : vector<16xi32>
          %select_n3A_305 = arith.select %lt3A_301, %add3A_304, %broadcast_in_dim3A : vector<16xi1>, vector<16xi32>
          %broadcast_in_dim3A_306 = vector.shape_cast %select_n3A_305 : vector<16xi32> to vector<16x1xi32>
          %gather3A_307 = vector.shape_cast %broadcast_in_dim3A_306 : vector<16x1xi32> to vector<16xi32>
          %gather3A_308 = tpu.dynamic_gather %get3A_227[%gather3A_307] in [0] : vector<16xf32>, vector<16xi32> -> vector<16xf32>
          %get3A_309 = arith.index_cast %add3A_241 : i32 to index
          %get3A_310 = arith.constant 64 : index
          %get3A_311 = tpu.vector_load %arg51[%get3A_309, %get3A_310] {strides = array<i32>} : memref<128x128xf32, #tpu.memory_space<vmem>>, vector<1x16xf32>,
          %get3A_312 = vector.shape_cast %get3A_311 : vector<1x16xf32> to vector<16xf32>
          %mul3A_313 = arith.mulf %get3A_312, %gather3A_308 : vector<16xf32>
          %swap3A_314 = arith.index_cast %add3A_241 : i32 to index
          %swap3A_315 = arith.constant 64 : index
          %swap3A_316 = tpu.vector_load %arg51[%swap3A_314, %swap3A_315] {strides = array<i32>} : memref<128x128xf32, #tpu.memory_space<vmem>>, vector<1x16xf32>,
          %swap3A_317 = vector.shape_cast %swap3A_316 : vector<1x16xf32> to vector<16xf32>
          %swap3A_318 = vector.shape_cast %mul3A_313 : vector<16xf32> to vector<1x16xf32>
          tpu.vector_store %arg51[%swap3A_314, %swap3A_315], %swap3A_318 {strides = array<i32>} : memref<128x128xf32, #tpu.memory_space<vmem>>, vector<1x16xf32>,
          %get3A_319 = arith.index_cast %add3A_241 : i32 to index
          %get3A_320 = arith.constant 80 : index
          %get3A_321 = tpu.vector_load %arg51[%get3A_319, %get3A_320] {strides = array<i32>} : memref<128x128xf32, #tpu.memory_space<vmem>>, vector<1x16xf32>,
          %get3A_322 = vector.shape_cast %get3A_321 : vector<1x16xf32> to vector<16xf32>
          %mul3A_323 = arith.mulf %get3A_322, %gather3A_308 : vector<16xf32>
          %swap3A_324 = arith.index_cast %add3A_241 : i32 to index
          %swap3A_325 = arith.constant 80 : index
          %swap3A_326 = tpu.vector_load %arg51[%swap3A_324, %swap3A_325] {strides = array<i32>} : memref<128x128xf32, #tpu.memory_space<vmem>>, vector<1x16xf32>,
          %swap3A_327 = vector.shape_cast %swap3A_326 : vector<1x16xf32> to vector<16xf32>
          %swap3A_328 = vector.shape_cast %mul3A_323 : vector<16xf32> to vector<1x16xf32>
          tpu.vector_store %arg51[%swap3A_324, %swap3A_325], %swap3A_328 {strides = array<i32>} : memref<128x128xf32, #tpu.memory_space<vmem>>, vector<1x16xf32>,
          %lt3A_329 = arith.constant 0 : i32
          %lt3A_330 = vector.broadcast %lt3A_329 : i32 to vector<16xi32>
          %lt3A_331 = arith.cmpi slt, %broadcast_in_dim3A, %lt3A_330 : vector<16xi32>
          %add3A_332 = arith.constant 16 : i32
          %add3A_333 = vector.broadcast %add3A_332 : i32 to vector<16xi32>
          %add3A_334 = arith.addi %broadcast_in_dim3A, %add3A_333 : vector<16xi32>
          %select_n3A_335 = arith.select %lt3A_331, %add3A_334, %broadcast_in_dim3A : vector<16xi1>, vector<16xi32>
          %broadcast_in_dim3A_336 = vector.shape_cast %select_n3A_335 : vector<16xi32> to vector<16x1xi32>
          %gather3A_337 = vector.shape_cast %broadcast_in_dim3A_336 : vector<16x1xi32> to vector<16xi32>
          %gather3A_338 = tpu.dynamic_gather %get3A_232[%gather3A_337] in [0] : vector<16xf32>, vector<16xi32> -> vector<16xf32>
          %get3A_339 = arith.index_cast %add3A_241 : i32 to index
          %get3A_340 = arith.constant 96 : index
          %get3A_341 = tpu.vector_load %arg51[%get3A_339, %get3A_340] {strides = array<i32>} : memref<128x128xf32, #tpu.memory_space<vmem>>, vector<1x16xf32>,
          %get3A_342 = vector.shape_cast %get3A_341 : vector<1x16xf32> to vector<16xf32>
          %mul3A_343 = arith.mulf %get3A_342, %gather3A_338 : vector<16xf32>
          %swap3A_344 = arith.index_cast %add3A_241 : i32 to index
          %swap3A_345 = arith.constant 96 : index
          %swap3A_346 = tpu.vector_load %arg51[%swap3A_344, %swap3A_345] {strides = array<i32>} : memref<128x128xf32, #tpu.memory_space<vmem>>, vector<1x16xf32>,
          %swap3A_347 = vector.shape_cast %swap3A_346 : vector<1x16xf32> to vector<16xf32>
          %swap3A_348 = vector.shape_cast %mul3A_343 : vector<16xf32> to vector<1x16xf32>
          tpu.vector_store %arg51[%swap3A_344, %swap3A_345], %swap3A_348 {strides = array<i32>} : memref<128x128xf32, #tpu.memory_space<vmem>>, vector<1x16xf32>,
          %get3A_349 = arith.index_cast %add3A_241 : i32 to index
          %get3A_350 = arith.constant 112 : index
          %get3A_351 = tpu.vector_load %arg51[%get3A_349, %get3A_350] {strides = array<i32>} : memref<128x128xf32, #tpu.memory_space<vmem>>, vector<1x16xf32>,
          %get3A_352 = vector.shape_cast %get3A_351 : vector<1x16xf32> to vector<16xf32>
          %mul3A_353 = arith.mulf %get3A_352, %gather3A_338 : vector<16xf32>
          %swap3A_354 = arith.index_cast %add3A_241 : i32 to index
          %swap3A_355 = arith.constant 112 : index
          %swap3A_356 = tpu.vector_load %arg51[%swap3A_354, %swap3A_355] {strides = array<i32>} : memref<128x128xf32, #tpu.memory_space<vmem>>, vector<1x16xf32>,
          %swap3A_357 = vector.shape_cast %swap3A_356 : vector<1x16xf32> to vector<16xf32>
          %swap3A_358 = vector.shape_cast %mul3A_353 : vector<16xf32> to vector<1x16xf32>
          tpu.vector_store %arg51[%swap3A_354, %swap3A_355], %swap3A_358 {strides = array<i32>} : memref<128x128xf32, #tpu.memory_space<vmem>>, vector<1x16xf32>,
        }
        %scan3A_237 = arith.constant 16 : i32
      }
      %scan3A_143 = arith.constant 8 : i32
      %dma_start3A_144 = arith.constant 0 : i32
      %dma_start3A_145 = arith.constant 0 : i32
      %dma_start3A_146 = tpu.memref_slice %arg53[%dma_start3A_144, %dma_start3A_145] : memref<10240x128xf32, #tpu.memory_space<vmem_shared>> -> memref<10240x128xf32, #tpu.memory_space<vmem_shared>>
      tpu.enqueue_indirect_dma source(%arg51 : memref<128x128xf32, #tpu.memory_space<vmem>>) target(%dma_start3A_146 : memref<10240x128xf32, #tpu.memory_space<vmem_shared>>) offsets(%arg17 : memref<128xi32, #tpu.memory_space<vmem>>) semaphore(%arg59 : memref<!tpu.dma_semaphore, #tpu.memory_space<semaphore_mem>>) {add = true}
      %dma_start3A_147 = arith.constant 0 : i32
      %dma_start3A_148 = tpu.memref_slice %arg54[%dma_start3A_147] : memref<40960xf32, #tpu.memory_space<vmem_shared>> -> memref<40960xf32, #tpu.memory_space<vmem_shared>>
      tpu.enqueue_indirect_dma source(%arg43 : memref<128xf32, #tpu.memory_space<vmem>>) target(%dma_start3A_148 : memref<40960xf32, #tpu.memory_space<vmem_shared>>) offsets(%arg27 : memref<128xi32, #tpu.memory_space<vmem>>) semaphore(%arg59 : memref<!tpu.dma_semaphore, #tpu.memory_space<semaphore_mem>>) {add = true}
      %dma_start3A_149 = arith.constant 0 : i32
      %dma_start3A_150 = tpu.memref_slice %arg54[%dma_start3A_149] : memref<40960xf32, #tpu.memory_space<vmem_shared>> -> memref<40960xf32, #tpu.memory_space<vmem_shared>>
      tpu.enqueue_indirect_dma source(%arg44 : memref<128xf32, #tpu.memory_space<vmem>>) target(%dma_start3A_150 : memref<40960xf32, #tpu.memory_space<vmem_shared>>) offsets(%arg28 : memref<128xi32, #tpu.memory_space<vmem>>) semaphore(%arg59 : memref<!tpu.dma_semaphore, #tpu.memory_space<semaphore_mem>>) {add = true}
      %dma_start3A_151 = arith.constant 0 : i32
      %dma_start3A_152 = tpu.memref_slice %arg54[%dma_start3A_151] : memref<40960xf32, #tpu.memory_space<vmem_shared>> -> memref<40960xf32, #tpu.memory_space<vmem_shared>>
      tpu.enqueue_indirect_dma source(%arg45 : memref<128xf32, #tpu.memory_space<vmem>>) target(%dma_start3A_152 : memref<40960xf32, #tpu.memory_space<vmem_shared>>) offsets(%arg29 : memref<128xi32, #tpu.memory_space<vmem>>) semaphore(%arg59 : memref<!tpu.dma_semaphore, #tpu.memory_space<semaphore_mem>>) {add = true}
      %dma_start3A_153 = arith.constant 0 : i32
      %dma_start3A_154 = tpu.memref_slice %arg54[%dma_start3A_153] : memref<40960xf32, #tpu.memory_space<vmem_shared>> -> memref<40960xf32, #tpu.memory_space<vmem_shared>>
      tpu.enqueue_indirect_dma source(%arg46 : memref<128xf32, #tpu.memory_space<vmem>>) target(%dma_start3A_154 : memref<40960xf32, #tpu.memory_space<vmem_shared>>) offsets(%arg30 : memref<128xi32, #tpu.memory_space<vmem>>) semaphore(%arg59 : memref<!tpu.dma_semaphore, #tpu.memory_space<semaphore_mem>>) {add = true}
      %mul3A_155 = arith.constant 2 : i32
      %mul3A_156 = arith.muli %mul3A_155, %scan3A_99 : i32
      %add3A_157 = arith.constant 1 : i32
      %add3A_158 = arith.addi %mul3A_156, %add3A_157 : i32
      %dma_wait3A_159 = arith.constant 0 : i32
      %dma_wait3A_160 = arith.constant 0 : i32
      %dma_wait3A_161 = tpu.memref_slice %arg4[%dma_wait3A_159, %dma_wait3A_160] : memref<80000x128xf32, #tpu.memory_space<hbm>> -> memref<80000x128xf32, #tpu.memory_space<hbm>>
      tpu.wait_indirect_dma semaphore(%arg58 : memref<!tpu.dma_semaphore, #tpu.memory_space<semaphore_mem>>) src(%dma_wait3A_161 : memref<80000x128xf32, #tpu.memory_space<hbm>>) dst(%arg52 : memref<128x128xf32, #tpu.memory_space<vmem>>)
      %dma_wait3A_162 = arith.constant 0 : i32
      %dma_wait3A_163 = tpu.memref_slice %arg5[%dma_wait3A_162] : memref<320000xi32, #tpu.memory_space<hbm>> -> memref<320000xi32, #tpu.memory_space<hbm>>
      tpu.wait_indirect_dma semaphore(%arg58 : memref<!tpu.dma_semaphore, #tpu.memory_space<semaphore_mem>>) src(%dma_wait3A_163 : memref<320000xi32, #tpu.memory_space<hbm>>) dst(%arg37 : memref<128xi32, #tpu.memory_space<vmem>>)
      %dma_wait3A_164 = arith.constant 0 : i32
      %dma_wait3A_165 = tpu.memref_slice %arg5[%dma_wait3A_164] : memref<320000xi32, #tpu.memory_space<hbm>> -> memref<320000xi32, #tpu.memory_space<hbm>>
      tpu.wait_indirect_dma semaphore(%arg58 : memref<!tpu.dma_semaphore, #tpu.memory_space<semaphore_mem>>) src(%dma_wait3A_165 : memref<320000xi32, #tpu.memory_space<hbm>>) dst(%arg41 : memref<128xi32, #tpu.memory_space<vmem>>)
      %dma_wait3A_166 = arith.constant 0 : i32
      %dma_wait3A_167 = tpu.memref_slice %arg5[%dma_wait3A_166] : memref<320000xi32, #tpu.memory_space<hbm>> -> memref<320000xi32, #tpu.memory_space<hbm>>
      tpu.wait_indirect_dma semaphore(%arg58 : memref<!tpu.dma_semaphore, #tpu.memory_space<semaphore_mem>>) src(%dma_wait3A_167 : memref<320000xi32, #tpu.memory_space<hbm>>) dst(%arg38 : memref<128xi32, #tpu.memory_space<vmem>>)
      %dma_wait3A_168 = arith.constant 0 : i32
      %dma_wait3A_169 = tpu.memref_slice %arg5[%dma_wait3A_168] : memref<320000xi32, #tpu.memory_space<hbm>> -> memref<320000xi32, #tpu.memory_space<hbm>>
      tpu.wait_indirect_dma semaphore(%arg58 : memref<!tpu.dma_semaphore, #tpu.memory_space<semaphore_mem>>) src(%dma_wait3A_169 : memref<320000xi32, #tpu.memory_space<hbm>>) dst(%arg42 : memref<128xi32, #tpu.memory_space<vmem>>)
      %ge3A_170 = arith.constant 1 : i32
      %ge3A_171 = arith.cmpi sge, %add3A_158, %ge3A_170 : i32
      %convert_element_type3A_172 = arith.extui %ge3A_171 : i1 to i32
      %cond3A_173 = arith.constant 0 : i32
      %cond3A_174 = arith.cmpi ne, %convert_element_type3A_172, %cond3A_173 : i32
      scf.if %cond3A_174 {
        %dma_wait3A_213 = arith.constant 0 : i32
        %dma_wait3A_214 = arith.constant 0 : i32
        %dma_wait3A_215 = tpu.memref_slice %arg53[%dma_wait3A_213, %dma_wait3A_214] : memref<10240x128xf32, #tpu.memory_space<vmem_shared>> -> memref<10240x128xf32, #tpu.memory_space<vmem_shared>>
        tpu.wait_indirect_dma semaphore(%arg59 : memref<!tpu.dma_semaphore, #tpu.memory_space<semaphore_mem>>) src(%arg51 : memref<128x128xf32, #tpu.memory_space<vmem>>) dst(%dma_wait3A_215 : memref<10240x128xf32, #tpu.memory_space<vmem_shared>>)
        %dma_wait3A_216 = arith.constant 0 : i32
        %dma_wait3A_217 = tpu.memref_slice %arg54[%dma_wait3A_216] : memref<40960xf32, #tpu.memory_space<vmem_shared>> -> memref<40960xf32, #tpu.memory_space<vmem_shared>>
        tpu.wait_indirect_dma semaphore(%arg59 : memref<!tpu.dma_semaphore, #tpu.memory_space<semaphore_mem>>) src(%arg43 : memref<128xf32, #tpu.memory_space<vmem>>) dst(%dma_wait3A_217 : memref<40960xf32, #tpu.memory_space<vmem_shared>>)
        %dma_wait3A_218 = arith.constant 0 : i32
        %dma_wait3A_219 = tpu.memref_slice %arg54[%dma_wait3A_218] : memref<40960xf32, #tpu.memory_space<vmem_shared>> -> memref<40960xf32, #tpu.memory_space<vmem_shared>>
        tpu.wait_indirect_dma semaphore(%arg59 : memref<!tpu.dma_semaphore, #tpu.memory_space<semaphore_mem>>) src(%arg44 : memref<128xf32, #tpu.memory_space<vmem>>) dst(%dma_wait3A_219 : memref<40960xf32, #tpu.memory_space<vmem_shared>>)
        %dma_wait3A_220 = arith.constant 0 : i32
        %dma_wait3A_221 = tpu.memref_slice %arg54[%dma_wait3A_220] : memref<40960xf32, #tpu.memory_space<vmem_shared>> -> memref<40960xf32, #tpu.memory_space<vmem_shared>>
        tpu.wait_indirect_dma semaphore(%arg59 : memref<!tpu.dma_semaphore, #tpu.memory_space<semaphore_mem>>) src(%arg45 : memref<128xf32, #tpu.memory_space<vmem>>) dst(%dma_wait3A_221 : memref<40960xf32, #tpu.memory_space<vmem_shared>>)
        %dma_wait3A_222 = arith.constant 0 : i32
        %dma_wait3A_223 = tpu.memref_slice %arg54[%dma_wait3A_222] : memref<40960xf32, #tpu.memory_space<vmem_shared>> -> memref<40960xf32, #tpu.memory_space<vmem_shared>>
        tpu.wait_indirect_dma semaphore(%arg59 : memref<!tpu.dma_semaphore, #tpu.memory_space<semaphore_mem>>) src(%arg46 : memref<128xf32, #tpu.memory_space<vmem>>) dst(%dma_wait3A_223 : memref<40960xf32, #tpu.memory_space<vmem_shared>>)
      } else {
      }
      %add3A_175 = arith.constant 1 : i32
      %add3A_176 = arith.addi %add3A_158, %add3A_175 : i32
      %lt3A_177 = arith.constant 78 : i32
      %lt3A_178 = arith.cmpi slt, %add3A_176, %lt3A_177 : i32
      %convert_element_type3A_179 = arith.extui %lt3A_178 : i1 to i32
      %cond3A_180 = arith.constant 0 : i32
      %cond3A_181 = arith.cmpi ne, %convert_element_type3A_179, %cond3A_180 : i32
      scf.if %cond3A_181 {
        %add3A_213 = arith.constant 0 : i32
        %add3A_214 = arith.addi %mul3A_21, %add3A_213 : i32
        %dma_wait3A_215 = arith.constant 0 : i32
        %dma_wait3A_216 = tpu.memref_slice %arg2[%dma_wait3A_215, %add3A_214] : memref<2x320000xi32, #tpu.memory_space<hbm>> -> memref<1x128xi32, #tpu.memory_space<hbm>>
        %dma_wait3A_217 = tpu.memref_squeeze %dma_wait3A_216 : memref<1x128xi32, #tpu.memory_space<hbm>> -> memref<128xi32, #tpu.memory_space<hbm>>
        %dma_wait3A_218 = tpu.memref_slice %arg2[%dma_wait3A_215, %add3A_214] : memref<2x320000xi32, #tpu.memory_space<hbm>> -> memref<1x128xi32, #tpu.memory_space<hbm>>
        %dma_wait3A_219 = tpu.memref_squeeze %dma_wait3A_218 : memref<1x128xi32, #tpu.memory_space<hbm>> -> memref<128xi32, #tpu.memory_space<hbm>>
        tpu.wait_dma2 semaphore(%arg55 : memref<!tpu.dma_semaphore, #tpu.memory_space<semaphore_mem>>) src(%dma_wait3A_219 : memref<128xi32, #tpu.memory_space<hbm>>) dst(%arg9 : memref<128xi32, #tpu.memory_space<vmem>>)
        %dma_wait3A_220 = arith.constant 1 : i32
        %dma_wait3A_221 = tpu.memref_slice %arg2[%dma_wait3A_220, %add3A_214] : memref<2x320000xi32, #tpu.memory_space<hbm>> -> memref<1x128xi32, #tpu.memory_space<hbm>>
        %dma_wait3A_222 = tpu.memref_squeeze %dma_wait3A_221 : memref<1x128xi32, #tpu.memory_space<hbm>> -> memref<128xi32, #tpu.memory_space<hbm>>
        %dma_wait3A_223 = tpu.memref_slice %arg2[%dma_wait3A_220, %add3A_214] : memref<2x320000xi32, #tpu.memory_space<hbm>> -> memref<1x128xi32, #tpu.memory_space<hbm>>
        %dma_wait3A_224 = tpu.memref_squeeze %dma_wait3A_223 : memref<1x128xi32, #tpu.memory_space<hbm>> -> memref<128xi32, #tpu.memory_space<hbm>>
        tpu.wait_dma2 semaphore(%arg55 : memref<!tpu.dma_semaphore, #tpu.memory_space<semaphore_mem>>) src(%dma_wait3A_224 : memref<128xi32, #tpu.memory_space<hbm>>) dst(%arg11 : memref<128xi32, #tpu.memory_space<vmem>>)
        %dma_wait3A_225 = tpu.memref_slice %arg3[%add3A_214] : memref<320000xi32, #tpu.memory_space<hbm>> -> memref<128xi32, #tpu.memory_space<hbm>>
        %dma_wait3A_226 = tpu.memref_slice %arg3[%add3A_214] : memref<320000xi32, #tpu.memory_space<hbm>> -> memref<128xi32, #tpu.memory_space<hbm>>
        tpu.wait_dma2 semaphore(%arg55 : memref<!tpu.dma_semaphore, #tpu.memory_space<semaphore_mem>>) src(%dma_wait3A_226 : memref<128xi32, #tpu.memory_space<hbm>>) dst(%arg13 : memref<128xi32, #tpu.memory_space<vmem>>)
        %scan3A_227 = arith.constant 0 : i32
        %scan3A_228 = arith.constant 0 : i32
        %scan3A_229 = arith.constant 8 : i32
        %scan3A_230 = arith.addi %scan3A_228, %scan3A_229 : i32
        %scan3A_231 = arith.constant 1 : i32
        scf.for %scan3A_244 = %scan3A_228 to %scan3A_230 step %scan3A_231  : i32 {
          %mul3A_245 = arith.constant 16 : i32
          %mul3A_246 = arith.muli %scan3A_244, %mul3A_245 : i32
          %get3A = arith.index_cast %mul3A_246 : i32 to index
          %get3A_247 = tpu.vector_load %arg9[%get3A] {strides = array<i32>} : memref<128xi32, #tpu.memory_space<vmem>>, vector<16xi32>,
          %get3A_248 = vector.shape_cast %get3A_247 : vector<16xi32> to vector<16xi32>
          %get3A_249 = arith.index_cast %mul3A_246 : i32 to index
          %get3A_250 = tpu.vector_load %arg11[%get3A_249] {strides = array<i32>} : memref<128xi32, #tpu.memory_space<vmem>>, vector<16xi32>,
          %get3A_251 = vector.shape_cast %get3A_250 : vector<16xi32> to vector<16xi32>
          %get3A_252 = arith.index_cast %mul3A_246 : i32 to index
          %get3A_253 = tpu.vector_load %arg13[%get3A_252] {strides = array<i32>} : memref<128xi32, #tpu.memory_space<vmem>>, vector<16xi32>,
          %get3A_254 = vector.shape_cast %get3A_253 : vector<16xi32> to vector<16xi32>
          %mul3A_255 = arith.constant 8 : i32
          %mul3A_256 = vector.broadcast %mul3A_255 : i32 to vector<16xi32>
          %mul3A_257 = arith.muli %get3A_248, %mul3A_256 : vector<16xi32>
          %add3A_258 = arith.addi %mul3A_257, %get3A_254 : vector<16xi32>
          %mul3A_259 = arith.constant 8 : i32
          %mul3A_260 = vector.broadcast %mul3A_259 : i32 to vector<16xi32>
          %mul3A_261 = arith.muli %get3A_251, %mul3A_260 : vector<16xi32>
          %add3A_262 = arith.addi %mul3A_261, %get3A_254 : vector<16xi32>
          %swap3A = arith.index_cast %mul3A_246 : i32 to index
          %swap3A_263 = tpu.vector_load %arg15[%swap3A] {strides = array<i32>} : memref<128xi32, #tpu.memory_space<vmem>>, vector<16xi32>,
          %swap3A_264 = vector.shape_cast %swap3A_263 : vector<16xi32> to vector<16xi32>
          %swap3A_265 = vector.shape_cast %add3A_258 : vector<16xi32> to vector<16xi32>
          tpu.vector_store %arg15[%swap3A], %swap3A_265 {strides = array<i32>} : memref<128xi32, #tpu.memory_space<vmem>>, vector<16xi32>,
          %swap3A_266 = arith.index_cast %mul3A_246 : i32 to index
          %swap3A_267 = tpu.vector_load %arg17[%swap3A_266] {strides = array<i32>} : memref<128xi32, #tpu.memory_space<vmem>>, vector<16xi32>,
          %swap3A_268 = vector.shape_cast %swap3A_267 : vector<16xi32> to vector<16xi32>
          %swap3A_269 = vector.shape_cast %get3A_251 : vector<16xi32> to vector<16xi32>
          tpu.vector_store %arg17[%swap3A_266], %swap3A_269 {strides = array<i32>} : memref<128xi32, #tpu.memory_space<vmem>>, vector<16xi32>,
          %mul3A_270 = arith.constant 4 : i32
          %mul3A_271 = vector.broadcast %mul3A_270 : i32 to vector<16xi32>
          %mul3A_272 = arith.muli %add3A_258, %mul3A_271 : vector<16xi32>
          %add3A_273 = arith.constant 0 : i32
          %add3A_274 = vector.broadcast %add3A_273 : i32 to vector<16xi32>
          %add3A_275 = arith.addi %mul3A_272, %add3A_274 : vector<16xi32>
          %swap3A_276 = arith.index_cast %mul3A_246 : i32 to index
          %swap3A_277 = tpu.vector_load %arg19[%swap3A_276] {strides = array<i32>} : memref<128xi32, #tpu.memory_space<vmem>>, vector<16xi32>,
          %swap3A_278 = vector.shape_cast %swap3A_277 : vector<16xi32> to vector<16xi32>
          %swap3A_279 = vector.shape_cast %add3A_275 : vector<16xi32> to vector<16xi32>
          tpu.vector_store %arg19[%swap3A_276], %swap3A_279 {strides = array<i32>} : memref<128xi32, #tpu.memory_space<vmem>>, vector<16xi32>,
          %mul3A_280 = arith.constant 4 : i32
          %mul3A_281 = vector.broadcast %mul3A_280 : i32 to vector<16xi32>
          %mul3A_282 = arith.muli %add3A_262, %mul3A_281 : vector<16xi32>
          %add3A_283 = arith.constant 2 : i32
          %add3A_284 = vector.broadcast %add3A_283 : i32 to vector<16xi32>
          %add3A_285 = arith.addi %mul3A_282, %add3A_284 : vector<16xi32>
          %swap3A_286 = arith.index_cast %mul3A_246 : i32 to index
          %swap3A_287 = tpu.vector_load %arg23[%swap3A_286] {strides = array<i32>} : memref<128xi32, #tpu.memory_space<vmem>>, vector<16xi32>,
          %swap3A_288 = vector.shape_cast %swap3A_287 : vector<16xi32> to vector<16xi32>
          %swap3A_289 = vector.shape_cast %add3A_285 : vector<16xi32> to vector<16xi32>
          tpu.vector_store %arg23[%swap3A_286], %swap3A_289 {strides = array<i32>} : memref<128xi32, #tpu.memory_space<vmem>>, vector<16xi32>,
          %mul3A_290 = arith.constant 4 : i32
          %mul3A_291 = vector.broadcast %mul3A_290 : i32 to vector<16xi32>
          %mul3A_292 = arith.muli %add3A_258, %mul3A_291 : vector<16xi32>
          %add3A_293 = arith.constant 1 : i32
          %add3A_294 = vector.broadcast %add3A_293 : i32 to vector<16xi32>
          %add3A_295 = arith.addi %mul3A_292, %add3A_294 : vector<16xi32>
          %swap3A_296 = arith.index_cast %mul3A_246 : i32 to index
          %swap3A_297 = tpu.vector_load %arg20[%swap3A_296] {strides = array<i32>} : memref<128xi32, #tpu.memory_space<vmem>>, vector<16xi32>,
          %swap3A_298 = vector.shape_cast %swap3A_297 : vector<16xi32> to vector<16xi32>
          %swap3A_299 = vector.shape_cast %add3A_295 : vector<16xi32> to vector<16xi32>
          tpu.vector_store %arg20[%swap3A_296], %swap3A_299 {strides = array<i32>} : memref<128xi32, #tpu.memory_space<vmem>>, vector<16xi32>,
          %mul3A_300 = arith.constant 4 : i32
          %mul3A_301 = vector.broadcast %mul3A_300 : i32 to vector<16xi32>
          %mul3A_302 = arith.muli %add3A_262, %mul3A_301 : vector<16xi32>
          %add3A_303 = arith.constant 3 : i32
          %add3A_304 = vector.broadcast %add3A_303 : i32 to vector<16xi32>
          %add3A_305 = arith.addi %mul3A_302, %add3A_304 : vector<16xi32>
          %swap3A_306 = arith.index_cast %mul3A_246 : i32 to index
          %swap3A_307 = tpu.vector_load %arg24[%swap3A_306] {strides = array<i32>} : memref<128xi32, #tpu.memory_space<vmem>>, vector<16xi32>,
          %swap3A_308 = vector.shape_cast %swap3A_307 : vector<16xi32> to vector<16xi32>
          %swap3A_309 = vector.shape_cast %add3A_305 : vector<16xi32> to vector<16xi32>
          tpu.vector_store %arg24[%swap3A_306], %swap3A_309 {strides = array<i32>} : memref<128xi32, #tpu.memory_space<vmem>>, vector<16xi32>,
          %mul3A_310 = arith.constant 4 : i32
          %mul3A_311 = vector.broadcast %mul3A_310 : i32 to vector<16xi32>
          %mul3A_312 = arith.muli %get3A_251, %mul3A_311 : vector<16xi32>
          %add3A_313 = arith.constant 0 : i32
          %add3A_314 = vector.broadcast %add3A_313 : i32 to vector<16xi32>
          %add3A_315 = arith.addi %mul3A_312, %add3A_314 : vector<16xi32>
          %swap3A_316 = arith.index_cast %mul3A_246 : i32 to index
          %swap3A_317 = tpu.vector_load %arg27[%swap3A_316] {strides = array<i32>} : memref<128xi32, #tpu.memory_space<vmem>>, vector<16xi32>,
          %swap3A_318 = vector.shape_cast %swap3A_317 : vector<16xi32> to vector<16xi32>
          %swap3A_319 = vector.shape_cast %add3A_315 : vector<16xi32> to vector<16xi32>
          tpu.vector_store %arg27[%swap3A_316], %swap3A_319 {strides = array<i32>} : memref<128xi32, #tpu.memory_space<vmem>>, vector<16xi32>,
          %mul3A_320 = arith.constant 4 : i32
          %mul3A_321 = vector.broadcast %mul3A_320 : i32 to vector<16xi32>
          %mul3A_322 = arith.muli %get3A_251, %mul3A_321 : vector<16xi32>
          %add3A_323 = arith.constant 1 : i32
          %add3A_324 = vector.broadcast %add3A_323 : i32 to vector<16xi32>
          %add3A_325 = arith.addi %mul3A_322, %add3A_324 : vector<16xi32>
          %swap3A_326 = arith.index_cast %mul3A_246 : i32 to index
          %swap3A_327 = tpu.vector_load %arg28[%swap3A_326] {strides = array<i32>} : memref<128xi32, #tpu.memory_space<vmem>>, vector<16xi32>,
          %swap3A_328 = vector.shape_cast %swap3A_327 : vector<16xi32> to vector<16xi32>
          %swap3A_329 = vector.shape_cast %add3A_325 : vector<16xi32> to vector<16xi32>
          tpu.vector_store %arg28[%swap3A_326], %swap3A_329 {strides = array<i32>} : memref<128xi32, #tpu.memory_space<vmem>>, vector<16xi32>,
          %mul3A_330 = arith.constant 4 : i32
          %mul3A_331 = vector.broadcast %mul3A_330 : i32 to vector<16xi32>
          %mul3A_332 = arith.muli %get3A_251, %mul3A_331 : vector<16xi32>
          %add3A_333 = arith.constant 2 : i32
          %add3A_334 = vector.broadcast %add3A_333 : i32 to vector<16xi32>
          %add3A_335 = arith.addi %mul3A_332, %add3A_334 : vector<16xi32>
          %swap3A_336 = arith.index_cast %mul3A_246 : i32 to index
          %swap3A_337 = tpu.vector_load %arg29[%swap3A_336] {strides = array<i32>} : memref<128xi32, #tpu.memory_space<vmem>>, vector<16xi32>,
          %swap3A_338 = vector.shape_cast %swap3A_337 : vector<16xi32> to vector<16xi32>
          %swap3A_339 = vector.shape_cast %add3A_335 : vector<16xi32> to vector<16xi32>
          tpu.vector_store %arg29[%swap3A_336], %swap3A_339 {strides = array<i32>} : memref<128xi32, #tpu.memory_space<vmem>>, vector<16xi32>,
          %mul3A_340 = arith.constant 4 : i32
          %mul3A_341 = vector.broadcast %mul3A_340 : i32 to vector<16xi32>
          %mul3A_342 = arith.muli %get3A_251, %mul3A_341 : vector<16xi32>
          %add3A_343 = arith.constant 3 : i32
          %add3A_344 = vector.broadcast %add3A_343 : i32 to vector<16xi32>
          %add3A_345 = arith.addi %mul3A_342, %add3A_344 : vector<16xi32>
          %swap3A_346 = arith.index_cast %mul3A_246 : i32 to index
          %swap3A_347 = tpu.vector_load %arg30[%swap3A_346] {strides = array<i32>} : memref<128xi32, #tpu.memory_space<vmem>>, vector<16xi32>,
          %swap3A_348 = vector.shape_cast %swap3A_347 : vector<16xi32> to vector<16xi32>
          %swap3A_349 = vector.shape_cast %add3A_345 : vector<16xi32> to vector<16xi32>
          tpu.vector_store %arg30[%swap3A_346], %swap3A_349 {strides = array<i32>} : memref<128xi32, #tpu.memory_space<vmem>>, vector<16xi32>,
        }
        %scan3A_232 = arith.constant 8 : i32
        %dma_start3A_233 = arith.constant 0 : i32
        %dma_start3A_234 = arith.constant 0 : i32
        %dma_start3A_235 = tpu.memref_slice %arg4[%dma_start3A_233, %dma_start3A_234] : memref<80000x128xf32, #tpu.memory_space<hbm>> -> memref<80000x128xf32, #tpu.memory_space<hbm>>
        tpu.enqueue_indirect_dma source(%dma_start3A_235 : memref<80000x128xf32, #tpu.memory_space<hbm>>) target(%arg51 : memref<128x128xf32, #tpu.memory_space<vmem>>) offsets(%arg15 : memref<128xi32, #tpu.memory_space<vmem>>) semaphore(%arg57 : memref<!tpu.dma_semaphore, #tpu.memory_space<semaphore_mem>>)
        %dma_start3A_236 = arith.constant 0 : i32
        %dma_start3A_237 = tpu.memref_slice %arg5[%dma_start3A_236] : memref<320000xi32, #tpu.memory_space<hbm>> -> memref<320000xi32, #tpu.memory_space<hbm>>
        tpu.enqueue_indirect_dma source(%dma_start3A_237 : memref<320000xi32, #tpu.memory_space<hbm>>) target(%arg35 : memref<128xi32, #tpu.memory_space<vmem>>) offsets(%arg19 : memref<128xi32, #tpu.memory_space<vmem>>) semaphore(%arg57 : memref<!tpu.dma_semaphore, #tpu.memory_space<semaphore_mem>>)
        %dma_start3A_238 = arith.constant 0 : i32
        %dma_start3A_239 = tpu.memref_slice %arg5[%dma_start3A_238] : memref<320000xi32, #tpu.memory_space<hbm>> -> memref<320000xi32, #tpu.memory_space<hbm>>
        tpu.enqueue_indirect_dma source(%dma_start3A_239 : memref<320000xi32, #tpu.memory_space<hbm>>) target(%arg39 : memref<128xi32, #tpu.memory_space<vmem>>) offsets(%arg23 : memref<128xi32, #tpu.memory_space<vmem>>) semaphore(%arg57 : memref<!tpu.dma_semaphore, #tpu.memory_space<semaphore_mem>>)
        %dma_start3A_240 = arith.constant 0 : i32
        %dma_start3A_241 = tpu.memref_slice %arg5[%dma_start3A_240] : memref<320000xi32, #tpu.memory_space<hbm>> -> memref<320000xi32, #tpu.memory_space<hbm>>
        tpu.enqueue_indirect_dma source(%dma_start3A_241 : memref<320000xi32, #tpu.memory_space<hbm>>) target(%arg36 : memref<128xi32, #tpu.memory_space<vmem>>) offsets(%arg20 : memref<128xi32, #tpu.memory_space<vmem>>) semaphore(%arg57 : memref<!tpu.dma_semaphore, #tpu.memory_space<semaphore_mem>>)
        %dma_start3A_242 = arith.constant 0 : i32
        %dma_start3A_243 = tpu.memref_slice %arg5[%dma_start3A_242] : memref<320000xi32, #tpu.memory_space<hbm>> -> memref<320000xi32, #tpu.memory_space<hbm>>
        tpu.enqueue_indirect_dma source(%dma_start3A_243 : memref<320000xi32, #tpu.memory_space<hbm>>) target(%arg40 : memref<128xi32, #tpu.memory_space<vmem>>) offsets(%arg24 : memref<128xi32, #tpu.memory_space<vmem>>) semaphore(%arg57 : memref<!tpu.dma_semaphore, #tpu.memory_space<semaphore_mem>>)
      } else {
      }
      %add3A_182 = arith.constant 2 : i32
      %add3A_183 = arith.addi %add3A_158, %add3A_182 : i32
      %lt3A_184 = arith.constant 78 : i32
      %lt3A_185 = arith.cmpi slt, %add3A_183, %lt3A_184 : i32
      %convert_element_type3A_186 = arith.extui %lt3A_185 : i1 to i32
      %cond3A_187 = arith.constant 0 : i32
      %cond3A_188 = arith.cmpi ne, %convert_element_type3A_186, %cond3A_187 : i32
      scf.if %cond3A_188 {
        %add3A_213 = arith.constant 2 : i32
        %add3A_214 = arith.addi %add3A_158, %add3A_213 : i32
        %mul3A_215 = arith.constant 128 : i32
        %mul3A_216 = arith.muli %add3A_214, %mul3A_215 : i32
        %add3A_217 = arith.addi %mul3A_21, %mul3A_216 : i32
        %dma_start3A_218 = arith.constant 0 : i32
        %dma_start3A_219 = tpu.memref_slice %arg2[%dma_start3A_218, %add3A_217] : memref<2x320000xi32, #tpu.memory_space<hbm>> -> memref<1x128xi32, #tpu.memory_space<hbm>>
        %dma_start3A_220 = tpu.memref_squeeze %dma_start3A_219 : memref<1x128xi32, #tpu.memory_space<hbm>> -> memref<128xi32, #tpu.memory_space<hbm>>
        %dma_start3A_221 = tpu.memref_slice %arg2[%dma_start3A_218, %add3A_217] : memref<2x320000xi32, #tpu.memory_space<hbm>> -> memref<1x128xi32, #tpu.memory_space<hbm>>
        %dma_start3A_222 = tpu.memref_squeeze %dma_start3A_221 : memref<1x128xi32, #tpu.memory_space<hbm>> -> memref<128xi32, #tpu.memory_space<hbm>>
        tpu.enqueue_dma source(%dma_start3A_222 : memref<128xi32, #tpu.memory_space<hbm>>) target(%arg10 : memref<128xi32, #tpu.memory_space<vmem>>) target_semaphore(%arg56 : memref<!tpu.dma_semaphore, #tpu.memory_space<semaphore_mem>>)
        %dma_start3A_223 = arith.constant 1 : i32
        %dma_start3A_224 = tpu.memref_slice %arg2[%dma_start3A_223, %add3A_217] : memref<2x320000xi32, #tpu.memory_space<hbm>> -> memref<1x128xi32, #tpu.memory_space<hbm>>
        %dma_start3A_225 = tpu.memref_squeeze %dma_start3A_224 : memref<1x128xi32, #tpu.memory_space<hbm>> -> memref<128xi32, #tpu.memory_space<hbm>>
        %dma_start3A_226 = tpu.memref_slice %arg2[%dma_start3A_223, %add3A_217] : memref<2x320000xi32, #tpu.memory_space<hbm>> -> memref<1x128xi32, #tpu.memory_space<hbm>>
        %dma_start3A_227 = tpu.memref_squeeze %dma_start3A_226 : memref<1x128xi32, #tpu.memory_space<hbm>> -> memref<128xi32, #tpu.memory_space<hbm>>
        tpu.enqueue_dma source(%dma_start3A_227 : memref<128xi32, #tpu.memory_space<hbm>>) target(%arg12 : memref<128xi32, #tpu.memory_space<vmem>>) target_semaphore(%arg56 : memref<!tpu.dma_semaphore, #tpu.memory_space<semaphore_mem>>)
        %dma_start3A_228 = tpu.memref_slice %arg3[%add3A_217] : memref<320000xi32, #tpu.memory_space<hbm>> -> memref<128xi32, #tpu.memory_space<hbm>>
        %dma_start3A_229 = tpu.memref_slice %arg3[%add3A_217] : memref<320000xi32, #tpu.memory_space<hbm>> -> memref<128xi32, #tpu.memory_space<hbm>>
        tpu.enqueue_dma source(%dma_start3A_229 : memref<128xi32, #tpu.memory_space<hbm>>) target(%arg14 : memref<128xi32, #tpu.memory_space<vmem>>) target_semaphore(%arg56 : memref<!tpu.dma_semaphore, #tpu.memory_space<semaphore_mem>>)
      } else {
      }
      %scan3A_189 = arith.constant 0 : i32
      %scan3A_190 = arith.constant -65536 : i32
      %scan3A_191 = arith.constant 0 : i32
      %scan3A_192 = arith.constant 8 : i32
      %scan3A_193 = arith.addi %scan3A_191, %scan3A_192 : i32
      %scan3A_194 = arith.constant 1 : i32
      scf.for %scan3A_213 = %scan3A_191 to %scan3A_193 step %scan3A_194  : i32 {
        %mul3A_214 = arith.constant 16 : i32
        %mul3A_215 = arith.muli %scan3A_213, %mul3A_214 : i32
        %get3A = arith.index_cast %mul3A_215 : i32 to index
        %get3A_216 = tpu.vector_load %arg37[%get3A] {strides = array<i32>} : memref<128xi32, #tpu.memory_space<vmem>>, vector<16xi32>,
        %get3A_217 = vector.shape_cast %get3A_216 : vector<16xi32> to vector<16xi32>
        %get3A_218 = arith.index_cast %mul3A_215 : i32 to index
        %get3A_219 = tpu.vector_load %arg41[%get3A_218] {strides = array<i32>} : memref<128xi32, #tpu.memory_space<vmem>>, vector<16xi32>,
        %get3A_220 = vector.shape_cast %get3A_219 : vector<16xi32> to vector<16xi32>
        %shift_left3A = arith.constant 16 : i32
        %shift_left3A_221 = vector.broadcast %shift_left3A : i32 to vector<16xi32>
        %shift_left3A_222 = arith.shli %get3A_217, %shift_left3A_221 : vector<16xi32>
        %bitcast_convert_type3A = tpu.bitcast %shift_left3A_222 : vector<16xi32> -> vector<16xf32>
        %and3A = vector.broadcast %scan3A_190 : i32 to vector<16xi32>
        %and3A_223 = arith.andi %get3A_217, %and3A : vector<16xi32>
        %bitcast_convert_type3A_224 = tpu.bitcast %and3A_223 : vector<16xi32> -> vector<16xf32>
        %shift_left3A_225 = arith.constant 16 : i32
        %shift_left3A_226 = vector.broadcast %shift_left3A_225 : i32 to vector<16xi32>
        %shift_left3A_227 = arith.shli %get3A_220, %shift_left3A_226 : vector<16xi32>
        %bitcast_convert_type3A_228 = tpu.bitcast %shift_left3A_227 : vector<16xi32> -> vector<16xf32>
        %and3A_229 = vector.broadcast %scan3A_190 : i32 to vector<16xi32>
        %and3A_230 = arith.andi %get3A_220, %and3A_229 : vector<16xi32>
        %bitcast_convert_type3A_231 = tpu.bitcast %and3A_230 : vector<16xi32> -> vector<16xf32>
        %get3A_232 = arith.index_cast %mul3A_215 : i32 to index
        %get3A_233 = tpu.vector_load %arg38[%get3A_232] {strides = array<i32>} : memref<128xi32, #tpu.memory_space<vmem>>, vector<16xi32>,
        %get3A_234 = vector.shape_cast %get3A_233 : vector<16xi32> to vector<16xi32>
        %get3A_235 = arith.index_cast %mul3A_215 : i32 to index
        %get3A_236 = tpu.vector_load %arg42[%get3A_235] {strides = array<i32>} : memref<128xi32, #tpu.memory_space<vmem>>, vector<16xi32>,
        %get3A_237 = vector.shape_cast %get3A_236 : vector<16xi32> to vector<16xi32>
        %shift_left3A_238 = arith.constant 16 : i32
        %shift_left3A_239 = vector.broadcast %shift_left3A_238 : i32 to vector<16xi32>
        %shift_left3A_240 = arith.shli %get3A_234, %shift_left3A_239 : vector<16xi32>
        %bitcast_convert_type3A_241 = tpu.bitcast %shift_left3A_240 : vector<16xi32> -> vector<16xf32>
        %and3A_242 = vector.broadcast %scan3A_190 : i32 to vector<16xi32>
        %and3A_243 = arith.andi %get3A_234, %and3A_242 : vector<16xi32>
        %bitcast_convert_type3A_244 = tpu.bitcast %and3A_243 : vector<16xi32> -> vector<16xf32>
        %shift_left3A_245 = arith.constant 16 : i32
        %shift_left3A_246 = vector.broadcast %shift_left3A_245 : i32 to vector<16xi32>
        %shift_left3A_247 = arith.shli %get3A_237, %shift_left3A_246 : vector<16xi32>
        %bitcast_convert_type3A_248 = tpu.bitcast %shift_left3A_247 : vector<16xi32> -> vector<16xf32>
        %and3A_249 = vector.broadcast %scan3A_190 : i32 to vector<16xi32>
        %and3A_250 = arith.andi %get3A_237, %and3A_249 : vector<16xi32>
        %bitcast_convert_type3A_251 = tpu.bitcast %and3A_250 : vector<16xi32> -> vector<16xf32>
        %add3A_252 = arith.addf %bitcast_convert_type3A, %bitcast_convert_type3A_228 : vector<16xf32>
        %mul3A_253 = arith.constant 2.000000e-01 : f32
        %mul3A_254 = vector.broadcast %mul3A_253 : f32 to vector<16xf32>
        %mul3A_255 = arith.mulf %mul3A_254, %add3A_252 : vector<16xf32>
        %max3A = arith.maximumf %add3A_252, %mul3A_255 : vector<16xf32>
        %exp3A = math.exp %max3A : vector<16xf32>
        %swap3A = arith.index_cast %mul3A_215 : i32 to index
        %swap3A_256 = tpu.vector_load %arg47[%swap3A] {strides = array<i32>} : memref<128xf32, #tpu.memory_space<vmem>>, vector<16xf32>,
        %swap3A_257 = vector.shape_cast %swap3A_256 : vector<16xf32> to vector<16xf32>
        %swap3A_258 = vector.shape_cast %exp3A : vector<16xf32> to vector<16xf32>
        tpu.vector_store %arg47[%swap3A], %swap3A_258 {strides = array<i32>} : memref<128xf32, #tpu.memory_space<vmem>>, vector<16xf32>,
        %add3A_259 = arith.addf %bitcast_convert_type3A_224, %bitcast_convert_type3A_231 : vector<16xf32>
        %mul3A_260 = arith.constant 2.000000e-01 : f32
        %mul3A_261 = vector.broadcast %mul3A_260 : f32 to vector<16xf32>
        %mul3A_262 = arith.mulf %mul3A_261, %add3A_259 : vector<16xf32>
        %max3A_263 = arith.maximumf %add3A_259, %mul3A_262 : vector<16xf32>
        %exp3A_264 = math.exp %max3A_263 : vector<16xf32>
        %swap3A_265 = arith.index_cast %mul3A_215 : i32 to index
        %swap3A_266 = tpu.vector_load %arg48[%swap3A_265] {strides = array<i32>} : memref<128xf32, #tpu.memory_space<vmem>>, vector<16xf32>,
        %swap3A_267 = vector.shape_cast %swap3A_266 : vector<16xf32> to vector<16xf32>
        %swap3A_268 = vector.shape_cast %exp3A_264 : vector<16xf32> to vector<16xf32>
        tpu.vector_store %arg48[%swap3A_265], %swap3A_268 {strides = array<i32>} : memref<128xf32, #tpu.memory_space<vmem>>, vector<16xf32>,
        %add3A_269 = arith.addf %bitcast_convert_type3A_241, %bitcast_convert_type3A_248 : vector<16xf32>
        %mul3A_270 = arith.constant 2.000000e-01 : f32
        %mul3A_271 = vector.broadcast %mul3A_270 : f32 to vector<16xf32>
        %mul3A_272 = arith.mulf %mul3A_271, %add3A_269 : vector<16xf32>
        %max3A_273 = arith.maximumf %add3A_269, %mul3A_272 : vector<16xf32>
        %exp3A_274 = math.exp %max3A_273 : vector<16xf32>
        %swap3A_275 = arith.index_cast %mul3A_215 : i32 to index
        %swap3A_276 = tpu.vector_load %arg49[%swap3A_275] {strides = array<i32>} : memref<128xf32, #tpu.memory_space<vmem>>, vector<16xf32>,
        %swap3A_277 = vector.shape_cast %swap3A_276 : vector<16xf32> to vector<16xf32>
        %swap3A_278 = vector.shape_cast %exp3A_274 : vector<16xf32> to vector<16xf32>
        tpu.vector_store %arg49[%swap3A_275], %swap3A_278 {strides = array<i32>} : memref<128xf32, #tpu.memory_space<vmem>>, vector<16xf32>,
        %add3A_279 = arith.addf %bitcast_convert_type3A_244, %bitcast_convert_type3A_251 : vector<16xf32>
        %mul3A_280 = arith.constant 2.000000e-01 : f32
        %mul3A_281 = vector.broadcast %mul3A_280 : f32 to vector<16xf32>
        %mul3A_282 = arith.mulf %mul3A_281, %add3A_279 : vector<16xf32>
        %max3A_283 = arith.maximumf %add3A_279, %mul3A_282 : vector<16xf32>
        %exp3A_284 = math.exp %max3A_283 : vector<16xf32>
        %swap3A_285 = arith.index_cast %mul3A_215 : i32 to index
        %swap3A_286 = tpu.vector_load %arg50[%swap3A_285] {strides = array<i32>} : memref<128xf32, #tpu.memory_space<vmem>>, vector<16xf32>,
        %swap3A_287 = vector.shape_cast %swap3A_286 : vector<16xf32> to vector<16xf32>
        %swap3A_288 = vector.shape_cast %exp3A_284 : vector<16xf32> to vector<16xf32>
        tpu.vector_store %arg50[%swap3A_285], %swap3A_288 {strides = array<i32>} : memref<128xf32, #tpu.memory_space<vmem>>, vector<16xf32>,
      }
      %scan3A_195 = arith.constant 8 : i32
      %scan3A_196 = arith.constant 0 : i32
      %scan3A_197 = arith.constant 0 : i32
      %scan3A_198 = arith.constant 8 : i32
      %scan3A_199 = arith.addi %scan3A_197, %scan3A_198 : i32
      %scan3A_200 = arith.constant 1 : i32
      scf.for %scan3A_213 = %scan3A_197 to %scan3A_199 step %scan3A_200  : i32 {
        %mul3A_214 = arith.constant 16 : i32
        %mul3A_215 = arith.muli %scan3A_213, %mul3A_214 : i32
        %get3A = arith.index_cast %mul3A_215 : i32 to index
        %get3A_216 = tpu.vector_load %arg47[%get3A] {strides = array<i32>} : memref<128xf32, #tpu.memory_space<vmem>>, vector<16xf32>,
        %get3A_217 = vector.shape_cast %get3A_216 : vector<16xf32> to vector<16xf32>
        %mul3A_218 = arith.constant 16 : i32
        %mul3A_219 = arith.muli %scan3A_213, %mul3A_218 : i32
        %get3A_220 = arith.index_cast %mul3A_219 : i32 to index
        %get3A_221 = tpu.vector_load %arg48[%get3A_220] {strides = array<i32>} : memref<128xf32, #tpu.memory_space<vmem>>, vector<16xf32>,
        %get3A_222 = vector.shape_cast %get3A_221 : vector<16xf32> to vector<16xf32>
        %mul3A_223 = arith.constant 16 : i32
        %mul3A_224 = arith.muli %scan3A_213, %mul3A_223 : i32
        %get3A_225 = arith.index_cast %mul3A_224 : i32 to index
        %get3A_226 = tpu.vector_load %arg49[%get3A_225] {strides = array<i32>} : memref<128xf32, #tpu.memory_space<vmem>>, vector<16xf32>,
        %get3A_227 = vector.shape_cast %get3A_226 : vector<16xf32> to vector<16xf32>
        %mul3A_228 = arith.constant 16 : i32
        %mul3A_229 = arith.muli %scan3A_213, %mul3A_228 : i32
        %get3A_230 = arith.index_cast %mul3A_229 : i32 to index
        %get3A_231 = tpu.vector_load %arg50[%get3A_230] {strides = array<i32>} : memref<128xf32, #tpu.memory_space<vmem>>, vector<16xf32>,
        %get3A_232 = vector.shape_cast %get3A_231 : vector<16xf32> to vector<16xf32>
        %scan3A_233 = arith.constant 0 : i32
        %scan3A_234 = arith.constant 16 : i32
        %scan3A_235 = arith.addi %scan3A_233, %scan3A_234 : i32
        %scan3A_236 = arith.constant 1 : i32
        scf.for %scan3A_238 = %scan3A_233 to %scan3A_235 step %scan3A_236  : i32 {
          %mul3A_239 = arith.constant 16 : i32
          %mul3A_240 = arith.muli %scan3A_213, %mul3A_239 : i32
          %add3A_241 = arith.addi %mul3A_240, %scan3A_238 : i32
          %broadcast_in_dim3A = vector.broadcast %scan3A_238 : i32 to vector<16xi32>
          %lt3A_242 = arith.constant 0 : i32
          %lt3A_243 = vector.broadcast %lt3A_242 : i32 to vector<16xi32>
          %lt3A_244 = arith.cmpi slt, %broadcast_in_dim3A, %lt3A_243 : vector<16xi32>
          %add3A_245 = arith.constant 16 : i32
          %add3A_246 = vector.broadcast %add3A_245 : i32 to vector<16xi32>
          %add3A_247 = arith.addi %broadcast_in_dim3A, %add3A_246 : vector<16xi32>
          %select_n3A = arith.select %lt3A_244, %add3A_247, %broadcast_in_dim3A : vector<16xi1>, vector<16xi32>
          %broadcast_in_dim3A_248 = vector.shape_cast %select_n3A : vector<16xi32> to vector<16x1xi32>
          %gather3A = vector.shape_cast %broadcast_in_dim3A_248 : vector<16x1xi32> to vector<16xi32>
          %gather3A_249 = tpu.dynamic_gather %get3A_217[%gather3A] in [0] : vector<16xf32>, vector<16xi32> -> vector<16xf32>
          %get3A_250 = arith.index_cast %add3A_241 : i32 to index
          %get3A_251 = arith.constant 0 : index
          %get3A_252 = tpu.vector_load %arg52[%get3A_250, %get3A_251] {strides = array<i32>} : memref<128x128xf32, #tpu.memory_space<vmem>>, vector<1x16xf32>,
          %get3A_253 = vector.shape_cast %get3A_252 : vector<1x16xf32> to vector<16xf32>
          %mul3A_254 = arith.mulf %get3A_253, %gather3A_249 : vector<16xf32>
          %swap3A = arith.index_cast %add3A_241 : i32 to index
          %swap3A_255 = arith.constant 0 : index
          %swap3A_256 = tpu.vector_load %arg52[%swap3A, %swap3A_255] {strides = array<i32>} : memref<128x128xf32, #tpu.memory_space<vmem>>, vector<1x16xf32>,
          %swap3A_257 = vector.shape_cast %swap3A_256 : vector<1x16xf32> to vector<16xf32>
          %swap3A_258 = vector.shape_cast %mul3A_254 : vector<16xf32> to vector<1x16xf32>
          tpu.vector_store %arg52[%swap3A, %swap3A_255], %swap3A_258 {strides = array<i32>} : memref<128x128xf32, #tpu.memory_space<vmem>>, vector<1x16xf32>,
          %get3A_259 = arith.index_cast %add3A_241 : i32 to index
          %get3A_260 = arith.constant 16 : index
          %get3A_261 = tpu.vector_load %arg52[%get3A_259, %get3A_260] {strides = array<i32>} : memref<128x128xf32, #tpu.memory_space<vmem>>, vector<1x16xf32>,
          %get3A_262 = vector.shape_cast %get3A_261 : vector<1x16xf32> to vector<16xf32>
          %mul3A_263 = arith.mulf %get3A_262, %gather3A_249 : vector<16xf32>
          %swap3A_264 = arith.index_cast %add3A_241 : i32 to index
          %swap3A_265 = arith.constant 16 : index
          %swap3A_266 = tpu.vector_load %arg52[%swap3A_264, %swap3A_265] {strides = array<i32>} : memref<128x128xf32, #tpu.memory_space<vmem>>, vector<1x16xf32>,
          %swap3A_267 = vector.shape_cast %swap3A_266 : vector<1x16xf32> to vector<16xf32>
          %swap3A_268 = vector.shape_cast %mul3A_263 : vector<16xf32> to vector<1x16xf32>
          tpu.vector_store %arg52[%swap3A_264, %swap3A_265], %swap3A_268 {strides = array<i32>} : memref<128x128xf32, #tpu.memory_space<vmem>>, vector<1x16xf32>,
          %lt3A_269 = arith.constant 0 : i32
          %lt3A_270 = vector.broadcast %lt3A_269 : i32 to vector<16xi32>
          %lt3A_271 = arith.cmpi slt, %broadcast_in_dim3A, %lt3A_270 : vector<16xi32>
          %add3A_272 = arith.constant 16 : i32
          %add3A_273 = vector.broadcast %add3A_272 : i32 to vector<16xi32>
          %add3A_274 = arith.addi %broadcast_in_dim3A, %add3A_273 : vector<16xi32>
          %select_n3A_275 = arith.select %lt3A_271, %add3A_274, %broadcast_in_dim3A : vector<16xi1>, vector<16xi32>
          %broadcast_in_dim3A_276 = vector.shape_cast %select_n3A_275 : vector<16xi32> to vector<16x1xi32>
          %gather3A_277 = vector.shape_cast %broadcast_in_dim3A_276 : vector<16x1xi32> to vector<16xi32>
          %gather3A_278 = tpu.dynamic_gather %get3A_222[%gather3A_277] in [0] : vector<16xf32>, vector<16xi32> -> vector<16xf32>
          %get3A_279 = arith.index_cast %add3A_241 : i32 to index
          %get3A_280 = arith.constant 32 : index
          %get3A_281 = tpu.vector_load %arg52[%get3A_279, %get3A_280] {strides = array<i32>} : memref<128x128xf32, #tpu.memory_space<vmem>>, vector<1x16xf32>,
          %get3A_282 = vector.shape_cast %get3A_281 : vector<1x16xf32> to vector<16xf32>
          %mul3A_283 = arith.mulf %get3A_282, %gather3A_278 : vector<16xf32>
          %swap3A_284 = arith.index_cast %add3A_241 : i32 to index
          %swap3A_285 = arith.constant 32 : index
          %swap3A_286 = tpu.vector_load %arg52[%swap3A_284, %swap3A_285] {strides = array<i32>} : memref<128x128xf32, #tpu.memory_space<vmem>>, vector<1x16xf32>,
          %swap3A_287 = vector.shape_cast %swap3A_286 : vector<1x16xf32> to vector<16xf32>
          %swap3A_288 = vector.shape_cast %mul3A_283 : vector<16xf32> to vector<1x16xf32>
          tpu.vector_store %arg52[%swap3A_284, %swap3A_285], %swap3A_288 {strides = array<i32>} : memref<128x128xf32, #tpu.memory_space<vmem>>, vector<1x16xf32>,
          %get3A_289 = arith.index_cast %add3A_241 : i32 to index
          %get3A_290 = arith.constant 48 : index
          %get3A_291 = tpu.vector_load %arg52[%get3A_289, %get3A_290] {strides = array<i32>} : memref<128x128xf32, #tpu.memory_space<vmem>>, vector<1x16xf32>,
          %get3A_292 = vector.shape_cast %get3A_291 : vector<1x16xf32> to vector<16xf32>
          %mul3A_293 = arith.mulf %get3A_292, %gather3A_278 : vector<16xf32>
          %swap3A_294 = arith.index_cast %add3A_241 : i32 to index
          %swap3A_295 = arith.constant 48 : index
          %swap3A_296 = tpu.vector_load %arg52[%swap3A_294, %swap3A_295] {strides = array<i32>} : memref<128x128xf32, #tpu.memory_space<vmem>>, vector<1x16xf32>,
          %swap3A_297 = vector.shape_cast %swap3A_296 : vector<1x16xf32> to vector<16xf32>
          %swap3A_298 = vector.shape_cast %mul3A_293 : vector<16xf32> to vector<1x16xf32>
          tpu.vector_store %arg52[%swap3A_294, %swap3A_295], %swap3A_298 {strides = array<i32>} : memref<128x128xf32, #tpu.memory_space<vmem>>, vector<1x16xf32>,
          %lt3A_299 = arith.constant 0 : i32
          %lt3A_300 = vector.broadcast %lt3A_299 : i32 to vector<16xi32>
          %lt3A_301 = arith.cmpi slt, %broadcast_in_dim3A, %lt3A_300 : vector<16xi32>
          %add3A_302 = arith.constant 16 : i32
          %add3A_303 = vector.broadcast %add3A_302 : i32 to vector<16xi32>
          %add3A_304 = arith.addi %broadcast_in_dim3A, %add3A_303 : vector<16xi32>
          %select_n3A_305 = arith.select %lt3A_301, %add3A_304, %broadcast_in_dim3A : vector<16xi1>, vector<16xi32>
          %broadcast_in_dim3A_306 = vector.shape_cast %select_n3A_305 : vector<16xi32> to vector<16x1xi32>
          %gather3A_307 = vector.shape_cast %broadcast_in_dim3A_306 : vector<16x1xi32> to vector<16xi32>
          %gather3A_308 = tpu.dynamic_gather %get3A_227[%gather3A_307] in [0] : vector<16xf32>, vector<16xi32> -> vector<16xf32>
          %get3A_309 = arith.index_cast %add3A_241 : i32 to index
          %get3A_310 = arith.constant 64 : index
          %get3A_311 = tpu.vector_load %arg52[%get3A_309, %get3A_310] {strides = array<i32>} : memref<128x128xf32, #tpu.memory_space<vmem>>, vector<1x16xf32>,
          %get3A_312 = vector.shape_cast %get3A_311 : vector<1x16xf32> to vector<16xf32>
          %mul3A_313 = arith.mulf %get3A_312, %gather3A_308 : vector<16xf32>
          %swap3A_314 = arith.index_cast %add3A_241 : i32 to index
          %swap3A_315 = arith.constant 64 : index
          %swap3A_316 = tpu.vector_load %arg52[%swap3A_314, %swap3A_315] {strides = array<i32>} : memref<128x128xf32, #tpu.memory_space<vmem>>, vector<1x16xf32>,
          %swap3A_317 = vector.shape_cast %swap3A_316 : vector<1x16xf32> to vector<16xf32>
          %swap3A_318 = vector.shape_cast %mul3A_313 : vector<16xf32> to vector<1x16xf32>
          tpu.vector_store %arg52[%swap3A_314, %swap3A_315], %swap3A_318 {strides = array<i32>} : memref<128x128xf32, #tpu.memory_space<vmem>>, vector<1x16xf32>,
          %get3A_319 = arith.index_cast %add3A_241 : i32 to index
          %get3A_320 = arith.constant 80 : index
          %get3A_321 = tpu.vector_load %arg52[%get3A_319, %get3A_320] {strides = array<i32>} : memref<128x128xf32, #tpu.memory_space<vmem>>, vector<1x16xf32>,
          %get3A_322 = vector.shape_cast %get3A_321 : vector<1x16xf32> to vector<16xf32>
          %mul3A_323 = arith.mulf %get3A_322, %gather3A_308 : vector<16xf32>
          %swap3A_324 = arith.index_cast %add3A_241 : i32 to index
          %swap3A_325 = arith.constant 80 : index
          %swap3A_326 = tpu.vector_load %arg52[%swap3A_324, %swap3A_325] {strides = array<i32>} : memref<128x128xf32, #tpu.memory_space<vmem>>, vector<1x16xf32>,
          %swap3A_327 = vector.shape_cast %swap3A_326 : vector<1x16xf32> to vector<16xf32>
          %swap3A_328 = vector.shape_cast %mul3A_323 : vector<16xf32> to vector<1x16xf32>
          tpu.vector_store %arg52[%swap3A_324, %swap3A_325], %swap3A_328 {strides = array<i32>} : memref<128x128xf32, #tpu.memory_space<vmem>>, vector<1x16xf32>,
          %lt3A_329 = arith.constant 0 : i32
          %lt3A_330 = vector.broadcast %lt3A_329 : i32 to vector<16xi32>
          %lt3A_331 = arith.cmpi slt, %broadcast_in_dim3A, %lt3A_330 : vector<16xi32>
          %add3A_332 = arith.constant 16 : i32
          %add3A_333 = vector.broadcast %add3A_332 : i32 to vector<16xi32>
          %add3A_334 = arith.addi %broadcast_in_dim3A, %add3A_333 : vector<16xi32>
          %select_n3A_335 = arith.select %lt3A_331, %add3A_334, %broadcast_in_dim3A : vector<16xi1>, vector<16xi32>
          %broadcast_in_dim3A_336 = vector.shape_cast %select_n3A_335 : vector<16xi32> to vector<16x1xi32>
          %gather3A_337 = vector.shape_cast %broadcast_in_dim3A_336 : vector<16x1xi32> to vector<16xi32>
          %gather3A_338 = tpu.dynamic_gather %get3A_232[%gather3A_337] in [0] : vector<16xf32>, vector<16xi32> -> vector<16xf32>
          %get3A_339 = arith.index_cast %add3A_241 : i32 to index
          %get3A_340 = arith.constant 96 : index
          %get3A_341 = tpu.vector_load %arg52[%get3A_339, %get3A_340] {strides = array<i32>} : memref<128x128xf32, #tpu.memory_space<vmem>>, vector<1x16xf32>,
          %get3A_342 = vector.shape_cast %get3A_341 : vector<1x16xf32> to vector<16xf32>
          %mul3A_343 = arith.mulf %get3A_342, %gather3A_338 : vector<16xf32>
          %swap3A_344 = arith.index_cast %add3A_241 : i32 to index
          %swap3A_345 = arith.constant 96 : index
          %swap3A_346 = tpu.vector_load %arg52[%swap3A_344, %swap3A_345] {strides = array<i32>} : memref<128x128xf32, #tpu.memory_space<vmem>>, vector<1x16xf32>,
          %swap3A_347 = vector.shape_cast %swap3A_346 : vector<1x16xf32> to vector<16xf32>
          %swap3A_348 = vector.shape_cast %mul3A_343 : vector<16xf32> to vector<1x16xf32>
          tpu.vector_store %arg52[%swap3A_344, %swap3A_345], %swap3A_348 {strides = array<i32>} : memref<128x128xf32, #tpu.memory_space<vmem>>, vector<1x16xf32>,
          %get3A_349 = arith.index_cast %add3A_241 : i32 to index
          %get3A_350 = arith.constant 112 : index
          %get3A_351 = tpu.vector_load %arg52[%get3A_349, %get3A_350] {strides = array<i32>} : memref<128x128xf32, #tpu.memory_space<vmem>>, vector<1x16xf32>,
          %get3A_352 = vector.shape_cast %get3A_351 : vector<1x16xf32> to vector<16xf32>
          %mul3A_353 = arith.mulf %get3A_352, %gather3A_338 : vector<16xf32>
          %swap3A_354 = arith.index_cast %add3A_241 : i32 to index
          %swap3A_355 = arith.constant 112 : index
          %swap3A_356 = tpu.vector_load %arg52[%swap3A_354, %swap3A_355] {strides = array<i32>} : memref<128x128xf32, #tpu.memory_space<vmem>>, vector<1x16xf32>,
          %swap3A_357 = vector.shape_cast %swap3A_356 : vector<1x16xf32> to vector<16xf32>
          %swap3A_358 = vector.shape_cast %mul3A_353 : vector<16xf32> to vector<1x16xf32>
          tpu.vector_store %arg52[%swap3A_354, %swap3A_355], %swap3A_358 {strides = array<i32>} : memref<128x128xf32, #tpu.memory_space<vmem>>, vector<1x16xf32>,
        }
        %scan3A_237 = arith.constant 16 : i32
      }
      %scan3A_201 = arith.constant 8 : i32
      %dma_start3A_202 = arith.constant 0 : i32
      %dma_start3A_203 = arith.constant 0 : i32
      %dma_start3A_204 = tpu.memref_slice %arg53[%dma_start3A_202, %dma_start3A_203] : memref<10240x128xf32, #tpu.memory_space<vmem_shared>> -> memref<10240x128xf32, #tpu.memory_space<vmem_shared>>
      tpu.enqueue_indirect_dma source(%arg52 : memref<128x128xf32, #tpu.memory_space<vmem>>) target(%dma_start3A_204 : memref<10240x128xf32, #tpu.memory_space<vmem_shared>>) offsets(%arg18 : memref<128xi32, #tpu.memory_space<vmem>>) semaphore(%arg60 : memref<!tpu.dma_semaphore, #tpu.memory_space<semaphore_mem>>) {add = true}
      %dma_start3A_205 = arith.constant 0 : i32
      %dma_start3A_206 = tpu.memref_slice %arg54[%dma_start3A_205] : memref<40960xf32, #tpu.memory_space<vmem_shared>> -> memref<40960xf32, #tpu.memory_space<vmem_shared>>
      tpu.enqueue_indirect_dma source(%arg47 : memref<128xf32, #tpu.memory_space<vmem>>) target(%dma_start3A_206 : memref<40960xf32, #tpu.memory_space<vmem_shared>>) offsets(%arg31 : memref<128xi32, #tpu.memory_space<vmem>>) semaphore(%arg60 : memref<!tpu.dma_semaphore, #tpu.memory_space<semaphore_mem>>) {add = true}
      %dma_start3A_207 = arith.constant 0 : i32
      %dma_start3A_208 = tpu.memref_slice %arg54[%dma_start3A_207] : memref<40960xf32, #tpu.memory_space<vmem_shared>> -> memref<40960xf32, #tpu.memory_space<vmem_shared>>
      tpu.enqueue_indirect_dma source(%arg48 : memref<128xf32, #tpu.memory_space<vmem>>) target(%dma_start3A_208 : memref<40960xf32, #tpu.memory_space<vmem_shared>>) offsets(%arg32 : memref<128xi32, #tpu.memory_space<vmem>>) semaphore(%arg60 : memref<!tpu.dma_semaphore, #tpu.memory_space<semaphore_mem>>) {add = true}
      %dma_start3A_209 = arith.constant 0 : i32
      %dma_start3A_210 = tpu.memref_slice %arg54[%dma_start3A_209] : memref<40960xf32, #tpu.memory_space<vmem_shared>> -> memref<40960xf32, #tpu.memory_space<vmem_shared>>
      tpu.enqueue_indirect_dma source(%arg49 : memref<128xf32, #tpu.memory_space<vmem>>) target(%dma_start3A_210 : memref<40960xf32, #tpu.memory_space<vmem_shared>>) offsets(%arg33 : memref<128xi32, #tpu.memory_space<vmem>>) semaphore(%arg60 : memref<!tpu.dma_semaphore, #tpu.memory_space<semaphore_mem>>) {add = true}
      %dma_start3A_211 = arith.constant 0 : i32
      %dma_start3A_212 = tpu.memref_slice %arg54[%dma_start3A_211] : memref<40960xf32, #tpu.memory_space<vmem_shared>> -> memref<40960xf32, #tpu.memory_space<vmem_shared>>
      tpu.enqueue_indirect_dma source(%arg50 : memref<128xf32, #tpu.memory_space<vmem>>) target(%dma_start3A_212 : memref<40960xf32, #tpu.memory_space<vmem_shared>>) offsets(%arg34 : memref<128xi32, #tpu.memory_space<vmem>>) semaphore(%arg60 : memref<!tpu.dma_semaphore, #tpu.memory_space<semaphore_mem>>) {add = true}
    }
    %scan3A_84 = arith.constant 39 : i32
    %dma_wait3A_85 = arith.constant 0 : i32
    %dma_wait3A_86 = arith.constant 0 : i32
    %dma_wait3A_87 = tpu.memref_slice %arg53[%dma_wait3A_85, %dma_wait3A_86] : memref<10240x128xf32, #tpu.memory_space<vmem_shared>> -> memref<10240x128xf32, #tpu.memory_space<vmem_shared>>
    tpu.wait_indirect_dma semaphore(%arg60 : memref<!tpu.dma_semaphore, #tpu.memory_space<semaphore_mem>>) src(%arg52 : memref<128x128xf32, #tpu.memory_space<vmem>>) dst(%dma_wait3A_87 : memref<10240x128xf32, #tpu.memory_space<vmem_shared>>)
    %dma_wait3A_88 = arith.constant 0 : i32
    %dma_wait3A_89 = tpu.memref_slice %arg54[%dma_wait3A_88] : memref<40960xf32, #tpu.memory_space<vmem_shared>> -> memref<40960xf32, #tpu.memory_space<vmem_shared>>
    tpu.wait_indirect_dma semaphore(%arg60 : memref<!tpu.dma_semaphore, #tpu.memory_space<semaphore_mem>>) src(%arg47 : memref<128xf32, #tpu.memory_space<vmem>>) dst(%dma_wait3A_89 : memref<40960xf32, #tpu.memory_space<vmem_shared>>)
    %dma_wait3A_90 = arith.constant 0 : i32
    %dma_wait3A_91 = tpu.memref_slice %arg54[%dma_wait3A_90] : memref<40960xf32, #tpu.memory_space<vmem_shared>> -> memref<40960xf32, #tpu.memory_space<vmem_shared>>
    tpu.wait_indirect_dma semaphore(%arg60 : memref<!tpu.dma_semaphore, #tpu.memory_space<semaphore_mem>>) src(%arg48 : memref<128xf32, #tpu.memory_space<vmem>>) dst(%dma_wait3A_91 : memref<40960xf32, #tpu.memory_space<vmem_shared>>)
    %dma_wait3A_92 = arith.constant 0 : i32
    %dma_wait3A_93 = tpu.memref_slice %arg54[%dma_wait3A_92] : memref<40960xf32, #tpu.memory_space<vmem_shared>> -> memref<40960xf32, #tpu.memory_space<vmem_shared>>
    tpu.wait_indirect_dma semaphore(%arg60 : memref<!tpu.dma_semaphore, #tpu.memory_space<semaphore_mem>>) src(%arg49 : memref<128xf32, #tpu.memory_space<vmem>>) dst(%dma_wait3A_93 : memref<40960xf32, #tpu.memory_space<vmem_shared>>)
    %dma_wait3A_94 = arith.constant 0 : i32
    %dma_wait3A_95 = tpu.memref_slice %arg54[%dma_wait3A_94] : memref<40960xf32, #tpu.memory_space<vmem_shared>> -> memref<40960xf32, #tpu.memory_space<vmem_shared>>
    tpu.wait_indirect_dma semaphore(%arg60 : memref<!tpu.dma_semaphore, #tpu.memory_space<semaphore_mem>>) src(%arg50 : memref<128xf32, #tpu.memory_space<vmem>>) dst(%dma_wait3A_95 : memref<40960xf32, #tpu.memory_space<vmem_shared>>)
    %lt3A = arith.constant 4 : i32
    %lt3A_96 = arith.cmpi slt, %add3A, %lt3A : i32
    %convert_element_type3A = arith.extui %lt3A_96 : i1 to i32
    %cond3A = arith.constant 0 : i32
    %cond3A_97 = arith.cmpi ne, %convert_element_type3A, %cond3A : i32
    scf.if %cond3A_97 {
      %mul3A_99 = arith.constant 128 : i32
      %mul3A_100 = arith.muli %add3A, %mul3A_99 : i32
      %add3A_101 = arith.constant 319488 : i32
      %add3A_102 = arith.addi %add3A_101, %mul3A_100 : i32
      %run_scoped3A = arith.constant 0 : i32
      "tpu.region"() ({
        %run_scoped3A_145 = tpu.sem_alloc : memref<!tpu.dma_semaphore, #tpu.memory_space<semaphore_mem>>
        %dma_start3A_146 = tpu.memref_slice %arg2[%run_scoped3A, %add3A_102] : memref<2x320000xi32, #tpu.memory_space<hbm>> -> memref<1x128xi32, #tpu.memory_space<hbm>>
        %dma_start3A_147 = tpu.memref_squeeze %dma_start3A_146 : memref<1x128xi32, #tpu.memory_space<hbm>> -> memref<128xi32, #tpu.memory_space<hbm>>
        %dma_start3A_148 = tpu.memref_slice %arg2[%run_scoped3A, %add3A_102] : memref<2x320000xi32, #tpu.memory_space<hbm>> -> memref<1x128xi32, #tpu.memory_space<hbm>>
        %dma_start3A_149 = tpu.memref_squeeze %dma_start3A_148 : memref<1x128xi32, #tpu.memory_space<hbm>> -> memref<128xi32, #tpu.memory_space<hbm>>
        tpu.enqueue_dma source(%dma_start3A_149 : memref<128xi32, #tpu.memory_space<hbm>>) target(%arg9 : memref<128xi32, #tpu.memory_space<vmem>>) target_semaphore(%run_scoped3A_145 : memref<!tpu.dma_semaphore, #tpu.memory_space<semaphore_mem>>)
        %dma_wait3A_150 = tpu.memref_slice %arg2[%run_scoped3A, %add3A_102] : memref<2x320000xi32, #tpu.memory_space<hbm>> -> memref<1x128xi32, #tpu.memory_space<hbm>>
        %dma_wait3A_151 = tpu.memref_squeeze %dma_wait3A_150 : memref<1x128xi32, #tpu.memory_space<hbm>> -> memref<128xi32, #tpu.memory_space<hbm>>
        %dma_wait3A_152 = tpu.memref_slice %arg2[%run_scoped3A, %add3A_102] : memref<2x320000xi32, #tpu.memory_space<hbm>> -> memref<1x128xi32, #tpu.memory_space<hbm>>
        %dma_wait3A_153 = tpu.memref_squeeze %dma_wait3A_152 : memref<1x128xi32, #tpu.memory_space<hbm>> -> memref<128xi32, #tpu.memory_space<hbm>>
        tpu.wait_dma2 semaphore(%run_scoped3A_145 : memref<!tpu.dma_semaphore, #tpu.memory_space<semaphore_mem>>) src(%dma_wait3A_153 : memref<128xi32, #tpu.memory_space<hbm>>) dst(%arg9 : memref<128xi32, #tpu.memory_space<vmem>>)
        tpu.yield
      }) : () -> ()
      %run_scoped3A_103 = arith.constant 1 : i32
      "tpu.region"() ({
        %run_scoped3A_145 = tpu.sem_alloc : memref<!tpu.dma_semaphore, #tpu.memory_space<semaphore_mem>>
        %dma_start3A_146 = tpu.memref_slice %arg2[%run_scoped3A_103, %add3A_102] : memref<2x320000xi32, #tpu.memory_space<hbm>> -> memref<1x128xi32, #tpu.memory_space<hbm>>
        %dma_start3A_147 = tpu.memref_squeeze %dma_start3A_146 : memref<1x128xi32, #tpu.memory_space<hbm>> -> memref<128xi32, #tpu.memory_space<hbm>>
        %dma_start3A_148 = tpu.memref_slice %arg2[%run_scoped3A_103, %add3A_102] : memref<2x320000xi32, #tpu.memory_space<hbm>> -> memref<1x128xi32, #tpu.memory_space<hbm>>
        %dma_start3A_149 = tpu.memref_squeeze %dma_start3A_148 : memref<1x128xi32, #tpu.memory_space<hbm>> -> memref<128xi32, #tpu.memory_space<hbm>>
        tpu.enqueue_dma source(%dma_start3A_149 : memref<128xi32, #tpu.memory_space<hbm>>) target(%arg11 : memref<128xi32, #tpu.memory_space<vmem>>) target_semaphore(%run_scoped3A_145 : memref<!tpu.dma_semaphore, #tpu.memory_space<semaphore_mem>>)
        %dma_wait3A_150 = tpu.memref_slice %arg2[%run_scoped3A_103, %add3A_102] : memref<2x320000xi32, #tpu.memory_space<hbm>> -> memref<1x128xi32, #tpu.memory_space<hbm>>
        %dma_wait3A_151 = tpu.memref_squeeze %dma_wait3A_150 : memref<1x128xi32, #tpu.memory_space<hbm>> -> memref<128xi32, #tpu.memory_space<hbm>>
        %dma_wait3A_152 = tpu.memref_slice %arg2[%run_scoped3A_103, %add3A_102] : memref<2x320000xi32, #tpu.memory_space<hbm>> -> memref<1x128xi32, #tpu.memory_space<hbm>>
        %dma_wait3A_153 = tpu.memref_squeeze %dma_wait3A_152 : memref<1x128xi32, #tpu.memory_space<hbm>> -> memref<128xi32, #tpu.memory_space<hbm>>
        tpu.wait_dma2 semaphore(%run_scoped3A_145 : memref<!tpu.dma_semaphore, #tpu.memory_space<semaphore_mem>>) src(%dma_wait3A_153 : memref<128xi32, #tpu.memory_space<hbm>>) dst(%arg11 : memref<128xi32, #tpu.memory_space<vmem>>)
        tpu.yield
      }) : () -> ()
      "tpu.region"() ({
        %run_scoped3A_145 = tpu.sem_alloc : memref<!tpu.dma_semaphore, #tpu.memory_space<semaphore_mem>>
        %dma_start3A_146 = tpu.memref_slice %arg3[%add3A_102] : memref<320000xi32, #tpu.memory_space<hbm>> -> memref<128xi32, #tpu.memory_space<hbm>>
        %dma_start3A_147 = tpu.memref_slice %arg3[%add3A_102] : memref<320000xi32, #tpu.memory_space<hbm>> -> memref<128xi32, #tpu.memory_space<hbm>>
        tpu.enqueue_dma source(%dma_start3A_147 : memref<128xi32, #tpu.memory_space<hbm>>) target(%arg13 : memref<128xi32, #tpu.memory_space<vmem>>) target_semaphore(%run_scoped3A_145 : memref<!tpu.dma_semaphore, #tpu.memory_space<semaphore_mem>>)
        %dma_wait3A_148 = tpu.memref_slice %arg3[%add3A_102] : memref<320000xi32, #tpu.memory_space<hbm>> -> memref<128xi32, #tpu.memory_space<hbm>>
        %dma_wait3A_149 = tpu.memref_slice %arg3[%add3A_102] : memref<320000xi32, #tpu.memory_space<hbm>> -> memref<128xi32, #tpu.memory_space<hbm>>
        tpu.wait_dma2 semaphore(%run_scoped3A_145 : memref<!tpu.dma_semaphore, #tpu.memory_space<semaphore_mem>>) src(%dma_wait3A_149 : memref<128xi32, #tpu.memory_space<hbm>>) dst(%arg13 : memref<128xi32, #tpu.memory_space<vmem>>)
        tpu.yield
      }) : () -> ()
      %scan3A_104 = arith.constant 0 : i32
      %scan3A_105 = arith.constant 0 : i32
      %scan3A_106 = arith.constant 8 : i32
      %scan3A_107 = arith.addi %scan3A_105, %scan3A_106 : i32
      %scan3A_108 = arith.constant 1 : i32
      scf.for %scan3A_145 = %scan3A_105 to %scan3A_107 step %scan3A_108  : i32 {
        %mul3A_146 = arith.constant 16 : i32
        %mul3A_147 = arith.muli %scan3A_145, %mul3A_146 : i32
        %get3A = arith.index_cast %mul3A_147 : i32 to index
        %get3A_148 = tpu.vector_load %arg9[%get3A] {strides = array<i32>} : memref<128xi32, #tpu.memory_space<vmem>>, vector<16xi32>,
        %get3A_149 = vector.shape_cast %get3A_148 : vector<16xi32> to vector<16xi32>
        %get3A_150 = arith.index_cast %mul3A_147 : i32 to index
        %get3A_151 = tpu.vector_load %arg11[%get3A_150] {strides = array<i32>} : memref<128xi32, #tpu.memory_space<vmem>>, vector<16xi32>,
        %get3A_152 = vector.shape_cast %get3A_151 : vector<16xi32> to vector<16xi32>
        %get3A_153 = arith.index_cast %mul3A_147 : i32 to index
        %get3A_154 = tpu.vector_load %arg13[%get3A_153] {strides = array<i32>} : memref<128xi32, #tpu.memory_space<vmem>>, vector<16xi32>,
        %get3A_155 = vector.shape_cast %get3A_154 : vector<16xi32> to vector<16xi32>
        %mul3A_156 = arith.constant 8 : i32
        %mul3A_157 = vector.broadcast %mul3A_156 : i32 to vector<16xi32>
        %mul3A_158 = arith.muli %get3A_149, %mul3A_157 : vector<16xi32>
        %add3A_159 = arith.addi %mul3A_158, %get3A_155 : vector<16xi32>
        %mul3A_160 = arith.constant 8 : i32
        %mul3A_161 = vector.broadcast %mul3A_160 : i32 to vector<16xi32>
        %mul3A_162 = arith.muli %get3A_152, %mul3A_161 : vector<16xi32>
        %add3A_163 = arith.addi %mul3A_162, %get3A_155 : vector<16xi32>
        %swap3A = arith.index_cast %mul3A_147 : i32 to index
        %swap3A_164 = tpu.vector_load %arg15[%swap3A] {strides = array<i32>} : memref<128xi32, #tpu.memory_space<vmem>>, vector<16xi32>,
        %swap3A_165 = vector.shape_cast %swap3A_164 : vector<16xi32> to vector<16xi32>
        %swap3A_166 = vector.shape_cast %add3A_159 : vector<16xi32> to vector<16xi32>
        tpu.vector_store %arg15[%swap3A], %swap3A_166 {strides = array<i32>} : memref<128xi32, #tpu.memory_space<vmem>>, vector<16xi32>,
        %swap3A_167 = arith.index_cast %mul3A_147 : i32 to index
        %swap3A_168 = tpu.vector_load %arg17[%swap3A_167] {strides = array<i32>} : memref<128xi32, #tpu.memory_space<vmem>>, vector<16xi32>,
        %swap3A_169 = vector.shape_cast %swap3A_168 : vector<16xi32> to vector<16xi32>
        %swap3A_170 = vector.shape_cast %get3A_152 : vector<16xi32> to vector<16xi32>
        tpu.vector_store %arg17[%swap3A_167], %swap3A_170 {strides = array<i32>} : memref<128xi32, #tpu.memory_space<vmem>>, vector<16xi32>,
        %mul3A_171 = arith.constant 4 : i32
        %mul3A_172 = vector.broadcast %mul3A_171 : i32 to vector<16xi32>
        %mul3A_173 = arith.muli %add3A_159, %mul3A_172 : vector<16xi32>
        %add3A_174 = arith.constant 0 : i32
        %add3A_175 = vector.broadcast %add3A_174 : i32 to vector<16xi32>
        %add3A_176 = arith.addi %mul3A_173, %add3A_175 : vector<16xi32>
        %swap3A_177 = arith.index_cast %mul3A_147 : i32 to index
        %swap3A_178 = tpu.vector_load %arg19[%swap3A_177] {strides = array<i32>} : memref<128xi32, #tpu.memory_space<vmem>>, vector<16xi32>,
        %swap3A_179 = vector.shape_cast %swap3A_178 : vector<16xi32> to vector<16xi32>
        %swap3A_180 = vector.shape_cast %add3A_176 : vector<16xi32> to vector<16xi32>
        tpu.vector_store %arg19[%swap3A_177], %swap3A_180 {strides = array<i32>} : memref<128xi32, #tpu.memory_space<vmem>>, vector<16xi32>,
        %mul3A_181 = arith.constant 4 : i32
        %mul3A_182 = vector.broadcast %mul3A_181 : i32 to vector<16xi32>
        %mul3A_183 = arith.muli %add3A_163, %mul3A_182 : vector<16xi32>
        %add3A_184 = arith.constant 2 : i32
        %add3A_185 = vector.broadcast %add3A_184 : i32 to vector<16xi32>
        %add3A_186 = arith.addi %mul3A_183, %add3A_185 : vector<16xi32>
        %swap3A_187 = arith.index_cast %mul3A_147 : i32 to index
        %swap3A_188 = tpu.vector_load %arg23[%swap3A_187] {strides = array<i32>} : memref<128xi32, #tpu.memory_space<vmem>>, vector<16xi32>,
        %swap3A_189 = vector.shape_cast %swap3A_188 : vector<16xi32> to vector<16xi32>
        %swap3A_190 = vector.shape_cast %add3A_186 : vector<16xi32> to vector<16xi32>
        tpu.vector_store %arg23[%swap3A_187], %swap3A_190 {strides = array<i32>} : memref<128xi32, #tpu.memory_space<vmem>>, vector<16xi32>,
        %mul3A_191 = arith.constant 4 : i32
        %mul3A_192 = vector.broadcast %mul3A_191 : i32 to vector<16xi32>
        %mul3A_193 = arith.muli %add3A_159, %mul3A_192 : vector<16xi32>
        %add3A_194 = arith.constant 1 : i32
        %add3A_195 = vector.broadcast %add3A_194 : i32 to vector<16xi32>
        %add3A_196 = arith.addi %mul3A_193, %add3A_195 : vector<16xi32>
        %swap3A_197 = arith.index_cast %mul3A_147 : i32 to index
        %swap3A_198 = tpu.vector_load %arg20[%swap3A_197] {strides = array<i32>} : memref<128xi32, #tpu.memory_space<vmem>>, vector<16xi32>,
        %swap3A_199 = vector.shape_cast %swap3A_198 : vector<16xi32> to vector<16xi32>
        %swap3A_200 = vector.shape_cast %add3A_196 : vector<16xi32> to vector<16xi32>
        tpu.vector_store %arg20[%swap3A_197], %swap3A_200 {strides = array<i32>} : memref<128xi32, #tpu.memory_space<vmem>>, vector<16xi32>,
        %mul3A_201 = arith.constant 4 : i32
        %mul3A_202 = vector.broadcast %mul3A_201 : i32 to vector<16xi32>
        %mul3A_203 = arith.muli %add3A_163, %mul3A_202 : vector<16xi32>
        %add3A_204 = arith.constant 3 : i32
        %add3A_205 = vector.broadcast %add3A_204 : i32 to vector<16xi32>
        %add3A_206 = arith.addi %mul3A_203, %add3A_205 : vector<16xi32>
        %swap3A_207 = arith.index_cast %mul3A_147 : i32 to index
        %swap3A_208 = tpu.vector_load %arg24[%swap3A_207] {strides = array<i32>} : memref<128xi32, #tpu.memory_space<vmem>>, vector<16xi32>,
        %swap3A_209 = vector.shape_cast %swap3A_208 : vector<16xi32> to vector<16xi32>
        %swap3A_210 = vector.shape_cast %add3A_206 : vector<16xi32> to vector<16xi32>
        tpu.vector_store %arg24[%swap3A_207], %swap3A_210 {strides = array<i32>} : memref<128xi32, #tpu.memory_space<vmem>>, vector<16xi32>,
        %mul3A_211 = arith.constant 4 : i32
        %mul3A_212 = vector.broadcast %mul3A_211 : i32 to vector<16xi32>
        %mul3A_213 = arith.muli %get3A_152, %mul3A_212 : vector<16xi32>
        %add3A_214 = arith.constant 0 : i32
        %add3A_215 = vector.broadcast %add3A_214 : i32 to vector<16xi32>
        %add3A_216 = arith.addi %mul3A_213, %add3A_215 : vector<16xi32>
        %swap3A_217 = arith.index_cast %mul3A_147 : i32 to index
        %swap3A_218 = tpu.vector_load %arg27[%swap3A_217] {strides = array<i32>} : memref<128xi32, #tpu.memory_space<vmem>>, vector<16xi32>,
        %swap3A_219 = vector.shape_cast %swap3A_218 : vector<16xi32> to vector<16xi32>
        %swap3A_220 = vector.shape_cast %add3A_216 : vector<16xi32> to vector<16xi32>
        tpu.vector_store %arg27[%swap3A_217], %swap3A_220 {strides = array<i32>} : memref<128xi32, #tpu.memory_space<vmem>>, vector<16xi32>,
        %mul3A_221 = arith.constant 4 : i32
        %mul3A_222 = vector.broadcast %mul3A_221 : i32 to vector<16xi32>
        %mul3A_223 = arith.muli %get3A_152, %mul3A_222 : vector<16xi32>
        %add3A_224 = arith.constant 1 : i32
        %add3A_225 = vector.broadcast %add3A_224 : i32 to vector<16xi32>
        %add3A_226 = arith.addi %mul3A_223, %add3A_225 : vector<16xi32>
        %swap3A_227 = arith.index_cast %mul3A_147 : i32 to index
        %swap3A_228 = tpu.vector_load %arg28[%swap3A_227] {strides = array<i32>} : memref<128xi32, #tpu.memory_space<vmem>>, vector<16xi32>,
        %swap3A_229 = vector.shape_cast %swap3A_228 : vector<16xi32> to vector<16xi32>
        %swap3A_230 = vector.shape_cast %add3A_226 : vector<16xi32> to vector<16xi32>
        tpu.vector_store %arg28[%swap3A_227], %swap3A_230 {strides = array<i32>} : memref<128xi32, #tpu.memory_space<vmem>>, vector<16xi32>,
        %mul3A_231 = arith.constant 4 : i32
        %mul3A_232 = vector.broadcast %mul3A_231 : i32 to vector<16xi32>
        %mul3A_233 = arith.muli %get3A_152, %mul3A_232 : vector<16xi32>
        %add3A_234 = arith.constant 2 : i32
        %add3A_235 = vector.broadcast %add3A_234 : i32 to vector<16xi32>
        %add3A_236 = arith.addi %mul3A_233, %add3A_235 : vector<16xi32>
        %swap3A_237 = arith.index_cast %mul3A_147 : i32 to index
        %swap3A_238 = tpu.vector_load %arg29[%swap3A_237] {strides = array<i32>} : memref<128xi32, #tpu.memory_space<vmem>>, vector<16xi32>,
        %swap3A_239 = vector.shape_cast %swap3A_238 : vector<16xi32> to vector<16xi32>
        %swap3A_240 = vector.shape_cast %add3A_236 : vector<16xi32> to vector<16xi32>
        tpu.vector_store %arg29[%swap3A_237], %swap3A_240 {strides = array<i32>} : memref<128xi32, #tpu.memory_space<vmem>>, vector<16xi32>,
        %mul3A_241 = arith.constant 4 : i32
        %mul3A_242 = vector.broadcast %mul3A_241 : i32 to vector<16xi32>
        %mul3A_243 = arith.muli %get3A_152, %mul3A_242 : vector<16xi32>
        %add3A_244 = arith.constant 3 : i32
        %add3A_245 = vector.broadcast %add3A_244 : i32 to vector<16xi32>
        %add3A_246 = arith.addi %mul3A_243, %add3A_245 : vector<16xi32>
        %swap3A_247 = arith.index_cast %mul3A_147 : i32 to index
        %swap3A_248 = tpu.vector_load %arg30[%swap3A_247] {strides = array<i32>} : memref<128xi32, #tpu.memory_space<vmem>>, vector<16xi32>,
        %swap3A_249 = vector.shape_cast %swap3A_248 : vector<16xi32> to vector<16xi32>
        %swap3A_250 = vector.shape_cast %add3A_246 : vector<16xi32> to vector<16xi32>
        tpu.vector_store %arg30[%swap3A_247], %swap3A_250 {strides = array<i32>} : memref<128xi32, #tpu.memory_space<vmem>>, vector<16xi32>,
      }
      %scan3A_109 = arith.constant 8 : i32
      %dma_start3A_110 = arith.constant 0 : i32
      %dma_start3A_111 = arith.constant 0 : i32
      %dma_start3A_112 = tpu.memref_slice %arg4[%dma_start3A_110, %dma_start3A_111] : memref<80000x128xf32, #tpu.memory_space<hbm>> -> memref<80000x128xf32, #tpu.memory_space<hbm>>
      tpu.enqueue_indirect_dma source(%dma_start3A_112 : memref<80000x128xf32, #tpu.memory_space<hbm>>) target(%arg51 : memref<128x128xf32, #tpu.memory_space<vmem>>) offsets(%arg15 : memref<128xi32, #tpu.memory_space<vmem>>) semaphore(%arg57 : memref<!tpu.dma_semaphore, #tpu.memory_space<semaphore_mem>>)
      %dma_start3A_113 = arith.constant 0 : i32
      %dma_start3A_114 = tpu.memref_slice %arg5[%dma_start3A_113] : memref<320000xi32, #tpu.memory_space<hbm>> -> memref<320000xi32, #tpu.memory_space<hbm>>
      tpu.enqueue_indirect_dma source(%dma_start3A_114 : memref<320000xi32, #tpu.memory_space<hbm>>) target(%arg35 : memref<128xi32, #tpu.memory_space<vmem>>) offsets(%arg19 : memref<128xi32, #tpu.memory_space<vmem>>) semaphore(%arg57 : memref<!tpu.dma_semaphore, #tpu.memory_space<semaphore_mem>>)
      %dma_start3A_115 = arith.constant 0 : i32
      %dma_start3A_116 = tpu.memref_slice %arg5[%dma_start3A_115] : memref<320000xi32, #tpu.memory_space<hbm>> -> memref<320000xi32, #tpu.memory_space<hbm>>
      tpu.enqueue_indirect_dma source(%dma_start3A_116 : memref<320000xi32, #tpu.memory_space<hbm>>) target(%arg39 : memref<128xi32, #tpu.memory_space<vmem>>) offsets(%arg23 : memref<128xi32, #tpu.memory_space<vmem>>) semaphore(%arg57 : memref<!tpu.dma_semaphore, #tpu.memory_space<semaphore_mem>>)
      %dma_start3A_117 = arith.constant 0 : i32
      %dma_start3A_118 = tpu.memref_slice %arg5[%dma_start3A_117] : memref<320000xi32, #tpu.memory_space<hbm>> -> memref<320000xi32, #tpu.memory_space<hbm>>
      tpu.enqueue_indirect_dma source(%dma_start3A_118 : memref<320000xi32, #tpu.memory_space<hbm>>) target(%arg36 : memref<128xi32, #tpu.memory_space<vmem>>) offsets(%arg20 : memref<128xi32, #tpu.memory_space<vmem>>) semaphore(%arg57 : memref<!tpu.dma_semaphore, #tpu.memory_space<semaphore_mem>>)
      %dma_start3A_119 = arith.constant 0 : i32
      %dma_start3A_120 = tpu.memref_slice %arg5[%dma_start3A_119] : memref<320000xi32, #tpu.memory_space<hbm>> -> memref<320000xi32, #tpu.memory_space<hbm>>
      tpu.enqueue_indirect_dma source(%dma_start3A_120 : memref<320000xi32, #tpu.memory_space<hbm>>) target(%arg40 : memref<128xi32, #tpu.memory_space<vmem>>) offsets(%arg24 : memref<128xi32, #tpu.memory_space<vmem>>) semaphore(%arg57 : memref<!tpu.dma_semaphore, #tpu.memory_space<semaphore_mem>>)
      %dma_wait3A_121 = arith.constant 0 : i32
      %dma_wait3A_122 = arith.constant 0 : i32
      %dma_wait3A_123 = tpu.memref_slice %arg4[%dma_wait3A_121, %dma_wait3A_122] : memref<80000x128xf32, #tpu.memory_space<hbm>> -> memref<80000x128xf32, #tpu.memory_space<hbm>>
      tpu.wait_indirect_dma semaphore(%arg57 : memref<!tpu.dma_semaphore, #tpu.memory_space<semaphore_mem>>) src(%dma_wait3A_123 : memref<80000x128xf32, #tpu.memory_space<hbm>>) dst(%arg51 : memref<128x128xf32, #tpu.memory_space<vmem>>)
      %dma_wait3A_124 = arith.constant 0 : i32
      %dma_wait3A_125 = tpu.memref_slice %arg5[%dma_wait3A_124] : memref<320000xi32, #tpu.memory_space<hbm>> -> memref<320000xi32, #tpu.memory_space<hbm>>
      tpu.wait_indirect_dma semaphore(%arg57 : memref<!tpu.dma_semaphore, #tpu.memory_space<semaphore_mem>>) src(%dma_wait3A_125 : memref<320000xi32, #tpu.memory_space<hbm>>) dst(%arg35 : memref<128xi32, #tpu.memory_space<vmem>>)
      %dma_wait3A_126 = arith.constant 0 : i32
      %dma_wait3A_127 = tpu.memref_slice %arg5[%dma_wait3A_126] : memref<320000xi32, #tpu.memory_space<hbm>> -> memref<320000xi32, #tpu.memory_space<hbm>>
      tpu.wait_indirect_dma semaphore(%arg57 : memref<!tpu.dma_semaphore, #tpu.memory_space<semaphore_mem>>) src(%dma_wait3A_127 : memref<320000xi32, #tpu.memory_space<hbm>>) dst(%arg39 : memref<128xi32, #tpu.memory_space<vmem>>)
      %dma_wait3A_128 = arith.constant 0 : i32
      %dma_wait3A_129 = tpu.memref_slice %arg5[%dma_wait3A_128] : memref<320000xi32, #tpu.memory_space<hbm>> -> memref<320000xi32, #tpu.memory_space<hbm>>
      tpu.wait_indirect_dma semaphore(%arg57 : memref<!tpu.dma_semaphore, #tpu.memory_space<semaphore_mem>>) src(%dma_wait3A_129 : memref<320000xi32, #tpu.memory_space<hbm>>) dst(%arg36 : memref<128xi32, #tpu.memory_space<vmem>>)
      %dma_wait3A_130 = arith.constant 0 : i32
      %dma_wait3A_131 = tpu.memref_slice %arg5[%dma_wait3A_130] : memref<320000xi32, #tpu.memory_space<hbm>> -> memref<320000xi32, #tpu.memory_space<hbm>>
      tpu.wait_indirect_dma semaphore(%arg57 : memref<!tpu.dma_semaphore, #tpu.memory_space<semaphore_mem>>) src(%dma_wait3A_131 : memref<320000xi32, #tpu.memory_space<hbm>>) dst(%arg40 : memref<128xi32, #tpu.memory_space<vmem>>)
      %scan3A_132 = arith.constant 0 : i32
      %scan3A_133 = arith.constant -65536 : i32
      %scan3A_134 = arith.constant 0 : i32
      %scan3A_135 = arith.constant 8 : i32
      %scan3A_136 = arith.addi %scan3A_134, %scan3A_135 : i32
      %scan3A_137 = arith.constant 1 : i32
      scf.for %scan3A_145 = %scan3A_134 to %scan3A_136 step %scan3A_137  : i32 {
        %mul3A_146 = arith.constant 16 : i32
        %mul3A_147 = arith.muli %scan3A_145, %mul3A_146 : i32
        %get3A = arith.index_cast %mul3A_147 : i32 to index
        %get3A_148 = tpu.vector_load %arg35[%get3A] {strides = array<i32>} : memref<128xi32, #tpu.memory_space<vmem>>, vector<16xi32>,
        %get3A_149 = vector.shape_cast %get3A_148 : vector<16xi32> to vector<16xi32>
        %get3A_150 = arith.index_cast %mul3A_147 : i32 to index
        %get3A_151 = tpu.vector_load %arg39[%get3A_150] {strides = array<i32>} : memref<128xi32, #tpu.memory_space<vmem>>, vector<16xi32>,
        %get3A_152 = vector.shape_cast %get3A_151 : vector<16xi32> to vector<16xi32>
        %shift_left3A = arith.constant 16 : i32
        %shift_left3A_153 = vector.broadcast %shift_left3A : i32 to vector<16xi32>
        %shift_left3A_154 = arith.shli %get3A_149, %shift_left3A_153 : vector<16xi32>
        %bitcast_convert_type3A = tpu.bitcast %shift_left3A_154 : vector<16xi32> -> vector<16xf32>
        %and3A = vector.broadcast %scan3A_133 : i32 to vector<16xi32>
        %and3A_155 = arith.andi %get3A_149, %and3A : vector<16xi32>
        %bitcast_convert_type3A_156 = tpu.bitcast %and3A_155 : vector<16xi32> -> vector<16xf32>
        %shift_left3A_157 = arith.constant 16 : i32
        %shift_left3A_158 = vector.broadcast %shift_left3A_157 : i32 to vector<16xi32>
        %shift_left3A_159 = arith.shli %get3A_152, %shift_left3A_158 : vector<16xi32>
        %bitcast_convert_type3A_160 = tpu.bitcast %shift_left3A_159 : vector<16xi32> -> vector<16xf32>
        %and3A_161 = vector.broadcast %scan3A_133 : i32 to vector<16xi32>
        %and3A_162 = arith.andi %get3A_152, %and3A_161 : vector<16xi32>
        %bitcast_convert_type3A_163 = tpu.bitcast %and3A_162 : vector<16xi32> -> vector<16xf32>
        %get3A_164 = arith.index_cast %mul3A_147 : i32 to index
        %get3A_165 = tpu.vector_load %arg36[%get3A_164] {strides = array<i32>} : memref<128xi32, #tpu.memory_space<vmem>>, vector<16xi32>,
        %get3A_166 = vector.shape_cast %get3A_165 : vector<16xi32> to vector<16xi32>
        %get3A_167 = arith.index_cast %mul3A_147 : i32 to index
        %get3A_168 = tpu.vector_load %arg40[%get3A_167] {strides = array<i32>} : memref<128xi32, #tpu.memory_space<vmem>>, vector<16xi32>,
        %get3A_169 = vector.shape_cast %get3A_168 : vector<16xi32> to vector<16xi32>
        %shift_left3A_170 = arith.constant 16 : i32
        %shift_left3A_171 = vector.broadcast %shift_left3A_170 : i32 to vector<16xi32>
        %shift_left3A_172 = arith.shli %get3A_166, %shift_left3A_171 : vector<16xi32>
        %bitcast_convert_type3A_173 = tpu.bitcast %shift_left3A_172 : vector<16xi32> -> vector<16xf32>
        %and3A_174 = vector.broadcast %scan3A_133 : i32 to vector<16xi32>
        %and3A_175 = arith.andi %get3A_166, %and3A_174 : vector<16xi32>
        %bitcast_convert_type3A_176 = tpu.bitcast %and3A_175 : vector<16xi32> -> vector<16xf32>
        %shift_left3A_177 = arith.constant 16 : i32
        %shift_left3A_178 = vector.broadcast %shift_left3A_177 : i32 to vector<16xi32>
        %shift_left3A_179 = arith.shli %get3A_169, %shift_left3A_178 : vector<16xi32>
        %bitcast_convert_type3A_180 = tpu.bitcast %shift_left3A_179 : vector<16xi32> -> vector<16xf32>
        %and3A_181 = vector.broadcast %scan3A_133 : i32 to vector<16xi32>
        %and3A_182 = arith.andi %get3A_169, %and3A_181 : vector<16xi32>
        %bitcast_convert_type3A_183 = tpu.bitcast %and3A_182 : vector<16xi32> -> vector<16xf32>
        %add3A_184 = arith.addf %bitcast_convert_type3A, %bitcast_convert_type3A_160 : vector<16xf32>
        %mul3A_185 = arith.constant 2.000000e-01 : f32
        %mul3A_186 = vector.broadcast %mul3A_185 : f32 to vector<16xf32>
        %mul3A_187 = arith.mulf %mul3A_186, %add3A_184 : vector<16xf32>
        %max3A = arith.maximumf %add3A_184, %mul3A_187 : vector<16xf32>
        %exp3A = math.exp %max3A : vector<16xf32>
        %swap3A = arith.index_cast %mul3A_147 : i32 to index
        %swap3A_188 = tpu.vector_load %arg43[%swap3A] {strides = array<i32>} : memref<128xf32, #tpu.memory_space<vmem>>, vector<16xf32>,
        %swap3A_189 = vector.shape_cast %swap3A_188 : vector<16xf32> to vector<16xf32>
        %swap3A_190 = vector.shape_cast %exp3A : vector<16xf32> to vector<16xf32>
        tpu.vector_store %arg43[%swap3A], %swap3A_190 {strides = array<i32>} : memref<128xf32, #tpu.memory_space<vmem>>, vector<16xf32>,
        %add3A_191 = arith.addf %bitcast_convert_type3A_156, %bitcast_convert_type3A_163 : vector<16xf32>
        %mul3A_192 = arith.constant 2.000000e-01 : f32
        %mul3A_193 = vector.broadcast %mul3A_192 : f32 to vector<16xf32>
        %mul3A_194 = arith.mulf %mul3A_193, %add3A_191 : vector<16xf32>
        %max3A_195 = arith.maximumf %add3A_191, %mul3A_194 : vector<16xf32>
        %exp3A_196 = math.exp %max3A_195 : vector<16xf32>
        %swap3A_197 = arith.index_cast %mul3A_147 : i32 to index
        %swap3A_198 = tpu.vector_load %arg44[%swap3A_197] {strides = array<i32>} : memref<128xf32, #tpu.memory_space<vmem>>, vector<16xf32>,
        %swap3A_199 = vector.shape_cast %swap3A_198 : vector<16xf32> to vector<16xf32>
        %swap3A_200 = vector.shape_cast %exp3A_196 : vector<16xf32> to vector<16xf32>
        tpu.vector_store %arg44[%swap3A_197], %swap3A_200 {strides = array<i32>} : memref<128xf32, #tpu.memory_space<vmem>>, vector<16xf32>,
        %add3A_201 = arith.addf %bitcast_convert_type3A_173, %bitcast_convert_type3A_180 : vector<16xf32>
        %mul3A_202 = arith.constant 2.000000e-01 : f32
        %mul3A_203 = vector.broadcast %mul3A_202 : f32 to vector<16xf32>
        %mul3A_204 = arith.mulf %mul3A_203, %add3A_201 : vector<16xf32>
        %max3A_205 = arith.maximumf %add3A_201, %mul3A_204 : vector<16xf32>
        %exp3A_206 = math.exp %max3A_205 : vector<16xf32>
        %swap3A_207 = arith.index_cast %mul3A_147 : i32 to index
        %swap3A_208 = tpu.vector_load %arg45[%swap3A_207] {strides = array<i32>} : memref<128xf32, #tpu.memory_space<vmem>>, vector<16xf32>,
        %swap3A_209 = vector.shape_cast %swap3A_208 : vector<16xf32> to vector<16xf32>
        %swap3A_210 = vector.shape_cast %exp3A_206 : vector<16xf32> to vector<16xf32>
        tpu.vector_store %arg45[%swap3A_207], %swap3A_210 {strides = array<i32>} : memref<128xf32, #tpu.memory_space<vmem>>, vector<16xf32>,
        %add3A_211 = arith.addf %bitcast_convert_type3A_176, %bitcast_convert_type3A_183 : vector<16xf32>
        %mul3A_212 = arith.constant 2.000000e-01 : f32
        %mul3A_213 = vector.broadcast %mul3A_212 : f32 to vector<16xf32>
        %mul3A_214 = arith.mulf %mul3A_213, %add3A_211 : vector<16xf32>
        %max3A_215 = arith.maximumf %add3A_211, %mul3A_214 : vector<16xf32>
        %exp3A_216 = math.exp %max3A_215 : vector<16xf32>
        %swap3A_217 = arith.index_cast %mul3A_147 : i32 to index
        %swap3A_218 = tpu.vector_load %arg46[%swap3A_217] {strides = array<i32>} : memref<128xf32, #tpu.memory_space<vmem>>, vector<16xf32>,
        %swap3A_219 = vector.shape_cast %swap3A_218 : vector<16xf32> to vector<16xf32>
        %swap3A_220 = vector.shape_cast %exp3A_216 : vector<16xf32> to vector<16xf32>
        tpu.vector_store %arg46[%swap3A_217], %swap3A_220 {strides = array<i32>} : memref<128xf32, #tpu.memory_space<vmem>>, vector<16xf32>,
      }
      %scan3A_138 = arith.constant 8 : i32
      %scan3A_139 = arith.constant 0 : i32
      %scan3A_140 = arith.constant 0 : i32
      %scan3A_141 = arith.constant 8 : i32
      %scan3A_142 = arith.addi %scan3A_140, %scan3A_141 : i32
      %scan3A_143 = arith.constant 1 : i32
      scf.for %scan3A_145 = %scan3A_140 to %scan3A_142 step %scan3A_143  : i32 {
        %mul3A_146 = arith.constant 16 : i32
        %mul3A_147 = arith.muli %scan3A_145, %mul3A_146 : i32
        %get3A = arith.index_cast %mul3A_147 : i32 to index
        %get3A_148 = tpu.vector_load %arg43[%get3A] {strides = array<i32>} : memref<128xf32, #tpu.memory_space<vmem>>, vector<16xf32>,
        %get3A_149 = vector.shape_cast %get3A_148 : vector<16xf32> to vector<16xf32>
        %mul3A_150 = arith.constant 16 : i32
        %mul3A_151 = arith.muli %scan3A_145, %mul3A_150 : i32
        %get3A_152 = arith.index_cast %mul3A_151 : i32 to index
        %get3A_153 = tpu.vector_load %arg44[%get3A_152] {strides = array<i32>} : memref<128xf32, #tpu.memory_space<vmem>>, vector<16xf32>,
        %get3A_154 = vector.shape_cast %get3A_153 : vector<16xf32> to vector<16xf32>
        %mul3A_155 = arith.constant 16 : i32
        %mul3A_156 = arith.muli %scan3A_145, %mul3A_155 : i32
        %get3A_157 = arith.index_cast %mul3A_156 : i32 to index
        %get3A_158 = tpu.vector_load %arg45[%get3A_157] {strides = array<i32>} : memref<128xf32, #tpu.memory_space<vmem>>, vector<16xf32>,
        %get3A_159 = vector.shape_cast %get3A_158 : vector<16xf32> to vector<16xf32>
        %mul3A_160 = arith.constant 16 : i32
        %mul3A_161 = arith.muli %scan3A_145, %mul3A_160 : i32
        %get3A_162 = arith.index_cast %mul3A_161 : i32 to index
        %get3A_163 = tpu.vector_load %arg46[%get3A_162] {strides = array<i32>} : memref<128xf32, #tpu.memory_space<vmem>>, vector<16xf32>,
        %get3A_164 = vector.shape_cast %get3A_163 : vector<16xf32> to vector<16xf32>
        %scan3A_165 = arith.constant 0 : i32
        %scan3A_166 = arith.constant 16 : i32
        %scan3A_167 = arith.addi %scan3A_165, %scan3A_166 : i32
        %scan3A_168 = arith.constant 1 : i32
        scf.for %scan3A_170 = %scan3A_165 to %scan3A_167 step %scan3A_168  : i32 {
          %mul3A_171 = arith.constant 16 : i32
          %mul3A_172 = arith.muli %scan3A_145, %mul3A_171 : i32
          %add3A_173 = arith.addi %mul3A_172, %scan3A_170 : i32
          %broadcast_in_dim3A = vector.broadcast %scan3A_170 : i32 to vector<16xi32>
          %lt3A_174 = arith.constant 0 : i32
          %lt3A_175 = vector.broadcast %lt3A_174 : i32 to vector<16xi32>
          %lt3A_176 = arith.cmpi slt, %broadcast_in_dim3A, %lt3A_175 : vector<16xi32>
          %add3A_177 = arith.constant 16 : i32
          %add3A_178 = vector.broadcast %add3A_177 : i32 to vector<16xi32>
          %add3A_179 = arith.addi %broadcast_in_dim3A, %add3A_178 : vector<16xi32>
          %select_n3A = arith.select %lt3A_176, %add3A_179, %broadcast_in_dim3A : vector<16xi1>, vector<16xi32>
          %broadcast_in_dim3A_180 = vector.shape_cast %select_n3A : vector<16xi32> to vector<16x1xi32>
          %gather3A = vector.shape_cast %broadcast_in_dim3A_180 : vector<16x1xi32> to vector<16xi32>
          %gather3A_181 = tpu.dynamic_gather %get3A_149[%gather3A] in [0] : vector<16xf32>, vector<16xi32> -> vector<16xf32>
          %get3A_182 = arith.index_cast %add3A_173 : i32 to index
          %get3A_183 = arith.constant 0 : index
          %get3A_184 = tpu.vector_load %arg51[%get3A_182, %get3A_183] {strides = array<i32>} : memref<128x128xf32, #tpu.memory_space<vmem>>, vector<1x16xf32>,
          %get3A_185 = vector.shape_cast %get3A_184 : vector<1x16xf32> to vector<16xf32>
          %mul3A_186 = arith.mulf %get3A_185, %gather3A_181 : vector<16xf32>
          %swap3A = arith.index_cast %add3A_173 : i32 to index
          %swap3A_187 = arith.constant 0 : index
          %swap3A_188 = tpu.vector_load %arg51[%swap3A, %swap3A_187] {strides = array<i32>} : memref<128x128xf32, #tpu.memory_space<vmem>>, vector<1x16xf32>,
          %swap3A_189 = vector.shape_cast %swap3A_188 : vector<1x16xf32> to vector<16xf32>
          %swap3A_190 = vector.shape_cast %mul3A_186 : vector<16xf32> to vector<1x16xf32>
          tpu.vector_store %arg51[%swap3A, %swap3A_187], %swap3A_190 {strides = array<i32>} : memref<128x128xf32, #tpu.memory_space<vmem>>, vector<1x16xf32>,
          %get3A_191 = arith.index_cast %add3A_173 : i32 to index
          %get3A_192 = arith.constant 16 : index
          %get3A_193 = tpu.vector_load %arg51[%get3A_191, %get3A_192] {strides = array<i32>} : memref<128x128xf32, #tpu.memory_space<vmem>>, vector<1x16xf32>,
          %get3A_194 = vector.shape_cast %get3A_193 : vector<1x16xf32> to vector<16xf32>
          %mul3A_195 = arith.mulf %get3A_194, %gather3A_181 : vector<16xf32>
          %swap3A_196 = arith.index_cast %add3A_173 : i32 to index
          %swap3A_197 = arith.constant 16 : index
          %swap3A_198 = tpu.vector_load %arg51[%swap3A_196, %swap3A_197] {strides = array<i32>} : memref<128x128xf32, #tpu.memory_space<vmem>>, vector<1x16xf32>,
          %swap3A_199 = vector.shape_cast %swap3A_198 : vector<1x16xf32> to vector<16xf32>
          %swap3A_200 = vector.shape_cast %mul3A_195 : vector<16xf32> to vector<1x16xf32>
          tpu.vector_store %arg51[%swap3A_196, %swap3A_197], %swap3A_200 {strides = array<i32>} : memref<128x128xf32, #tpu.memory_space<vmem>>, vector<1x16xf32>,
          %lt3A_201 = arith.constant 0 : i32
          %lt3A_202 = vector.broadcast %lt3A_201 : i32 to vector<16xi32>
          %lt3A_203 = arith.cmpi slt, %broadcast_in_dim3A, %lt3A_202 : vector<16xi32>
          %add3A_204 = arith.constant 16 : i32
          %add3A_205 = vector.broadcast %add3A_204 : i32 to vector<16xi32>
          %add3A_206 = arith.addi %broadcast_in_dim3A, %add3A_205 : vector<16xi32>
          %select_n3A_207 = arith.select %lt3A_203, %add3A_206, %broadcast_in_dim3A : vector<16xi1>, vector<16xi32>
          %broadcast_in_dim3A_208 = vector.shape_cast %select_n3A_207 : vector<16xi32> to vector<16x1xi32>
          %gather3A_209 = vector.shape_cast %broadcast_in_dim3A_208 : vector<16x1xi32> to vector<16xi32>
          %gather3A_210 = tpu.dynamic_gather %get3A_154[%gather3A_209] in [0] : vector<16xf32>, vector<16xi32> -> vector<16xf32>
          %get3A_211 = arith.index_cast %add3A_173 : i32 to index
          %get3A_212 = arith.constant 32 : index
          %get3A_213 = tpu.vector_load %arg51[%get3A_211, %get3A_212] {strides = array<i32>} : memref<128x128xf32, #tpu.memory_space<vmem>>, vector<1x16xf32>,
          %get3A_214 = vector.shape_cast %get3A_213 : vector<1x16xf32> to vector<16xf32>
          %mul3A_215 = arith.mulf %get3A_214, %gather3A_210 : vector<16xf32>
          %swap3A_216 = arith.index_cast %add3A_173 : i32 to index
          %swap3A_217 = arith.constant 32 : index
          %swap3A_218 = tpu.vector_load %arg51[%swap3A_216, %swap3A_217] {strides = array<i32>} : memref<128x128xf32, #tpu.memory_space<vmem>>, vector<1x16xf32>,
          %swap3A_219 = vector.shape_cast %swap3A_218 : vector<1x16xf32> to vector<16xf32>
          %swap3A_220 = vector.shape_cast %mul3A_215 : vector<16xf32> to vector<1x16xf32>
          tpu.vector_store %arg51[%swap3A_216, %swap3A_217], %swap3A_220 {strides = array<i32>} : memref<128x128xf32, #tpu.memory_space<vmem>>, vector<1x16xf32>,
          %get3A_221 = arith.index_cast %add3A_173 : i32 to index
          %get3A_222 = arith.constant 48 : index
          %get3A_223 = tpu.vector_load %arg51[%get3A_221, %get3A_222] {strides = array<i32>} : memref<128x128xf32, #tpu.memory_space<vmem>>, vector<1x16xf32>,
          %get3A_224 = vector.shape_cast %get3A_223 : vector<1x16xf32> to vector<16xf32>
          %mul3A_225 = arith.mulf %get3A_224, %gather3A_210 : vector<16xf32>
          %swap3A_226 = arith.index_cast %add3A_173 : i32 to index
          %swap3A_227 = arith.constant 48 : index
          %swap3A_228 = tpu.vector_load %arg51[%swap3A_226, %swap3A_227] {strides = array<i32>} : memref<128x128xf32, #tpu.memory_space<vmem>>, vector<1x16xf32>,
          %swap3A_229 = vector.shape_cast %swap3A_228 : vector<1x16xf32> to vector<16xf32>
          %swap3A_230 = vector.shape_cast %mul3A_225 : vector<16xf32> to vector<1x16xf32>
          tpu.vector_store %arg51[%swap3A_226, %swap3A_227], %swap3A_230 {strides = array<i32>} : memref<128x128xf32, #tpu.memory_space<vmem>>, vector<1x16xf32>,
          %lt3A_231 = arith.constant 0 : i32
          %lt3A_232 = vector.broadcast %lt3A_231 : i32 to vector<16xi32>
          %lt3A_233 = arith.cmpi slt, %broadcast_in_dim3A, %lt3A_232 : vector<16xi32>
          %add3A_234 = arith.constant 16 : i32
          %add3A_235 = vector.broadcast %add3A_234 : i32 to vector<16xi32>
          %add3A_236 = arith.addi %broadcast_in_dim3A, %add3A_235 : vector<16xi32>
          %select_n3A_237 = arith.select %lt3A_233, %add3A_236, %broadcast_in_dim3A : vector<16xi1>, vector<16xi32>
          %broadcast_in_dim3A_238 = vector.shape_cast %select_n3A_237 : vector<16xi32> to vector<16x1xi32>
          %gather3A_239 = vector.shape_cast %broadcast_in_dim3A_238 : vector<16x1xi32> to vector<16xi32>
          %gather3A_240 = tpu.dynamic_gather %get3A_159[%gather3A_239] in [0] : vector<16xf32>, vector<16xi32> -> vector<16xf32>
          %get3A_241 = arith.index_cast %add3A_173 : i32 to index
          %get3A_242 = arith.constant 64 : index
          %get3A_243 = tpu.vector_load %arg51[%get3A_241, %get3A_242] {strides = array<i32>} : memref<128x128xf32, #tpu.memory_space<vmem>>, vector<1x16xf32>,
          %get3A_244 = vector.shape_cast %get3A_243 : vector<1x16xf32> to vector<16xf32>
          %mul3A_245 = arith.mulf %get3A_244, %gather3A_240 : vector<16xf32>
          %swap3A_246 = arith.index_cast %add3A_173 : i32 to index
          %swap3A_247 = arith.constant 64 : index
          %swap3A_248 = tpu.vector_load %arg51[%swap3A_246, %swap3A_247] {strides = array<i32>} : memref<128x128xf32, #tpu.memory_space<vmem>>, vector<1x16xf32>,
          %swap3A_249 = vector.shape_cast %swap3A_248 : vector<1x16xf32> to vector<16xf32>
          %swap3A_250 = vector.shape_cast %mul3A_245 : vector<16xf32> to vector<1x16xf32>
          tpu.vector_store %arg51[%swap3A_246, %swap3A_247], %swap3A_250 {strides = array<i32>} : memref<128x128xf32, #tpu.memory_space<vmem>>, vector<1x16xf32>,
          %get3A_251 = arith.index_cast %add3A_173 : i32 to index
          %get3A_252 = arith.constant 80 : index
          %get3A_253 = tpu.vector_load %arg51[%get3A_251, %get3A_252] {strides = array<i32>} : memref<128x128xf32, #tpu.memory_space<vmem>>, vector<1x16xf32>,
          %get3A_254 = vector.shape_cast %get3A_253 : vector<1x16xf32> to vector<16xf32>
          %mul3A_255 = arith.mulf %get3A_254, %gather3A_240 : vector<16xf32>
          %swap3A_256 = arith.index_cast %add3A_173 : i32 to index
          %swap3A_257 = arith.constant 80 : index
          %swap3A_258 = tpu.vector_load %arg51[%swap3A_256, %swap3A_257] {strides = array<i32>} : memref<128x128xf32, #tpu.memory_space<vmem>>, vector<1x16xf32>,
          %swap3A_259 = vector.shape_cast %swap3A_258 : vector<1x16xf32> to vector<16xf32>
          %swap3A_260 = vector.shape_cast %mul3A_255 : vector<16xf32> to vector<1x16xf32>
          tpu.vector_store %arg51[%swap3A_256, %swap3A_257], %swap3A_260 {strides = array<i32>} : memref<128x128xf32, #tpu.memory_space<vmem>>, vector<1x16xf32>,
          %lt3A_261 = arith.constant 0 : i32
          %lt3A_262 = vector.broadcast %lt3A_261 : i32 to vector<16xi32>
          %lt3A_263 = arith.cmpi slt, %broadcast_in_dim3A, %lt3A_262 : vector<16xi32>
          %add3A_264 = arith.constant 16 : i32
          %add3A_265 = vector.broadcast %add3A_264 : i32 to vector<16xi32>
          %add3A_266 = arith.addi %broadcast_in_dim3A, %add3A_265 : vector<16xi32>
          %select_n3A_267 = arith.select %lt3A_263, %add3A_266, %broadcast_in_dim3A : vector<16xi1>, vector<16xi32>
          %broadcast_in_dim3A_268 = vector.shape_cast %select_n3A_267 : vector<16xi32> to vector<16x1xi32>
          %gather3A_269 = vector.shape_cast %broadcast_in_dim3A_268 : vector<16x1xi32> to vector<16xi32>
          %gather3A_270 = tpu.dynamic_gather %get3A_164[%gather3A_269] in [0] : vector<16xf32>, vector<16xi32> -> vector<16xf32>
          %get3A_271 = arith.index_cast %add3A_173 : i32 to index
          %get3A_272 = arith.constant 96 : index
          %get3A_273 = tpu.vector_load %arg51[%get3A_271, %get3A_272] {strides = array<i32>} : memref<128x128xf32, #tpu.memory_space<vmem>>, vector<1x16xf32>,
          %get3A_274 = vector.shape_cast %get3A_273 : vector<1x16xf32> to vector<16xf32>
          %mul3A_275 = arith.mulf %get3A_274, %gather3A_270 : vector<16xf32>
          %swap3A_276 = arith.index_cast %add3A_173 : i32 to index
          %swap3A_277 = arith.constant 96 : index
          %swap3A_278 = tpu.vector_load %arg51[%swap3A_276, %swap3A_277] {strides = array<i32>} : memref<128x128xf32, #tpu.memory_space<vmem>>, vector<1x16xf32>,
          %swap3A_279 = vector.shape_cast %swap3A_278 : vector<1x16xf32> to vector<16xf32>
          %swap3A_280 = vector.shape_cast %mul3A_275 : vector<16xf32> to vector<1x16xf32>
          tpu.vector_store %arg51[%swap3A_276, %swap3A_277], %swap3A_280 {strides = array<i32>} : memref<128x128xf32, #tpu.memory_space<vmem>>, vector<1x16xf32>,
          %get3A_281 = arith.index_cast %add3A_173 : i32 to index
          %get3A_282 = arith.constant 112 : index
          %get3A_283 = tpu.vector_load %arg51[%get3A_281, %get3A_282] {strides = array<i32>} : memref<128x128xf32, #tpu.memory_space<vmem>>, vector<1x16xf32>,
          %get3A_284 = vector.shape_cast %get3A_283 : vector<1x16xf32> to vector<16xf32>
          %mul3A_285 = arith.mulf %get3A_284, %gather3A_270 : vector<16xf32>
          %swap3A_286 = arith.index_cast %add3A_173 : i32 to index
          %swap3A_287 = arith.constant 112 : index
          %swap3A_288 = tpu.vector_load %arg51[%swap3A_286, %swap3A_287] {strides = array<i32>} : memref<128x128xf32, #tpu.memory_space<vmem>>, vector<1x16xf32>,
          %swap3A_289 = vector.shape_cast %swap3A_288 : vector<1x16xf32> to vector<16xf32>
          %swap3A_290 = vector.shape_cast %mul3A_285 : vector<16xf32> to vector<1x16xf32>
          tpu.vector_store %arg51[%swap3A_286, %swap3A_287], %swap3A_290 {strides = array<i32>} : memref<128x128xf32, #tpu.memory_space<vmem>>, vector<1x16xf32>,
        }
        %scan3A_169 = arith.constant 16 : i32
      }
      %scan3A_144 = arith.constant 8 : i32
      "tpu.region"() ({
        %run_scoped3A_145 = tpu.sem_alloc : memref<!tpu.dma_semaphore, #tpu.memory_space<semaphore_mem>>
        %dma_start3A_146 = arith.constant 0 : i32
        %dma_start3A_147 = arith.constant 0 : i32
        %dma_start3A_148 = tpu.memref_slice %arg53[%dma_start3A_146, %dma_start3A_147] : memref<10240x128xf32, #tpu.memory_space<vmem_shared>> -> memref<10240x128xf32, #tpu.memory_space<vmem_shared>>
        tpu.enqueue_indirect_dma source(%arg51 : memref<128x128xf32, #tpu.memory_space<vmem>>) target(%dma_start3A_148 : memref<10240x128xf32, #tpu.memory_space<vmem_shared>>) offsets(%arg17 : memref<128xi32, #tpu.memory_space<vmem>>) semaphore(%run_scoped3A_145 : memref<!tpu.dma_semaphore, #tpu.memory_space<semaphore_mem>>) {add = true}
        %dma_wait3A_149 = arith.constant 0 : i32
        %dma_wait3A_150 = arith.constant 0 : i32
        %dma_wait3A_151 = tpu.memref_slice %arg53[%dma_wait3A_149, %dma_wait3A_150] : memref<10240x128xf32, #tpu.memory_space<vmem_shared>> -> memref<10240x128xf32, #tpu.memory_space<vmem_shared>>
        tpu.wait_indirect_dma semaphore(%run_scoped3A_145 : memref<!tpu.dma_semaphore, #tpu.memory_space<semaphore_mem>>) src(%arg51 : memref<128x128xf32, #tpu.memory_space<vmem>>) dst(%dma_wait3A_151 : memref<10240x128xf32, #tpu.memory_space<vmem_shared>>)
        tpu.yield
      }) : () -> ()
      "tpu.region"() ({
        %run_scoped3A_145 = tpu.sem_alloc : memref<!tpu.dma_semaphore, #tpu.memory_space<semaphore_mem>>
        %dma_start3A_146 = arith.constant 0 : i32
        %dma_start3A_147 = tpu.memref_slice %arg54[%dma_start3A_146] : memref<40960xf32, #tpu.memory_space<vmem_shared>> -> memref<40960xf32, #tpu.memory_space<vmem_shared>>
        tpu.enqueue_indirect_dma source(%arg43 : memref<128xf32, #tpu.memory_space<vmem>>) target(%dma_start3A_147 : memref<40960xf32, #tpu.memory_space<vmem_shared>>) offsets(%arg27 : memref<128xi32, #tpu.memory_space<vmem>>) semaphore(%run_scoped3A_145 : memref<!tpu.dma_semaphore, #tpu.memory_space<semaphore_mem>>) {add = true}
        %dma_wait3A_148 = arith.constant 0 : i32
        %dma_wait3A_149 = tpu.memref_slice %arg54[%dma_wait3A_148] : memref<40960xf32, #tpu.memory_space<vmem_shared>> -> memref<40960xf32, #tpu.memory_space<vmem_shared>>
        tpu.wait_indirect_dma semaphore(%run_scoped3A_145 : memref<!tpu.dma_semaphore, #tpu.memory_space<semaphore_mem>>) src(%arg43 : memref<128xf32, #tpu.memory_space<vmem>>) dst(%dma_wait3A_149 : memref<40960xf32, #tpu.memory_space<vmem_shared>>)
        tpu.yield
      }) : () -> ()
      "tpu.region"() ({
        %run_scoped3A_145 = tpu.sem_alloc : memref<!tpu.dma_semaphore, #tpu.memory_space<semaphore_mem>>
        %dma_start3A_146 = arith.constant 0 : i32
        %dma_start3A_147 = tpu.memref_slice %arg54[%dma_start3A_146] : memref<40960xf32, #tpu.memory_space<vmem_shared>> -> memref<40960xf32, #tpu.memory_space<vmem_shared>>
        tpu.enqueue_indirect_dma source(%arg44 : memref<128xf32, #tpu.memory_space<vmem>>) target(%dma_start3A_147 : memref<40960xf32, #tpu.memory_space<vmem_shared>>) offsets(%arg28 : memref<128xi32, #tpu.memory_space<vmem>>) semaphore(%run_scoped3A_145 : memref<!tpu.dma_semaphore, #tpu.memory_space<semaphore_mem>>) {add = true}
        %dma_wait3A_148 = arith.constant 0 : i32
        %dma_wait3A_149 = tpu.memref_slice %arg54[%dma_wait3A_148] : memref<40960xf32, #tpu.memory_space<vmem_shared>> -> memref<40960xf32, #tpu.memory_space<vmem_shared>>
        tpu.wait_indirect_dma semaphore(%run_scoped3A_145 : memref<!tpu.dma_semaphore, #tpu.memory_space<semaphore_mem>>) src(%arg44 : memref<128xf32, #tpu.memory_space<vmem>>) dst(%dma_wait3A_149 : memref<40960xf32, #tpu.memory_space<vmem_shared>>)
        tpu.yield
      }) : () -> ()
      "tpu.region"() ({
        %run_scoped3A_145 = tpu.sem_alloc : memref<!tpu.dma_semaphore, #tpu.memory_space<semaphore_mem>>
        %dma_start3A_146 = arith.constant 0 : i32
        %dma_start3A_147 = tpu.memref_slice %arg54[%dma_start3A_146] : memref<40960xf32, #tpu.memory_space<vmem_shared>> -> memref<40960xf32, #tpu.memory_space<vmem_shared>>
        tpu.enqueue_indirect_dma source(%arg45 : memref<128xf32, #tpu.memory_space<vmem>>) target(%dma_start3A_147 : memref<40960xf32, #tpu.memory_space<vmem_shared>>) offsets(%arg29 : memref<128xi32, #tpu.memory_space<vmem>>) semaphore(%run_scoped3A_145 : memref<!tpu.dma_semaphore, #tpu.memory_space<semaphore_mem>>) {add = true}
        %dma_wait3A_148 = arith.constant 0 : i32
        %dma_wait3A_149 = tpu.memref_slice %arg54[%dma_wait3A_148] : memref<40960xf32, #tpu.memory_space<vmem_shared>> -> memref<40960xf32, #tpu.memory_space<vmem_shared>>
        tpu.wait_indirect_dma semaphore(%run_scoped3A_145 : memref<!tpu.dma_semaphore, #tpu.memory_space<semaphore_mem>>) src(%arg45 : memref<128xf32, #tpu.memory_space<vmem>>) dst(%dma_wait3A_149 : memref<40960xf32, #tpu.memory_space<vmem_shared>>)
        tpu.yield
      }) : () -> ()
      "tpu.region"() ({
        %run_scoped3A_145 = tpu.sem_alloc : memref<!tpu.dma_semaphore, #tpu.memory_space<semaphore_mem>>
        %dma_start3A_146 = arith.constant 0 : i32
        %dma_start3A_147 = tpu.memref_slice %arg54[%dma_start3A_146] : memref<40960xf32, #tpu.memory_space<vmem_shared>> -> memref<40960xf32, #tpu.memory_space<vmem_shared>>
        tpu.enqueue_indirect_dma source(%arg46 : memref<128xf32, #tpu.memory_space<vmem>>) target(%dma_start3A_147 : memref<40960xf32, #tpu.memory_space<vmem_shared>>) offsets(%arg30 : memref<128xi32, #tpu.memory_space<vmem>>) semaphore(%run_scoped3A_145 : memref<!tpu.dma_semaphore, #tpu.memory_space<semaphore_mem>>) {add = true}
        %dma_wait3A_148 = arith.constant 0 : i32
        %dma_wait3A_149 = tpu.memref_slice %arg54[%dma_wait3A_148] : memref<40960xf32, #tpu.memory_space<vmem_shared>> -> memref<40960xf32, #tpu.memory_space<vmem_shared>>
        tpu.wait_indirect_dma semaphore(%run_scoped3A_145 : memref<!tpu.dma_semaphore, #tpu.memory_space<semaphore_mem>>) src(%arg46 : memref<128xf32, #tpu.memory_space<vmem>>) dst(%dma_wait3A_149 : memref<40960xf32, #tpu.memory_space<vmem_shared>>)
        tpu.yield
      }) : () -> ()
    } else {
    }
    %barrier3A_98 = arith.constant 0 : index
    tpu.barrier barrier_id(%barrier3A_98)
    "tpu.region"() ({
      %run_scoped3A = tpu.sem_alloc : memref<!tpu.dma_semaphore, #tpu.memory_space<semaphore_mem>>
      %dma_start3A_99 = arith.constant 0 : i32
      %dma_start3A_100 = tpu.memref_slice %arg7[%arg0, %mul3A_2, %dma_start3A_99] : memref<2x10240x128xf32, #tpu.memory_space<hbm>> -> memref<1x640x128xf32, #tpu.memory_space<hbm>>
      %dma_start3A_101 = tpu.memref_squeeze %dma_start3A_100 : memref<1x640x128xf32, #tpu.memory_space<hbm>> -> memref<640x128xf32, #tpu.memory_space<hbm>>
      %dma_start3A_102 = arith.constant 0 : i32
      %dma_start3A_103 = tpu.memref_slice %arg53[%mul3A_2, %dma_start3A_102] : memref<10240x128xf32, #tpu.memory_space<vmem_shared>> -> memref<640x128xf32, #tpu.memory_space<vmem_shared>>
      tpu.enqueue_dma source(%dma_start3A_103 : memref<640x128xf32, #tpu.memory_space<vmem_shared>>) target(%dma_start3A_101 : memref<640x128xf32, #tpu.memory_space<hbm>>) target_semaphore(%run_scoped3A : memref<!tpu.dma_semaphore, #tpu.memory_space<semaphore_mem>>)
      %dma_wait3A_104 = arith.constant 0 : i32
      %dma_wait3A_105 = tpu.memref_slice %arg7[%arg0, %mul3A_2, %dma_wait3A_104] : memref<2x10240x128xf32, #tpu.memory_space<hbm>> -> memref<1x640x128xf32, #tpu.memory_space<hbm>>
      %dma_wait3A_106 = tpu.memref_squeeze %dma_wait3A_105 : memref<1x640x128xf32, #tpu.memory_space<hbm>> -> memref<640x128xf32, #tpu.memory_space<hbm>>
      %dma_wait3A_107 = arith.constant 0 : i32
      %dma_wait3A_108 = tpu.memref_slice %arg53[%mul3A_2, %dma_wait3A_107] : memref<10240x128xf32, #tpu.memory_space<vmem_shared>> -> memref<640x128xf32, #tpu.memory_space<vmem_shared>>
      tpu.wait_dma2 semaphore(%run_scoped3A : memref<!tpu.dma_semaphore, #tpu.memory_space<semaphore_mem>>) src(%dma_wait3A_108 : memref<640x128xf32, #tpu.memory_space<vmem_shared>>) dst(%dma_wait3A_106 : memref<640x128xf32, #tpu.memory_space<hbm>>)
      tpu.yield
    }) : () -> ()
    "tpu.region"() ({
      %run_scoped3A = tpu.sem_alloc : memref<!tpu.dma_semaphore, #tpu.memory_space<semaphore_mem>>
      %dma_start3A_99 = tpu.memref_slice %arg8[%arg0, %mul3A_4] : memref<2x40960xf32, #tpu.memory_space<hbm>> -> memref<1x2560xf32, #tpu.memory_space<hbm>>
      %dma_start3A_100 = tpu.memref_squeeze %dma_start3A_99 : memref<1x2560xf32, #tpu.memory_space<hbm>> -> memref<2560xf32, #tpu.memory_space<hbm>>
      %dma_start3A_101 = tpu.memref_slice %arg54[%mul3A_4] : memref<40960xf32, #tpu.memory_space<vmem_shared>> -> memref<2560xf32, #tpu.memory_space<vmem_shared>>
      tpu.enqueue_dma source(%dma_start3A_101 : memref<2560xf32, #tpu.memory_space<vmem_shared>>) target(%dma_start3A_100 : memref<2560xf32, #tpu.memory_space<hbm>>) target_semaphore(%run_scoped3A : memref<!tpu.dma_semaphore, #tpu.memory_space<semaphore_mem>>)
      %dma_wait3A_102 = tpu.memref_slice %arg8[%arg0, %mul3A_4] : memref<2x40960xf32, #tpu.memory_space<hbm>> -> memref<1x2560xf32, #tpu.memory_space<hbm>>
      %dma_wait3A_103 = tpu.memref_squeeze %dma_wait3A_102 : memref<1x2560xf32, #tpu.memory_space<hbm>> -> memref<2560xf32, #tpu.memory_space<hbm>>
      %dma_wait3A_104 = tpu.memref_slice %arg54[%mul3A_4] : memref<40960xf32, #tpu.memory_space<vmem_shared>> -> memref<2560xf32, #tpu.memory_space<vmem_shared>>
      tpu.wait_dma2 semaphore(%run_scoped3A : memref<!tpu.dma_semaphore, #tpu.memory_space<semaphore_mem>>) src(%dma_wait3A_104 : memref<2560xf32, #tpu.memory_space<vmem_shared>>) dst(%dma_wait3A_103 : memref<2560xf32, #tpu.memory_space<hbm>>)
      tpu.yield
    }) : () -> ()
    return
  }
}

module attributes {stable_mosaic.version = 14 : i64} {
  func.func @_mm_body(%arg0: i32, %arg1: memref<400x128xf32, #tpu.memory_space<vmem>>, %arg2: memref<128x1024xf32, #tpu.memory_space<vmem>>, %arg3: memref<128x64xf32, #tpu.memory_space<vmem>>, %arg4: memref<400x1024xf32, #tpu.memory_space<vmem>>, %arg5: memref<400x64xbf16, #tpu.memory_space<vmem>>) attributes {dimension_semantics = [#tpu.dimension_semantics<arbitrary>], iteration_bounds = array<i64: 25>, scalar_prefetch = 0 : i64, scratch_operands = 0 : i64, tpu.core_type = #tpu.core_type<tc>, window_params = [{transform_indices = @transform_0, window_bounds = array<i64: 400, 128>}, {pipeline_mode = #tpu.pipeline_mode<synchronous>, transform_indices = @transform_1, window_bounds = array<i64: 128, 1024>}, {pipeline_mode = #tpu.pipeline_mode<synchronous>, transform_indices = @transform_2, window_bounds = array<i64: 128, 64>}, {transform_indices = @transform_3, window_bounds = array<i64: 400, 1024>}, {transform_indices = @transform_4, window_bounds = array<i64: 400, 64>}]} {
    %get3A = arith.constant 0 : index
    %get3A_0 = arith.constant 0 : index
    %get3A_1 = vector.load %arg1[%get3A, %get3A_0] : memref<400x128xf32, #tpu.memory_space<vmem>>, vector<400x128xf32>
    %get3A_2 = arith.constant 0 : index
    %get3A_3 = arith.constant 0 : index
    %get3A_4 = vector.load %arg2[%get3A_2, %get3A_3] : memref<128x1024xf32, #tpu.memory_space<vmem>>, vector<128x1024xf32>
    %dot_general3A = arith.constant dense<0.000000e+00> : vector<400x1024xf32>
    %dot_general3A_5 = tpu.matmul %get3A_1, %get3A_4, %dot_general3A {dimension_numbers = #tpu.dot_dimension_numbers<[1], [0], [0], [1], [0, 0, 1, 1], [], []>, transpose_lhs_hint = false} : vector<400x128xf32>, vector<128x1024xf32>, vector<400x1024xf32> -> vector<400x1024xf32>
    %swap3A = arith.constant 0 : index
    %swap3A_6 = arith.constant 0 : index
    %swap3A_7 = vector.load %arg4[%swap3A, %swap3A_6] : memref<400x1024xf32, #tpu.memory_space<vmem>>, vector<400x1024xf32>
    tpu.vector_store %arg4[%swap3A, %swap3A_6], %dot_general3A_5 {strides = array<i32>} : memref<400x1024xf32, #tpu.memory_space<vmem>>, vector<400x1024xf32>,
    %get3A_8 = arith.constant 0 : index
    %get3A_9 = arith.constant 0 : index
    %get3A_10 = vector.load %arg3[%get3A_8, %get3A_9] : memref<128x64xf32, #tpu.memory_space<vmem>>, vector<128x64xf32>
    %dot_general3A_11 = arith.constant dense<0.000000e+00> : vector<400x64xf32>
    %dot_general3A_12 = tpu.matmul %get3A_1, %get3A_10, %dot_general3A_11 {dimension_numbers = #tpu.dot_dimension_numbers<[1], [0], [0], [1], [0, 0, 1, 1], [], []>, transpose_lhs_hint = false} : vector<400x128xf32>, vector<128x64xf32>, vector<400x64xf32> -> vector<400x64xf32>
    %convert_element_type3A = arith.truncf %dot_general3A_12 : vector<400x64xf32> to vector<400x64xbf16>
    %swap3A_13 = arith.constant 0 : index
    %swap3A_14 = arith.constant 0 : index
    %swap3A_15 = vector.load %arg5[%swap3A_13, %swap3A_14] : memref<400x64xbf16, #tpu.memory_space<vmem>>, vector<400x64xbf16>
    tpu.vector_store %arg5[%swap3A_13, %swap3A_14], %convert_element_type3A {strides = array<i32>} : memref<400x64xbf16, #tpu.memory_space<vmem>>, vector<400x64xbf16>,
    return
  }
  func.func @transform_0(%arg0: i32) -> (i32, i32) {
    %c0_i32 = arith.constant 0 : i32
    %c0_i32_0 = arith.constant 0 : i32
    return %arg0, %c0_i32 : i32, i32
  }
  func.func @transform_1(%arg0: i32) -> (i32, i32) {
    %c0_i32 = arith.constant 0 : i32
    %c0_i32_0 = arith.constant 0 : i32
    %c0_i32_1 = arith.constant 0 : i32
    return %c0_i32, %c0_i32_0 : i32, i32
  }
  func.func @transform_2(%arg0: i32) -> (i32, i32) {
    %c0_i32 = arith.constant 0 : i32
    %c0_i32_0 = arith.constant 0 : i32
    %c0_i32_1 = arith.constant 0 : i32
    return %c0_i32, %c0_i32_0 : i32, i32
  }
  func.func @transform_3(%arg0: i32) -> (i32, i32) {
    %c0_i32 = arith.constant 0 : i32
    %c0_i32_0 = arith.constant 0 : i32
    return %arg0, %c0_i32 : i32, i32
  }
  func.func @transform_4(%arg0: i32) -> (i32, i32) {
    %c0_i32 = arith.constant 0 : i32
    %c0_i32_0 = arith.constant 0 : i32
    return %arg0, %c0_i32 : i32, i32
  }
}

module attributes {stable_mosaic.version = 14 : i64} {
  func.func @_comb_body(%arg0: i32, %arg1: memref<2x400x128xf32, #tpu.memory_space<vmem>>, %arg2: memref<2x400x4xf32, #tpu.memory_space<vmem>>, %arg3: memref<4x128xf32, #tpu.memory_space<vmem>>, %arg4: memref<1x128xf32, #tpu.memory_space<vmem>>, %arg5: memref<400x128xf32, #tpu.memory_space<vmem>>) attributes {dimension_semantics = [#tpu.dimension_semantics<arbitrary>], iteration_bounds = array<i64: 25>, scalar_prefetch = 0 : i64, scratch_operands = 0 : i64, tpu.core_type = #tpu.core_type<tc>, window_params = [{transform_indices = @transform_0, window_bounds = array<i64: 2, 400, 128>}, {transform_indices = @transform_1, window_bounds = array<i64: 2, 400, 4>}, {pipeline_mode = #tpu.pipeline_mode<synchronous>, transform_indices = @transform_2, window_bounds = array<i64: 4, 128>}, {pipeline_mode = #tpu.pipeline_mode<synchronous>, transform_indices = @transform_3, window_bounds = array<i64: 1, 128>}, {transform_indices = @transform_4, window_bounds = array<i64: 400, 128>}]} {
    %get3A = arith.constant 0 : index
    %get3A_0 = arith.constant 0 : index
    %get3A_1 = arith.constant 0 : index
    %get3A_2 = vector.load %arg1[%get3A, %get3A_0, %get3A_1] : memref<2x400x128xf32, #tpu.memory_space<vmem>>, vector<1x400x128xf32>
    %get3A_3 = vector.shape_cast %get3A_2 : vector<1x400x128xf32> to vector<400x128xf32>
    %get3A_4 = arith.constant 1 : index
    %get3A_5 = arith.constant 0 : index
    %get3A_6 = arith.constant 0 : index
    %get3A_7 = vector.load %arg1[%get3A_4, %get3A_5, %get3A_6] : memref<2x400x128xf32, #tpu.memory_space<vmem>>, vector<1x400x128xf32>
    %get3A_8 = vector.shape_cast %get3A_7 : vector<1x400x128xf32> to vector<400x128xf32>
    %add3A = arith.addf %get3A_3, %get3A_8 : vector<400x128xf32>
    %get3A_9 = arith.constant 0 : index
    %get3A_10 = arith.constant 0 : index
    %get3A_11 = arith.constant 0 : index
    %get3A_12 = vector.load %arg2[%get3A_9, %get3A_10, %get3A_11] : memref<2x400x4xf32, #tpu.memory_space<vmem>>, vector<1x400x4xf32>
    %get3A_13 = vector.shape_cast %get3A_12 : vector<1x400x4xf32> to vector<400x4xf32>
    %get3A_14 = arith.constant 1 : index
    %get3A_15 = arith.constant 0 : index
    %get3A_16 = arith.constant 0 : index
    %get3A_17 = vector.load %arg2[%get3A_14, %get3A_15, %get3A_16] : memref<2x400x4xf32, #tpu.memory_space<vmem>>, vector<1x400x4xf32>
    %get3A_18 = vector.shape_cast %get3A_17 : vector<1x400x4xf32> to vector<400x4xf32>
    %add3A_19 = arith.addf %get3A_13, %get3A_18 : vector<400x4xf32>
    %get3A_20 = arith.constant 0 : index
    %get3A_21 = arith.constant 0 : index
    %get3A_22 = vector.load %arg3[%get3A_20, %get3A_21] : memref<4x128xf32, #tpu.memory_space<vmem>>, vector<4x128xf32>
    %dot_general3A = arith.constant dense<0.000000e+00> : vector<400x128xf32>
    %dot_general3A_23 = tpu.matmul %add3A_19, %get3A_22, %dot_general3A {dimension_numbers = #tpu.dot_dimension_numbers<[1], [0], [0], [1], [0, 0, 1, 1], [], []>, transpose_lhs_hint = false} : vector<400x4xf32>, vector<4x128xf32>, vector<400x128xf32> -> vector<400x128xf32>
    %add3A_24 = arith.constant 1.000000e-16 : f32
    %add3A_25 = vector.broadcast %add3A_24 : f32 to vector<400x128xf32>
    %add3A_26 = arith.addf %dot_general3A_23, %add3A_25 : vector<400x128xf32>
    %div3A = arith.divf %add3A, %add3A_26 : vector<400x128xf32>
    %get3A_27 = arith.constant 0 : index
    %get3A_28 = arith.constant 0 : index
    %get3A_29 = vector.load %arg4[%get3A_27, %get3A_28] : memref<1x128xf32, #tpu.memory_space<vmem>>, vector<1x128xf32>
    %add3A_30 = vector.broadcast %get3A_29 : vector<1x128xf32> to vector<400x128xf32>
    %add3A_31 = arith.addf %div3A, %add3A_30 : vector<400x128xf32>
    %swap3A = arith.constant 0 : index
    %swap3A_32 = arith.constant 0 : index
    %swap3A_33 = vector.load %arg5[%swap3A, %swap3A_32] : memref<400x128xf32, #tpu.memory_space<vmem>>, vector<400x128xf32>
    tpu.vector_store %arg5[%swap3A, %swap3A_32], %add3A_31 {strides = array<i32>} : memref<400x128xf32, #tpu.memory_space<vmem>>, vector<400x128xf32>,
    return
  }
  func.func @transform_0(%arg0: i32) -> (i32, i32, i32) {
    %c0_i32 = arith.constant 0 : i32
    %c0_i32_0 = arith.constant 0 : i32
    %c0_i32_1 = arith.constant 0 : i32
    return %c0_i32, %arg0, %c0_i32_0 : i32, i32, i32
  }
  func.func @transform_1(%arg0: i32) -> (i32, i32, i32) {
    %c0_i32 = arith.constant 0 : i32
    %c0_i32_0 = arith.constant 0 : i32
    %c0_i32_1 = arith.constant 0 : i32
    return %c0_i32, %arg0, %c0_i32_0 : i32, i32, i32
  }
  func.func @transform_2(%arg0: i32) -> (i32, i32) {
    %c0_i32 = arith.constant 0 : i32
    %c0_i32_0 = arith.constant 0 : i32
    %c0_i32_1 = arith.constant 0 : i32
    return %c0_i32, %c0_i32_0 : i32, i32
  }
  func.func @transform_3(%arg0: i32) -> (i32, i32) {
    %c0_i32 = arith.constant 0 : i32
    %c0_i32_0 = arith.constant 0 : i32
    %c0_i32_1 = arith.constant 0 : i32
    return %c0_i32, %c0_i32_0 : i32, i32
  }
  func.func @transform_4(%arg0: i32) -> (i32, i32) {
    %c0_i32 = arith.constant 0 : i32
    %c0_i32_0 = arith.constant 0 : i32
    return %arg0, %c0_i32 : i32, i32
  }
}

</mosaic_0001>

<sc_bundles>
// kernel: kernel.5.cloned.1.call-start
scs
__scs_entry_jumppad:
0x0: {  	(pc) =	sbr.rel $0x88, $3  }
0x1: {  	(tag) =	ssettag $0x0;
	lr =	simm.s32 $0x1  }
0x2: {  	[smem:$0x3F9A] =	sst lr;
	_ =	strace $0xD0000000  }
0x3: {  	_ = 	snop  }
0x4: {  	_ = 	snop  }
0x5: {  	_ = 	snop  }
0x6: {  	_ = 	snop  }
0x7: {  	_ = 	snop  }
__scs_overlays_trampoline_lowered:
0x8: {  	[smem:$0x3FA9] =	sst s0  }
0x9: {  	[smem:$0x3FAA] =	sst s1  }
0xa: {  	[smem:$0x3FAB] =	sst s2  }
0xb: {  	[smem:$0x3FAC] =	sst s3  }
0xc: {  	[smem:$0x3FAD] =	sst s4  }
0xd: {  	[smem:$0x3FAE] =	sst s5  }
0xe: {  	[smem:$0x3FAF] =	sst s6  }
0xf: {  	[smem:$0x3FB0] =	sst s7  }
0x10: {  	[smem:$0x3FB1] =	sst s8  }
0x11: {  	[smem:$0x3FB2] =	sst s9;
	s0 =	simm.s32 @!p0 $0x0  }
0x12: {  	s1 =	sld [smem:$0x3F98];
	s0 =	simm.s32 @p0 $0x1  }
0x13: {  	[smem:$0x3FB3] =	sst s0;
	s0 =	simm.s32 @!p1 $0x0  }
0x14: {  	s2 =	sld [smem:$0x3F97];
	s0 =	simm.s32 @p1 $0x1  }
0x15: {  	[smem:$0x3FB4] =	sst s0;
	s0 =	simm.s32 @!p2 $0x0  }
0x16: {  	s3 =	sld [smem:$0x3FDB];
	s0 =	simm.s32 @p2 $0x1  }
0x17: {  	s4 =	simm.s32 $0x1BF5;
	[smem:$0x3FB6] =	sst s0  }
0x18: {  	s0 =	sld [smem:$0x3F99];
	_ =	swait.ge [sflag:s4], $0x0  }
0x19: {  	s7 =	sld [smem:$0x3F9A]  }
0x1a: {  	s8 =	sadd.s32 $0xFFFFE003, lr  }
0x1b: {  	s9 =	sadd.s32 $0xFFFFFEF7, lr;
	s5 =	simm.s32 $0xFFFFFFFF;
	p2 =	slt.u32 s8, $0xFFFFF086  }
0x1c: {  	p1 =	slt.u32 s9, $0xF7A;
	s5 =	simm.s32 @!p2 $0x0  }
0x1d: {  	s5 =	simm.s32 @p1 $0x1;
	p0 =	seq.s32 s7, s2  }
0x1e: {  	s7 =	smul.u32 @!p0 $0xF7A, s2;
	p2 =	seq.s32 @!p0 s5, $0x0  }
0x1f: {  	s9 =	smul.u32 $0xF7A, s1;
	s8 =	simm.s32 @!p0 $0x1BF5;
	p2 =	por !p2, p0  }
0x20: {  	[sflag:s8] =	ssyncset.s32 @!p0 $0xFFFFF086;
	s6 =	sadd.s32 @!p0 s3, s7;
	s7 =	simm.s32 @!p0 $0x108  }
0x21: {  	s3 =	sadd.s32 s3, s9;
	s6 =	sadd.s32 @!p0 $0x88, s6;
	s7 =	simm.s32 @p2 $0x1082  }
0x22: {  	[simem:s7], [sflag:s8] =	dma.local @!p0 [hbm:s6], $0xF7A  }
0x23: {  	s9 =	sor.u32 $0xD0000000, s2;
	s6 =	simm.s32 $0x108;
	_ =	swait.ge @!p0 [sflag:s8], $0x0  }
0x24: {  	s3 =	sadd.s32 $0x88, s3;
	s6 =	simm.s32 @!p1 $0x1082;
	[sflag:s4] =	ssyncset.s32 $0xFFFFF086  }
0x25: {  	[simem:s6], [sflag:s4] =	dma.local [hbm:s3], $0xF7A  }
0x26: {  	[smem:$0x3F9A] =	sst s1;
	(tag) =	ssettag s2;
	_ =	strace s9  }
0x27: {  	s1 =	sld [smem:$0x3FAA]  }
0x28: {  	s2 =	sld [smem:$0x3FAB]  }
0x29: {  	s4 =	sld [smem:$0x3FAD]  }
0x2a: {  	p0 =	seq.s32 s5, $0x0;
	s5 =	sld [smem:$0x3FAE]  }
0x2b: {  	s6 =	sld [smem:$0x3FAF]  }
0x2c: {  	s7 =	sld [smem:$0x3FB0]  }
0x2d: {  	s3 =	simm.s32 $0x108;
	s8 =	sld [smem:$0x3FB1]  }
0x2e: {  	s3 =	simm.s32 @!p0 $0x1082;
	s9 =	sld [smem:$0x3FB2]  }
0x2f: {  	lr =	sadd.s32 s0, s3;
	s0 =	sld [smem:$0x3FA9]  }
0x30: {  	s3 =	sld [smem:$0x3FAC]  }
0x31: {  	[smem:$0x3FB5] =	sst s10  }
0x32: {  	s10 =	sld [smem:$0x3FB3];
	_ =	sdelay $0x3  }
0x33: {  	p0 =	seq.s32 s10, $0x1;
	s10 =	sld [smem:$0x3FB5];
	_ =	sdelay $0x3  }
0x34: {  	[smem:$0x3FB5] =	sst s10  }
0x35: {  	s10 =	sld [smem:$0x3FB4];
	_ =	sdelay $0x3  }
0x36: {  	p1 =	seq.s32 s10, $0x1;
	s10 =	sld [smem:$0x3FB5];
	_ =	sdelay $0x3  }
0x37: {  	[smem:$0x3FB5] =	sst s10  }
0x38: {  	s10 =	sld [smem:$0x3FB6]  }
0x39: {  	_ = 	snop;
	(pc) =	sbr.ind lr, $3  }
0x3a: {  	_ = 	snop  }
0x3b: {  	_ = 	snop  }
0x3c: {  	p2 =	seq.s32 s10, $0x1;
	s10 =	sld [smem:$0x3FB5]  }
0x3d: {  	_ =	shalt  }
0x3e: {  	_ =	shalt  }
0x3f: {  	_ =	shalt  }
0x40: {  	_ =	shalt  }
0x41: {  	_ =	shalt  }
0x42: {  	_ =	shalt  }
0x43: {  	_ =	shalt  }
0x44: {  	_ =	shalt  }
0x45: {  	_ =	shalt  }
0x46: {  	_ =	shalt  }
0x47: {  	_ =	shalt  }
0x48: {  	_ =	shalt  }
0x49: {  	_ =	shalt  }
0x4a: {  	_ =	shalt  }
0x4b: {  	_ =	shalt  }
0x4c: {  	_ =	shalt  }
0x4d: {  	_ =	shalt  }
0x4e: {  	_ =	shalt  }
0x4f: {  	_ =	shalt  }
0x50: {  	_ =	shalt  }
0x51: {  	_ =	shalt  }
0x52: {  	_ =	shalt  }
0x53: {  	_ =	shalt  }
0x54: {  	_ =	shalt  }
0x55: {  	_ =	shalt  }
0x56: {  	_ =	shalt  }
0x57: {  	_ =	shalt  }
0x58: {  	_ =	shalt  }
0x59: {  	_ =	shalt  }
0x5a: {  	_ =	shalt  }
0x5b: {  	_ =	shalt  }
0x5c: {  	_ =	shalt  }
0x5d: {  	_ =	shalt  }
0x5e: {  	_ =	shalt  }
0x5f: {  	_ =	shalt  }
0x60: {  	_ =	shalt  }
0x61: {  	_ =	shalt  }
0x62: {  	_ =	shalt  }
0x63: {  	_ =	shalt  }
0x64: {  	_ =	shalt  }
0x65: {  	_ =	shalt  }
0x66: {  	_ =	shalt  }
0x67: {  	_ =	shalt  }
0x68: {  	_ =	shalt  }
0x69: {  	_ =	shalt  }
0x6a: {  	_ =	shalt  }
0x6b: {  	_ =	shalt  }
0x6c: {  	_ =	shalt  }
0x6d: {  	_ =	shalt  }
0x6e: {  	_ =	shalt  }
0x6f: {  	_ =	shalt  }
0x70: {  	_ =	shalt  }
0x71: {  	_ =	shalt  }
0x72: {  	_ =	shalt  }
0x73: {  	_ =	shalt  }
0x74: {  	_ =	shalt  }
0x75: {  	_ =	shalt  }
0x76: {  	_ =	shalt  }
0x77: {  	_ =	shalt  }
0x78: {  	_ =	shalt  }
0x79: {  	_ =	shalt  }
0x7a: {  	_ =	shalt  }
0x7b: {  	_ =	shalt  }
0x7c: {  	_ =	shalt  }
0x7d: {  	_ =	shalt  }
0x7e: {  	_ =	shalt  }
0x7f: {  	_ =	shalt  }
0x80: {  	_ =	shalt  }
0x81: {  	_ =	shalt  }
0x82: {  	_ =	shalt  }
0x83: {  	_ =	shalt  }
0x84: {  	_ =	shalt  }
0x85: {  	_ =	shalt  }
0x86: {  	_ =	shalt  }
0x87: {  	_ =	shalt  }
.Lfunc_end0:
.L_simem_size_0:
called_computation_lowered:
.L_overlay_start_0:
0x88: {  	s2 =	sld [smem:$0x3FD9]  }
0x89: {  	s3 =	sld [smem:$0x3FFE];
	_ =	sdelay $0x1  }
0x8a: {  	s1 =	srdreg.scid  }
0x8b: {  	s0 =	sand.u32 $0x1, s1  }
0x8c: {  	s17 =	sshll.u32 s0, $0xA;
	s2 =	sadd.s32 s3, s2  }
0x8d: {  	s2 =	sadd.s32 s2, s17  }
0x8e: {  	[smem:$0x3FC1] =	sst s2  }
0x8f: {  	_ = 	snop  }
0x90: {  	s2 =	sld [smem:$0x3FC8]  }
0x91: {  	s18 =	sld [smem:$0x3FC7]  }
0x92: {  	s4 =	sld [smem:$0x3FD0];
	(tm) =	ssettm $0x1  }
0x93: {  	s5 =	sld [smem:$0x3FFB];
	_ =	sdelay $0x3  }
0x94: {  	_ =	strace s5  }
0x95: {  	s5 =	sld [smem:$0x3FFC];
	_ =	sdelay $0x3  }
0x96: {  	_ =	strace s5  }
0x97: {  	s5 =	sld [smem:$0x3FFD];
	_ =	sdelay $0x3  }
0x98: {  	_ =	strace s5  }
0x99: {  	_ =	strace $0x8FFFFFFF  }
0x9a: {  	s19 =	sld [smem:$0x3FDB];
	_ =	sdelay $0x1  }
0x9b: {  	s6 =	simm.s32 $_scs_section_size  }
0x9c: {  	s7 =	simm.s32 $_size__tile_overlayer_lowered;
	s8 =	simm.s32 $_tile_overlayer_lowered  }
0x9d: {  	s22 =	simm.s32 $0x1BFF;
	s21 =	sshll.u32 s8, $0x1;
	s5 =	sadd.s32 s6, s19  }
0x9e: {  	s9 =	simm.s32 $0x0;
	s20 =	sshll.u32 s7, $0x1;
	s7 =	sadd.s32 s21, s5  }
0x9f: {  	[timem:s9], [sflag:s22] =	dma.local [hbm:s7], s20  }
0xa0: {  	_ =	swait.ge [sflag:s22], s20  }
0xa1: {  	s6 =	ssub.s32 $0x0, s20;
	[sflag:s22] =	ssyncset.done $0x0  }
0xa2: {  	[sflag:s22] =	ssyncadd.s32 s6;
	_ =	sdelay $0x1  }
0xa3: {  	s23 =	simm.s32 $0x1B8B  }
0xa4: {  	_ =	swait.ge [sflag:s23], $0x1  }
0xa5: {  	[sflag:s23] =	ssyncset.done $0x0  }
0xa6: {  	s25 =	simm.s32 $0x1B8E;
	s24 =	sld [smem:$0x3FFE];
	[sflag:s23] =	ssyncadd.s32 $0xFFFFFFFF  }
0xa7: {  	s26 =	simm.s32 $execute0_lowered;
	[smem:$0x3FD2] =	sst s25  }
0xa8: {  	s7 =	sshll.u32 s26, $0x1;
	_ =	strace $0x80000046;
	[dreg:$0x1] =	wrdreg $0xFFFFFFFF  }
0xa9: {  	s28 =	simm.s32 $_size_execute0_lowered;
	s5 =	sadd.s32 s5, s7;
	[dreg:$0x0] =	wrdreg $0x0  }
0xaa: {  	s7 =	sshll.u32 s28, $0x1;
	[dreg:$0x2] =	wrdreg s5  }
0xab: {  	[dreg:$0x3] =	wrdreg s7  }
0xac: {  	[dreg:$0x4] =	wrdreg $0xC0  }
0xad: {  	_ =	task [dreg:s9], $0x5FFFF  }
0xae: {  	[dreg:$0x1] =	wrdreg $0xFFFFFFFF  }
0xaf: {  	[dreg:$0x0] =	wrdreg $0x60  }
0xb0: {  	[dreg:$0x2] =	wrdreg s2  }
0xb1: {  	[dreg:$0x3] =	wrdreg s18  }
0xb2: {  	[dreg:$0x4] =	wrdreg s24  }
0xb3: {  	[dreg:$0x5] =	wrdreg s4  }
0xb4: {  	[dreg:$0x6] =	wrdreg $0x95000  }
0xb5: {  	[dreg:$0x7] =	wrdreg $0x1D5000  }
0xb6: {  	[dreg:$0x8] =	wrdreg $0x9  }
0xb7: {  	_ =	task.clear_ibuf [dreg:s9], $0x9FFFF;
	_ =	strace $0x90000046  }
0xb8: {  	s29 =	simm.s32 $0x9;
	_ =	strace $0x80000048  }
0xb9: {  	_ =	swait.ge [sflag:s29], $0x1  }
0xba: {  	[sflag:s29] =	ssyncadd.s32 $0xFFFFFFFF  }
0xbb: {  	_ =	strace $0x90000048  }
0xbc: {  	_ =	sfence  }
0xbd: {  	s30 =	sld [smem:$0x0];
	_ =	sdelay $0x2  }
0xbe: {  	s31 =	sshll.u32 s1, $0xD;
	s1 =	sshrl.u32 s1, $0x2  }
0xbf: {  	s3 =	sand.u32 $0x4000, s31;
	s1 =	sadd.s32 s1, s30  }
0xc0: {  	s0 =	sor.u32 s3, s0;
	s1 =	sshll.u32 s1, $0x11  }
0xc1: {  	s0 =	sor.u32 s1, s0  }
0xc2: {  	s0 =	sadd.s32 $0x8F2B, s0  }
0xc3: {  	[sflag:s0] =	ssyncadd.remote.s32 $0x1  }
0xc4: {  	_ =	sfence.sel $0xFFFF  }
0xc5: {  	[dreg:$0x0] =	wrdreg $0xFFFFFFFF;
	(pc) =	sbr.abs _section_cstart, $3  }
0xc6: {  	[dreg:$0x1] =	wrdreg $0xFFFFFFFF  }
0xc7: {  	_ =	task.clear_ibuf [dreg:s9], $0x2FFFF;
	_ =	strace $0x9FFFFFFF  }
0xc8: {  	(tm) =	ssettm $0x7FFFFFFF  }
0xc9: {  	_ =	shalt  }
tec
execute0_lowered:
.L_overlay_start_1:
0x0: {  	(tag) =	ssettag $0x1  }
0x1: {  	s0 =	rddreg [dreg:$0x0]  }
0x2: {  	s1 =	rddreg [dreg:$0x1]  }
0x3: {  	s3 =	rddreg [dreg:$0x2]  }
0x4: {  	s2 =	rddreg [dreg:$0x3]  }
0x5: {  	s5 =	rddreg [dreg:$0x4];
	s4 =	srdreg.scid  }
0x6: {  	s6 =	rddreg [dreg:$0x5];
	s17 =	stileid.u32  }
0x7: {  	s7 =	simm.s32 $0x0;
	s28 =	simm.s32 $0x2;
	s9 =	smul.u32 $0x14000, s17  }
0x8: {  	s30 =	simm.s32 $0x5500;
	s29 =	simm.s32 $0x1200;
	s10 =	smul.u32 $0x1400, s17  }
0x9: {  	s31 =	simm.s32 $0xA80;
	s4 =	sand.u32 $0x1, s4;
	s20 =	smul.u32 $0x50000, s17  }
0xa: {  	[smem:$0x7FF] =	sst s7;
	s12 =	sadd.s32 $0x1000, s3;
	s21 =	smul.u32 $0x2800, s17  }
0xb: {  	s19 =	sshll.u32 s17, $0x1;
	p0 =	sgt.u32 s17, $0x1;
	s8 =	smul.u32 $0x140000, s4  }
0xc: {  	_ =	strace $0x80000047;
	s11 =	sshll.u32 s4, $0x7;
	[dreg:$0x7] =	wrdreg s12  }
0xd: {  	s13 =	ssub.s32 $0x2, s4;
	s4 =	sor.u32 s4, s19;
	s10 =	sor.u32 s11, s10  }
0xe: {  	s22 =	sshrl.u32 s13, $0x1;
	s14 =	smul.u32 $0x2700, s4;
	s12 =	sshrl.u32 s20, $0x2  }
0xf: {  	s15 =	smul.u32 $0x9C0, s4;
	s11 =	sshrl.u32 s21, $0x2;
	s9 =	sadd.s32 s9, s8  }
0x10: {  	s8 =	sadd.s32 $0x139800, s3;
	s10 =	sshrl.u32 s10, $0x3;
	s18 =	sadd.s32 s12, s5  }
0x11: {  	s11 =	sadd.s32 s11, s6;
	s9 =	sshrl.u32 s9, $0x3;
	s23 =	sshrl.u32 s14, $0x7  }
0x12: {  	[dreg:$0x9] =	wrdreg s11;
	s24 =	sadd.s32 s0, s15;
	s14 =	sshrl.u32 s14, $0x3  }
0x13: {  	[dreg:$0x8] =	wrdreg s18;
	s9 =	sadd.s32 s9, s3;
	s3 =	sadd.s32 s10, s3  }
0x14: {  	s10 =	ssub.s32 s13, s22;
	[dreg:$0xa] =	wrdreg s24;
	s14 =	sadd.s32 s1, s14  }
0x15: {  	s25 =	sor.u32 $0x1, s23;
	s12 =	sadd.s32 $0x3, s23;
	[dreg:$0xc] =	wrdreg s14  }
0x16: {  	s19 =	sadd.s32 $0x2, s23;
	s23 =	sadd.s32 $0x4000, s18;
	[dreg:$0x10] =	wrdreg s12  }
0x17: {  	s13 =	sadd.s32 $0x10, s0;
	s24 =	sadd.s32 $0x8000, s18;
	[dreg:$0x17] =	wrdreg s23  }
0x18: {  	s4 =	sor.u32 $0x9C0, s4;
	s15 =	sadd.s32 s15, s13;
	[dreg:$0x18] =	wrdreg s24  }
0x19: {  	s16 =	sshll.u32 s25, $0x5;
	s21 =	sadd.s32 $0x3A00, s9;
	[dreg:$0xb] =	wrdreg s15  }
0x1a: {  	s11 =	sshll.u32 s25, $0x4;
	s3 =	sadd.s32 $0x1200, s3;
	[dreg:$0x14] =	wrdreg s21  }
0x1b: {  	s22 =	smax.u32 s10, $0x1;
	s25 =	sadd.s32 $0xC000, s18;
	[dreg:$0x15] =	wrdreg s3  }
0x1c: {  	s10 =	simm.s32 $0x1280;
	s24 =	simm.s32 $0x4;
	[dreg:$0x16] =	wrdreg s22  }
0x1d: {  	s14 =	simm.s32 $0x0;
	s26 =	sadd.s32 s0, s16;
	[dreg:$0x19] =	wrdreg s25  }
0x1e: {  	s15 =	sadd.s32 s16, s13;
	s11 =	sadd.s32 s1, s11;
	[dreg:$0xd] =	wrdreg s26  }
0x1f: {  	s16 =	sshll.u32 s4, $0x5;
	s4 =	sshll.u32 s4, $0x4;
	[dreg:$0xe] =	wrdreg s15  }
0x20: {  	s3 =	simm.s32 $0x1500;
	[dreg:$0xf] =	wrdreg s11;
	s20 =	sadd.s32 s0, s16  }
.Ltmp0:
0x21: {  	s11 =	sadd.s32 s16, s13;
	[dreg:$0x11] =	wrdreg s20;
	(pc) =	sbr.rel .LBB2_1-.Ltmp0, $4  }
0x22: {  	s21 =	simm.s32 $0x7;
	s4 =	sadd.s32 s1, s4;
	[dreg:$0x12] =	wrdreg s11  }
0x23: {  	s22 =	simm.s32 $0x80;
	s26 =	sadd.s32 $0x10000, s18;
	[dreg:$0x13] =	wrdreg s4  }
0x24: {  	s25 =	simm.s32 $0x5;
	s18 =	simm.s32 $0x1180;
	[dreg:$0x1a] =	wrdreg s26  }
0x25: {  	v0 =	vimm.f32 $0.0e+00;
	s4 =	simm.s32 $0x1;
	s26 =	simm.s32 $0x3;
	s20 =	simm.s32 $0xA00  }
.LBB2_27:
0x26: {  	[bflag:$0x0] =	sbarrier.arrive $0xFFFF  }
0x27: {  	s9 =	rddreg [dreg:$0x8]  }
0x28: {  	s11 =	rddreg [dreg:$0x14]  }
0x29: {  	s15 =	rddreg [dreg:$0x1c];
	s9 =	sshrl.u32 s9, $0x3  }
0x2a: {  	[hbm:s11], [sflag:s15] =	dma.local [spmem:s9], $0x2800  }
0x2b: {  	_ =	swait.ge [sflag:s21], $0x2800  }
0x2c: {  	s17 =	simm.s32 $0x20;
	[sflag:s21] =	ssyncset.done $0x0;
	s11 =	rddreg [dreg:$0x15]  }
0x2d: {  	s12 =	simm.s32 $0x10;
	s16 =	rddreg [dreg:$0x1d];
	[sflag:s21] =	ssyncadd.s32 $0xFFFFD800  }
0x2e: {  	[hbm:s11@s17], [sflag:s15] =	dma.strided [spmem:s16@s12], $0x140, s4, $0x10   }
0x2f: {  	_ =	swait.ge [sflag:s21], $0x140  }
0x30: {  	s14 =	sadd.s32 $0x1, s14;
	s23 =	rddreg [dreg:$0x16]  }
0x31: {  	p1 =	sne.s32 s14, s23  }
.Ltmp1:
0x32: {  	_ = 	snop;
	(pc) =	sbr.rel @!p1 .LBB2_28-.Ltmp1, $3  }
0x33: {  	_ =	sdelay $0x1  }
0x34: {  	[sflag:s21] =	ssyncset.done $0x0  }
0x35: {  	[sflag:s21] =	ssyncadd.s32 $0xFFFFFEC0  }
.LBB2_1:
0x36: {  	[dreg:$0x1b] =	wrdreg s14;
	s9 =	simm.s32 $0x0;
	s11 =	simm.s32 $0x200  }
.LBB2_2:
0x37: {  	p1 =	sne.s32 s11, $0xFE00;
	[tilespmem:s9+$0x1570] =	vst v0  }
0x38: {  	[tilespmem:s9+$0x1500] =	vst v0  }
0x39: {  	[tilespmem:s9+$0x1510] =	vst v0  }
.Ltmp2:
0x3a: {  	[tilespmem:s9+$0x1520] =	vst v0;
	(pc) =	sbr.rel @p1 .LBB2_2-.Ltmp2, $4  }
0x3b: {  	[tilespmem:s9+$0x1530] =	vst v0  }
0x3c: {  	[tilespmem:s9+$0x1540] =	vst v0  }
0x3d: {  	[tilespmem:s9+$0x1550] =	vst v0  }
0x3e: {  	[tilespmem:s9+$0x1560] =	vst v0;
	s9 =	sshra.s32 s11, $0x2;
	s11 =	sadd.s32 $0x200, s11  }
0x3f: {  	[tilespmem:s9+$0x1570] =	vst v0  }
0x40: {  	[tilespmem:s9+$0x1500] =	vst v0  }
0x41: {  	[tilespmem:s9+$0x1510] =	vst v0  }
0x42: {  	[tilespmem:s9+$0x1520] =	vst v0  }
0x43: {  	[tilespmem:s9+$0x1530] =	vst v0  }
0x44: {  	[tilespmem:s9+$0x1540] =	vst v0  }
0x45: {  	[tilespmem:s9+$0x1550] =	vst v0  }
0x46: {  	[tilespmem:s9+$0x1560] =	vst v0;
	s15 =	rddreg [dreg:$0x8]  }
0x47: {  	[spmem:s15] =	stream.linear.scatter [tilespmem:s3], [sflag:$0x7], $0x4000, $0x38;
	[tilespmem:$0x1DF00] =	vst v63  }
0x48: {  	_ =	swait.ge [sflag:s21], $0x4000  }
0x49: {  	[sflag:s21] =	ssyncset.done $0x0  }
0x4a: {  	s16 =	rddreg [dreg:$0x17];
	[sflag:s21] =	ssyncadd.s32 $0xFFFFC000  }
0x4b: {  	[spmem:s16] =	stream.linear.scatter [tilespmem:s3], [sflag:$0x7], $0x4000, $0x38;
	[tilespmem:$0x1DF00] =	vst v63  }
0x4c: {  	_ =	swait.ge [sflag:s21], $0x4000  }
0x4d: {  	[sflag:s21] =	ssyncset.done $0x0  }
0x4e: {  	s17 =	rddreg [dreg:$0x18];
	[sflag:s21] =	ssyncadd.s32 $0xFFFFC000  }
0x4f: {  	[spmem:s17] =	stream.linear.scatter [tilespmem:s3], [sflag:$0x7], $0x4000, $0x38;
	[tilespmem:$0x1DF00] =	vst v63  }
0x50: {  	_ =	swait.ge [sflag:s21], $0x4000  }
0x51: {  	[sflag:s21] =	ssyncset.done $0x0  }
0x52: {  	s23 =	rddreg [dreg:$0x19];
	[sflag:s21] =	ssyncadd.s32 $0xFFFFC000  }
0x53: {  	[spmem:s23] =	stream.linear.scatter [tilespmem:s3], [sflag:$0x7], $0x4000, $0x38;
	[tilespmem:$0x1DF00] =	vst v63  }
0x54: {  	_ =	swait.ge [sflag:s21], $0x4000  }
0x55: {  	s12 =	stileid.u32;
	[sflag:s21] =	ssyncset.done $0x0  }
0x56: {  	s9 =	sshll.u32 s12, $0x6;
	s11 =	rddreg [dreg:$0x1a];
	[sflag:s21] =	ssyncadd.s32 $0xFFFFC000  }
0x57: {  	[spmem:s11] =	stream.linear.scatter [tilespmem:s3], [sflag:$0x7], $0x4000, $0x38;
	[tilespmem:$0x1DF00] =	vst v63  }
0x58: {  	s11 =	sor.u32 $0x1C07, s9  }
0x59: {  	_ =	swait.ge [sflag:s21], $0x4000;
	[dreg:$0x1c] =	wrdreg s11  }
0x5a: {  	s14 =	rddreg [dreg:$0x9]  }
0x5b: {  	[sflag:s21] =	ssyncset.done $0x0;
	s15 =	rddreg [dreg:$0x7];
	s12 =	sshrl.u32 s14, $0x3  }
0x5c: {  	[sflag:s21] =	ssyncadd.s32 $0xFFFFC000;
	[dreg:$0x1d] =	wrdreg s12  }
0x5d: {  	[spmem:s12], [sflag:s11] =	dma.local [hbm:s15], $0x140  }
0x5e: {  	_ =	swait.ge [sflag:s21], $0x140  }
0x5f: {  	[sflag:s21] =	ssyncset.done $0x0  }
0x60: {  	[sflag:s21] =	ssyncadd.s32 $0xFFFFFEC0  }
0x61: {  	[bflag:$0x0] =	sbarrier.arrive $0xFFFF  }
0x62: {  	s9 =	simm.s32 $0x0;
	s16 =	rddreg [dreg:$0xa]  }
0x63: {  	[tilespmem:s9], [sflag:$0x1] =	stream.linear.gather [hbm4b:s16+s9], $0x80, $0x38;
	[tilespmem:$0x1DF00] =	vst v63  }
0x64: {  	s23 =	simm.s32 $0x100;
	s17 =	rddreg [dreg:$0xb]  }
0x65: {  	[tilespmem:s23], [sflag:$0x1] =	stream.linear.gather [hbm4b:s17+s9], $0x80, $0x38;
	[tilespmem:$0x1DF00] =	vst v63  }
0x66: {  	s15 =	simm.s32 $0x200;
	s14 =	rddreg [dreg:$0xc]  }
0x67: {  	[tilespmem:s15], [sflag:$0x1] =	stream.linear.gather [hbm4b:s14+s9], $0x80, $0x38;
	[tilespmem:$0x1DF00] =	vst v63  }
0x68: {  	_ =	swait.ge [sflag:s4], $0x80  }
0x69: {  	[sflag:s4] =	ssyncset.done $0x0  }
0x6a: {  	[sflag:s4] =	ssyncadd.s32 $0xFFFFFF80  }
0x6b: {  	_ =	swait.ge [sflag:s4], $0x80  }
0x6c: {  	[sflag:s4] =	ssyncset.done $0x0  }
0x6d: {  	[sflag:s4] =	ssyncadd.s32 $0xFFFFFF80  }
0x6e: {  	_ =	swait.ge [sflag:s4], $0x80  }
0x6f: {  	[sflag:s4] =	ssyncset.done $0x0  }
0x70: {  	[sflag:s4] =	ssyncadd.s32 $0xFFFFFF80  }
0x71: {  	v1 =	vld [tilespmem:$0x0]  }
0x72: {  	v2 =	vld [tilespmem:$0x200]  }
0x73: {  	v3 =	vld [tilespmem:$0x100]  }
0x74: {  	v63 =	vld [tilespmem:$0x170];
	_ =	sdelay $0x3  }
0x75: {  	v1 =	vshll.u32 v1, $0x3;
	[tilespmem:$0x400] =	vst v3  }
0x76: {  	v4 =	vshll.u32 v3, $0x5;
	[tilespmem:$0x470] =	vst v63;
	v1 =	vadd.s32 v1, v2;
	v2 =	vshll.u32 v2, $0x2  }
0x77: {  	[tilespmem:$0x300] =	vst v1;
	v1 =	vshll.u32 v1, $0x2;
	v2 =	vadd.s32 v4, v2  }
0x78: {  	[tilespmem:$0x500] =	vst v1;
	v4 =	vor.u32 $0x2, v2  }
0x79: {  	v39 =	vld [tilespmem:$0x10];
	v1 =	vor.u32 $0x1, v1;
	[tilespmem:$0x700] =	vst v4  }
0x7a: {  	[tilespmem:$0x580] =	vst v1;
	v1 =	vor.u32 $0x3, v2;
	v2 =	vld [tilespmem:$0x210]  }
0x7b: {  	[tilespmem:$0x780] =	vst v1;
	v1 =	vshll.u32 v3, $0x2  }
0x7c: {  	v3 =	vld [tilespmem:$0x110];
	[tilespmem:$0x900] =	vst v1;
	v5 =	vor.u32 $0x1, v1  }
0x7d: {  	v40 =	vor.u32 $0x2, v1;
	[tilespmem:$0x980] =	vst v5  }
0x7e: {  	v4 =	vshll.u32 v39, $0x3;
	v1 =	vor.u32 $0x3, v1;
	[tilespmem:$0xA00] =	vst v40  }
0x7f: {  	[tilespmem:$0xA80] =	vst v1;
	v1 =	vadd.s32 v4, v2  }
0x80: {  	[tilespmem:$0x310] =	vst v1  }
0x81: {  	v2 =	vshll.u32 v2, $0x2;
	v41 =	vshll.u32 v3, $0x5;
	[tilespmem:$0x410] =	vst v3;
	v1 =	vshll.u32 v1, $0x2  }
0x82: {  	v2 =	vadd.s32 v41, v2;
	[tilespmem:$0x510] =	vst v1;
	v1 =	vor.u32 $0x1, v1  }
0x83: {  	v42 =	vld [tilespmem:$0x20];
	v4 =	vor.u32 $0x2, v2;
	[tilespmem:$0x590] =	vst v1  }
0x84: {  	v1 =	vor.u32 $0x3, v2;
	v2 =	vld [tilespmem:$0x220];
	[tilespmem:$0x710] =	vst v4  }
0x85: {  	[tilespmem:$0x790] =	vst v1;
	v1 =	vshll.u32 v3, $0x2  }
0x86: {  	v3 =	vld [tilespmem:$0x120];
	[tilespmem:$0x910] =	vst v1;
	v43 =	vor.u32 $0x1, v1  }
0x87: {  	v44 =	vor.u32 $0x2, v1;
	[tilespmem:$0x990] =	vst v43  }
0x88: {  	v4 =	vshll.u32 v42, $0x3;
	v1 =	vor.u32 $0x3, v1;
	[tilespmem:$0xA10] =	vst v44  }
0x89: {  	[tilespmem:$0xA90] =	vst v1;
	v1 =	vadd.s32 v4, v2  }
0x8a: {  	[tilespmem:$0x320] =	vst v1  }
0x8b: {  	v2 =	vshll.u32 v2, $0x2;
	v45 =	vshll.u32 v3, $0x5;
	[tilespmem:$0x420] =	vst v3;
	v1 =	vshll.u32 v1, $0x2  }
0x8c: {  	v2 =	vadd.s32 v45, v2;
	[tilespmem:$0x520] =	vst v1;
	v1 =	vor.u32 $0x1, v1  }
0x8d: {  	v46 =	vld [tilespmem:$0x30];
	v4 =	vor.u32 $0x2, v2;
	[tilespmem:$0x5A0] =	vst v1  }
0x8e: {  	v1 =	vor.u32 $0x3, v2;
	v2 =	vld [tilespmem:$0x230];
	[tilespmem:$0x720] =	vst v4  }
0x8f: {  	[tilespmem:$0x7A0] =	vst v1;
	v1 =	vshll.u32 v3, $0x2  }
0x90: {  	v3 =	vld [tilespmem:$0x130];
	[tilespmem:$0x920] =	vst v1;
	v47 =	vor.u32 $0x1, v1  }
0x91: {  	v48 =	vor.u32 $0x2, v1;
	[tilespmem:$0x9A0] =	vst v47  }
0x92: {  	v4 =	vshll.u32 v46, $0x3;
	v1 =	vor.u32 $0x3, v1;
	[tilespmem:$0xA20] =	vst v48  }
0x93: {  	[tilespmem:$0xAA0] =	vst v1;
	v1 =	vadd.s32 v4, v2  }
0x94: {  	[tilespmem:$0x330] =	vst v1  }
0x95: {  	v2 =	vshll.u32 v2, $0x2;
	v49 =	vshll.u32 v3, $0x5;
	[tilespmem:$0x430] =	vst v3;
	v1 =	vshll.u32 v1, $0x2  }
0x96: {  	v2 =	vadd.s32 v49, v2;
	[tilespmem:$0x530] =	vst v1;
	v1 =	vor.u32 $0x1, v1  }
0x97: {  	v50 =	vld [tilespmem:$0x40];
	v4 =	vor.u32 $0x2, v2;
	[tilespmem:$0x5B0] =	vst v1  }
0x98: {  	v1 =	vor.u32 $0x3, v2;
	v2 =	vld [tilespmem:$0x240];
	[tilespmem:$0x730] =	vst v4  }
0x99: {  	[tilespmem:$0x7B0] =	vst v1;
	v1 =	vshll.u32 v3, $0x2  }
0x9a: {  	v3 =	vld [tilespmem:$0x140];
	[tilespmem:$0x930] =	vst v1;
	v51 =	vor.u32 $0x1, v1  }
0x9b: {  	v52 =	vor.u32 $0x2, v1;
	[tilespmem:$0x9B0] =	vst v51  }
0x9c: {  	v4 =	vshll.u32 v50, $0x3;
	v1 =	vor.u32 $0x3, v1;
	[tilespmem:$0xA30] =	vst v52  }
0x9d: {  	[tilespmem:$0xAB0] =	vst v1;
	v1 =	vadd.s32 v4, v2  }
0x9e: {  	[tilespmem:$0x340] =	vst v1  }
0x9f: {  	v2 =	vshll.u32 v2, $0x2;
	v53 =	vshll.u32 v3, $0x5;
	[tilespmem:$0x440] =	vst v3;
	v1 =	vshll.u32 v1, $0x2  }
0xa0: {  	v2 =	vadd.s32 v53, v2;
	[tilespmem:$0x540] =	vst v1;
	v1 =	vor.u32 $0x1, v1  }
0xa1: {  	v54 =	vld [tilespmem:$0x50];
	v4 =	vor.u32 $0x2, v2;
	[tilespmem:$0x5C0] =	vst v1  }
0xa2: {  	v1 =	vor.u32 $0x3, v2;
	v2 =	vld [tilespmem:$0x250];
	[tilespmem:$0x740] =	vst v4  }
0xa3: {  	[tilespmem:$0x7C0] =	vst v1;
	v1 =	vshll.u32 v3, $0x2  }
0xa4: {  	v3 =	vld [tilespmem:$0x150];
	[tilespmem:$0x940] =	vst v1;
	v55 =	vor.u32 $0x1, v1  }
0xa5: {  	v56 =	vor.u32 $0x2, v1;
	[tilespmem:$0x9C0] =	vst v55  }
0xa6: {  	v4 =	vshll.u32 v54, $0x3;
	v1 =	vor.u32 $0x3, v1;
	[tilespmem:$0xA40] =	vst v56  }
0xa7: {  	[tilespmem:$0xAC0] =	vst v1;
	v1 =	vadd.s32 v4, v2  }
0xa8: {  	[tilespmem:$0x350] =	vst v1  }
0xa9: {  	v2 =	vshll.u32 v2, $0x2;
	v57 =	vshll.u32 v3, $0x5;
	[tilespmem:$0x450] =	vst v3;
	v1 =	vshll.u32 v1, $0x2  }
0xaa: {  	v2 =	vadd.s32 v57, v2;
	[tilespmem:$0x550] =	vst v1;
	v1 =	vor.u32 $0x1, v1  }
0xab: {  	v58 =	vld [tilespmem:$0x60];
	v4 =	vor.u32 $0x2, v2;
	[tilespmem:$0x5D0] =	vst v1  }
0xac: {  	v1 =	vor.u32 $0x3, v2;
	v2 =	vld [tilespmem:$0x260];
	[tilespmem:$0x750] =	vst v4  }
0xad: {  	[tilespmem:$0x7D0] =	vst v1;
	v1 =	vshll.u32 v3, $0x2  }
0xae: {  	v3 =	vld [tilespmem:$0x160];
	[tilespmem:$0x950] =	vst v1;
	v59 =	vor.u32 $0x1, v1  }
0xaf: {  	v60 =	vor.u32 $0x2, v1;
	[tilespmem:$0x9D0] =	vst v59  }
0xb0: {  	v4 =	vshll.u32 v58, $0x3;
	v1 =	vor.u32 $0x3, v1;
	[tilespmem:$0xA50] =	vst v60  }
0xb1: {  	[tilespmem:$0xAD0] =	vst v1;
	v1 =	vadd.s32 v4, v2  }
0xb2: {  	[tilespmem:$0x360] =	vst v1  }
0xb3: {  	v2 =	vshll.u32 v2, $0x2;
	v61 =	vshll.u32 v3, $0x5;
	[tilespmem:$0x460] =	vst v3;
	v1 =	vshll.u32 v1, $0x2  }
0xb4: {  	v2 =	vadd.s32 v61, v2;
	[tilespmem:$0x560] =	vst v1;
	v1 =	vor.u32 $0x1, v1  }
0xb5: {  	v62 =	vld [tilespmem:$0x70];
	v4 =	vor.u32 $0x2, v2;
	[tilespmem:$0x5E0] =	vst v1  }
0xb6: {  	v1 =	vor.u32 $0x3, v2;
	v2 =	vshll.u32 v3, $0x2;
	v3 =	vld [tilespmem:$0x270];
	[tilespmem:$0x760] =	vst v4  }
0xb7: {  	[tilespmem:$0x7E0] =	vst v1  }
0xb8: {  	v1 =	vor.u32 $0x1, v2;
	[tilespmem:$0x960] =	vst v2  }
0xb9: {  	[tilespmem:$0x9E0] =	vst v1;
	v1 =	vor.u32 $0x2, v2  }
0xba: {  	[tilespmem:$0xA60] =	vst v1;
	v1 =	vor.u32 $0x3, v2;
	v2 =	vshll.u32 v62, $0x3  }
0xbb: {  	[tilespmem:$0xAE0] =	vst v1;
	v1 =	vadd.s32 v2, v3;
	v2 =	vshll.u32 v63, $0x5;
	v3 =	vshll.u32 v3, $0x2  }
0xbc: {  	[tilespmem:$0x370] =	vst v1;
	v1 =	vshll.u32 v1, $0x2;
	v2 =	vadd.s32 v2, v3  }
0xbd: {  	[tilespmem:$0x570] =	vst v1;
	v3 =	vor.u32 $0x2, v2  }
0xbe: {  	v1 =	vor.u32 $0x1, v1;
	[tilespmem:$0x770] =	vst v3  }
0xbf: {  	[tilespmem:$0x5F0] =	vst v1;
	v1 =	vor.u32 $0x3, v2  }
0xc0: {  	[tilespmem:$0x7F0] =	vst v1;
	v1 =	vshll.u32 v63, $0x2  }
0xc1: {  	[tilespmem:$0x970] =	vst v1;
	v2 =	vor.u32 $0x1, v1  }
0xc2: {  	[tilespmem:$0x9F0] =	vst v2;
	v2 =	vor.u32 $0x2, v1  }
0xc3: {  	v1 =	vor.u32 $0x3, v1;
	[tilespmem:$0xA70] =	vst v2  }
0xc4: {  	s16 =	simm.s32 $0x300;
	[tilespmem:$0xAF0] =	vst v1  }
0xc5: {  	[tilespmem:s3], [sflag:$0x3] =	stream.indirect.gather [hbm4b:s8+s22], $0x80, s16, s22, $0xb8;
	[tilespmem:$0x1DF00] =	vst v63  }
0xc6: {  	s17 =	simm.s32 $0x500;
	s23 =	simm.s32 $0xD00  }
0xc7: {  	[tilespmem:s23], [sflag:$0x3] =	stream.indirect.gather [hbm4b:s2+s22], $0x1, s17, s22, $0xb8;
	[tilespmem:$0x1DF00] =	vst v63  }
0xc8: {  	s12 =	simm.s32 $0x700;
	s14 =	simm.s32 $0xF00  }
0xc9: {  	[tilespmem:s14], [sflag:$0x3] =	stream.indirect.gather [hbm4b:s2+s22], $0x1, s12, s22, $0xb8;
	[tilespmem:$0x1DF00] =	vst v63  }
0xca: {  	s15 =	simm.s32 $0x580;
	s16 =	simm.s32 $0xD80  }
0xcb: {  	[tilespmem:s16], [sflag:$0x3] =	stream.indirect.gather [hbm4b:s2+s22], $0x1, s15, s22, $0xb8;
	[tilespmem:$0x1DF00] =	vst v63  }
0xcc: {  	s17 =	simm.s32 $0x780;
	s23 =	simm.s32 $0xF80  }
0xcd: {  	[tilespmem:s23], [sflag:$0x3] =	stream.indirect.gather [hbm4b:s2+s22], $0x1, s17, s22, $0xb8;
	[tilespmem:$0x1DF00] =	vst v63  }
0xce: {  	s14 =	rddreg [dreg:$0xd]  }
0xcf: {  	[tilespmem:s22], [sflag:$0x2] =	stream.linear.gather [hbm4b:s14+s9], $0x80, $0x38;
	[tilespmem:$0x1DF00] =	vst v63  }
0xd0: {  	s15 =	rddreg [dreg:$0xe];
	s16 =	simm.s32 $0x180  }
0xd1: {  	[tilespmem:s16], [sflag:$0x2] =	stream.linear.gather [hbm4b:s15+s9], $0x80, $0x38;
	[tilespmem:$0x1DF00] =	vst v63  }
0xd2: {  	s17 =	rddreg [dreg:$0xf];
	s23 =	simm.s32 $0x280  }
0xd3: {  	[tilespmem:s23], [sflag:$0x2] =	stream.linear.gather [hbm4b:s17+s9], $0x80, $0x38;
	[tilespmem:$0x1DF00] =	vst v63  }
.LBB2_4:
0xd4: {  	_ =	swait.ge [sflag:s26], $0x4000  }
0xd5: {  	[sflag:s26] =	ssyncset.done $0x0  }
0xd6: {  	[sflag:s26] =	ssyncadd.s32 $0xFFFFC000  }
0xd7: {  	_ =	swait.ge [sflag:s26], $0x80  }
0xd8: {  	[sflag:s26] =	ssyncset.done $0x0  }
0xd9: {  	[sflag:s26] =	ssyncadd.s32 $0xFFFFFF80  }
0xda: {  	_ =	swait.ge [sflag:s26], $0x80  }
0xdb: {  	[sflag:s26] =	ssyncset.done $0x0  }
0xdc: {  	[sflag:s26] =	ssyncadd.s32 $0xFFFFFF80  }
0xdd: {  	_ =	swait.ge [sflag:s26], $0x80  }
0xde: {  	[sflag:s26] =	ssyncset.done $0x0  }
0xdf: {  	[sflag:s26] =	ssyncadd.s32 $0xFFFFFF80  }
0xe0: {  	_ =	swait.ge [sflag:s26], $0x80  }
0xe1: {  	p1 =	seq.s32 s9, $0x0;
	[sflag:s26] =	ssyncset.done $0x0  }
0xe2: {  	s11 =	simm.s32 @!p1 $0x6;
	[sflag:s26] =	ssyncadd.s32 $0xFFFFFF80  }
0xe3: {  	_ =	swait.ge @!p1 [sflag:s11], $0x4000  }
0xe4: {  	[sflag:s11] =	ssyncset.done @!p1 $0x0  }
0xe5: {  	[sflag:s11] =	ssyncadd.s32 @!p1 $0xFFFFC000  }
0xe6: {  	_ =	swait.ge @!p1 [sflag:s11], $0x80  }
0xe7: {  	[sflag:s11] =	ssyncset.done @!p1 $0x0  }
0xe8: {  	[sflag:s11] =	ssyncadd.s32 @!p1 $0xFFFFFF80  }
0xe9: {  	_ =	swait.ge @!p1 [sflag:s11], $0x80  }
0xea: {  	[sflag:s11] =	ssyncset.done @!p1 $0x0  }
0xeb: {  	[sflag:s11] =	ssyncadd.s32 @!p1 $0xFFFFFF80  }
0xec: {  	_ =	swait.ge @!p1 [sflag:s11], $0x80  }
0xed: {  	[sflag:s11] =	ssyncset.done @!p1 $0x0  }
0xee: {  	[sflag:s11] =	ssyncadd.s32 @!p1 $0xFFFFFF80  }
0xef: {  	_ =	swait.ge @!p1 [sflag:s11], $0x80  }
0xf0: {  	[sflag:s11] =	ssyncset.done @!p1 $0x0  }
0xf1: {  	[sflag:s11] =	ssyncadd.s32 @!p1 $0xFFFFFF80  }
0xf2: {  	_ =	swait.ge [sflag:s28], $0x80  }
0xf3: {  	[sflag:s28] =	ssyncset.done $0x0  }
0xf4: {  	[sflag:s28] =	ssyncadd.s32 $0xFFFFFF80  }
0xf5: {  	_ =	swait.ge [sflag:s28], $0x80  }
0xf6: {  	[sflag:s28] =	ssyncset.done $0x0  }
0xf7: {  	[sflag:s28] =	ssyncadd.s32 $0xFFFFFF80  }
0xf8: {  	_ =	swait.ge [sflag:s28], $0x80  }
0xf9: {  	[sflag:s28] =	ssyncset.done $0x0  }
0xfa: {  	[sflag:s28] =	ssyncadd.s32 $0xFFFFFF80  }
0xfb: {  	v1 =	vld [tilespmem:$0x80]  }
0xfc: {  	v2 =	vld [tilespmem:$0x280]  }
0xfd: {  	v3 =	vld [tilespmem:$0x180];
	_ =	sdelay $0x3  }
0xfe: {  	v1 =	vshll.u32 v1, $0x3  }
0xff: {  	v4 =	vshll.u32 v3, $0x5;
	[tilespmem:$0x480] =	vst v3;
	v1 =	vadd.s32 v1, v2;
	v2 =	vshll.u32 v2, $0x2  }
0x100: {  	[tilespmem:$0x380] =	vst v1;
	v1 =	vshll.u32 v1, $0x2;
	v2 =	vadd.s32 v4, v2  }
0x101: {  	[tilespmem:$0x600] =	vst v1;
	v4 =	vor.u32 $0x2, v2  }
0x102: {  	v1 =	vor.u32 $0x1, v1;
	[tilespmem:$0x800] =	vst v4;
	v4 =	vld [tilespmem:$0x90]  }
0x103: {  	[tilespmem:$0x680] =	vst v1;
	v1 =	vor.u32 $0x3, v2;
	v2 =	vld [tilespmem:$0x290]  }
0x104: {  	[tilespmem:$0x880] =	vst v1;
	v1 =	vshll.u32 v3, $0x2;
	v3 =	vld [tilespmem:$0x190]  }
0x105: {  	[tilespmem:$0xB00] =	vst v1;
	v5 =	vor.u32 $0x1, v1  }
0x106: {  	[tilespmem:$0xB80] =	vst v5;
	v5 =	vor.u32 $0x2, v1  }
0x107: {  	v1 =	vor.u32 $0x3, v1;
	[tilespmem:$0xC00] =	vst v5  }
0x108: {  	[tilespmem:$0xC80] =	vst v1;
	v4 =	vshll.u32 v4, $0x3  }
0x109: {  	v1 =	vadd.s32 v4, v2;
	v4 =	vshll.u32 v3, $0x5;
	v2 =	vshll.u32 v2, $0x2;
	[tilespmem:$0x490] =	vst v3  }
0x10a: {  	[tilespmem:$0x390] =	vst v1;
	v1 =	vshll.u32 v1, $0x2;
	v2 =	vadd.s32 v4, v2  }
0x10b: {  	[tilespmem:$0x610] =	vst v1;
	v4 =	vor.u32 $0x2, v2  }
0x10c: {  	v1 =	vor.u32 $0x1, v1;
	[tilespmem:$0x810] =	vst v4;
	v4 =	vld [tilespmem:$0xA0]  }
0x10d: {  	[tilespmem:$0x690] =	vst v1;
	v1 =	vor.u32 $0x3, v2;
	v2 =	vld [tilespmem:$0x2A0]  }
0x10e: {  	[tilespmem:$0x890] =	vst v1;
	v1 =	vshll.u32 v3, $0x2;
	v3 =	vld [tilespmem:$0x1A0]  }
0x10f: {  	[tilespmem:$0xB10] =	vst v1;
	v5 =	vor.u32 $0x1, v1  }
0x110: {  	[tilespmem:$0xB90] =	vst v5;
	v5 =	vor.u32 $0x2, v1  }
0x111: {  	v1 =	vor.u32 $0x3, v1;
	[tilespmem:$0xC10] =	vst v5  }
0x112: {  	[tilespmem:$0xC90] =	vst v1;
	v4 =	vshll.u32 v4, $0x3  }
0x113: {  	v1 =	vadd.s32 v4, v2;
	v4 =	vshll.u32 v3, $0x5;
	v2 =	vshll.u32 v2, $0x2;
	[tilespmem:$0x4A0] =	vst v3  }
0x114: {  	[tilespmem:$0x3A0] =	vst v1;
	v1 =	vshll.u32 v1, $0x2;
	v2 =	vadd.s32 v4, v2  }
0x115: {  	[tilespmem:$0x620] =	vst v1;
	v4 =	vor.u32 $0x2, v2  }
0x116: {  	v1 =	vor.u32 $0x1, v1;
	[tilespmem:$0x820] =	vst v4;
	v4 =	vld [tilespmem:$0xB0]  }
0x117: {  	[tilespmem:$0x6A0] =	vst v1;
	v1 =	vor.u32 $0x3, v2;
	v2 =	vld [tilespmem:$0x2B0]  }
0x118: {  	[tilespmem:$0x8A0] =	vst v1;
	v1 =	vshll.u32 v3, $0x2;
	v3 =	vld [tilespmem:$0x1B0]  }
0x119: {  	[tilespmem:$0xB20] =	vst v1;
	v5 =	vor.u32 $0x1, v1  }
0x11a: {  	[tilespmem:$0xBA0] =	vst v5;
	v5 =	vor.u32 $0x2, v1  }
0x11b: {  	v1 =	vor.u32 $0x3, v1;
	[tilespmem:$0xC20] =	vst v5  }
0x11c: {  	[tilespmem:$0xCA0] =	vst v1;
	v4 =	vshll.u32 v4, $0x3  }
0x11d: {  	v1 =	vadd.s32 v4, v2;
	v4 =	vshll.u32 v3, $0x5;
	v2 =	vshll.u32 v2, $0x2;
	[tilespmem:$0x4B0] =	vst v3  }
0x11e: {  	[tilespmem:$0x3B0] =	vst v1;
	v1 =	vshll.u32 v1, $0x2;
	v2 =	vadd.s32 v4, v2  }
0x11f: {  	[tilespmem:$0x630] =	vst v1;
	v4 =	vor.u32 $0x2, v2  }
0x120: {  	v1 =	vor.u32 $0x1, v1;
	[tilespmem:$0x830] =	vst v4;
	v4 =	vld [tilespmem:$0xC0]  }
0x121: {  	[tilespmem:$0x6B0] =	vst v1;
	v1 =	vor.u32 $0x3, v2;
	v2 =	vld [tilespmem:$0x2C0]  }
0x122: {  	[tilespmem:$0x8B0] =	vst v1;
	v1 =	vshll.u32 v3, $0x2;
	v3 =	vld [tilespmem:$0x1C0]  }
0x123: {  	[tilespmem:$0xB30] =	vst v1;
	v5 =	vor.u32 $0x1, v1  }
0x124: {  	[tilespmem:$0xBB0] =	vst v5;
	v5 =	vor.u32 $0x2, v1  }
0x125: {  	v1 =	vor.u32 $0x3, v1;
	[tilespmem:$0xC30] =	vst v5  }
0x126: {  	[tilespmem:$0xCB0] =	vst v1;
	v4 =	vshll.u32 v4, $0x3  }
0x127: {  	v1 =	vadd.s32 v4, v2;
	v4 =	vshll.u32 v3, $0x5;
	v2 =	vshll.u32 v2, $0x2;
	[tilespmem:$0x4C0] =	vst v3  }
0x128: {  	[tilespmem:$0x3C0] =	vst v1;
	v1 =	vshll.u32 v1, $0x2;
	v2 =	vadd.s32 v4, v2  }
0x129: {  	[tilespmem:$0x640] =	vst v1;
	v4 =	vor.u32 $0x2, v2  }
0x12a: {  	v1 =	vor.u32 $0x1, v1;
	[tilespmem:$0x840] =	vst v4;
	v4 =	vld [tilespmem:$0xD0]  }
0x12b: {  	[tilespmem:$0x6C0] =	vst v1;
	v1 =	vor.u32 $0x3, v2;
	v2 =	vld [tilespmem:$0x2D0]  }
0x12c: {  	[tilespmem:$0x8C0] =	vst v1;
	v1 =	vshll.u32 v3, $0x2;
	v3 =	vld [tilespmem:$0x1D0]  }
0x12d: {  	[tilespmem:$0xB40] =	vst v1;
	v5 =	vor.u32 $0x1, v1  }
0x12e: {  	[tilespmem:$0xBC0] =	vst v5;
	v5 =	vor.u32 $0x2, v1  }
0x12f: {  	v1 =	vor.u32 $0x3, v1;
	[tilespmem:$0xC40] =	vst v5  }
0x130: {  	[tilespmem:$0xCC0] =	vst v1;
	v4 =	vshll.u32 v4, $0x3  }
0x131: {  	v1 =	vadd.s32 v4, v2;
	v4 =	vshll.u32 v3, $0x5;
	v2 =	vshll.u32 v2, $0x2;
	[tilespmem:$0x4D0] =	vst v3  }
0x132: {  	[tilespmem:$0x3D0] =	vst v1;
	v1 =	vshll.u32 v1, $0x2;
	v2 =	vadd.s32 v4, v2  }
0x133: {  	[tilespmem:$0x650] =	vst v1;
	v4 =	vor.u32 $0x2, v2  }
0x134: {  	v1 =	vor.u32 $0x1, v1;
	[tilespmem:$0x850] =	vst v4;
	v4 =	vld [tilespmem:$0xE0]  }
0x135: {  	[tilespmem:$0x6D0] =	vst v1;
	v1 =	vor.u32 $0x3, v2;
	v2 =	vld [tilespmem:$0x2E0]  }
0x136: {  	[tilespmem:$0x8D0] =	vst v1;
	v1 =	vshll.u32 v3, $0x2;
	v3 =	vld [tilespmem:$0x1E0]  }
0x137: {  	[tilespmem:$0xB50] =	vst v1;
	v5 =	vor.u32 $0x1, v1  }
0x138: {  	[tilespmem:$0xBD0] =	vst v5;
	v5 =	vor.u32 $0x2, v1  }
0x139: {  	v1 =	vor.u32 $0x3, v1;
	[tilespmem:$0xC50] =	vst v5  }
0x13a: {  	[tilespmem:$0xCD0] =	vst v1;
	v4 =	vshll.u32 v4, $0x3  }
0x13b: {  	v1 =	vadd.s32 v4, v2;
	v4 =	vshll.u32 v3, $0x5;
	v2 =	vshll.u32 v2, $0x2;
	[tilespmem:$0x4E0] =	vst v3  }
0x13c: {  	[tilespmem:$0x3E0] =	vst v1;
	v1 =	vshll.u32 v1, $0x2;
	v2 =	vadd.s32 v4, v2  }
0x13d: {  	[tilespmem:$0x660] =	vst v1;
	v4 =	vor.u32 $0x2, v2  }
0x13e: {  	v1 =	vor.u32 $0x1, v1;
	[tilespmem:$0x860] =	vst v4;
	v4 =	vld [tilespmem:$0xF0]  }
0x13f: {  	[tilespmem:$0x6E0] =	vst v1;
	v1 =	vor.u32 $0x3, v2;
	v2 =	vld [tilespmem:$0x2F0]  }
0x140: {  	[tilespmem:$0x8E0] =	vst v1;
	v1 =	vshll.u32 v3, $0x2;
	v3 =	vld [tilespmem:$0x1F0]  }
0x141: {  	[tilespmem:$0xB60] =	vst v1;
	v5 =	vor.u32 $0x1, v1  }
0x142: {  	[tilespmem:$0xBE0] =	vst v5;
	v5 =	vor.u32 $0x2, v1  }
0x143: {  	v1 =	vor.u32 $0x3, v1;
	[tilespmem:$0xC60] =	vst v5  }
0x144: {  	[tilespmem:$0xCE0] =	vst v1;
	v4 =	vshll.u32 v4, $0x3  }
0x145: {  	v1 =	vadd.s32 v4, v2;
	v4 =	vshll.u32 v3, $0x5;
	v2 =	vshll.u32 v2, $0x2;
	[tilespmem:$0x4F0] =	vst v3  }
0x146: {  	[tilespmem:$0x3F0] =	vst v1;
	v1 =	vshll.u32 v1, $0x2;
	v2 =	vadd.s32 v4, v2  }
0x147: {  	[tilespmem:$0x670] =	vst v1;
	v4 =	vor.u32 $0x2, v2  }
0x148: {  	v1 =	vor.u32 $0x1, v1;
	[tilespmem:$0x870] =	vst v4  }
0x149: {  	[tilespmem:$0x6F0] =	vst v1;
	v1 =	vor.u32 $0x3, v2  }
0x14a: {  	[tilespmem:$0x8F0] =	vst v1;
	v1 =	vshll.u32 v3, $0x2  }
0x14b: {  	[tilespmem:$0xB70] =	vst v1;
	v2 =	vor.u32 $0x1, v1  }
0x14c: {  	[tilespmem:$0xBF0] =	vst v2;
	v2 =	vor.u32 $0x2, v1  }
0x14d: {  	v1 =	vor.u32 $0x3, v1;
	[tilespmem:$0xC70] =	vst v2  }
0x14e: {  	s17 =	simm.s32 $0x380;
	[tilespmem:$0xCF0] =	vst v1  }
0x14f: {  	[tilespmem:s30], [sflag:$0x4] =	stream.indirect.gather [hbm4b:s8+s22], $0x80, s17, s22, $0xb8;
	[tilespmem:$0x1DF00] =	vst v63  }
0x150: {  	s23 =	simm.s32 $0x600;
	s12 =	simm.s32 $0xE00;
	s14 =	simm.s32 $0x1000  }
0x151: {  	[tilespmem:s12], [sflag:$0x4] =	stream.indirect.gather [hbm4b:s2+s22], $0x1, s23, s22, $0xb8;
	[tilespmem:$0x1DF00] =	vst v63  }
0x152: {  	s11 =	sshll.u32 s9, $0x1;
	p1 =	seq.s32 s9, $0x26;
	s12 =	simm.s32 $0x800  }
0x153: {  	[tilespmem:s14], [sflag:$0x4] =	stream.indirect.gather [hbm4b:s2+s22], $0x1, s12, s22, $0xb8;
	[tilespmem:$0x1DF00] =	vst v63  }
0x154: {  	s15 =	simm.s32 $0x680;
	s16 =	simm.s32 $0xE80;
	s12 =	sadd.s32 @!p1 s11, s19  }
0x155: {  	[tilespmem:s16], [sflag:$0x4] =	stream.indirect.gather [hbm4b:s2+s22], $0x1, s15, s22, $0xb8;
	[tilespmem:$0x1DF00] =	vst v63  }
0x156: {  	s17 =	simm.s32 $0x880;
	s23 =	simm.s32 $0x1080;
	s14 =	sshll.u32 @!p1 s12, $0x5  }
0x157: {  	[tilespmem:s23], [sflag:$0x4] =	stream.indirect.gather [hbm4b:s2+s22], $0x1, s17, s22, $0xb8;
	[tilespmem:$0x1DF00] =	vst v63  }
0x158: {  	s15 =	sadd.s32 @!p1 s0, s14;
	s16 =	simm.s32 @!p1 $0x0  }
0x159: {  	[tilespmem:s16], [sflag:$0x1] =	stream.linear.gather @!p1 [hbm4b:s15+s16], $0x80, $0x38;
	[tilespmem:$0x1DF00] =	vst v63  }
0x15a: {  	s12 =	sshll.u32 @!p1 s12, $0x4;
	s14 =	sadd.s32 @!p1 s14, s13;
	s15 =	simm.s32 @!p1 $0x100  }
0x15b: {  	[tilespmem:s15], [sflag:$0x1] =	stream.linear.gather @!p1 [hbm4b:s14+s16], $0x80, $0x38;
	[tilespmem:$0x1DF00] =	vst v63  }
0x15c: {  	s12 =	sadd.s32 @!p1 s1, s12;
	s14 =	simm.s32 @!p1 $0x200  }
0x15d: {  	[tilespmem:s14], [sflag:$0x1] =	stream.linear.gather @!p1 [hbm4b:s12+s16], $0x80, $0x38;
	[tilespmem:$0x1DF00] =	vst v63  }
0x15e: {  	s14 =	simm.s32 $0x0  }
0x15f: {  	v1 =	vld [tilespmem:s14+$0xD80]  }
0x160: {  	v2 =	vld [tilespmem:s14+$0xF80]  }
0x161: {  	v3 =	vld [tilespmem:s14+$0xD00]  }
0x162: {  	v4 =	vld [tilespmem:s14+$0xF00];
	_ =	sdelay $0x1  }
0x163: {  	v5 =	vshll.u32 v1, $0x10  }
0x164: {  	v1 =	vand.u32 $0xFFFF0000, v1;
	v6 =	vshll.u32 v2, $0x10;
	v2 =	vand.u32 $0xFFFF0000, v2  }
0x165: {  	v7 =	vshll.u32 v3, $0x10;
	v3 =	vand.u32 $0xFFFF0000, v3;
	v1 =	vadd.f32 v2, v1  }
0x166: {  	s12 =	simm.s32 $0x10;
	v2 =	vshll.u32 v4, $0x10;
	v4 =	vand.u32 $0xFFFF0000, v4;
	v5 =	vadd.f32 v6, v5  }
0x167: {  	v6 =	vld [tilespmem:s12+$0xD80];
	v2 =	vadd.f32 v2, v7;
	v3 =	vadd.f32 v4, v3;
	v4 =	vmul.f32 $2.000000030e-01, v1  }
0x168: {  	v8 =	vld [tilespmem:s12+$0xF80];
	v7 =	vmul.f32 $2.000000030e-01, v5  }
0x169: {  	v9 =	vmul.f32 $2.000000030e-01, v2;
	v10 =	vmul.f32 $2.000000030e-01, v3;
	v1 =	vmax.f32 v1, v4;
	v4 =	vld [tilespmem:s12+$0xD00]  }
0x16a: {  	v5 =	vmax.f32 v5, v7;
	v7 =	vld [tilespmem:s12+$0xF00];
	v1 =	vmul.f32 $1.442695020e+00, v1  }
0x16b: {  	v2 =	vmax.f32 v2, v9;
	v3 =	vmax.f32 v3, v10;
	v5 =	vmul.f32 $1.442695020e+00, v5  }
0x16c: {  	v2 =	vmul.f32 $1.442695020e+00, v2;
	(erf) = vpow2.f32 v1;
	v1 =	vshll.u32 v6, $0x10  }
0x16d: {  	(erf) = vpow2.f32 v5;
	v5 =	vand.u32 $0xFFFF0000, v6;
	v6 =	vand.u32 $0xFFFF0000, v8  }
0x16e: {  	v8 =	vshll.u32 v8, $0x10;
	v9 =	vshll.u32 v4, $0x10;
	v5 =	vadd.f32 v6, v5  }
0x16f: {  	v4 =	vand.u32 $0xFFFF0000, v4;
	v6 =	vshll.u32 v7, $0x10;
	v7 =	vand.u32 $0xFFFF0000, v7  }
0x170: {  	v1 =	vadd.f32 v8, v1;
	(erf) = vpow2.f32 v2;
	v4 =	vadd.f32 v7, v4  }
0x171: {  	s23 =	simm.s32 $0x20;
	v2 =	vmul.f32 $1.442695020e+00, v3;
	v6 =	vadd.f32 v6, v9;
	v8 =	vmul.f32 $2.000000030e-01, v5  }
0x172: {  	v7 =	vld [tilespmem:s23+$0xD80];
	v9 =	vmul.f32 $2.000000030e-01, v1;
	v11 =	vmul.f32 $2.000000030e-01, v4  }
0x173: {  	v3 =	vld [tilespmem:s23+$0xF80];
	(erf) = vpow2.f32 v2;
	v10 =	vmul.f32 $2.000000030e-01, v6;
	v5 =	vmax.f32 v5, v8  }
0x174: {  	v2 =	vld [tilespmem:s23+$0xF00];
	v1 =	vmax.f32 v1, v9;
	v5 =	vmul.f32 $1.442695020e+00, v5;
	v4 =	vmax.f32 v4, v11  }
0x175: {  	v8 =	vld [tilespmem:s23+$0xD00];
	v6 =	vmax.f32 v6, v10;
	v9 =	vmul.f32 $1.442695020e+00, v1  }
0x176: {  	v10 =	vmul.f32 $1.442695020e+00, v6;
	(erf) = vpow2.f32 v5  }
0x177: {  	v6 =	vshll.u32 v7, $0x10;
	v1 =	vmul.f32 $1.442695020e+00, v4;
	v4 =	vpop (erf);
	(erf) = vpow2.f32 v9  }
0x178: {  	v5 =	vand.u32 $0xFFFF0000, v7;
	v7 =	vand.u32 $0xFFFF0000, v3;
	v3 =	vshll.u32 v3, $0x10  }
0x179: {  	v5 =	vadd.f32 v7, v5;
	v7 =	vshll.u32 v2, $0x10;
	v6 =	vadd.f32 v3, v6;
	v9 =	vpop (erf);
	[tilespmem:s14+$0x1280] =	vst v4  }
0x17a: {  	v4 =	vshll.u32 v8, $0x10;
	v8 =	vand.u32 $0xFFFF0000, v8;
	[tilespmem:s14+$0x1200] =	vst v9;
	v9 =	vand.u32 $0xFFFF0000, v2  }
0x17b: {  	s15 =	simm.s32 $0x30;
	v3 =	vadd.f32 v7, v4;
	v7 =	vmul.f32 $2.000000030e-01, v5;
	v11 =	vpop (erf);
	v4 =	vadd.f32 v9, v8  }
0x17c: {  	s16 =	simm.s32 $0x100;
	(erf) = vpow2.f32 v10;
	v2 =	vld [tilespmem:s15+$0xD80];
	v8 =	vmul.f32 $2.000000030e-01, v6;
	[tilespmem:s14+$0x1100] =	vst v11  }
.LBB2_5:
0x17d: {  	p2 =	sne.s32 s16, $0x1C0;
	v9 =	vld [tilespmem:s15+$0xF80];
	v10 =	vmul.f32 $2.000000030e-01, v3;
	v11 =	vmul.f32 $2.000000030e-01, v4;
	v5 =	vmax.f32 v5, v7;
	v7 =	vpop (erf)  }
0x17e: {  	v12 =	vld [tilespmem:s15+$0xD00];
	v8 =	vmax.f32 v6, v8;
	v13 =	vmul.f32 $1.442695020e+00, v5;
	(erf) = vpow2.f32 v1;
	[tilespmem:s14+$0x1180] =	vst v7;
	s14 =	smov.u32 s12;
	s12 =	smov.u32 s23;
	s23 =	smov.u32 s15  }
0x17f: {  	v7 =	vld [tilespmem:s23+$0xF00];
	v1 =	vmax.f32 v3, v10;
	v3 =	vmax.f32 v4, v11;
	v4 =	vmul.f32 $1.442695020e+00, v8;
	v6 =	vpop (erf)  }
0x180: {  	v10 =	vmul.f32 $1.442695020e+00, v1;
	(erf) = vpow2.f32 v13;
	[tilespmem:s14+$0x1280] =	vst v6;
	v5 =	vpop (erf)  }
0x181: {  	v1 =	vmul.f32 $1.442695020e+00, v3;
	v6 =	vshll.u32 v2, $0x10;
	(erf) = vpow2.f32 v4;
	[tilespmem:s14+$0x1200] =	vst v5  }
.Ltmp3:
0x182: {  	v2 =	vand.u32 $0xFFFF0000, v2;
	v3 =	vshll.u32 v9, $0x10;
	v4 =	vand.u32 $0xFFFF0000, v9;
	(pc) =	sbr.rel @p2 .LBB2_5-.Ltmp3, $4  }
0x183: {  	v8 =	vshll.u32 v12, $0x10;
	v11 =	vand.u32 $0xFFFF0000, v12;
	v5 =	vadd.f32 v4, v2  }
0x184: {  	v6 =	vadd.f32 v3, v6;
	v2 =	vshll.u32 v7, $0x10;
	v4 =	vand.u32 $0xFFFF0000, v7  }
0x185: {  	s15 =	sshra.s32 s16, $0x2;
	v3 =	vadd.f32 v2, v8;
	v4 =	vadd.f32 v4, v11;
	v7 =	vmul.f32 $2.000000030e-01, v5;
	v9 =	vpop (erf)  }
0x186: {  	s16 =	sadd.s32 $0x40, s16;
	v8 =	vmul.f32 $2.000000030e-01, v6;
	v2 =	vld [tilespmem:s15+$0xD80];
	(erf) = vpow2.f32 v10;
	[tilespmem:s14+$0x1100] =	vst v9  }
0x187: {  	v9 =	vld [tilespmem:s15+$0xF80];
	v10 =	vpop (erf)  }
0x188: {  	v11 =	vld [tilespmem:s15+$0xD00];
	v12 =	vmul.f32 $2.000000030e-01, v3;
	v5 =	vmax.f32 v5, v7;
	v53 =	vmul.f32 $2.000000030e-01, v4;
	[tilespmem:s14+$0x1180] =	vst v10  }
0x189: {  	(erf) = vpow2.f32 v1;
	v6 =	vmax.f32 v6, v8;
	v5 =	vmul.f32 $1.442695020e+00, v5;
	v1 =	vld [tilespmem:s15+$0xF00]  }
0x18a: {  	v3 =	vmax.f32 v3, v12;
	v4 =	vmax.f32 v4, v53;
	v6 =	vmul.f32 $1.442695020e+00, v6  }
0x18b: {  	v3 =	vmul.f32 $1.442695020e+00, v3;
	(erf) = vpow2.f32 v5;
	v54 =	vshll.u32 v2, $0x10  }
0x18c: {  	v2 =	vand.u32 $0xFFFF0000, v2;
	(erf) = vpow2.f32 v6;
	v55 =	vand.u32 $0xFFFF0000, v9  }
0x18d: {  	v56 =	vshll.u32 v9, $0x10;
	v57 =	vshll.u32 v11, $0x10;
	v2 =	vadd.f32 v55, v2  }
0x18e: {  	v58 =	vand.u32 $0xFFFF0000, v11;
	v5 =	vadd.f32 v56, v54;
	v59 =	vshll.u32 v1, $0x10  }
0x18f: {  	v1 =	vand.u32 $0xFFFF0000, v1;
	v60 =	vadd.f32 v59, v57;
	v61 =	vmul.f32 $2.000000030e-01, v2  }
0x190: {  	v4 =	vmul.f32 $1.442695020e+00, v4;
	(erf) = vpow2.f32 v3;
	v1 =	vadd.f32 v1, v58  }
0x191: {  	v62 =	vmul.f32 $2.000000030e-01, v5;
	v3 =	vmul.f32 $2.000000030e-01, v60;
	v2 =	vmax.f32 v2, v61  }
0x192: {  	v7 =	vmul.f32 $2.000000030e-01, v1;
	v2 =	vmul.f32 $1.442695020e+00, v2  }
0x193: {  	(erf) = vpow2.f32 v4;
	v5 =	vmax.f32 v5, v62;
	v3 =	vmax.f32 v60, v3  }
0x194: {  	v63 =	vmul.f32 $1.442695020e+00, v5;
	v1 =	vmax.f32 v1, v7;
	v3 =	vmul.f32 $1.442695020e+00, v3  }
0x195: {  	(erf) = vpow2.f32 v2;
	v1 =	vmul.f32 $1.442695020e+00, v1  }
0x196: {  	v2 =	vpop (erf);
	(erf) = vpow2.f32 v63  }
0x197: {  	[tilespmem:s12+$0x1280] =	vst v2;
	v2 =	vpop (erf);
	(erf) = vpow2.f32 v3  }
0x198: {  	[tilespmem:s12+$0x1200] =	vst v2;
	v2 =	vpop (erf);
	(erf) = vpow2.f32 v1  }
0x199: {  	v1 =	vpop (erf);
	[tilespmem:s12+$0x1100] =	vst v2  }
0x19a: {  	v2 =	vpop (erf);
	[tilespmem:s12+$0x1180] =	vst v1  }
0x19b: {  	v1 =	vpop (erf);
	[tilespmem:s23+$0x1280] =	vst v2  }
0x19c: {  	v2 =	vpop (erf);
	[tilespmem:s23+$0x1200] =	vst v1  }
0x19d: {  	v1 =	vpop (erf);
	[tilespmem:s23+$0x1100] =	vst v2  }
0x19e: {  	[tilespmem:s23+$0x1180] =	vst v1;
	v1 =	vpop (erf)  }
0x19f: {  	[tilespmem:s15+$0x1280] =	vst v1;
	v1 =	vpop (erf)  }
0x1a0: {  	[tilespmem:s15+$0x1200] =	vst v1;
	v1 =	vpop (erf)  }
0x1a1: {  	[tilespmem:s15+$0x1100] =	vst v1;
	v1 =	vpop (erf)  }
0x1a2: {  	s17 =	simm.s32 $0x1540;
	s12 =	simm.s32 $0x0;
	s23 =	simm.s32 $0x0;
	[tilespmem:s15+$0x1180] =	vst v1  }
.LBB2_7:
0x1a3: {  	s14 =	sshll.u32 s23, $0x4;
	v5 =	vld [tilespmem:s17+$0xFFFFFFC0]  }
0x1a4: {  	v2 =	vld [tilespmem:s14+$0x1100]  }
0x1a5: {  	v1 =	vmov s12;
	v7 =	vld [tilespmem:s17+$0xFFFFFFD0]  }
0x1a6: {  	v9 =	vld [tilespmem:s17+$0xFFFFFFE0];
	v1 =	vand.u32 $0xF, v1  }
0x1a7: {  	v4 =	vld [tilespmem:s14+$0x1180];
	v6 =	vbroadcast v1, $0x0  }
0x1a8: {  	v3 =	vld [tilespmem:s14+$0x1200]  }
0x1a9: {  	v11 =	vld [tilespmem:s17+$0x0];
	v8 =	vperm.xlane v2, v6  }
0x1aa: {  	v12 =	vld [tilespmem:s17+$0x10]  }
0x1ab: {  	v14 =	vld [tilespmem:s17+$0xFFFFFFF0];
	v5 =	vmul.f32 v5, v8  }
0x1ac: {  	v1 =	vld [tilespmem:s14+$0x1280];
	v13 =	vperm.xlane v4, v6  }
0x1ad: {  	v17 =	vld [tilespmem:s17+$0x30];
	v16 =	vperm.xlane v3, v6;
	[tilespmem:s17+$0xFFFFFFC0] =	vst v5;
	v5 =	vmul.f32 v7, v8  }
0x1ae: {  	s15 =	sadd.s32 $0x80, s17;
	v8 =	vld [tilespmem:s17+$0x20];
	v7 =	vmul.f32 v9, v13  }
0x1af: {  	s16 =	simm.s32 $0x1;
	v15 =	vld [tilespmem:s15+$0xFFFFFFC0];
	[tilespmem:s17+$0xFFFFFFD0] =	vst v5;
	v5 =	vmul.f32 v11, v16  }
0x1b0: {  	v9 =	vmov s16;
	v10 =	vld [tilespmem:s15+$0xFFFFFFD0];
	[tilespmem:s17+$0xFFFFFFE0] =	vst v7  }
0x1b1: {  	v6 =	vperm.xlane v1, v6;
	v7 =	vld [tilespmem:s15+$0xFFFFFFE0];
	[tilespmem:s17+$0x0] =	vst v5;
	v5 =	vand.u32 $0xF, v9  }
0x1b2: {  	v11 =	vmul.f32 v12, v16;
	v5 =	vbroadcast v5, $0x0  }
0x1b3: {  	v63 =	vmul.f32 v8, v6  }
0x1b4: {  	v17 =	vmul.f32 v17, v6;
	v9 =	vld [tilespmem:s15+$0x0];
	[tilespmem:s17+$0x10] =	vst v11;
	v12 =	vperm.xlane v2, v5  }
0x1b5: {  	v14 =	vmul.f32 v14, v13;
	v8 =	vld [tilespmem:s15+$0x10];
	[tilespmem:s17+$0x20] =	vst v63  }
0x1b6: {  	s14 =	smov.u32 s17;
	s16 =	simm.s32 $0x2;
	v6 =	vperm.xlane v4, v5;
	v11 =	vld [tilespmem:s15+$0x20];
	[tilespmem:s17+$0x30] =	vst v17;
	v13 =	vmul.f32 v15, v12  }
.LBB2_8:
0x1b7: {  	p2 =	sne.s32 s16, $0xF;
	v10 =	vmul.f32 v10, v12;
	v12 =	vperm.xlane v3, v5;
	v15 =	vld [tilespmem:s15+$0x30];
	[tilespmem:s14+$0xFFFFFFF0] =	vst v14;
	s14 =	smov.u32 s15  }
0x1b8: {  	v14 =	vmov s16;
	s15 =	sadd.s32 $0x80, s15;
	[tilespmem:s14+$0xFFFFFFC0] =	vst v13;
	v7 =	vmul.f32 v7, v6;
	v13 =	vld [tilespmem:s14+$0xFFFFFFF0]  }
0x1b9: {  	v17 =	vperm.xlane v1, v5;
	v14 =	vand.u32 $0xF, v14;
	v16 =	vld [tilespmem:s15+$0xFFFFFFC0];
	[tilespmem:s14+$0xFFFFFFD0] =	vst v10;
	v9 =	vmul.f32 v9, v12  }
.Ltmp4:
0x1ba: {  	v5 =	vbroadcast v14, $0x0;
	v10 =	vld [tilespmem:s15+$0xFFFFFFD0];
	[tilespmem:s14+$0xFFFFFFE0] =	vst v7;
	v8 =	vmul.f32 v8, v12;
	(pc) =	sbr.rel @p2 .LBB2_8-.Ltmp4, $4  }
0x1bb: {  	v7 =	vld [tilespmem:s15+$0xFFFFFFE0];
	[tilespmem:s14+$0x0] =	vst v9;
	v11 =	vmul.f32 v11, v17  }
0x1bc: {  	v12 =	vperm.xlane v2, v5;
	v9 =	vld [tilespmem:s15+$0x0];
	[tilespmem:s14+$0x10] =	vst v8;
	v15 =	vmul.f32 v15, v17  }
0x1bd: {  	v8 =	vld [tilespmem:s15+$0x10];
	v14 =	vmul.f32 v13, v6;
	[tilespmem:s14+$0x20] =	vst v11  }
0x1be: {  	s16 =	sadd.s32 $0x1, s16;
	v6 =	vperm.xlane v4, v5;
	v13 =	vmul.f32 v16, v12;
	v11 =	vld [tilespmem:s15+$0x20];
	[tilespmem:s14+$0x30] =	vst v15  }
0x1bf: {  	[tilespmem:s14+$0xFFFFFFF0] =	vst v14;
	v2 =	vmul.f32 v10, v12;
	v3 =	vperm.xlane v3, v5;
	v4 =	vld [tilespmem:s15+$0x30]  }
0x1c0: {  	[tilespmem:s15+$0xFFFFFFC0] =	vst v13;
	v7 =	vmul.f32 v7, v6;
	v63 =	vld [tilespmem:s15+$0xFFFFFFF0]  }
0x1c1: {  	v1 =	vperm.xlane v1, v5;
	s23 =	sadd.s32 $0x1, s23;
	[tilespmem:s15+$0xFFFFFFD0] =	vst v2;
	v2 =	vmul.f32 v9, v3  }
0x1c2: {  	p2 =	sne.s32 s23, $0x8;
	[tilespmem:s15+$0xFFFFFFE0] =	vst v7;
	v3 =	vmul.f32 v8, v3  }
.Ltmp5:
0x1c3: {  	[tilespmem:s15+$0x0] =	vst v2;
	v2 =	vmul.f32 v11, v1;
	(pc) =	sbr.rel @p2 .LBB2_7-.Ltmp5, $4  }
0x1c4: {  	[tilespmem:s15+$0x10] =	vst v3;
	v1 =	vmul.f32 v4, v1  }
0x1c5: {  	v3 =	vmul.f32 v63, v6;
	[tilespmem:s15+$0x20] =	vst v2  }
0x1c6: {  	[tilespmem:s15+$0x30] =	vst v1  }
0x1c7: {  	s17 =	sadd.s32 $0x800, s17;
	[tilespmem:s15+$0xFFFFFFF0] =	vst v3  }
0x1c8: {  	s12 =	simm.s32 $0x400  }
0x1c9: {  	[spmem:s5] =	stream.indirect.scatter.add.f32 [tilespmem:s3], [sflag:$0x5], $0x80, s12, s22, $0xb8;
	[tilespmem:$0x1DF00] =	vst v63  }
0x1ca: {  	s17 =	simm.s32 $0x900;
	s14 =	simm.s32 $0x1100  }
0x1cb: {  	[spmem:s6] =	stream.indirect.scatter.add.f32 [tilespmem:s14], [sflag:$0x5], $0x1, s17, s22, $0xb8;
	[tilespmem:$0x1DF00] =	vst v63  }
0x1cc: {  	s23 =	simm.s32 $0x980  }
0x1cd: {  	[spmem:s6] =	stream.indirect.scatter.add.f32 [tilespmem:s18], [sflag:$0x5], $0x1, s23, s22, $0xb8;
	[tilespmem:$0x1DF00] =	vst v63  }
0x1ce: {  	_ = 	snop  }
0x1cf: {  	[spmem:s6] =	stream.indirect.scatter.add.f32 [tilespmem:s29], [sflag:$0x5], $0x1, s20, s22, $0xb8;
	[tilespmem:$0x1DF00] =	vst v63  }
0x1d0: {  	_ = 	snop  }
0x1d1: {  	[spmem:s6] =	stream.indirect.scatter.add.f32 [tilespmem:s10], [sflag:$0x5], $0x1, s31, s22, $0xb8;
	[tilespmem:$0x1DF00] =	vst v63  }
0x1d2: {  	_ =	swait.ge [sflag:s24], $0x4000  }
0x1d3: {  	[sflag:s24] =	ssyncset.done $0x0  }
0x1d4: {  	[sflag:s24] =	ssyncadd.s32 $0xFFFFC000  }
0x1d5: {  	_ =	swait.ge [sflag:s24], $0x80  }
0x1d6: {  	[sflag:s24] =	ssyncset.done $0x0  }
0x1d7: {  	[sflag:s24] =	ssyncadd.s32 $0xFFFFFF80  }
0x1d8: {  	_ =	swait.ge [sflag:s24], $0x80  }
0x1d9: {  	[sflag:s24] =	ssyncset.done $0x0  }
0x1da: {  	[sflag:s24] =	ssyncadd.s32 $0xFFFFFF80  }
0x1db: {  	_ =	swait.ge [sflag:s24], $0x80  }
0x1dc: {  	[sflag:s24] =	ssyncset.done $0x0  }
0x1dd: {  	[sflag:s24] =	ssyncadd.s32 $0xFFFFFF80  }
0x1de: {  	_ =	swait.ge [sflag:s24], $0x80  }
0x1df: {  	[sflag:s24] =	ssyncset.done $0x0  }
0x1e0: {  	[sflag:s24] =	ssyncadd.s32 $0xFFFFFF80  }
0x1e1: {  	_ =	swait.ge [sflag:s25], $0x4000  }
0x1e2: {  	[sflag:s25] =	ssyncset.done $0x0  }
0x1e3: {  	[sflag:s25] =	ssyncadd.s32 $0xFFFFC000  }
0x1e4: {  	_ =	swait.ge [sflag:s25], $0x80  }
0x1e5: {  	[sflag:s25] =	ssyncset.done $0x0  }
0x1e6: {  	[sflag:s25] =	ssyncadd.s32 $0xFFFFFF80  }
0x1e7: {  	_ =	swait.ge [sflag:s25], $0x80  }
0x1e8: {  	[sflag:s25] =	ssyncset.done $0x0  }
0x1e9: {  	[sflag:s25] =	ssyncadd.s32 $0xFFFFFF80  }
0x1ea: {  	_ =	swait.ge [sflag:s25], $0x80  }
.Ltmp6:
0x1eb: {  	[sflag:s25] =	ssyncset.done $0x0;
	(pc) =	sbr.rel @p1 .LBB2_12-.Ltmp6, $4  }
0x1ec: {  	[sflag:s25] =	ssyncadd.s32 $0xFFFFFF80  }
0x1ed: {  	_ =	swait.ge [sflag:s25], $0x80  }
0x1ee: {  	[sflag:s25] =	ssyncset.done $0x0  }
0x1ef: {  	[sflag:s25] =	ssyncadd.s32 $0xFFFFFF80  }
0x1f0: {  	_ =	swait.ge [sflag:s4], $0x80  }
0x1f1: {  	[sflag:s4] =	ssyncset.done $0x0  }
0x1f2: {  	[sflag:s4] =	ssyncadd.s32 $0xFFFFFF80  }
0x1f3: {  	_ =	swait.ge [sflag:s4], $0x80  }
0x1f4: {  	[sflag:s4] =	ssyncset.done $0x0  }
0x1f5: {  	[sflag:s4] =	ssyncadd.s32 $0xFFFFFF80  }
0x1f6: {  	_ =	swait.ge [sflag:s4], $0x80  }
0x1f7: {  	[sflag:s4] =	ssyncset.done $0x0  }
0x1f8: {  	[sflag:s4] =	ssyncadd.s32 $0xFFFFFF80  }
0x1f9: {  	v1 =	vld [tilespmem:$0x0]  }
0x1fa: {  	v2 =	vld [tilespmem:$0x200]  }
0x1fb: {  	v3 =	vld [tilespmem:$0x100]  }
0x1fc: {  	v63 =	vld [tilespmem:$0x170];
	_ =	sdelay $0x3  }
0x1fd: {  	v1 =	vshll.u32 v1, $0x3;
	[tilespmem:$0x400] =	vst v3  }
0x1fe: {  	v4 =	vshll.u32 v3, $0x5;
	[tilespmem:$0x470] =	vst v63;
	v1 =	vadd.s32 v1, v2;
	v2 =	vshll.u32 v2, $0x2  }
0x1ff: {  	[tilespmem:$0x300] =	vst v1;
	v1 =	vshll.u32 v1, $0x2;
	v2 =	vadd.s32 v4, v2  }
0x200: {  	[tilespmem:$0x500] =	vst v1;
	v4 =	vor.u32 $0x2, v2  }
0x201: {  	v39 =	vld [tilespmem:$0x10];
	v1 =	vor.u32 $0x1, v1;
	[tilespmem:$0x700] =	vst v4  }
0x202: {  	[tilespmem:$0x580] =	vst v1;
	v1 =	vor.u32 $0x3, v2;
	v2 =	vld [tilespmem:$0x210]  }
0x203: {  	[tilespmem:$0x780] =	vst v1;
	v1 =	vshll.u32 v3, $0x2  }
0x204: {  	v3 =	vld [tilespmem:$0x110];
	[tilespmem:$0x900] =	vst v1;
	v5 =	vor.u32 $0x1, v1  }
0x205: {  	v40 =	vor.u32 $0x2, v1;
	[tilespmem:$0x980] =	vst v5  }
0x206: {  	v4 =	vshll.u32 v39, $0x3;
	v1 =	vor.u32 $0x3, v1;
	[tilespmem:$0xA00] =	vst v40  }
0x207: {  	[tilespmem:$0xA80] =	vst v1;
	v1 =	vadd.s32 v4, v2  }
0x208: {  	[tilespmem:$0x310] =	vst v1  }
0x209: {  	v2 =	vshll.u32 v2, $0x2;
	v41 =	vshll.u32 v3, $0x5;
	[tilespmem:$0x410] =	vst v3;
	v1 =	vshll.u32 v1, $0x2  }
0x20a: {  	v2 =	vadd.s32 v41, v2;
	[tilespmem:$0x510] =	vst v1;
	v1 =	vor.u32 $0x1, v1  }
0x20b: {  	v42 =	vld [tilespmem:$0x20];
	v4 =	vor.u32 $0x2, v2;
	[tilespmem:$0x590] =	vst v1  }
0x20c: {  	v1 =	vor.u32 $0x3, v2;
	v2 =	vld [tilespmem:$0x220];
	[tilespmem:$0x710] =	vst v4  }
0x20d: {  	[tilespmem:$0x790] =	vst v1;
	v1 =	vshll.u32 v3, $0x2  }
0x20e: {  	v3 =	vld [tilespmem:$0x120];
	[tilespmem:$0x910] =	vst v1;
	v43 =	vor.u32 $0x1, v1  }
0x20f: {  	v44 =	vor.u32 $0x2, v1;
	[tilespmem:$0x990] =	vst v43  }
0x210: {  	v4 =	vshll.u32 v42, $0x3;
	v1 =	vor.u32 $0x3, v1;
	[tilespmem:$0xA10] =	vst v44  }
0x211: {  	[tilespmem:$0xA90] =	vst v1;
	v1 =	vadd.s32 v4, v2  }
0x212: {  	[tilespmem:$0x320] =	vst v1  }
0x213: {  	v2 =	vshll.u32 v2, $0x2;
	v45 =	vshll.u32 v3, $0x5;
	[tilespmem:$0x420] =	vst v3;
	v1 =	vshll.u32 v1, $0x2  }
0x214: {  	v2 =	vadd.s32 v45, v2;
	[tilespmem:$0x520] =	vst v1;
	v1 =	vor.u32 $0x1, v1  }
0x215: {  	v46 =	vld [tilespmem:$0x30];
	v4 =	vor.u32 $0x2, v2;
	[tilespmem:$0x5A0] =	vst v1  }
0x216: {  	v1 =	vor.u32 $0x3, v2;
	v2 =	vld [tilespmem:$0x230];
	[tilespmem:$0x720] =	vst v4  }
0x217: {  	[tilespmem:$0x7A0] =	vst v1;
	v1 =	vshll.u32 v3, $0x2  }
0x218: {  	v3 =	vld [tilespmem:$0x130];
	[tilespmem:$0x920] =	vst v1;
	v47 =	vor.u32 $0x1, v1  }
0x219: {  	v48 =	vor.u32 $0x2, v1;
	[tilespmem:$0x9A0] =	vst v47  }
0x21a: {  	v4 =	vshll.u32 v46, $0x3;
	v1 =	vor.u32 $0x3, v1;
	[tilespmem:$0xA20] =	vst v48  }
0x21b: {  	[tilespmem:$0xAA0] =	vst v1;
	v1 =	vadd.s32 v4, v2  }
0x21c: {  	[tilespmem:$0x330] =	vst v1  }
0x21d: {  	v2 =	vshll.u32 v2, $0x2;
	v49 =	vshll.u32 v3, $0x5;
	[tilespmem:$0x430] =	vst v3;
	v1 =	vshll.u32 v1, $0x2  }
0x21e: {  	v2 =	vadd.s32 v49, v2;
	[tilespmem:$0x530] =	vst v1;
	v1 =	vor.u32 $0x1, v1  }
0x21f: {  	v50 =	vld [tilespmem:$0x40];
	v4 =	vor.u32 $0x2, v2;
	[tilespmem:$0x5B0] =	vst v1  }
0x220: {  	v1 =	vor.u32 $0x3, v2;
	v2 =	vld [tilespmem:$0x240];
	[tilespmem:$0x730] =	vst v4  }
0x221: {  	[tilespmem:$0x7B0] =	vst v1;
	v1 =	vshll.u32 v3, $0x2  }
0x222: {  	v3 =	vld [tilespmem:$0x140];
	[tilespmem:$0x930] =	vst v1;
	v51 =	vor.u32 $0x1, v1  }
0x223: {  	v52 =	vor.u32 $0x2, v1;
	[tilespmem:$0x9B0] =	vst v51  }
0x224: {  	v4 =	vshll.u32 v50, $0x3;
	v1 =	vor.u32 $0x3, v1;
	[tilespmem:$0xA30] =	vst v52  }
0x225: {  	[tilespmem:$0xAB0] =	vst v1;
	v1 =	vadd.s32 v4, v2  }
0x226: {  	[tilespmem:$0x340] =	vst v1  }
0x227: {  	v2 =	vshll.u32 v2, $0x2;
	v53 =	vshll.u32 v3, $0x5;
	[tilespmem:$0x440] =	vst v3;
	v1 =	vshll.u32 v1, $0x2  }
0x228: {  	v2 =	vadd.s32 v53, v2;
	[tilespmem:$0x540] =	vst v1;
	v1 =	vor.u32 $0x1, v1  }
0x229: {  	v54 =	vld [tilespmem:$0x50];
	v4 =	vor.u32 $0x2, v2;
	[tilespmem:$0x5C0] =	vst v1  }
0x22a: {  	v1 =	vor.u32 $0x3, v2;
	v2 =	vld [tilespmem:$0x250];
	[tilespmem:$0x740] =	vst v4  }
0x22b: {  	[tilespmem:$0x7C0] =	vst v1;
	v1 =	vshll.u32 v3, $0x2  }
0x22c: {  	v3 =	vld [tilespmem:$0x150];
	[tilespmem:$0x940] =	vst v1;
	v55 =	vor.u32 $0x1, v1  }
0x22d: {  	v56 =	vor.u32 $0x2, v1;
	[tilespmem:$0x9C0] =	vst v55  }
0x22e: {  	v4 =	vshll.u32 v54, $0x3;
	v1 =	vor.u32 $0x3, v1;
	[tilespmem:$0xA40] =	vst v56  }
0x22f: {  	[tilespmem:$0xAC0] =	vst v1;
	v1 =	vadd.s32 v4, v2  }
0x230: {  	[tilespmem:$0x350] =	vst v1  }
0x231: {  	v2 =	vshll.u32 v2, $0x2;
	v57 =	vshll.u32 v3, $0x5;
	[tilespmem:$0x450] =	vst v3;
	v1 =	vshll.u32 v1, $0x2  }
0x232: {  	v2 =	vadd.s32 v57, v2;
	[tilespmem:$0x550] =	vst v1;
	v1 =	vor.u32 $0x1, v1  }
0x233: {  	v58 =	vld [tilespmem:$0x60];
	v4 =	vor.u32 $0x2, v2;
	[tilespmem:$0x5D0] =	vst v1  }
0x234: {  	v1 =	vor.u32 $0x3, v2;
	v2 =	vld [tilespmem:$0x260];
	[tilespmem:$0x750] =	vst v4  }
0x235: {  	[tilespmem:$0x7D0] =	vst v1;
	v1 =	vshll.u32 v3, $0x2  }
0x236: {  	v3 =	vld [tilespmem:$0x160];
	[tilespmem:$0x950] =	vst v1;
	v59 =	vor.u32 $0x1, v1  }
0x237: {  	v60 =	vor.u32 $0x2, v1;
	[tilespmem:$0x9D0] =	vst v59  }
0x238: {  	v4 =	vshll.u32 v58, $0x3;
	v1 =	vor.u32 $0x3, v1;
	[tilespmem:$0xA50] =	vst v60  }
0x239: {  	[tilespmem:$0xAD0] =	vst v1;
	v1 =	vadd.s32 v4, v2  }
0x23a: {  	[tilespmem:$0x360] =	vst v1  }
0x23b: {  	v2 =	vshll.u32 v2, $0x2;
	v61 =	vshll.u32 v3, $0x5;
	[tilespmem:$0x460] =	vst v3;
	v1 =	vshll.u32 v1, $0x2  }
0x23c: {  	v2 =	vadd.s32 v61, v2;
	[tilespmem:$0x560] =	vst v1;
	v1 =	vor.u32 $0x1, v1  }
0x23d: {  	v62 =	vld [tilespmem:$0x70];
	v4 =	vor.u32 $0x2, v2;
	[tilespmem:$0x5E0] =	vst v1  }
0x23e: {  	v1 =	vor.u32 $0x3, v2;
	v2 =	vshll.u32 v3, $0x2;
	v3 =	vld [tilespmem:$0x270];
	[tilespmem:$0x760] =	vst v4  }
0x23f: {  	[tilespmem:$0x7E0] =	vst v1  }
0x240: {  	v1 =	vor.u32 $0x1, v2;
	[tilespmem:$0x960] =	vst v2  }
0x241: {  	[tilespmem:$0x9E0] =	vst v1;
	v1 =	vor.u32 $0x2, v2  }
0x242: {  	[tilespmem:$0xA60] =	vst v1;
	v1 =	vor.u32 $0x3, v2;
	v2 =	vshll.u32 v62, $0x3  }
0x243: {  	[tilespmem:$0xAE0] =	vst v1;
	v1 =	vadd.s32 v2, v3;
	v2 =	vshll.u32 v63, $0x5;
	v3 =	vshll.u32 v3, $0x2  }
0x244: {  	[tilespmem:$0x370] =	vst v1;
	v1 =	vshll.u32 v1, $0x2;
	v2 =	vadd.s32 v2, v3  }
0x245: {  	[tilespmem:$0x570] =	vst v1;
	v3 =	vor.u32 $0x2, v2  }
0x246: {  	v1 =	vor.u32 $0x1, v1;
	[tilespmem:$0x770] =	vst v3  }
0x247: {  	[tilespmem:$0x5F0] =	vst v1;
	v1 =	vor.u32 $0x3, v2  }
0x248: {  	[tilespmem:$0x7F0] =	vst v1;
	v1 =	vshll.u32 v63, $0x2  }
0x249: {  	[tilespmem:$0x970] =	vst v1;
	v2 =	vor.u32 $0x1, v1  }
0x24a: {  	[tilespmem:$0x9F0] =	vst v2;
	v2 =	vor.u32 $0x2, v1  }
0x24b: {  	v1 =	vor.u32 $0x3, v1;
	[tilespmem:$0xA70] =	vst v2  }
0x24c: {  	s12 =	simm.s32 $0x300;
	[tilespmem:$0xAF0] =	vst v1  }
0x24d: {  	[tilespmem:s3], [sflag:$0x3] =	stream.indirect.gather [hbm4b:s8+s22], $0x80, s12, s22, $0xb8;
	[tilespmem:$0x1DF00] =	vst v63  }
0x24e: {  	s16 =	simm.s32 $0x500;
	s14 =	simm.s32 $0xD00  }
0x24f: {  	[tilespmem:s14], [sflag:$0x3] =	stream.indirect.gather [hbm4b:s2+s22], $0x1, s16, s22, $0xb8;
	[tilespmem:$0x1DF00] =	vst v63  }
0x250: {  	s17 =	simm.s32 $0x700;
	s23 =	simm.s32 $0xF00  }
0x251: {  	[tilespmem:s23], [sflag:$0x3] =	stream.indirect.gather [hbm4b:s2+s22], $0x1, s17, s22, $0xb8;
	[tilespmem:$0x1DF00] =	vst v63  }
0x252: {  	s15 =	simm.s32 $0x580;
	s16 =	simm.s32 $0xD80  }
0x253: {  	[tilespmem:s16], [sflag:$0x3] =	stream.indirect.gather [hbm4b:s2+s22], $0x1, s15, s22, $0xb8;
	[tilespmem:$0x1DF00] =	vst v63  }
0x254: {  	s15 =	rddreg [dreg:$0x10]  }
0x255: {  	s17 =	simm.s32 $0x780;
	s23 =	simm.s32 $0xF80;
	s11 =	sadd.s32 s11, s15  }
0x256: {  	[tilespmem:s23], [sflag:$0x3] =	stream.indirect.gather [hbm4b:s2+s22], $0x1, s17, s22, $0xb8;
	[tilespmem:$0x1DF00] =	vst v63  }
0x257: {  	s12 =	sshll.u32 s11, $0x5  }
0x258: {  	s16 =	sadd.s32 s0, s12  }
0x259: {  	[tilespmem:s22], [sflag:$0x2] =	stream.linear.gather [hbm4b:s16+s7], $0x80, $0x38;
	[tilespmem:$0x1DF00] =	vst v63  }
0x25a: {  	s17 =	simm.s32 $0x180;
	s11 =	sshll.u32 s11, $0x4;
	s12 =	sadd.s32 s12, s13  }
0x25b: {  	[tilespmem:s17], [sflag:$0x2] =	stream.linear.gather [hbm4b:s12+s7], $0x80, $0x38;
	[tilespmem:$0x1DF00] =	vst v63  }
0x25c: {  	s23 =	simm.s32 $0x280;
	s11 =	sadd.s32 s1, s11  }
0x25d: {  	[tilespmem:s23], [sflag:$0x2] =	stream.linear.gather [hbm4b:s11+s7], $0x80, $0x38;
	[tilespmem:$0x1DF00] =	vst v63  }
.LBB2_12:
0x25e: {  	s14 =	simm.s32 $0x0  }
0x25f: {  	v1 =	vld [tilespmem:s14+$0xE80]  }
0x260: {  	v2 =	vld [tilespmem:s14+$0x1080]  }
0x261: {  	v3 =	vld [tilespmem:s14+$0xE00]  }
0x262: {  	v4 =	vld [tilespmem:s14+$0x1000];
	_ =	sdelay $0x1  }
0x263: {  	v5 =	vshll.u32 v1, $0x10  }
0x264: {  	v1 =	vand.u32 $0xFFFF0000, v1;
	v6 =	vshll.u32 v2, $0x10;
	v2 =	vand.u32 $0xFFFF0000, v2  }
0x265: {  	v7 =	vshll.u32 v3, $0x10;
	v3 =	vand.u32 $0xFFFF0000, v3;
	v1 =	vadd.f32 v2, v1  }
0x266: {  	s12 =	simm.s32 $0x10;
	v2 =	vshll.u32 v4, $0x10;
	v4 =	vand.u32 $0xFFFF0000, v4;
	v5 =	vadd.f32 v6, v5  }
0x267: {  	v6 =	vld [tilespmem:s12+$0xE80];
	v2 =	vadd.f32 v2, v7;
	v3 =	vadd.f32 v4, v3;
	v4 =	vmul.f32 $2.000000030e-01, v1  }
0x268: {  	v8 =	vld [tilespmem:s12+$0x1080];
	v7 =	vmul.f32 $2.000000030e-01, v5  }
0x269: {  	v9 =	vmul.f32 $2.000000030e-01, v2;
	v10 =	vmul.f32 $2.000000030e-01, v3;
	v1 =	vmax.f32 v1, v4;
	v4 =	vld [tilespmem:s12+$0xE00]  }
0x26a: {  	v5 =	vmax.f32 v5, v7;
	v7 =	vld [tilespmem:s12+$0x1000];
	v1 =	vmul.f32 $1.442695020e+00, v1  }
0x26b: {  	v2 =	vmax.f32 v2, v9;
	v3 =	vmax.f32 v3, v10;
	v5 =	vmul.f32 $1.442695020e+00, v5  }
0x26c: {  	v2 =	vmul.f32 $1.442695020e+00, v2;
	(erf) = vpow2.f32 v1;
	v1 =	vshll.u32 v6, $0x10  }
0x26d: {  	(erf) = vpow2.f32 v5;
	v5 =	vand.u32 $0xFFFF0000, v6;
	v6 =	vand.u32 $0xFFFF0000, v8  }
0x26e: {  	v8 =	vshll.u32 v8, $0x10;
	v9 =	vshll.u32 v4, $0x10;
	v5 =	vadd.f32 v6, v5  }
0x26f: {  	v4 =	vand.u32 $0xFFFF0000, v4;
	v6 =	vshll.u32 v7, $0x10;
	v7 =	vand.u32 $0xFFFF0000, v7  }
0x270: {  	v1 =	vadd.f32 v8, v1;
	(erf) = vpow2.f32 v2;
	v4 =	vadd.f32 v7, v4  }
0x271: {  	s23 =	simm.s32 $0x20;
	v2 =	vmul.f32 $1.442695020e+00, v3;
	v6 =	vadd.f32 v6, v9;
	v8 =	vmul.f32 $2.000000030e-01, v5  }
0x272: {  	v7 =	vld [tilespmem:s23+$0xE80];
	v9 =	vmul.f32 $2.000000030e-01, v1;
	v11 =	vmul.f32 $2.000000030e-01, v4  }
0x273: {  	v3 =	vld [tilespmem:s23+$0x1080];
	(erf) = vpow2.f32 v2;
	v10 =	vmul.f32 $2.000000030e-01, v6;
	v5 =	vmax.f32 v5, v8  }
0x274: {  	v2 =	vld [tilespmem:s23+$0x1000];
	v1 =	vmax.f32 v1, v9;
	v5 =	vmul.f32 $1.442695020e+00, v5;
	v4 =	vmax.f32 v4, v11  }
0x275: {  	v8 =	vld [tilespmem:s23+$0xE00];
	v6 =	vmax.f32 v6, v10;
	v9 =	vmul.f32 $1.442695020e+00, v1  }
0x276: {  	v10 =	vmul.f32 $1.442695020e+00, v6;
	(erf) = vpow2.f32 v5  }
0x277: {  	v6 =	vshll.u32 v7, $0x10;
	v1 =	vmul.f32 $1.442695020e+00, v4;
	v4 =	vpop (erf);
	(erf) = vpow2.f32 v9  }
0x278: {  	v5 =	vand.u32 $0xFFFF0000, v7;
	v7 =	vand.u32 $0xFFFF0000, v3;
	v3 =	vshll.u32 v3, $0x10  }
0x279: {  	v5 =	vadd.f32 v7, v5;
	v7 =	vshll.u32 v2, $0x10;
	v6 =	vadd.f32 v3, v6;
	v9 =	vpop (erf);
	[tilespmem:s14+$0x1480] =	vst v4  }
0x27a: {  	v4 =	vshll.u32 v8, $0x10;
	v8 =	vand.u32 $0xFFFF0000, v8;
	[tilespmem:s14+$0x1400] =	vst v9;
	v9 =	vand.u32 $0xFFFF0000, v2  }
0x27b: {  	s15 =	simm.s32 $0x30;
	v3 =	vadd.f32 v7, v4;
	v7 =	vmul.f32 $2.000000030e-01, v5;
	v11 =	vpop (erf);
	v4 =	vadd.f32 v9, v8  }
0x27c: {  	s11 =	simm.s32 $0x0;
	s16 =	simm.s32 $0x100;
	(erf) = vpow2.f32 v10;
	v2 =	vld [tilespmem:s15+$0xE80];
	v8 =	vmul.f32 $2.000000030e-01, v6;
	[tilespmem:s14+$0x1300] =	vst v11  }
.LBB2_13:
0x27d: {  	p1 =	sne.s32 s16, $0x1C0;
	v9 =	vld [tilespmem:s15+$0x1080];
	v10 =	vmul.f32 $2.000000030e-01, v3;
	v11 =	vmul.f32 $2.000000030e-01, v4;
	v5 =	vmax.f32 v5, v7;
	v7 =	vpop (erf)  }
0x27e: {  	v12 =	vld [tilespmem:s15+$0xE00];
	v8 =	vmax.f32 v6, v8;
	v13 =	vmul.f32 $1.442695020e+00, v5;
	(erf) = vpow2.f32 v1;
	[tilespmem:s14+$0x1380] =	vst v7;
	s14 =	smov.u32 s12;
	s12 =	smov.u32 s23;
	s23 =	smov.u32 s15  }
0x27f: {  	v7 =	vld [tilespmem:s23+$0x1000];
	v1 =	vmax.f32 v3, v10;
	v3 =	vmax.f32 v4, v11;
	v4 =	vmul.f32 $1.442695020e+00, v8;
	v6 =	vpop (erf)  }
0x280: {  	v10 =	vmul.f32 $1.442695020e+00, v1;
	(erf) = vpow2.f32 v13;
	[tilespmem:s14+$0x1480] =	vst v6;
	v5 =	vpop (erf)  }
0x281: {  	v1 =	vmul.f32 $1.442695020e+00, v3;
	v6 =	vshll.u32 v2, $0x10;
	(erf) = vpow2.f32 v4;
	[tilespmem:s14+$0x1400] =	vst v5  }
.Ltmp7:
0x282: {  	v2 =	vand.u32 $0xFFFF0000, v2;
	v3 =	vshll.u32 v9, $0x10;
	v4 =	vand.u32 $0xFFFF0000, v9;
	(pc) =	sbr.rel @p1 .LBB2_13-.Ltmp7, $4  }
0x283: {  	v8 =	vshll.u32 v12, $0x10;
	v11 =	vand.u32 $0xFFFF0000, v12;
	v5 =	vadd.f32 v4, v2  }
0x284: {  	v6 =	vadd.f32 v3, v6;
	v2 =	vshll.u32 v7, $0x10;
	v4 =	vand.u32 $0xFFFF0000, v7  }
0x285: {  	s15 =	sshra.s32 s16, $0x2;
	v3 =	vadd.f32 v2, v8;
	v4 =	vadd.f32 v4, v11;
	v7 =	vmul.f32 $2.000000030e-01, v5;
	v9 =	vpop (erf)  }
0x286: {  	s16 =	sadd.s32 $0x40, s16;
	v8 =	vmul.f32 $2.000000030e-01, v6;
	v2 =	vld [tilespmem:s15+$0xE80];
	(erf) = vpow2.f32 v10;
	[tilespmem:s14+$0x1300] =	vst v9  }
0x287: {  	v9 =	vld [tilespmem:s15+$0x1080];
	v10 =	vpop (erf)  }
0x288: {  	v11 =	vld [tilespmem:s15+$0xE00];
	v12 =	vmul.f32 $2.000000030e-01, v3;
	v5 =	vmax.f32 v5, v7;
	v53 =	vmul.f32 $2.000000030e-01, v4;
	[tilespmem:s14+$0x1380] =	vst v10  }
0x289: {  	(erf) = vpow2.f32 v1;
	v6 =	vmax.f32 v6, v8;
	v5 =	vmul.f32 $1.442695020e+00, v5;
	v1 =	vld [tilespmem:s15+$0x1000]  }
0x28a: {  	v3 =	vmax.f32 v3, v12;
	v4 =	vmax.f32 v4, v53;
	v6 =	vmul.f32 $1.442695020e+00, v6  }
0x28b: {  	v3 =	vmul.f32 $1.442695020e+00, v3;
	(erf) = vpow2.f32 v5;
	v54 =	vshll.u32 v2, $0x10  }
0x28c: {  	v2 =	vand.u32 $0xFFFF0000, v2;
	(erf) = vpow2.f32 v6;
	v55 =	vand.u32 $0xFFFF0000, v9  }
0x28d: {  	v56 =	vshll.u32 v9, $0x10;
	v57 =	vshll.u32 v11, $0x10;
	v2 =	vadd.f32 v55, v2  }
0x28e: {  	v58 =	vand.u32 $0xFFFF0000, v11;
	v5 =	vadd.f32 v56, v54;
	v59 =	vshll.u32 v1, $0x10  }
0x28f: {  	v1 =	vand.u32 $0xFFFF0000, v1;
	v60 =	vadd.f32 v59, v57;
	v61 =	vmul.f32 $2.000000030e-01, v2  }
0x290: {  	v4 =	vmul.f32 $1.442695020e+00, v4;
	(erf) = vpow2.f32 v3;
	v1 =	vadd.f32 v1, v58  }
0x291: {  	v62 =	vmul.f32 $2.000000030e-01, v5;
	v3 =	vmul.f32 $2.000000030e-01, v60;
	v2 =	vmax.f32 v2, v61  }
0x292: {  	v7 =	vmul.f32 $2.000000030e-01, v1;
	v2 =	vmul.f32 $1.442695020e+00, v2  }
0x293: {  	(erf) = vpow2.f32 v4;
	v5 =	vmax.f32 v5, v62;
	v3 =	vmax.f32 v60, v3  }
0x294: {  	v63 =	vmul.f32 $1.442695020e+00, v5;
	v1 =	vmax.f32 v1, v7;
	v3 =	vmul.f32 $1.442695020e+00, v3  }
0x295: {  	(erf) = vpow2.f32 v2;
	v1 =	vmul.f32 $1.442695020e+00, v1  }
0x296: {  	v2 =	vpop (erf);
	(erf) = vpow2.f32 v63  }
0x297: {  	[tilespmem:s12+$0x1480] =	vst v2;
	v2 =	vpop (erf);
	(erf) = vpow2.f32 v3  }
0x298: {  	[tilespmem:s12+$0x1400] =	vst v2;
	v2 =	vpop (erf);
	(erf) = vpow2.f32 v1  }
0x299: {  	v1 =	vpop (erf);
	[tilespmem:s12+$0x1300] =	vst v2  }
0x29a: {  	v2 =	vpop (erf);
	[tilespmem:s12+$0x1380] =	vst v1  }
0x29b: {  	v1 =	vpop (erf);
	[tilespmem:s23+$0x1480] =	vst v2  }
0x29c: {  	v2 =	vpop (erf);
	[tilespmem:s23+$0x1400] =	vst v1  }
0x29d: {  	v1 =	vpop (erf);
	[tilespmem:s23+$0x1300] =	vst v2  }
0x29e: {  	[tilespmem:s23+$0x1380] =	vst v1;
	v1 =	vpop (erf)  }
0x29f: {  	[tilespmem:s15+$0x1480] =	vst v1;
	v1 =	vpop (erf)  }
0x2a0: {  	[tilespmem:s15+$0x1400] =	vst v1;
	v1 =	vpop (erf)  }
0x2a1: {  	[tilespmem:s15+$0x1300] =	vst v1;
	v1 =	vpop (erf)  }
0x2a2: {  	s12 =	simm.s32 $0x5540;
	[tilespmem:s15+$0x1380] =	vst v1  }
.LBB2_15:
0x2a3: {  	s14 =	sshll.u32 s11, $0x4;
	v5 =	vld [tilespmem:s12+$0xFFFFFFC0]  }
0x2a4: {  	s15 =	simm.s32 $0x0;
	v2 =	vld [tilespmem:s14+$0x1300]  }
0x2a5: {  	v7 =	vld [tilespmem:s12+$0xFFFFFFD0];
	v1 =	vmov s15  }
0x2a6: {  	v9 =	vld [tilespmem:s12+$0xFFFFFFE0];
	v1 =	vand.u32 $0xF, v1  }
0x2a7: {  	v4 =	vld [tilespmem:s14+$0x1380];
	v6 =	vbroadcast v1, $0x0  }
0x2a8: {  	v3 =	vld [tilespmem:s14+$0x1400]  }
0x2a9: {  	v11 =	vld [tilespmem:s12+$0x0];
	v8 =	vperm.xlane v2, v6  }
0x2aa: {  	v12 =	vld [tilespmem:s12+$0x10]  }
0x2ab: {  	v14 =	vld [tilespmem:s12+$0xFFFFFFF0];
	v5 =	vmul.f32 v5, v8  }
0x2ac: {  	v1 =	vld [tilespmem:s14+$0x1480];
	v13 =	vperm.xlane v4, v6  }
0x2ad: {  	v17 =	vld [tilespmem:s12+$0x30];
	v16 =	vperm.xlane v3, v6;
	[tilespmem:s12+$0xFFFFFFC0] =	vst v5;
	v5 =	vmul.f32 v7, v8  }
0x2ae: {  	s14 =	sadd.s32 $0x80, s12;
	v8 =	vld [tilespmem:s12+$0x20];
	v7 =	vmul.f32 v9, v13  }
0x2af: {  	s23 =	simm.s32 $0x1;
	v15 =	vld [tilespmem:s14+$0xFFFFFFC0];
	[tilespmem:s12+$0xFFFFFFD0] =	vst v5;
	v5 =	vmul.f32 v11, v16  }
0x2b0: {  	v9 =	vmov s23;
	v10 =	vld [tilespmem:s14+$0xFFFFFFD0];
	[tilespmem:s12+$0xFFFFFFE0] =	vst v7  }
0x2b1: {  	v6 =	vperm.xlane v1, v6;
	v7 =	vld [tilespmem:s14+$0xFFFFFFE0];
	[tilespmem:s12+$0x0] =	vst v5;
	v5 =	vand.u32 $0xF, v9  }
0x2b2: {  	v11 =	vmul.f32 v12, v16;
	v5 =	vbroadcast v5, $0x0  }
0x2b3: {  	v63 =	vmul.f32 v8, v6  }
0x2b4: {  	v17 =	vmul.f32 v17, v6;
	v9 =	vld [tilespmem:s14+$0x0];
	[tilespmem:s12+$0x10] =	vst v11;
	v12 =	vperm.xlane v2, v5  }
0x2b5: {  	v14 =	vmul.f32 v14, v13;
	v8 =	vld [tilespmem:s14+$0x10];
	[tilespmem:s12+$0x20] =	vst v63  }
0x2b6: {  	s16 =	smov.u32 s12;
	s15 =	simm.s32 $0x2;
	v6 =	vperm.xlane v4, v5;
	v11 =	vld [tilespmem:s14+$0x20];
	[tilespmem:s12+$0x30] =	vst v17;
	v13 =	vmul.f32 v15, v12  }
.LBB2_16:
0x2b7: {  	p1 =	sne.s32 s15, $0xF;
	v10 =	vmul.f32 v10, v12;
	v12 =	vperm.xlane v3, v5;
	v15 =	vld [tilespmem:s14+$0x30];
	[tilespmem:s16+$0xFFFFFFF0] =	vst v14;
	s16 =	smov.u32 s14  }
0x2b8: {  	v14 =	vmov s15;
	s14 =	sadd.s32 $0x80, s14;
	[tilespmem:s16+$0xFFFFFFC0] =	vst v13;
	v7 =	vmul.f32 v7, v6;
	v13 =	vld [tilespmem:s16+$0xFFFFFFF0]  }
0x2b9: {  	v17 =	vperm.xlane v1, v5;
	v14 =	vand.u32 $0xF, v14;
	v16 =	vld [tilespmem:s14+$0xFFFFFFC0];
	[tilespmem:s16+$0xFFFFFFD0] =	vst v10;
	v9 =	vmul.f32 v9, v12  }
.Ltmp8:
0x2ba: {  	v5 =	vbroadcast v14, $0x0;
	v10 =	vld [tilespmem:s14+$0xFFFFFFD0];
	[tilespmem:s16+$0xFFFFFFE0] =	vst v7;
	v8 =	vmul.f32 v8, v12;
	(pc) =	sbr.rel @p1 .LBB2_16-.Ltmp8, $4  }
0x2bb: {  	v7 =	vld [tilespmem:s14+$0xFFFFFFE0];
	[tilespmem:s16+$0x0] =	vst v9;
	v11 =	vmul.f32 v11, v17  }
0x2bc: {  	v12 =	vperm.xlane v2, v5;
	v9 =	vld [tilespmem:s14+$0x0];
	[tilespmem:s16+$0x10] =	vst v8;
	v15 =	vmul.f32 v15, v17  }
0x2bd: {  	v8 =	vld [tilespmem:s14+$0x10];
	v14 =	vmul.f32 v13, v6;
	[tilespmem:s16+$0x20] =	vst v11  }
0x2be: {  	s15 =	sadd.s32 $0x1, s15;
	v6 =	vperm.xlane v4, v5;
	v13 =	vmul.f32 v16, v12;
	v11 =	vld [tilespmem:s14+$0x20];
	[tilespmem:s16+$0x30] =	vst v15  }
0x2bf: {  	[tilespmem:s16+$0xFFFFFFF0] =	vst v14;
	v2 =	vmul.f32 v10, v12;
	v3 =	vperm.xlane v3, v5;
	v4 =	vld [tilespmem:s14+$0x30]  }
0x2c0: {  	[tilespmem:s14+$0xFFFFFFC0] =	vst v13;
	v7 =	vmul.f32 v7, v6;
	v63 =	vld [tilespmem:s14+$0xFFFFFFF0]  }
0x2c1: {  	v1 =	vperm.xlane v1, v5;
	s11 =	sadd.s32 $0x1, s11;
	[tilespmem:s14+$0xFFFFFFD0] =	vst v2;
	v2 =	vmul.f32 v9, v3  }
0x2c2: {  	p1 =	sne.s32 s11, $0x8;
	[tilespmem:s14+$0xFFFFFFE0] =	vst v7;
	v3 =	vmul.f32 v8, v3  }
.Ltmp9:
0x2c3: {  	[tilespmem:s14+$0x0] =	vst v2;
	v2 =	vmul.f32 v11, v1;
	(pc) =	sbr.rel @p1 .LBB2_15-.Ltmp9, $4  }
0x2c4: {  	[tilespmem:s14+$0x10] =	vst v3;
	v1 =	vmul.f32 v4, v1  }
0x2c5: {  	v3 =	vmul.f32 v63, v6;
	[tilespmem:s14+$0x20] =	vst v2  }
0x2c6: {  	[tilespmem:s14+$0x30] =	vst v1  }
0x2c7: {  	s12 =	sadd.s32 $0x800, s12;
	[tilespmem:s14+$0xFFFFFFF0] =	vst v3  }
0x2c8: {  	s11 =	simm.s32 $0x480  }
0x2c9: {  	[spmem:s5] =	stream.indirect.scatter.add.f32 [tilespmem:s30], [sflag:$0x6], $0x80, s11, s22, $0xb8;
	[tilespmem:$0x1DF00] =	vst v63  }
0x2ca: {  	s23 =	simm.s32 $0xB00;
	s12 =	simm.s32 $0x1300;
	s9 =	sadd.s32 $0x1, s9  }
0x2cb: {  	[spmem:s6] =	stream.indirect.scatter.add.f32 [tilespmem:s12], [sflag:$0x6], $0x1, s23, s22, $0xb8;
	[tilespmem:$0x1DF00] =	vst v63  }
0x2cc: {  	s14 =	simm.s32 $0x1380;
	p1 =	sne.s32 s9, $0x27;
	s12 =	simm.s32 $0xB80  }
0x2cd: {  	[spmem:s6] =	stream.indirect.scatter.add.f32 [tilespmem:s14], [sflag:$0x6], $0x1, s12, s22, $0xb8;
	[tilespmem:$0x1DF00] =	vst v63  }
.Ltmp10:
0x2ce: {  	_ = 	snop;
	(pc) =	sbr.rel @p1 .LBB2_4-.Ltmp10, $4  }
0x2cf: {  	s15 =	simm.s32 $0xC00;
	s16 =	simm.s32 $0x1400  }
0x2d0: {  	[spmem:s6] =	stream.indirect.scatter.add.f32 [tilespmem:s16], [sflag:$0x6], $0x1, s15, s22, $0xb8;
	[tilespmem:$0x1DF00] =	vst v63  }
0x2d1: {  	s17 =	simm.s32 $0xC80;
	s23 =	simm.s32 $0x1480  }
0x2d2: {  	[spmem:s6] =	stream.indirect.scatter.add.f32 [tilespmem:s23], [sflag:$0x6], $0x1, s17, s22, $0xb8;
	[tilespmem:$0x1DF00] =	vst v63  }
0x2d3: {  	s9 =	simm.s32 $0x6  }
0x2d4: {  	_ =	swait.ge [sflag:s9], $0x4000  }
0x2d5: {  	[sflag:s9] =	ssyncset.done $0x0  }
0x2d6: {  	[sflag:s9] =	ssyncadd.s32 $0xFFFFC000  }
0x2d7: {  	_ =	swait.ge [sflag:s9], $0x80  }
0x2d8: {  	[sflag:s9] =	ssyncset.done $0x0  }
0x2d9: {  	[sflag:s9] =	ssyncadd.s32 $0xFFFFFF80  }
0x2da: {  	_ =	swait.ge [sflag:s9], $0x80  }
0x2db: {  	[sflag:s9] =	ssyncset.done $0x0  }
0x2dc: {  	[sflag:s9] =	ssyncadd.s32 $0xFFFFFF80  }
0x2dd: {  	_ =	swait.ge [sflag:s9], $0x80  }
.Ltmp11:
0x2de: {  	[sflag:s9] =	ssyncset.done $0x0;
	(pc) =	sbr.rel @p0 .LBB2_27-.Ltmp11, $4  }
0x2df: {  	[sflag:s9] =	ssyncadd.s32 $0xFFFFFF80  }
0x2e0: {  	_ =	swait.ge [sflag:s9], $0x80  }
0x2e1: {  	[sflag:s9] =	ssyncset.done $0x0  }
0x2e2: {  	s14 =	rddreg [dreg:$0x1b];
	[sflag:s9] =	ssyncadd.s32 $0xFFFFFF80  }
0x2e3: {  	s9 =	simm.s32 $0x0;
	s11 =	rddreg [dreg:$0x11]  }
0x2e4: {  	[tilespmem:s9], [sflag:$0x7] =	stream.linear.gather [hbm4b:s11+s9], $0x80, $0x38;
	[tilespmem:$0x1DF00] =	vst v63  }
0x2e5: {  	_ =	swait.ge [sflag:s21], $0x80  }
0x2e6: {  	[sflag:s21] =	ssyncset.done $0x0  }
0x2e7: {  	s12 =	simm.s32 $0x100;
	s23 =	rddreg [dreg:$0x12];
	[sflag:s21] =	ssyncadd.s32 $0xFFFFFF80  }
0x2e8: {  	[tilespmem:s12], [sflag:$0x7] =	stream.linear.gather [hbm4b:s23+s9], $0x80, $0x38;
	[tilespmem:$0x1DF00] =	vst v63  }
0x2e9: {  	_ =	swait.ge [sflag:s21], $0x80  }
0x2ea: {  	[sflag:s21] =	ssyncset.done $0x0  }
0x2eb: {  	s15 =	simm.s32 $0x200;
	s14 =	rddreg [dreg:$0x13];
	[sflag:s21] =	ssyncadd.s32 $0xFFFFFF80  }
0x2ec: {  	[tilespmem:s15], [sflag:$0x7] =	stream.linear.gather [hbm4b:s14+s9], $0x80, $0x38;
	[tilespmem:$0x1DF00] =	vst v63  }
0x2ed: {  	_ =	swait.ge [sflag:s21], $0x80  }
0x2ee: {  	[sflag:s21] =	ssyncset.done $0x0  }
0x2ef: {  	[sflag:s21] =	ssyncadd.s32 $0xFFFFFF80  }
0x2f0: {  	v1 =	vld [tilespmem:$0x0]  }
0x2f1: {  	v2 =	vld [tilespmem:$0x200]  }
0x2f2: {  	v3 =	vld [tilespmem:$0x100];
	_ =	sdelay $0x3  }
0x2f3: {  	v1 =	vshll.u32 v1, $0x3  }
0x2f4: {  	v4 =	vshll.u32 v3, $0x5;
	[tilespmem:$0x400] =	vst v3;
	v1 =	vadd.s32 v1, v2;
	v2 =	vshll.u32 v2, $0x2  }
0x2f5: {  	[tilespmem:$0x300] =	vst v1;
	v1 =	vshll.u32 v1, $0x2;
	v2 =	vadd.s32 v4, v2  }
0x2f6: {  	[tilespmem:$0x500] =	vst v1;
	v4 =	vor.u32 $0x2, v2  }
0x2f7: {  	v1 =	vor.u32 $0x1, v1;
	[tilespmem:$0x700] =	vst v4;
	v4 =	vld [tilespmem:$0x10]  }
0x2f8: {  	[tilespmem:$0x580] =	vst v1;
	v1 =	vor.u32 $0x3, v2;
	v2 =	vld [tilespmem:$0x210]  }
0x2f9: {  	[tilespmem:$0x780] =	vst v1;
	v1 =	vshll.u32 v3, $0x2;
	v3 =	vld [tilespmem:$0x110]  }
0x2fa: {  	[tilespmem:$0x900] =	vst v1;
	v5 =	vor.u32 $0x1, v1  }
0x2fb: {  	[tilespmem:$0x980] =	vst v5;
	v5 =	vor.u32 $0x2, v1  }
0x2fc: {  	v1 =	vor.u32 $0x3, v1;
	[tilespmem:$0xA00] =	vst v5  }
0x2fd: {  	[tilespmem:$0xA80] =	vst v1;
	v4 =	vshll.u32 v4, $0x3  }
0x2fe: {  	v1 =	vadd.s32 v4, v2;
	v4 =	vshll.u32 v3, $0x5;
	v2 =	vshll.u32 v2, $0x2;
	[tilespmem:$0x410] =	vst v3  }
0x2ff: {  	[tilespmem:$0x310] =	vst v1;
	v1 =	vshll.u32 v1, $0x2;
	v2 =	vadd.s32 v4, v2  }
0x300: {  	[tilespmem:$0x510] =	vst v1;
	v4 =	vor.u32 $0x2, v2  }
0x301: {  	v1 =	vor.u32 $0x1, v1;
	[tilespmem:$0x710] =	vst v4;
	v4 =	vld [tilespmem:$0x20]  }
0x302: {  	[tilespmem:$0x590] =	vst v1;
	v1 =	vor.u32 $0x3, v2;
	v2 =	vld [tilespmem:$0x220]  }
0x303: {  	[tilespmem:$0x790] =	vst v1;
	v1 =	vshll.u32 v3, $0x2;
	v3 =	vld [tilespmem:$0x120]  }
0x304: {  	[tilespmem:$0x910] =	vst v1;
	v5 =	vor.u32 $0x1, v1  }
0x305: {  	[tilespmem:$0x990] =	vst v5;
	v5 =	vor.u32 $0x2, v1  }
0x306: {  	v1 =	vor.u32 $0x3, v1;
	[tilespmem:$0xA10] =	vst v5  }
0x307: {  	[tilespmem:$0xA90] =	vst v1;
	v4 =	vshll.u32 v4, $0x3  }
0x308: {  	v1 =	vadd.s32 v4, v2;
	v4 =	vshll.u32 v3, $0x5;
	v2 =	vshll.u32 v2, $0x2;
	[tilespmem:$0x420] =	vst v3  }
0x309: {  	[tilespmem:$0x320] =	vst v1;
	v1 =	vshll.u32 v1, $0x2;
	v2 =	vadd.s32 v4, v2  }
0x30a: {  	[tilespmem:$0x520] =	vst v1;
	v4 =	vor.u32 $0x2, v2  }
0x30b: {  	v1 =	vor.u32 $0x1, v1;
	[tilespmem:$0x720] =	vst v4;
	v4 =	vld [tilespmem:$0x30]  }
0x30c: {  	[tilespmem:$0x5A0] =	vst v1;
	v1 =	vor.u32 $0x3, v2;
	v2 =	vld [tilespmem:$0x230]  }
0x30d: {  	[tilespmem:$0x7A0] =	vst v1;
	v1 =	vshll.u32 v3, $0x2;
	v3 =	vld [tilespmem:$0x130]  }
0x30e: {  	[tilespmem:$0x920] =	vst v1;
	v5 =	vor.u32 $0x1, v1  }
0x30f: {  	[tilespmem:$0x9A0] =	vst v5;
	v5 =	vor.u32 $0x2, v1  }
0x310: {  	v1 =	vor.u32 $0x3, v1;
	[tilespmem:$0xA20] =	vst v5  }
0x311: {  	[tilespmem:$0xAA0] =	vst v1;
	v4 =	vshll.u32 v4, $0x3  }
0x312: {  	v1 =	vadd.s32 v4, v2;
	v4 =	vshll.u32 v3, $0x5;
	v2 =	vshll.u32 v2, $0x2;
	[tilespmem:$0x430] =	vst v3  }
0x313: {  	[tilespmem:$0x330] =	vst v1;
	v1 =	vshll.u32 v1, $0x2;
	v2 =	vadd.s32 v4, v2  }
0x314: {  	[tilespmem:$0x530] =	vst v1;
	v4 =	vor.u32 $0x2, v2  }
0x315: {  	v1 =	vor.u32 $0x1, v1;
	[tilespmem:$0x730] =	vst v4;
	v4 =	vld [tilespmem:$0x40]  }
0x316: {  	[tilespmem:$0x5B0] =	vst v1;
	v1 =	vor.u32 $0x3, v2;
	v2 =	vld [tilespmem:$0x240]  }
0x317: {  	[tilespmem:$0x7B0] =	vst v1;
	v1 =	vshll.u32 v3, $0x2;
	v3 =	vld [tilespmem:$0x140]  }
0x318: {  	[tilespmem:$0x930] =	vst v1;
	v5 =	vor.u32 $0x1, v1  }
0x319: {  	[tilespmem:$0x9B0] =	vst v5;
	v5 =	vor.u32 $0x2, v1  }
0x31a: {  	v1 =	vor.u32 $0x3, v1;
	[tilespmem:$0xA30] =	vst v5  }
0x31b: {  	[tilespmem:$0xAB0] =	vst v1;
	v4 =	vshll.u32 v4, $0x3  }
0x31c: {  	v1 =	vadd.s32 v4, v2;
	v4 =	vshll.u32 v3, $0x5;
	v2 =	vshll.u32 v2, $0x2;
	[tilespmem:$0x440] =	vst v3  }
0x31d: {  	[tilespmem:$0x340] =	vst v1;
	v1 =	vshll.u32 v1, $0x2;
	v2 =	vadd.s32 v4, v2  }
0x31e: {  	[tilespmem:$0x540] =	vst v1;
	v4 =	vor.u32 $0x2, v2  }
0x31f: {  	v1 =	vor.u32 $0x1, v1;
	[tilespmem:$0x740] =	vst v4;
	v4 =	vld [tilespmem:$0x50]  }
0x320: {  	[tilespmem:$0x5C0] =	vst v1;
	v1 =	vor.u32 $0x3, v2;
	v2 =	vld [tilespmem:$0x250]  }
0x321: {  	[tilespmem:$0x7C0] =	vst v1;
	v1 =	vshll.u32 v3, $0x2;
	v3 =	vld [tilespmem:$0x150]  }
0x322: {  	[tilespmem:$0x940] =	vst v1;
	v5 =	vor.u32 $0x1, v1  }
0x323: {  	[tilespmem:$0x9C0] =	vst v5;
	v5 =	vor.u32 $0x2, v1  }
0x324: {  	v1 =	vor.u32 $0x3, v1;
	[tilespmem:$0xA40] =	vst v5  }
0x325: {  	[tilespmem:$0xAC0] =	vst v1;
	v4 =	vshll.u32 v4, $0x3  }
0x326: {  	v1 =	vadd.s32 v4, v2;
	v4 =	vshll.u32 v3, $0x5;
	v2 =	vshll.u32 v2, $0x2;
	[tilespmem:$0x450] =	vst v3  }
0x327: {  	[tilespmem:$0x350] =	vst v1;
	v1 =	vshll.u32 v1, $0x2;
	v2 =	vadd.s32 v4, v2  }
0x328: {  	[tilespmem:$0x550] =	vst v1;
	v4 =	vor.u32 $0x2, v2  }
0x329: {  	v1 =	vor.u32 $0x1, v1;
	[tilespmem:$0x750] =	vst v4;
	v4 =	vld [tilespmem:$0x60]  }
0x32a: {  	[tilespmem:$0x5D0] =	vst v1;
	v1 =	vor.u32 $0x3, v2;
	v2 =	vld [tilespmem:$0x260]  }
0x32b: {  	[tilespmem:$0x7D0] =	vst v1;
	v1 =	vshll.u32 v3, $0x2;
	v3 =	vld [tilespmem:$0x160]  }
0x32c: {  	[tilespmem:$0x950] =	vst v1;
	v5 =	vor.u32 $0x1, v1  }
0x32d: {  	[tilespmem:$0x9D0] =	vst v5;
	v5 =	vor.u32 $0x2, v1  }
0x32e: {  	v1 =	vor.u32 $0x3, v1;
	[tilespmem:$0xA50] =	vst v5  }
0x32f: {  	[tilespmem:$0xAD0] =	vst v1;
	v4 =	vshll.u32 v4, $0x3  }
0x330: {  	v1 =	vadd.s32 v4, v2;
	v4 =	vshll.u32 v3, $0x5;
	v2 =	vshll.u32 v2, $0x2;
	[tilespmem:$0x460] =	vst v3  }
0x331: {  	[tilespmem:$0x360] =	vst v1;
	v1 =	vshll.u32 v1, $0x2;
	v2 =	vadd.s32 v4, v2  }
0x332: {  	[tilespmem:$0x560] =	vst v1;
	v4 =	vor.u32 $0x2, v2  }
0x333: {  	v1 =	vor.u32 $0x1, v1;
	[tilespmem:$0x760] =	vst v4;
	v4 =	vld [tilespmem:$0x70]  }
0x334: {  	[tilespmem:$0x5E0] =	vst v1;
	v1 =	vor.u32 $0x3, v2;
	v2 =	vld [tilespmem:$0x270]  }
0x335: {  	[tilespmem:$0x7E0] =	vst v1;
	v1 =	vshll.u32 v3, $0x2;
	v3 =	vld [tilespmem:$0x170]  }
0x336: {  	[tilespmem:$0x960] =	vst v1;
	v5 =	vor.u32 $0x1, v1  }
0x337: {  	[tilespmem:$0x9E0] =	vst v5;
	v5 =	vor.u32 $0x2, v1  }
0x338: {  	v1 =	vor.u32 $0x3, v1;
	[tilespmem:$0xA60] =	vst v5  }
0x339: {  	[tilespmem:$0xAE0] =	vst v1;
	v4 =	vshll.u32 v4, $0x3  }
0x33a: {  	v1 =	vadd.s32 v4, v2;
	v4 =	vshll.u32 v3, $0x5;
	v2 =	vshll.u32 v2, $0x2;
	[tilespmem:$0x470] =	vst v3  }
0x33b: {  	[tilespmem:$0x370] =	vst v1;
	v1 =	vshll.u32 v1, $0x2;
	v2 =	vadd.s32 v4, v2  }
0x33c: {  	[tilespmem:$0x570] =	vst v1;
	v4 =	vor.u32 $0x2, v2  }
0x33d: {  	v1 =	vor.u32 $0x1, v1;
	[tilespmem:$0x770] =	vst v4  }
0x33e: {  	[tilespmem:$0x5F0] =	vst v1;
	v1 =	vor.u32 $0x3, v2  }
0x33f: {  	[tilespmem:$0x7F0] =	vst v1;
	v1 =	vshll.u32 v3, $0x2  }
0x340: {  	[tilespmem:$0x970] =	vst v1;
	v2 =	vor.u32 $0x1, v1  }
0x341: {  	[tilespmem:$0x9F0] =	vst v2;
	v2 =	vor.u32 $0x2, v1  }
0x342: {  	v1 =	vor.u32 $0x3, v1;
	[tilespmem:$0xA70] =	vst v2  }
0x343: {  	s16 =	simm.s32 $0x300;
	[tilespmem:$0xAF0] =	vst v1  }
0x344: {  	[tilespmem:s3], [sflag:$0x3] =	stream.indirect.gather [hbm4b:s8+s22], $0x80, s16, s22, $0xb8;
	[tilespmem:$0x1DF00] =	vst v63  }
0x345: {  	s17 =	simm.s32 $0x500;
	s23 =	simm.s32 $0xD00  }
0x346: {  	[tilespmem:s23], [sflag:$0x3] =	stream.indirect.gather [hbm4b:s2+s22], $0x1, s17, s22, $0xb8;
	[tilespmem:$0x1DF00] =	vst v63  }
0x347: {  	s12 =	simm.s32 $0x700;
	s14 =	simm.s32 $0xF00  }
0x348: {  	[tilespmem:s14], [sflag:$0x3] =	stream.indirect.gather [hbm4b:s2+s22], $0x1, s12, s22, $0xb8;
	[tilespmem:$0x1DF00] =	vst v63  }
0x349: {  	s15 =	simm.s32 $0x580;
	s16 =	simm.s32 $0xD80  }
0x34a: {  	[tilespmem:s16], [sflag:$0x3] =	stream.indirect.gather [hbm4b:s2+s22], $0x1, s15, s22, $0xb8;
	[tilespmem:$0x1DF00] =	vst v63  }
0x34b: {  	s17 =	simm.s32 $0x780;
	s23 =	simm.s32 $0xF80  }
0x34c: {  	[tilespmem:s23], [sflag:$0x3] =	stream.indirect.gather [hbm4b:s2+s22], $0x1, s17, s22, $0xb8;
	[tilespmem:$0x1DF00] =	vst v63  }
0x34d: {  	_ =	swait.ge [sflag:s26], $0x4000  }
0x34e: {  	[sflag:s26] =	ssyncset.done $0x0  }
0x34f: {  	[sflag:s26] =	ssyncadd.s32 $0xFFFFC000  }
0x350: {  	_ =	swait.ge [sflag:s26], $0x80  }
0x351: {  	[sflag:s26] =	ssyncset.done $0x0  }
0x352: {  	[sflag:s26] =	ssyncadd.s32 $0xFFFFFF80  }
0x353: {  	_ =	swait.ge [sflag:s26], $0x80  }
0x354: {  	[sflag:s26] =	ssyncset.done $0x0  }
0x355: {  	[sflag:s26] =	ssyncadd.s32 $0xFFFFFF80  }
0x356: {  	_ =	swait.ge [sflag:s26], $0x80  }
0x357: {  	[sflag:s26] =	ssyncset.done $0x0  }
0x358: {  	[sflag:s26] =	ssyncadd.s32 $0xFFFFFF80  }
0x359: {  	_ =	swait.ge [sflag:s26], $0x80  }
0x35a: {  	[sflag:s26] =	ssyncset.done $0x0  }
0x35b: {  	s14 =	simm.s32 $0x0;
	[sflag:s26] =	ssyncadd.s32 $0xFFFFFF80  }
0x35c: {  	v1 =	vld [tilespmem:s14+$0xD80]  }
0x35d: {  	v2 =	vld [tilespmem:s14+$0xF80]  }
0x35e: {  	v3 =	vld [tilespmem:s14+$0xD00]  }
0x35f: {  	v4 =	vld [tilespmem:s14+$0xF00];
	_ =	sdelay $0x1  }
0x360: {  	v5 =	vshll.u32 v1, $0x10  }
0x361: {  	v1 =	vand.u32 $0xFFFF0000, v1;
	v6 =	vshll.u32 v2, $0x10;
	v2 =	vand.u32 $0xFFFF0000, v2  }
0x362: {  	v7 =	vshll.u32 v3, $0x10;
	v3 =	vand.u32 $0xFFFF0000, v3;
	v1 =	vadd.f32 v2, v1  }
0x363: {  	s11 =	simm.s32 $0x10;
	v2 =	vshll.u32 v4, $0x10;
	v4 =	vand.u32 $0xFFFF0000, v4;
	v5 =	vadd.f32 v6, v5  }
0x364: {  	v6 =	vld [tilespmem:s11+$0xD80];
	v2 =	vadd.f32 v2, v7;
	v3 =	vadd.f32 v4, v3;
	v4 =	vmul.f32 $2.000000030e-01, v1  }
0x365: {  	v8 =	vld [tilespmem:s11+$0xF80];
	v7 =	vmul.f32 $2.000000030e-01, v5  }
0x366: {  	v9 =	vmul.f32 $2.000000030e-01, v2;
	v10 =	vmul.f32 $2.000000030e-01, v3;
	v1 =	vmax.f32 v1, v4;
	v4 =	vld [tilespmem:s11+$0xD00]  }
0x367: {  	v5 =	vmax.f32 v5, v7;
	v7 =	vld [tilespmem:s11+$0xF00];
	v1 =	vmul.f32 $1.442695020e+00, v1  }
0x368: {  	v2 =	vmax.f32 v2, v9;
	v3 =	vmax.f32 v3, v10;
	v5 =	vmul.f32 $1.442695020e+00, v5  }
0x369: {  	v2 =	vmul.f32 $1.442695020e+00, v2;
	(erf) = vpow2.f32 v1;
	v1 =	vshll.u32 v6, $0x10  }
0x36a: {  	(erf) = vpow2.f32 v5;
	v5 =	vand.u32 $0xFFFF0000, v6;
	v6 =	vand.u32 $0xFFFF0000, v8  }
0x36b: {  	v8 =	vshll.u32 v8, $0x10;
	v9 =	vshll.u32 v4, $0x10;
	v5 =	vadd.f32 v6, v5  }
0x36c: {  	v4 =	vand.u32 $0xFFFF0000, v4;
	v6 =	vshll.u32 v7, $0x10;
	v7 =	vand.u32 $0xFFFF0000, v7  }
0x36d: {  	v1 =	vadd.f32 v8, v1;
	(erf) = vpow2.f32 v2;
	v4 =	vadd.f32 v7, v4  }
0x36e: {  	s12 =	simm.s32 $0x20;
	v2 =	vmul.f32 $1.442695020e+00, v3;
	v6 =	vadd.f32 v6, v9;
	v8 =	vmul.f32 $2.000000030e-01, v5  }
0x36f: {  	v7 =	vld [tilespmem:s12+$0xD80];
	v9 =	vmul.f32 $2.000000030e-01, v1;
	v11 =	vmul.f32 $2.000000030e-01, v4  }
0x370: {  	v3 =	vld [tilespmem:s12+$0xF80];
	(erf) = vpow2.f32 v2;
	v10 =	vmul.f32 $2.000000030e-01, v6;
	v5 =	vmax.f32 v5, v8  }
0x371: {  	v2 =	vld [tilespmem:s12+$0xF00];
	v1 =	vmax.f32 v1, v9;
	v5 =	vmul.f32 $1.442695020e+00, v5;
	v4 =	vmax.f32 v4, v11  }
0x372: {  	v8 =	vld [tilespmem:s12+$0xD00];
	v6 =	vmax.f32 v6, v10;
	v9 =	vmul.f32 $1.442695020e+00, v1  }
0x373: {  	v10 =	vmul.f32 $1.442695020e+00, v6;
	(erf) = vpow2.f32 v5  }
0x374: {  	v6 =	vshll.u32 v7, $0x10;
	v1 =	vmul.f32 $1.442695020e+00, v4;
	v4 =	vpop (erf);
	(erf) = vpow2.f32 v9  }
0x375: {  	v5 =	vand.u32 $0xFFFF0000, v7;
	v7 =	vand.u32 $0xFFFF0000, v3;
	v3 =	vshll.u32 v3, $0x10  }
0x376: {  	v5 =	vadd.f32 v7, v5;
	v7 =	vshll.u32 v2, $0x10;
	v6 =	vadd.f32 v3, v6;
	v9 =	vpop (erf);
	[tilespmem:s14+$0x1280] =	vst v4  }
0x377: {  	v4 =	vshll.u32 v8, $0x10;
	v8 =	vand.u32 $0xFFFF0000, v8;
	[tilespmem:s14+$0x1200] =	vst v9;
	v9 =	vand.u32 $0xFFFF0000, v2  }
0x378: {  	s15 =	simm.s32 $0x30;
	v3 =	vadd.f32 v7, v4;
	v7 =	vmul.f32 $2.000000030e-01, v5;
	v11 =	vpop (erf);
	v4 =	vadd.f32 v9, v8  }
0x379: {  	s16 =	simm.s32 $0x100;
	(erf) = vpow2.f32 v10;
	v2 =	vld [tilespmem:s15+$0xD80];
	v8 =	vmul.f32 $2.000000030e-01, v6;
	[tilespmem:s14+$0x1100] =	vst v11  }
.LBB2_21:
0x37a: {  	p1 =	sne.s32 s16, $0x1C0;
	v9 =	vld [tilespmem:s15+$0xF80];
	v10 =	vmul.f32 $2.000000030e-01, v3;
	v11 =	vmul.f32 $2.000000030e-01, v4;
	v5 =	vmax.f32 v5, v7;
	v7 =	vpop (erf)  }
0x37b: {  	v12 =	vld [tilespmem:s15+$0xD00];
	v8 =	vmax.f32 v6, v8;
	v13 =	vmul.f32 $1.442695020e+00, v5;
	(erf) = vpow2.f32 v1;
	[tilespmem:s14+$0x1180] =	vst v7;
	s14 =	smov.u32 s11;
	s11 =	smov.u32 s12;
	s12 =	smov.u32 s15  }
0x37c: {  	v7 =	vld [tilespmem:s12+$0xF00];
	v1 =	vmax.f32 v3, v10;
	v3 =	vmax.f32 v4, v11;
	v4 =	vmul.f32 $1.442695020e+00, v8;
	v6 =	vpop (erf)  }
0x37d: {  	v10 =	vmul.f32 $1.442695020e+00, v1;
	(erf) = vpow2.f32 v13;
	[tilespmem:s14+$0x1280] =	vst v6;
	v5 =	vpop (erf)  }
0x37e: {  	v1 =	vmul.f32 $1.442695020e+00, v3;
	v6 =	vshll.u32 v2, $0x10;
	(erf) = vpow2.f32 v4;
	[tilespmem:s14+$0x1200] =	vst v5  }
.Ltmp12:
0x37f: {  	v2 =	vand.u32 $0xFFFF0000, v2;
	v3 =	vshll.u32 v9, $0x10;
	v4 =	vand.u32 $0xFFFF0000, v9;
	(pc) =	sbr.rel @p1 .LBB2_21-.Ltmp12, $4  }
0x380: {  	v8 =	vshll.u32 v12, $0x10;
	v11 =	vand.u32 $0xFFFF0000, v12;
	v5 =	vadd.f32 v4, v2  }
0x381: {  	v6 =	vadd.f32 v3, v6;
	v2 =	vshll.u32 v7, $0x10;
	v4 =	vand.u32 $0xFFFF0000, v7  }
0x382: {  	s15 =	sshra.s32 s16, $0x2;
	v3 =	vadd.f32 v2, v8;
	v4 =	vadd.f32 v4, v11;
	v7 =	vmul.f32 $2.000000030e-01, v5;
	v9 =	vpop (erf)  }
0x383: {  	s16 =	sadd.s32 $0x40, s16;
	v8 =	vmul.f32 $2.000000030e-01, v6;
	v2 =	vld [tilespmem:s15+$0xD80];
	(erf) = vpow2.f32 v10;
	[tilespmem:s14+$0x1100] =	vst v9  }
0x384: {  	v9 =	vld [tilespmem:s15+$0xF80];
	v10 =	vpop (erf)  }
0x385: {  	v11 =	vld [tilespmem:s15+$0xD00];
	v12 =	vmul.f32 $2.000000030e-01, v3;
	v5 =	vmax.f32 v5, v7;
	v53 =	vmul.f32 $2.000000030e-01, v4;
	[tilespmem:s14+$0x1180] =	vst v10  }
0x386: {  	(erf) = vpow2.f32 v1;
	v6 =	vmax.f32 v6, v8;
	v5 =	vmul.f32 $1.442695020e+00, v5;
	v1 =	vld [tilespmem:s15+$0xF00]  }
0x387: {  	v3 =	vmax.f32 v3, v12;
	v4 =	vmax.f32 v4, v53;
	v6 =	vmul.f32 $1.442695020e+00, v6  }
0x388: {  	v3 =	vmul.f32 $1.442695020e+00, v3;
	(erf) = vpow2.f32 v5;
	v54 =	vshll.u32 v2, $0x10  }
0x389: {  	v2 =	vand.u32 $0xFFFF0000, v2;
	(erf) = vpow2.f32 v6;
	v55 =	vand.u32 $0xFFFF0000, v9  }
0x38a: {  	v56 =	vshll.u32 v9, $0x10;
	v57 =	vshll.u32 v11, $0x10;
	v2 =	vadd.f32 v55, v2  }
0x38b: {  	v58 =	vand.u32 $0xFFFF0000, v11;
	v5 =	vadd.f32 v56, v54;
	v59 =	vshll.u32 v1, $0x10  }
0x38c: {  	v1 =	vand.u32 $0xFFFF0000, v1;
	v60 =	vadd.f32 v59, v57;
	v61 =	vmul.f32 $2.000000030e-01, v2  }
0x38d: {  	v4 =	vmul.f32 $1.442695020e+00, v4;
	(erf) = vpow2.f32 v3;
	v1 =	vadd.f32 v1, v58  }
0x38e: {  	v62 =	vmul.f32 $2.000000030e-01, v5;
	v3 =	vmul.f32 $2.000000030e-01, v60;
	v2 =	vmax.f32 v2, v61  }
0x38f: {  	v7 =	vmul.f32 $2.000000030e-01, v1;
	v2 =	vmul.f32 $1.442695020e+00, v2  }
0x390: {  	(erf) = vpow2.f32 v4;
	v5 =	vmax.f32 v5, v62;
	v3 =	vmax.f32 v60, v3  }
0x391: {  	v63 =	vmul.f32 $1.442695020e+00, v5;
	v1 =	vmax.f32 v1, v7;
	v3 =	vmul.f32 $1.442695020e+00, v3  }
0x392: {  	(erf) = vpow2.f32 v2;
	v1 =	vmul.f32 $1.442695020e+00, v1  }
0x393: {  	v2 =	vpop (erf);
	(erf) = vpow2.f32 v63  }
0x394: {  	[tilespmem:s11+$0x1280] =	vst v2;
	v2 =	vpop (erf);
	(erf) = vpow2.f32 v3  }
0x395: {  	[tilespmem:s11+$0x1200] =	vst v2;
	v2 =	vpop (erf);
	(erf) = vpow2.f32 v1  }
0x396: {  	v1 =	vpop (erf);
	[tilespmem:s11+$0x1100] =	vst v2  }
0x397: {  	v2 =	vpop (erf);
	[tilespmem:s11+$0x1180] =	vst v1  }
0x398: {  	v1 =	vpop (erf);
	[tilespmem:s12+$0x1280] =	vst v2  }
0x399: {  	v2 =	vpop (erf);
	[tilespmem:s12+$0x1200] =	vst v1  }
0x39a: {  	v1 =	vpop (erf);
	[tilespmem:s12+$0x1100] =	vst v2  }
0x39b: {  	[tilespmem:s12+$0x1180] =	vst v1;
	v1 =	vpop (erf)  }
0x39c: {  	[tilespmem:s15+$0x1280] =	vst v1;
	v1 =	vpop (erf)  }
0x39d: {  	[tilespmem:s15+$0x1200] =	vst v1;
	v1 =	vpop (erf)  }
0x39e: {  	[tilespmem:s15+$0x1100] =	vst v1;
	v1 =	vpop (erf)  }
0x39f: {  	s11 =	simm.s32 $0x1540;
	[tilespmem:s15+$0x1180] =	vst v1  }
.LBB2_23:
0x3a0: {  	s12 =	sshll.u32 s9, $0x4;
	v5 =	vld [tilespmem:s11+$0xFFFFFFC0]  }
0x3a1: {  	s14 =	simm.s32 $0x0;
	v2 =	vld [tilespmem:s12+$0x1100]  }
0x3a2: {  	v7 =	vld [tilespmem:s11+$0xFFFFFFD0];
	v1 =	vmov s14  }
0x3a3: {  	v9 =	vld [tilespmem:s11+$0xFFFFFFE0];
	v1 =	vand.u32 $0xF, v1  }
0x3a4: {  	v4 =	vld [tilespmem:s12+$0x1180];
	v6 =	vbroadcast v1, $0x0  }
0x3a5: {  	v3 =	vld [tilespmem:s12+$0x1200]  }
0x3a6: {  	v11 =	vld [tilespmem:s11+$0x0];
	v8 =	vperm.xlane v2, v6  }
0x3a7: {  	v12 =	vld [tilespmem:s11+$0x10]  }
0x3a8: {  	v14 =	vld [tilespmem:s11+$0xFFFFFFF0];
	v5 =	vmul.f32 v5, v8  }
0x3a9: {  	v1 =	vld [tilespmem:s12+$0x1280];
	v13 =	vperm.xlane v4, v6  }
0x3aa: {  	v17 =	vld [tilespmem:s11+$0x30];
	v16 =	vperm.xlane v3, v6;
	[tilespmem:s11+$0xFFFFFFC0] =	vst v5;
	v5 =	vmul.f32 v7, v8  }
0x3ab: {  	s12 =	sadd.s32 $0x80, s11;
	v8 =	vld [tilespmem:s11+$0x20];
	v7 =	vmul.f32 v9, v13  }
0x3ac: {  	s23 =	simm.s32 $0x1;
	v15 =	vld [tilespmem:s12+$0xFFFFFFC0];
	[tilespmem:s11+$0xFFFFFFD0] =	vst v5;
	v5 =	vmul.f32 v11, v16  }
0x3ad: {  	v9 =	vmov s23;
	v10 =	vld [tilespmem:s12+$0xFFFFFFD0];
	[tilespmem:s11+$0xFFFFFFE0] =	vst v7  }
0x3ae: {  	v6 =	vperm.xlane v1, v6;
	v7 =	vld [tilespmem:s12+$0xFFFFFFE0];
	[tilespmem:s11+$0x0] =	vst v5;
	v5 =	vand.u32 $0xF, v9  }
0x3af: {  	v11 =	vmul.f32 v12, v16;
	v5 =	vbroadcast v5, $0x0  }
0x3b0: {  	v63 =	vmul.f32 v8, v6  }
0x3b1: {  	v17 =	vmul.f32 v17, v6;
	v9 =	vld [tilespmem:s12+$0x0];
	[tilespmem:s11+$0x10] =	vst v11;
	v12 =	vperm.xlane v2, v5  }
0x3b2: {  	v14 =	vmul.f32 v14, v13;
	v8 =	vld [tilespmem:s12+$0x10];
	[tilespmem:s11+$0x20] =	vst v63  }
0x3b3: {  	s15 =	smov.u32 s11;
	s14 =	simm.s32 $0x2;
	v6 =	vperm.xlane v4, v5;
	v11 =	vld [tilespmem:s12+$0x20];
	[tilespmem:s11+$0x30] =	vst v17;
	v13 =	vmul.f32 v15, v12  }
.LBB2_24:
0x3b4: {  	p1 =	sne.s32 s14, $0xF;
	v10 =	vmul.f32 v10, v12;
	v12 =	vperm.xlane v3, v5;
	v15 =	vld [tilespmem:s12+$0x30];
	[tilespmem:s15+$0xFFFFFFF0] =	vst v14;
	s15 =	smov.u32 s12  }
0x3b5: {  	v14 =	vmov s14;
	s12 =	sadd.s32 $0x80, s12;
	[tilespmem:s15+$0xFFFFFFC0] =	vst v13;
	v7 =	vmul.f32 v7, v6;
	v13 =	vld [tilespmem:s15+$0xFFFFFFF0]  }
0x3b6: {  	v17 =	vperm.xlane v1, v5;
	v14 =	vand.u32 $0xF, v14;
	v16 =	vld [tilespmem:s12+$0xFFFFFFC0];
	[tilespmem:s15+$0xFFFFFFD0] =	vst v10;
	v9 =	vmul.f32 v9, v12  }
.Ltmp13:
0x3b7: {  	v5 =	vbroadcast v14, $0x0;
	v10 =	vld [tilespmem:s12+$0xFFFFFFD0];
	[tilespmem:s15+$0xFFFFFFE0] =	vst v7;
	v8 =	vmul.f32 v8, v12;
	(pc) =	sbr.rel @p1 .LBB2_24-.Ltmp13, $4  }
0x3b8: {  	v7 =	vld [tilespmem:s12+$0xFFFFFFE0];
	[tilespmem:s15+$0x0] =	vst v9;
	v11 =	vmul.f32 v11, v17  }
0x3b9: {  	v12 =	vperm.xlane v2, v5;
	v9 =	vld [tilespmem:s12+$0x0];
	[tilespmem:s15+$0x10] =	vst v8;
	v15 =	vmul.f32 v15, v17  }
0x3ba: {  	v8 =	vld [tilespmem:s12+$0x10];
	v14 =	vmul.f32 v13, v6;
	[tilespmem:s15+$0x20] =	vst v11  }
0x3bb: {  	s14 =	sadd.s32 $0x1, s14;
	v6 =	vperm.xlane v4, v5;
	v13 =	vmul.f32 v16, v12;
	v11 =	vld [tilespmem:s12+$0x20];
	[tilespmem:s15+$0x30] =	vst v15  }
0x3bc: {  	[tilespmem:s15+$0xFFFFFFF0] =	vst v14;
	v2 =	vmul.f32 v10, v12;
	v3 =	vperm.xlane v3, v5;
	v4 =	vld [tilespmem:s12+$0x30]  }
0x3bd: {  	[tilespmem:s12+$0xFFFFFFC0] =	vst v13;
	v7 =	vmul.f32 v7, v6;
	v63 =	vld [tilespmem:s12+$0xFFFFFFF0]  }
0x3be: {  	v1 =	vperm.xlane v1, v5;
	s9 =	sadd.s32 $0x1, s9;
	[tilespmem:s12+$0xFFFFFFD0] =	vst v2;
	v2 =	vmul.f32 v9, v3  }
0x3bf: {  	p1 =	sne.s32 s9, $0x8;
	[tilespmem:s12+$0xFFFFFFE0] =	vst v7;
	v3 =	vmul.f32 v8, v3  }
.Ltmp14:
0x3c0: {  	[tilespmem:s12+$0x0] =	vst v2;
	v2 =	vmul.f32 v11, v1;
	(pc) =	sbr.rel @p1 .LBB2_23-.Ltmp14, $4  }
0x3c1: {  	[tilespmem:s12+$0x10] =	vst v3;
	v1 =	vmul.f32 v4, v1  }
0x3c2: {  	v3 =	vmul.f32 v63, v6;
	[tilespmem:s12+$0x20] =	vst v2  }
0x3c3: {  	[tilespmem:s12+$0x30] =	vst v1  }
0x3c4: {  	s11 =	sadd.s32 $0x800, s11;
	[tilespmem:s12+$0xFFFFFFF0] =	vst v3  }
0x3c5: {  	s9 =	simm.s32 $0x400  }
0x3c6: {  	[spmem:s5] =	stream.indirect.scatter.add.f32 [tilespmem:s3], [sflag:$0x7], $0x80, s9, s22, $0xb8;
	[tilespmem:$0x1DF00] =	vst v63  }
0x3c7: {  	_ =	swait.ge [sflag:s21], $0x4000  }
0x3c8: {  	[sflag:s21] =	ssyncset.done $0x0  }
0x3c9: {  	s17 =	simm.s32 $0x900;
	s11 =	simm.s32 $0x1100;
	[sflag:s21] =	ssyncadd.s32 $0xFFFFC000  }
0x3ca: {  	[spmem:s6] =	stream.indirect.scatter.add.f32 [tilespmem:s11], [sflag:$0x7], $0x1, s17, s22, $0xb8;
	[tilespmem:$0x1DF00] =	vst v63  }
0x3cb: {  	_ =	swait.ge [sflag:s21], $0x80  }
0x3cc: {  	[sflag:s21] =	ssyncset.done $0x0  }
0x3cd: {  	s23 =	simm.s32 $0x980;
	[sflag:s21] =	ssyncadd.s32 $0xFFFFFF80  }
0x3ce: {  	[spmem:s6] =	stream.indirect.scatter.add.f32 [tilespmem:s18], [sflag:$0x7], $0x1, s23, s22, $0xb8;
	[tilespmem:$0x1DF00] =	vst v63  }
0x3cf: {  	_ =	swait.ge [sflag:s21], $0x80  }
0x3d0: {  	[sflag:s21] =	ssyncset.done $0x0  }
0x3d1: {  	[sflag:s21] =	ssyncadd.s32 $0xFFFFFF80  }
0x3d2: {  	[spmem:s6] =	stream.indirect.scatter.add.f32 [tilespmem:s29], [sflag:$0x7], $0x1, s20, s22, $0xb8;
	[tilespmem:$0x1DF00] =	vst v63  }
0x3d3: {  	_ =	swait.ge [sflag:s21], $0x80  }
0x3d4: {  	[sflag:s21] =	ssyncset.done $0x0  }
.Ltmp15:
0x3d5: {  	[sflag:s21] =	ssyncadd.s32 $0xFFFFFF80;
	(pc) =	sbr.rel .LBB2_27-.Ltmp15, $4  }
0x3d6: {  	[spmem:s6] =	stream.indirect.scatter.add.f32 [tilespmem:s10], [sflag:$0x7], $0x1, s31, s22, $0xb8;
	[tilespmem:$0x1DF00] =	vst v63  }
0x3d7: {  	_ =	swait.ge [sflag:s21], $0x80  }
0x3d8: {  	[sflag:s21] =	ssyncset.done $0x0  }
0x3d9: {  	s14 =	rddreg [dreg:$0x1b];
	[sflag:s21] =	ssyncadd.s32 $0xFFFFFF80  }
.LBB2_28:
0x3da: {  	_ =	sfence.sel $0x180000  }
0x3db: {  	[bflag:$0x0] =	sbarrier.arrive $0xFFFF  }
0x3dc: {  	_ =	strace $0x90000047  }
0x3dd: {  	s0 =	stileid.u32;
	[bflag:$0x2] =	sbarrier.arrive $0xFFFF  }
0x3de: {  	p0 =	sne.s32 s0, $0x0;
	s0 =	rddreg [dreg:$0x6]  }
0x3df: {  	s0 =	sadd.s32 @!p0 $0x100000, s0  }
0x3e0: {  	[sflag:s0] =	ssyncadd.tile.s32 @!p0 $0x1;
	_ =	shalt  }
.Lfunc_end2:
_tile_overlayer_lowered:
.L_overlay_start_2:
0x3e1: {  	(tag) =	ssettag $0x2  }
0x3e2: {  	s0 =	rddreg [dreg:$0x0];
	s2 =	stileid.u32  }
0x3e3: {  	s1 =	rddreg [dreg:$0x1];
	p0 =	sne.s32 s2, $0x0  }
0x3e4: {  	s3 =	rddreg [dreg:$0x2];
	[bflag:$0x3] =	sbarrier.arrive $0xFFFF;
	s2 =	simm.s32 @!p0 $0x1C07  }
0x3e5: {  	[timem:s3], [sflag:s2] =	dma.local @!p0 [hbm:s0], s1  }
0x3e6: {  	s0 =	simm.s32 @!p0 $0x7  }
0x3e7: {  	_ =	swait.ge @!p0 [sflag:s0], s1  }
0x3e8: {  	s1 =	ssub.s32 @!p0 $0x0, s1;
	[sflag:s0] =	ssyncset.done @!p0 $0x0  }
0x3e9: {  	[sflag:s0] =	ssyncadd.s32 @!p0 s1  }
0x3ea: {  	[bflag:$0x3] =	sbarrier.arrive $0xFFFF  }
0x3eb: {  	_ =	shalt  }

</sc_bundles>
